<compile_context>
chip_gen: v7x
topology: tpu7x:2x2x1
jax: 0.10.2.dev20260603
libtpu: 0.0.44.dev20260713+nightly
codegen_flags: <defaults>
</compile_context>

<pallas_src>
import functools

import jax
import jax.numpy as jnp
from jax import lax
from jax.experimental import pallas as pl
from jax.experimental.pallas import tpu as pltpu
from jax.experimental.pallas import tpu_sc as plsc

D = 128
H = 8
T = 104
BN = 512
BE = 512
CHUNK = 128
F32 = jnp.float32


def _mm(a, b):
    return jnp.dot(a, b, preferred_element_type=F32)


def _ln(y):
    m = jnp.mean(y, axis=-1, keepdims=True)
    yc = y - m
    v = jnp.mean(yc * yc, axis=-1, keepdims=True)
    return yc / jnp.sqrt(v + 1e-5)


def _head_sum_mask():
    return (lax.broadcasted_iota(jnp.int32, (D, H), 0) // 16
            == lax.broadcasted_iota(jnp.int32, (D, H), 1)).astype(F32)


def _head_expand_mask(rows):
    return (lax.broadcasted_iota(jnp.int32, (rows, D), 1) // 16
            == lax.broadcasted_iota(jnp.int32, (rows, D), 0)).astype(F32)



def _prep(h2d, atom128, wq, wk, wv, interpret=False):
    NPl = h2d.shape[0]

    def body(h_ref, a_ref, wq_ref, wk_ref, wv_ref, hv_ref, q_ref, k_ref, v_ref):
        hb = h_ref[...]
        oh = (lax.broadcasted_iota(jnp.int32, (BN, 128), 1) == hb).astype(F32)
        hv = _mm(oh, a_ref[...])
        hv_ref[...] = hv
        q_ref[...] = _mm(hv, wq_ref[...]) * 0.25
        k_ref[...] = _mm(hv, wk_ref[...])
        v_ref[...] = _mm(hv, wv_ref[...])

    full = lambda shape: pl.BlockSpec(shape, lambda i: (0, 0))
    return pl.pallas_call(
        body, grid=(NPl // BN,),
        in_specs=[pl.BlockSpec((BN, 1), lambda i: (i, 0)), full((128, D)),
                  full((D, D)), full((D, D)), full((D, D))],
        out_specs=[pl.BlockSpec((BN, D), lambda i: (i, 0))] * 4,
        out_shape=[jax.ShapeDtypeStruct((NPl, D), F32)] * 4,
        interpret=interpret,
    )(h2d, atom128, wq, wk, wv)


def _edge0(e2d, pp, vs, bond16, we0, woe, we1, we2, wE1, E,
           interpret=False):
    EPl = e2d.shape[0]

    def body(e_ref, p_ref, vs_ref, b_ref, we0_ref, woe_ref,
             we1_ref, we2_ref, wE1_ref, rows_ref, ep1_ref):
        i = pl.program_id(0)
        eb = e_ref[...]
        oh = (lax.broadcasted_iota(jnp.int32, (BE, 16), 1) == eb).astype(F32)
        bond = b_ref[...]
        ee = _mm(oh, bond)
        ep0 = _mm(oh, _mm(bond, we0_ref[...]))
        score = p_ref[...] * ep0
        hs = _mm(score, _head_sum_mask())
        rid = lax.broadcasted_iota(jnp.int32, (BE, 1), 0) + i * BE
        msk = (rid < E).astype(F32)
        s = jnp.exp(jnp.clip(hs, -5.0, 5.0)) * msk
        sexp = _mm(s, _head_expand_mask(H))
        rows_ref[...] = jnp.concatenate(
            [vs_ref[...] * sexp, s, jnp.zeros((BE, 8), F32)], axis=1)
        e1 = _ln(ee + _mm(score, woe_ref[...]))
        hmid = jnp.maximum(_mm(e1, we1_ref[...]), 0.0)
        e2 = _ln(e1 + _mm(hmid, we2_ref[...]))
        ep1_ref[...] = _mm(e2, wE1_ref[...])

    full = lambda shape: pl.BlockSpec(shape, lambda i: (0, 0))
    eb_spec = pl.BlockSpec((BE, D), lambda i: (i, 0))
    return pl.pallas_call(
        body, grid=(EPl // BE,),
        in_specs=[pl.BlockSpec((BE, 1), lambda i: (i, 0)), eb_spec,
                  eb_spec, full((16, D)), full((D, D)), full((D, D)),
                  full((D, 2 * D)), full((2 * D, D)), full((D, D))],
        out_specs=[pl.BlockSpec((BE, 144), lambda i: (i, 0)), eb_spec],
        out_shape=[jax.ShapeDtypeStruct((EPl, 144), F32),
                   jax.ShapeDtypeStruct((EPl, D), F32)],
        interpret=interpret,
    )(e2d, pp, vs, bond16, we0, woe, we1, we2, wE1)


def _edge1(pp, vs, ep1, E, interpret=False):
    EPl = pp.shape[0]

    def body(p_ref, vs_ref, ep_ref, rows_ref):
        i = pl.program_id(0)
        score = p_ref[...] * ep_ref[...]
        hs = _mm(score, _head_sum_mask())
        rid = lax.broadcasted_iota(jnp.int32, (BE, 1), 0) + i * BE
        msk = (rid < E).astype(F32)
        s = jnp.exp(jnp.clip(hs, -5.0, 5.0)) * msk
        sexp = _mm(s, _head_expand_mask(H))
        rows_ref[...] = jnp.concatenate(
            [vs_ref[...] * sexp, s, jnp.zeros((BE, 8), F32)], axis=1)

    eb_spec = pl.BlockSpec((BE, D), lambda i: (i, 0))
    return pl.pallas_call(
        body, grid=(EPl // BE,),
        in_specs=[eb_spec, eb_spec, eb_spec],
        out_specs=pl.BlockSpec((BE, 144), lambda i: (i, 0)),
        out_shape=jax.ShapeDtypeStruct((EPl, 144), F32),
        interpret=interpret,
    )(pp, vs, ep1)


def _node_block(a_ref, hprev_ref, wo_ref, wh1_ref, wh2_ref):
    a = a_ref[0] + a_ref[1]
    num = a[:, :D]
    den8 = a[:, D:D + 8]
    h_att = num / (_mm(den8, _head_expand_mask(8)) + 1e-6)
    h1 = _ln(hprev_ref[...] + _mm(h_att, wo_ref[...]))
    return _ln(h1 + _mm(jnp.maximum(_mm(h1, wh1_ref[...]), 0.0), wh2_ref[...]))


def _mid(acc3, hv0, wo, wh1, wh2, wq, wk, wv, interpret=False):
    NPl = hv0.shape[0]

    def body(a_ref, hv_ref, wo_ref, wh1_ref, wh2_ref,
             wq_ref, wk_ref, wv_ref, h2_ref, q_ref, k_ref, v_ref):
        h2 = _node_block(a_ref, hv_ref, wo_ref, wh1_ref, wh2_ref)
        h2_ref[...] = h2
        q_ref[...] = _mm(h2, wq_ref[...]) * 0.25
        k_ref[...] = _mm(h2, wk_ref[...])
        v_ref[...] = _mm(h2, wv_ref[...])

    full = lambda shape: pl.BlockSpec(shape, lambda i: (0, 0))
    nb = pl.BlockSpec((BN, D), lambda i: (i, 0))
    return pl.pallas_call(
        body, grid=(NPl // BN,),
        in_specs=[pl.BlockSpec((2, BN, 144), lambda i: (0, i, 0)),
                  nb, full((D, D)), full((D, 2 * D)), full((2 * D, D)),
                  full((D, D)), full((D, D)), full((D, D))],
        out_specs=[nb] * 4,
        out_shape=[jax.ShapeDtypeStruct((NPl, D), F32)] * 4,
        interpret=interpret,
    )(acc3, hv0, wo, wh1, wh2, wq, wk, wv)


def _fin(acc3, h2prev, wo, wh1, wh2, fnh, fnhb, interpret=False):
    NPl = h2prev.shape[0]

    def body(a_ref, hp_ref, wo_ref, wh1_ref, wh2_ref,
             fnh_ref, fb_ref, hsc_ref):
        h2 = _node_block(a_ref, hp_ref, wo_ref, wh1_ref, wh2_ref)
        hsc_ref[...] = _mm(h2, fnh_ref[...]) + fb_ref[0:1, 0:1]

    full = lambda shape: pl.BlockSpec(shape, lambda i: (0, 0))
    nb = pl.BlockSpec((BN, D), lambda i: (i, 0))
    return pl.pallas_call(
        body, grid=(NPl // BN,),
        in_specs=[pl.BlockSpec((2, BN, 144), lambda i: (0, i, 0)),
                  nb, full((D, D)), full((D, 2 * D)), full((2 * D, D)),
                  full((D, 1)), full((1, 1))],
        out_specs=pl.BlockSpec((BN, 1), lambda i: (i, 0)),
        out_shape=jax.ShapeDtypeStruct((NPl, 1), F32),
        interpret=interpret,
    )(acc3, h2prev, wo, wh1, wh2, fnh, fnhb)


def _hist(sb8, sdp, hsc, interpret=False):
    NPl = sdp.shape[0]

    def body(sb_ref, sd_ref, hs_ref, out_ref):
        i = pl.program_id(0)

        @pl.when(i == 0)
        def _init():
            out_ref[...] = jnp.zeros((T, 1), F32)

        start = sb_ref[0:1, 0:1]
        end = sb_ref[1:2, 0:1]
        b = (sd_ref[...] - 1) // 7 + 1
        valid = ((b + 3) >= start) & ((b + 3) <= end)
        hv = hs_ref[...]
        acc = jnp.zeros((T, 1), F32)
        for dtap in range(4):
            pos = b + dtap - start
            m = valid & (pos >= 0) & (pos < T)
            contrib = hv * ((1.0 - 0.25 * dtap) * m.astype(F32))
            posc = jnp.clip(pos, 0, T - 1)
            oh = (lax.broadcasted_iota(jnp.int32, (BN, T), 1) == posc).astype(F32)
            acc = acc + lax.dot_general(oh, contrib, (((0,), (0,)), ((), ())),
                                        preferred_element_type=F32)
        out_ref[...] = out_ref[...] + acc

    full = lambda shape: pl.BlockSpec(shape, lambda i: (0, 0))
    return pl.pallas_call(
        body, grid=(NPl // BN,),
        in_specs=[full((8, 1)), pl.BlockSpec((BN, 1), lambda i: (i, 0)),
                  pl.BlockSpec((BN, 1), lambda i: (i, 0))],
        out_specs=pl.BlockSpec((T, 1), lambda i: (0, 0)),
        out_shape=jax.ShapeDtypeStruct((T, 1), F32),
        interpret=interpret,
    )(sb8, sdp, hsc)


def _mlp(ei, x104, L0, fnxh8, fnxb, w1, b1row, w2, b2, interpret=False):
    def body(ei_ref, x_ref, fw_ref, fb_ref, w1_ref, b1_ref, w2_ref, b2_ref, o_ref):
        eiv = ei_ref[...]
        enh = (x_ref[...] * fw_ref[0:1, 0:1] + eiv * fw_ref[1:2, 0:1]
               + fb_ref[0:1, 0:1])
        idx = lax.broadcasted_iota(jnp.int32, (T, 1), 0)
        final = jnp.where(idx < L0, enh, eiv)
        hid = jnp.maximum(final * w1_ref[...] + b1_ref[...], 0.0)
        o_ref[...] = _mm(hid, w2_ref[...]) + b2_ref[0:1, 0:1]

    full = lambda shape: pl.BlockSpec(shape, lambda i: (0, 0))
    return pl.pallas_call(
        body, grid=(1,),
        in_specs=[full((T, 1)), full((T, 1)), full((8, 1)), full((1, 1)),
                  full((1, 64)), full((1, 64)), full((64, 1)), full((1, 1))],
        out_specs=full((T, 1)),
        out_shape=jax.ShapeDtypeStruct((T, 1), F32),
        interpret=interpret,
    )(ei, x104, fnxh8, fnxb, w1, b1row, w2, b2)



def _sc_gather_pv(k_t, q_t, v_t, src2d, dst2d):
    info = plsc.get_sparse_core_info()
    NC, NS = info.num_cores, info.num_subcores
    NW = NC * NS
    NCH = src2d.shape[0]
    CH = NCH // NW
    G = CH // 2
    Dl = k_t.shape[1]
    EPl = NCH * CHUNK
    mesh = plsc.VectorSubcoreMesh(core_axis_name="c", subcore_axis_name="s")

    @functools.partial(
        pl.kernel,
        out_type=[jax.ShapeDtypeStruct((EPl, Dl), F32)] * 2,
        mesh=mesh,
        scratch_types=[pltpu.VMEM((CH, CHUNK), jnp.int32),
                       pltpu.VMEM((CH, CHUNK), jnp.int32)]
                      + [pltpu.VMEM((CHUNK, Dl), F32)] * 6
                      + [pltpu.SemaphoreType.DMA] * 4,
    )
    def _k(kt, qt, vt, sp, dp, p_o, vs_o, isrc, idst,
           bk0, bq0, bv0, bk1, bq1, bv1, gsem0, gsem1, wsem0, wsem1):
        wid = lax.axis_index("s") * NC + lax.axis_index("c")
        cbase = wid * CH
        pltpu.sync_copy(sp.at[pl.ds(cbase, CH)], isrc)
        pltpu.sync_copy(dp.at[pl.ds(cbase, CH)], idst)
        bufs = ((bk0, bq0, bv0, gsem0, wsem0), (bk1, bq1, bv1, gsem1, wsem1))

        def issue(p, j):
            bk, bq, bv, gsem, _ = bufs[p]
            pltpu.async_copy(kt.at[isrc.at[j]], bk, gsem)
            pltpu.async_copy(qt.at[idst.at[j]], bq, gsem)
            pltpu.async_copy(vt.at[isrc.at[j]], bv, gsem)

        def finish(p, j):
            bk, bq, bv, gsem, wsem = bufs[p]
            for _ in range(3):
                pltpu.make_async_copy(kt.at[isrc.at[0]], bk, gsem).wait()

            def rowfn(r, c):
                for cc in range(Dl // 16):
                    sl = pl.ds(cc * 16, 16)
                    bk[r, sl] = bk[r, sl] * bq[r, sl]
                return c

            lax.fori_loop(0, CHUNK, rowfn, 0)
            base = (cbase + j) * CHUNK
            pltpu.async_copy(bk, p_o.at[pl.ds(base, CHUNK)], wsem)
            pltpu.async_copy(bv, vs_o.at[pl.ds(base, CHUNK)], wsem)

        def drain_wb(p):
            bk, _, _, _, wsem = bufs[p]
            for _ in range(2):
                pltpu.make_async_copy(bk, p_o.at[pl.ds(0, CHUNK)], wsem).wait()

        issue(0, 0)

        def body(g, c):
            jb = 2 * g + 1

            @pl.when(g > 0)
            def _():
                drain_wb(1)

            issue(1, jb)
            finish(0, 2 * g)

            @pl.when(g < G - 1)
            def _():
                drain_wb(0)
                issue(0, 2 * g + 2)

            finish(1, jb)
            return c

        lax.fori_loop(0, G, body, 0)
        drain_wb(0)
        drain_wb(1)

    return _k(k_t, q_t, v_t, src2d, dst2d)


def _sc_scatter(rows, dst2d, zer):
    info = plsc.get_sparse_core_info()
    NC, NS = info.num_cores, info.num_subcores
    NW = NC * NS
    SCH = dst2d.shape[1]
    NCH = dst2d.shape[0]
    CH = NCH // NW
    G = CH // 2
    NPl = zer.shape[0]
    RP = NPl // NS
    mesh = plsc.VectorSubcoreMesh(core_axis_name="c", subcore_axis_name="s")

    @functools.partial(
        pl.kernel,
        out_type=jax.ShapeDtypeStruct((NC * NPl, 144), F32),
        mesh=mesh,
        compiler_params=pltpu.CompilerParams(use_tc_tiling_on_sc=False),
        scratch_types=[pltpu.VMEM((CH, SCH), jnp.int32),
                       pltpu.VMEM((SCH, 144), F32),
                       pltpu.VMEM((SCH, 144), F32),
                       pltpu.VMEM_SHARED((NPl, 144), F32)]
                      + [pltpu.SemaphoreType.DMA] * 4,
    )
    def _k(rw, dp, z, out, idxb, rb0, rb1, acc, fsem0, fsem1, ssem0, ssem1):
        cid = lax.axis_index("c")
        sid = lax.axis_index("s")
        wid = sid * NC + cid
        cbase = wid * CH
        pltpu.sync_copy(dp.at[pl.ds(cbase, CH)], idxb)
        pltpu.sync_copy(z.at[pl.ds(sid * RP, RP)], acc.at[pl.ds(sid * RP, RP)])
        plsc.subcore_barrier()
        bufs = ((rb0, fsem0, ssem0), (rb1, fsem1, ssem1))

        def fetch(p, j):
            rb, fsem, _ = bufs[p]
            pltpu.async_copy(rw.at[pl.ds((cbase + j) * SCH, SCH)], rb, fsem)

        def drain_fetch(p):
            rb, fsem, _ = bufs[p]
            pltpu.make_async_copy(rw.at[pl.ds(0, SCH)], rb, fsem).wait()

        def scat(p, j):
            rb, _, ssem = bufs[p]
            pltpu.async_copy(rb, acc.at[idxb.at[j]], ssem, add=True)

        def drain_scat(p):
            rb, _, ssem = bufs[p]
            pltpu.make_async_copy(rb, acc.at[idxb.at[0]], ssem).wait()

        fetch(0, 0)

        def body(g, c):
            jb = 2 * g + 1

            @pl.when(g > 0)
            def _():
                drain_scat(1)

            fetch(1, jb)
            drain_fetch(0)
            scat(0, 2 * g)

            @pl.when(g < G - 1)
            def _():
                drain_scat(0)
                fetch(0, 2 * g + 2)

            drain_fetch(1)
            scat(1, jb)
            return c

        lax.fori_loop(0, G, body, 0)
        drain_scat(0)
        drain_scat(1)
        plsc.subcore_barrier()
        pltpu.sync_copy(acc.at[pl.ds(sid * RP, RP)],
                        out.at[pl.ds(cid * NPl + sid * RP, RP)])

    return _k(rows, dst2d, zer)



def kernel(x, params, h, e, edge_index, sd, start_bucket, end_bucket):
    p = params
    N = h.shape[0]
    E = e.shape[0]
    NPl = ((N + BN - 1) // BN) * BN
    EPl = ((E + 4095) // 4096) * 4096

    h2d = jnp.pad(h.astype(jnp.int32), (0, NPl - N)).reshape(NPl, 1)
    e2d = jnp.pad(e.astype(jnp.int32), (0, EPl - E)).reshape(EPl, 1)
    srcp = jnp.pad(edge_index[0].astype(jnp.int32), (0, EPl - E))
    dstp = jnp.pad(edge_index[1].astype(jnp.int32), (0, EPl - E))
    sdp = jnp.pad(sd.astype(jnp.int32), (0, NPl - N),
                  constant_values=10 ** 6).reshape(NPl, 1)
    atom128 = jnp.pad(p['atom_emb'], ((0, 128 - p['atom_emb'].shape[0]), (0, 0)))
    bond16 = jnp.pad(p['bond_emb'], ((0, 16 - p['bond_emb'].shape[0]), (0, 0)))
    zer = jnp.zeros((NPl, 144), F32)
    L0 = x.shape[0]
    x104 = jnp.pad(x, ((0, T - L0), (0, 0)))
    sb8 = jnp.zeros((8, 1), jnp.int32)
    sb8 = sb8.at[0, 0].set(jnp.asarray(start_bucket, jnp.int32))
    sb8 = sb8.at[1, 0].set(jnp.asarray(end_bucket, jnp.int32))

    src2d = srcp.reshape(EPl // CHUNK, CHUNK)
    dst2d = dstp.reshape(EPl // CHUNK, CHUNK)
    dst2s = dstp.reshape(EPl // 64, 64)
    hv0, q0, k0, v0 = _prep(h2d, atom128, p['WQ_0'], p['WK_0'], p['WV_0'])
    pp0, vs0 = _sc_gather_pv(k0, q0, v0, src2d, dst2d)
    rows0, ep1 = _edge0(e2d, pp0, vs0, bond16, p['WE_0'], p['WOe_0'],
                        p['We1_0'], p['We2_0'], p['WE_1'], E)
    acc0 = _sc_scatter(rows0, dst2s, zer).reshape(2, NPl, 144)
    h2, q1, k1, v1 = _mid(acc0, hv0, p['WO_0'], p['Wh1_0'], p['Wh2_0'],
                          p['WQ_1'], p['WK_1'], p['WV_1'])
    pp1, vs1 = _sc_gather_pv(k1, q1, v1, src2d, dst2d)
    rows1 = _edge1(pp1, vs1, ep1, E)
    acc1 = _sc_scatter(rows1, dst2s, zer).reshape(2, NPl, 144)
    hsc = _fin(acc1, h2, p['WO_1'], p['Wh1_1'], p['Wh2_1'],
               p['fnh_W'], p['fnh_b'].reshape(1, 1))
    ei = _hist(sb8, sdp, hsc)
    fnxh8 = jnp.pad(p['fnxh_W'].reshape(2, 1), ((0, 6), (0, 0)))
    out = _mlp(ei, x104, L0, fnxh8, p['fnxh_b'].reshape(1, 1),
               p['mlp_W1'], p['mlp_b1'].reshape(1, 64), p['mlp_W2'],
               p['mlp_b2'].reshape(1, 1))
    return out

# --- scband reference (transcript-rebuilt; emitter-appended) ---
"""Pipeline reference for scband-gt-mlpnet-58600533787228 (READ-ONLY COPY).

The authoritative reference and input builder live on the scoring server;
editing this copy changes nothing except your own understanding.
"""

import jax, jax.numpy as jnp
import numpy as np

N, E, D, H, L_SEQ = 10000, 160000, 128, 8, 52


def _ln(x):
    m = x.mean(-1, keepdims=True)
    v = ((x - m) ** 2).mean(-1, keepdims=True)
    return (x - m) / jnp.sqrt(v + 1e-5)


def _init(key, shape):
    return jax.random.normal(key, shape, dtype=jnp.float32) / np.sqrt(shape[0])


def setup_inputs(seed: int = 0):
    key = jax.random.key(seed)
    ks = jax.random.split(key, 40)
    h = jax.random.randint(ks[0], (N,), 0, 100)
    e = jax.random.randint(ks[1], (E,), 0, 10)
    edge_index = jax.random.randint(ks[2], (2, E), 0, N)
    sd = jnp.sort(jax.random.randint(ks[3], (N,), 0, 728))
    x = jax.random.normal(ks[4], (L_SEQ, 1), dtype=jnp.float32)
    p = {}
    p['atom_emb'] = _init(ks[5], (100, D))
    p['bond_emb'] = _init(ks[6], (10, D))
    i = 7
    for l in range(2):
        for nm, sh in [('WQ', (D, D)), ('WK', (D, D)), ('WV', (D, D)), ('WE', (D, D)), ('WO', (D, D)), ('WOe', (D, D)), ('Wh1', (D, 2 * D)), ('Wh2', (2 * D, D)), ('We1', (D, 2 * D)), ('We2', (2 * D, D))]:
            p[nm + '_' + str(l)] = _init(ks[i], sh)
            i += 1
    p['fnh_W'] = _init(ks[i], (D, 1)); i += 1
    p['fnh_b'] = jnp.zeros((1,), jnp.float32)
    p['fnxh_W'] = _init(ks[i], (2, 1)); i += 1
    p['fnxh_b'] = jnp.zeros((1,), jnp.float32)
    p['mlp_W1'] = _init(ks[i], (1, 64)); i += 1
    p['mlp_b1'] = jnp.zeros((64,), jnp.float32)
    p['mlp_W2'] = _init(ks[i], (64, 1)); i += 1
    p['mlp_b2'] = jnp.zeros((1,), jnp.float32)
    return {'x': x, 'params': p, 'h': h, 'e': e, 'edge_index': edge_index, 'sd': sd, 'start_bucket': 1, 'end_bucket': 104}


def _gt_layer(hv, ee, src, dst, p, l):
    dk = D // H
    Q = (hv @ p['WQ_' + str(l)]).reshape(-1, H, dk)
    K = (hv @ p['WK_' + str(l)]).reshape(-1, H, dk)
    V = (hv @ p['WV_' + str(l)]).reshape(-1, H, dk)
    Ep = (ee @ p['WE_' + str(l)]).reshape(-1, H, dk)
    score = K[src] * Q[dst] / np.sqrt(dk)
    score = score * Ep
    e_att = score.reshape(-1, D)
    s = jnp.exp(jnp.clip(score.sum(-1), -5.0, 5.0))
    num = jax.ops.segment_sum(V[src] * s[:, :, None], dst, num_segments=N)
    den = jax.ops.segment_sum(s, dst, num_segments=N)
    h_att = (num / (den[:, :, None] + 1e-6)).reshape(-1, D)
    h1 = _ln(hv + h_att @ p['WO_' + str(l)])
    e1 = _ln(ee + e_att @ p['WOe_' + str(l)])
    h2 = _ln(h1 + jax.nn.relu(h1 @ p['Wh1_' + str(l)]) @ p['Wh2_' + str(l)])
    e2 = _ln(e1 + jax.nn.relu(e1 @ p['We1_' + str(l)]) @ p['We2_' + str(l)])
    return h2, e2


def _forward(x, params, h, e, edge_index, sd, start_bucket, end_bucket):
    hv = params['atom_emb'][h]
    ee = params['bond_emb'][e]
    src, dst = edge_index[0], edge_index[1]
    for l in range(2):
        hv, ee = _gt_layer(hv, ee, src, dst, params, l)
    h_scalar = hv @ params['fnh_W'] + params['fnh_b']
    T = 104
    buckets = (sd - 1) // 7 + 1
    span = 4  # int(1/k) with k=0.25
    valid = (buckets + span - 1 >= start_bucket) & (buckets + span - 1 <= end_bucket)
    ei = jnp.zeros((T, 1), jnp.float32)
    for d in range(span):
        pos = buckets + d - start_bucket
        m = valid & (pos >= 0) & (pos < T)
        w = 1.0 - 0.25 * d
        contrib = w * h_scalar * m[:, None].astype(jnp.float32)
        ei = ei.at[jnp.clip(pos, 0, T - 1)].add(contrib)
    Lx = x.shape[0]
    enhanced = jnp.concatenate([x, ei[:Lx]], axis=1) @ params['fnxh_W'] + params['fnxh_b']
    final = jnp.concatenate([enhanced, ei[Lx:]], axis=0)
    out = jax.nn.relu(final @ params['mlp_W1'] + params['mlp_b1']) @ params['mlp_W2'] + params['mlp_b2']
    return out


def reference(x, params, h, e, edge_index, sd, start_bucket, end_bucket):
    return _forward(x, params, h, e, edge_index, sd, start_bucket, end_bucket)

if __name__ == "__main__":
    import jax
    _d = setup_inputs()
    print(jax.jit(kernel)(*tuple(_d.values())))

</pallas_src>

<mosaic_0001>
#map = affine_map<(d0, d1) -> (0, 0)>
module attributes {stable_mosaic.version = 14 : i64} {
  func.func @_k(%arg0: i32, %arg1: i32, %arg2: memref<10240x128xf32, #tpu.memory_space<hbm>>, %arg3: memref<10240x128xf32, #tpu.memory_space<hbm>>, %arg4: memref<10240x128xf32, #tpu.memory_space<hbm>>, %arg5: memref<1280x128xi32, #tpu.memory_space<hbm>>, %arg6: memref<1280x128xi32, #tpu.memory_space<hbm>>, %arg7: memref<163840x128xf32, #tpu.memory_space<hbm>>, %arg8: memref<163840x128xf32, #tpu.memory_space<hbm>>, %arg9: memref<40x128xi32, #tpu.memory_space<vmem>>, %arg10: memref<40x128xi32, #tpu.memory_space<vmem>>, %arg11: memref<128x128xf32, #tpu.memory_space<vmem>>, %arg12: memref<128x128xf32, #tpu.memory_space<vmem>>, %arg13: memref<128x128xf32, #tpu.memory_space<vmem>>, %arg14: memref<128x128xf32, #tpu.memory_space<vmem>>, %arg15: memref<128x128xf32, #tpu.memory_space<vmem>>, %arg16: memref<128x128xf32, #tpu.memory_space<vmem>>, %arg17: memref<!tpu.dma_semaphore, #tpu.memory_space<semaphore_mem>>, %arg18: memref<!tpu.dma_semaphore, #tpu.memory_space<semaphore_mem>>, %arg19: memref<!tpu.dma_semaphore, #tpu.memory_space<semaphore_mem>>, %arg20: memref<!tpu.dma_semaphore, #tpu.memory_space<semaphore_mem>>) attributes {dimension_semantics = [#tpu.dimension_semantics<core_parallel>, #tpu.dimension_semantics<subcore_parallel>], iteration_bounds = array<i64: 2, 16>, scalar_prefetch = 0 : i64, scratch_operands = 12 : i64, tpu.core_type = #tpu.core_type<sc_vector_subcore>, window_params = [{transform_indices = #map}, {transform_indices = #map}, {transform_indices = #map}, {transform_indices = #map}, {transform_indices = #map}, {transform_indices = #map}, {transform_indices = #map}]} {
    %mul3A = arith.constant 2 : i32
    %mul3A_0 = arith.muli %arg1, %mul3A : i32
    %add3A = arith.addi %mul3A_0, %arg0 : i32
    %mul3A_1 = arith.constant 40 : i32
    %mul3A_2 = arith.muli %add3A, %mul3A_1 : i32
    "tpu.region"() ({
      %run_scoped3A = tpu.sem_alloc : memref<!tpu.dma_semaphore, #tpu.memory_space<semaphore_mem>>
      %dma_start3A_51 = arith.constant 0 : i32
      %dma_start3A_52 = tpu.memref_slice %arg5[%mul3A_2, %dma_start3A_51] : memref<1280x128xi32, #tpu.memory_space<hbm>> -> memref<40x128xi32, #tpu.memory_space<hbm>>
      %dma_start3A_53 = arith.constant 0 : i32
      %dma_start3A_54 = tpu.memref_slice %arg5[%mul3A_2, %dma_start3A_53] : memref<1280x128xi32, #tpu.memory_space<hbm>> -> memref<40x128xi32, #tpu.memory_space<hbm>>
      tpu.enqueue_dma source(%dma_start3A_54 : memref<40x128xi32, #tpu.memory_space<hbm>>) target(%arg9 : memref<40x128xi32, #tpu.memory_space<vmem>>) target_semaphore(%run_scoped3A : memref<!tpu.dma_semaphore, #tpu.memory_space<semaphore_mem>>)
      %dma_wait3A_55 = arith.constant 0 : i32
      %dma_wait3A_56 = tpu.memref_slice %arg5[%mul3A_2, %dma_wait3A_55] : memref<1280x128xi32, #tpu.memory_space<hbm>> -> memref<40x128xi32, #tpu.memory_space<hbm>>
      %dma_wait3A_57 = arith.constant 0 : i32
      %dma_wait3A_58 = tpu.memref_slice %arg5[%mul3A_2, %dma_wait3A_57] : memref<1280x128xi32, #tpu.memory_space<hbm>> -> memref<40x128xi32, #tpu.memory_space<hbm>>
      tpu.wait_dma2 semaphore(%run_scoped3A : memref<!tpu.dma_semaphore, #tpu.memory_space<semaphore_mem>>) src(%dma_wait3A_58 : memref<40x128xi32, #tpu.memory_space<hbm>>) dst(%arg9 : memref<40x128xi32, #tpu.memory_space<vmem>>)
      tpu.yield
    }) : () -> ()
    "tpu.region"() ({
      %run_scoped3A = tpu.sem_alloc : memref<!tpu.dma_semaphore, #tpu.memory_space<semaphore_mem>>
      %dma_start3A_51 = arith.constant 0 : i32
      %dma_start3A_52 = tpu.memref_slice %arg6[%mul3A_2, %dma_start3A_51] : memref<1280x128xi32, #tpu.memory_space<hbm>> -> memref<40x128xi32, #tpu.memory_space<hbm>>
      %dma_start3A_53 = arith.constant 0 : i32
      %dma_start3A_54 = tpu.memref_slice %arg6[%mul3A_2, %dma_start3A_53] : memref<1280x128xi32, #tpu.memory_space<hbm>> -> memref<40x128xi32, #tpu.memory_space<hbm>>
      tpu.enqueue_dma source(%dma_start3A_54 : memref<40x128xi32, #tpu.memory_space<hbm>>) target(%arg10 : memref<40x128xi32, #tpu.memory_space<vmem>>) target_semaphore(%run_scoped3A : memref<!tpu.dma_semaphore, #tpu.memory_space<semaphore_mem>>)
      %dma_wait3A_55 = arith.constant 0 : i32
      %dma_wait3A_56 = tpu.memref_slice %arg6[%mul3A_2, %dma_wait3A_55] : memref<1280x128xi32, #tpu.memory_space<hbm>> -> memref<40x128xi32, #tpu.memory_space<hbm>>
      %dma_wait3A_57 = arith.constant 0 : i32
      %dma_wait3A_58 = tpu.memref_slice %arg6[%mul3A_2, %dma_wait3A_57] : memref<1280x128xi32, #tpu.memory_space<hbm>> -> memref<40x128xi32, #tpu.memory_space<hbm>>
      tpu.wait_dma2 semaphore(%run_scoped3A : memref<!tpu.dma_semaphore, #tpu.memory_space<semaphore_mem>>) src(%dma_wait3A_58 : memref<40x128xi32, #tpu.memory_space<hbm>>) dst(%arg10 : memref<40x128xi32, #tpu.memory_space<vmem>>)
      tpu.yield
    }) : () -> ()
    %dma_start3A = arith.constant 0 : i32
    %dma_start3A_3 = arith.constant 0 : i32
    %dma_start3A_4 = tpu.memref_slice %arg9[%dma_start3A, %dma_start3A_3] : memref<40x128xi32, #tpu.memory_space<vmem>> -> memref<1x128xi32, #tpu.memory_space<vmem>>
    %dma_start3A_5 = tpu.memref_squeeze %dma_start3A_4 : memref<1x128xi32, #tpu.memory_space<vmem>> -> memref<128xi32, #tpu.memory_space<vmem>>
    %dma_start3A_6 = arith.constant 0 : i32
    %dma_start3A_7 = arith.constant 0 : i32
    %dma_start3A_8 = tpu.memref_slice %arg2[%dma_start3A_6, %dma_start3A_7] : memref<10240x128xf32, #tpu.memory_space<hbm>> -> memref<10240x128xf32, #tpu.memory_space<hbm>>
    tpu.enqueue_indirect_dma source(%dma_start3A_8 : memref<10240x128xf32, #tpu.memory_space<hbm>>) target(%arg11 : memref<128x128xf32, #tpu.memory_space<vmem>>) offsets(%dma_start3A_5 : memref<128xi32, #tpu.memory_space<vmem>>) semaphore(%arg17 : memref<!tpu.dma_semaphore, #tpu.memory_space<semaphore_mem>>)
    %dma_start3A_9 = arith.constant 0 : i32
    %dma_start3A_10 = arith.constant 0 : i32
    %dma_start3A_11 = tpu.memref_slice %arg10[%dma_start3A_9, %dma_start3A_10] : memref<40x128xi32, #tpu.memory_space<vmem>> -> memref<1x128xi32, #tpu.memory_space<vmem>>
    %dma_start3A_12 = tpu.memref_squeeze %dma_start3A_11 : memref<1x128xi32, #tpu.memory_space<vmem>> -> memref<128xi32, #tpu.memory_space<vmem>>
    %dma_start3A_13 = arith.constant 0 : i32
    %dma_start3A_14 = arith.constant 0 : i32
    %dma_start3A_15 = tpu.memref_slice %arg3[%dma_start3A_13, %dma_start3A_14] : memref<10240x128xf32, #tpu.memory_space<hbm>> -> memref<10240x128xf32, #tpu.memory_space<hbm>>
    tpu.enqueue_indirect_dma source(%dma_start3A_15 : memref<10240x128xf32, #tpu.memory_space<hbm>>) target(%arg12 : memref<128x128xf32, #tpu.memory_space<vmem>>) offsets(%dma_start3A_12 : memref<128xi32, #tpu.memory_space<vmem>>) semaphore(%arg17 : memref<!tpu.dma_semaphore, #tpu.memory_space<semaphore_mem>>)
    %dma_start3A_16 = arith.constant 0 : i32
    %dma_start3A_17 = arith.constant 0 : i32
    %dma_start3A_18 = tpu.memref_slice %arg9[%dma_start3A_16, %dma_start3A_17] : memref<40x128xi32, #tpu.memory_space<vmem>> -> memref<1x128xi32, #tpu.memory_space<vmem>>
    %dma_start3A_19 = tpu.memref_squeeze %dma_start3A_18 : memref<1x128xi32, #tpu.memory_space<vmem>> -> memref<128xi32, #tpu.memory_space<vmem>>
    %dma_start3A_20 = arith.constant 0 : i32
    %dma_start3A_21 = arith.constant 0 : i32
    %dma_start3A_22 = tpu.memref_slice %arg4[%dma_start3A_20, %dma_start3A_21] : memref<10240x128xf32, #tpu.memory_space<hbm>> -> memref<10240x128xf32, #tpu.memory_space<hbm>>
    tpu.enqueue_indirect_dma source(%dma_start3A_22 : memref<10240x128xf32, #tpu.memory_space<hbm>>) target(%arg13 : memref<128x128xf32, #tpu.memory_space<vmem>>) offsets(%dma_start3A_19 : memref<128xi32, #tpu.memory_space<vmem>>) semaphore(%arg17 : memref<!tpu.dma_semaphore, #tpu.memory_space<semaphore_mem>>)
    %scan3A = arith.constant 0 : i32
    %scan3A_23 = arith.constant 0 : i32
    %scan3A_24 = arith.constant 20 : i32
    %scan3A_25 = arith.addi %scan3A_23, %scan3A_24 : i32
    %scan3A_26 = arith.constant 1 : i32
    scf.for %scan3A_51 = %scan3A_23 to %scan3A_25 step %scan3A_26  : i32 {
      %mul3A_52 = arith.constant 2 : i32
      %mul3A_53 = arith.muli %mul3A_52, %scan3A_51 : i32
      %add3A_54 = arith.constant 1 : i32
      %add3A_55 = arith.addi %mul3A_53, %add3A_54 : i32
      %gt3A = arith.constant 0 : i32
      %gt3A_56 = arith.cmpi sgt, %scan3A_51, %gt3A : i32
      %convert_element_type3A = arith.extui %gt3A_56 : i1 to i32
      %cond3A = arith.constant 0 : i32
      %cond3A_57 = arith.cmpi ne, %convert_element_type3A, %cond3A : i32
      scf.if %cond3A_57 {
        %dma_wait3A_158 = arith.constant 0 : i32
        %dma_wait3A_159 = arith.constant 0 : i32
        %dma_wait3A_160 = tpu.memref_slice %arg7[%dma_wait3A_158, %dma_wait3A_159] : memref<163840x128xf32, #tpu.memory_space<hbm>> -> memref<128x128xf32, #tpu.memory_space<hbm>>
        %dma_wait3A_161 = arith.constant 0 : i32
        %dma_wait3A_162 = arith.constant 0 : i32
        %dma_wait3A_163 = tpu.memref_slice %arg7[%dma_wait3A_161, %dma_wait3A_162] : memref<163840x128xf32, #tpu.memory_space<hbm>> -> memref<128x128xf32, #tpu.memory_space<hbm>>
        tpu.wait_dma2 semaphore(%arg20 : memref<!tpu.dma_semaphore, #tpu.memory_space<semaphore_mem>>) src(%arg14 : memref<128x128xf32, #tpu.memory_space<vmem>>) dst(%dma_wait3A_163 : memref<128x128xf32, #tpu.memory_space<hbm>>)
        %dma_wait3A_164 = arith.constant 0 : i32
        %dma_wait3A_165 = arith.constant 0 : i32
        %dma_wait3A_166 = tpu.memref_slice %arg7[%dma_wait3A_164, %dma_wait3A_165] : memref<163840x128xf32, #tpu.memory_space<hbm>> -> memref<128x128xf32, #tpu.memory_space<hbm>>
        %dma_wait3A_167 = arith.constant 0 : i32
        %dma_wait3A_168 = arith.constant 0 : i32
        %dma_wait3A_169 = tpu.memref_slice %arg7[%dma_wait3A_167, %dma_wait3A_168] : memref<163840x128xf32, #tpu.memory_space<hbm>> -> memref<128x128xf32, #tpu.memory_space<hbm>>
        tpu.wait_dma2 semaphore(%arg20 : memref<!tpu.dma_semaphore, #tpu.memory_space<semaphore_mem>>) src(%arg14 : memref<128x128xf32, #tpu.memory_space<vmem>>) dst(%dma_wait3A_169 : memref<128x128xf32, #tpu.memory_space<hbm>>)
      } else {
      }
      %dma_start3A_58 = arith.constant 0 : i32
      %dma_start3A_59 = tpu.memref_slice %arg9[%add3A_55, %dma_start3A_58] : memref<40x128xi32, #tpu.memory_space<vmem>> -> memref<1x128xi32, #tpu.memory_space<vmem>>
      %dma_start3A_60 = tpu.memref_squeeze %dma_start3A_59 : memref<1x128xi32, #tpu.memory_space<vmem>> -> memref<128xi32, #tpu.memory_space<vmem>>
      %dma_start3A_61 = arith.constant 0 : i32
      %dma_start3A_62 = arith.constant 0 : i32
      %dma_start3A_63 = tpu.memref_slice %arg2[%dma_start3A_61, %dma_start3A_62] : memref<10240x128xf32, #tpu.memory_space<hbm>> -> memref<10240x128xf32, #tpu.memory_space<hbm>>
      tpu.enqueue_indirect_dma source(%dma_start3A_63 : memref<10240x128xf32, #tpu.memory_space<hbm>>) target(%arg14 : memref<128x128xf32, #tpu.memory_space<vmem>>) offsets(%dma_start3A_60 : memref<128xi32, #tpu.memory_space<vmem>>) semaphore(%arg18 : memref<!tpu.dma_semaphore, #tpu.memory_space<semaphore_mem>>)
      %dma_start3A_64 = arith.constant 0 : i32
      %dma_start3A_65 = tpu.memref_slice %arg10[%add3A_55, %dma_start3A_64] : memref<40x128xi32, #tpu.memory_space<vmem>> -> memref<1x128xi32, #tpu.memory_space<vmem>>
      %dma_start3A_66 = tpu.memref_squeeze %dma_start3A_65 : memref<1x128xi32, #tpu.memory_space<vmem>> -> memref<128xi32, #tpu.memory_space<vmem>>
      %dma_start3A_67 = arith.constant 0 : i32
      %dma_start3A_68 = arith.constant 0 : i32
      %dma_start3A_69 = tpu.memref_slice %arg3[%dma_start3A_67, %dma_start3A_68] : memref<10240x128xf32, #tpu.memory_space<hbm>> -> memref<10240x128xf32, #tpu.memory_space<hbm>>
      tpu.enqueue_indirect_dma source(%dma_start3A_69 : memref<10240x128xf32, #tpu.memory_space<hbm>>) target(%arg15 : memref<128x128xf32, #tpu.memory_space<vmem>>) offsets(%dma_start3A_66 : memref<128xi32, #tpu.memory_space<vmem>>) semaphore(%arg18 : memref<!tpu.dma_semaphore, #tpu.memory_space<semaphore_mem>>)
      %dma_start3A_70 = arith.constant 0 : i32
      %dma_start3A_71 = tpu.memref_slice %arg9[%add3A_55, %dma_start3A_70] : memref<40x128xi32, #tpu.memory_space<vmem>> -> memref<1x128xi32, #tpu.memory_space<vmem>>
      %dma_start3A_72 = tpu.memref_squeeze %dma_start3A_71 : memref<1x128xi32, #tpu.memory_space<vmem>> -> memref<128xi32, #tpu.memory_space<vmem>>
      %dma_start3A_73 = arith.constant 0 : i32
      %dma_start3A_74 = arith.constant 0 : i32
      %dma_start3A_75 = tpu.memref_slice %arg4[%dma_start3A_73, %dma_start3A_74] : memref<10240x128xf32, #tpu.memory_space<hbm>> -> memref<10240x128xf32, #tpu.memory_space<hbm>>
      tpu.enqueue_indirect_dma source(%dma_start3A_75 : memref<10240x128xf32, #tpu.memory_space<hbm>>) target(%arg16 : memref<128x128xf32, #tpu.memory_space<vmem>>) offsets(%dma_start3A_72 : memref<128xi32, #tpu.memory_space<vmem>>) semaphore(%arg18 : memref<!tpu.dma_semaphore, #tpu.memory_space<semaphore_mem>>)
      %mul3A_76 = arith.constant 2 : i32
      %mul3A_77 = arith.muli %mul3A_76, %scan3A_51 : i32
      %dma_wait3A_78 = arith.constant 0 : i32
      %dma_wait3A_79 = arith.constant 0 : i32
      %dma_wait3A_80 = tpu.memref_slice %arg9[%dma_wait3A_78, %dma_wait3A_79] : memref<40x128xi32, #tpu.memory_space<vmem>> -> memref<1x128xi32, #tpu.memory_space<vmem>>
      %dma_wait3A_81 = tpu.memref_squeeze %dma_wait3A_80 : memref<1x128xi32, #tpu.memory_space<vmem>> -> memref<128xi32, #tpu.memory_space<vmem>>
      %dma_wait3A_82 = arith.constant 0 : i32
      %dma_wait3A_83 = arith.constant 0 : i32
      %dma_wait3A_84 = tpu.memref_slice %arg2[%dma_wait3A_82, %dma_wait3A_83] : memref<10240x128xf32, #tpu.memory_space<hbm>> -> memref<10240x128xf32, #tpu.memory_space<hbm>>
      tpu.wait_indirect_dma semaphore(%arg17 : memref<!tpu.dma_semaphore, #tpu.memory_space<semaphore_mem>>) src(%dma_wait3A_84 : memref<10240x128xf32, #tpu.memory_space<hbm>>) dst(%arg11 : memref<128x128xf32, #tpu.memory_space<vmem>>)
      %dma_wait3A_85 = arith.constant 0 : i32
      %dma_wait3A_86 = arith.constant 0 : i32
      %dma_wait3A_87 = tpu.memref_slice %arg9[%dma_wait3A_85, %dma_wait3A_86] : memref<40x128xi32, #tpu.memory_space<vmem>> -> memref<1x128xi32, #tpu.memory_space<vmem>>
      %dma_wait3A_88 = tpu.memref_squeeze %dma_wait3A_87 : memref<1x128xi32, #tpu.memory_space<vmem>> -> memref<128xi32, #tpu.memory_space<vmem>>
      %dma_wait3A_89 = arith.constant 0 : i32
      %dma_wait3A_90 = arith.constant 0 : i32
      %dma_wait3A_91 = tpu.memref_slice %arg2[%dma_wait3A_89, %dma_wait3A_90] : memref<10240x128xf32, #tpu.memory_space<hbm>> -> memref<10240x128xf32, #tpu.memory_space<hbm>>
      tpu.wait_indirect_dma semaphore(%arg17 : memref<!tpu.dma_semaphore, #tpu.memory_space<semaphore_mem>>) src(%dma_wait3A_91 : memref<10240x128xf32, #tpu.memory_space<hbm>>) dst(%arg11 : memref<128x128xf32, #tpu.memory_space<vmem>>)
      %dma_wait3A_92 = arith.constant 0 : i32
      %dma_wait3A_93 = arith.constant 0 : i32
      %dma_wait3A_94 = tpu.memref_slice %arg9[%dma_wait3A_92, %dma_wait3A_93] : memref<40x128xi32, #tpu.memory_space<vmem>> -> memref<1x128xi32, #tpu.memory_space<vmem>>
      %dma_wait3A_95 = tpu.memref_squeeze %dma_wait3A_94 : memref<1x128xi32, #tpu.memory_space<vmem>> -> memref<128xi32, #tpu.memory_space<vmem>>
      %dma_wait3A_96 = arith.constant 0 : i32
      %dma_wait3A_97 = arith.constant 0 : i32
      %dma_wait3A_98 = tpu.memref_slice %arg2[%dma_wait3A_96, %dma_wait3A_97] : memref<10240x128xf32, #tpu.memory_space<hbm>> -> memref<10240x128xf32, #tpu.memory_space<hbm>>
      tpu.wait_indirect_dma semaphore(%arg17 : memref<!tpu.dma_semaphore, #tpu.memory_space<semaphore_mem>>) src(%dma_wait3A_98 : memref<10240x128xf32, #tpu.memory_space<hbm>>) dst(%arg11 : memref<128x128xf32, #tpu.memory_space<vmem>>)
      %scan3A_99 = arith.constant 0 : i32
      %scan3A_100 = arith.constant 0 : i32
      %scan3A_101 = arith.constant 128 : i32
      %scan3A_102 = arith.addi %scan3A_100, %scan3A_101 : i32
      %scan3A_103 = arith.constant 1 : i32
      scf.for %scan3A_158 = %scan3A_100 to %scan3A_102 step %scan3A_103  : i32 {
        %get3A = arith.index_cast %scan3A_158 : i32 to index
        %get3A_159 = arith.constant 0 : index
        %get3A_160 = tpu.vector_load %arg11[%get3A, %get3A_159] {strides = array<i32>} : memref<128x128xf32, #tpu.memory_space<vmem>>, vector<1x16xf32>,
        %get3A_161 = vector.shape_cast %get3A_160 : vector<1x16xf32> to vector<16xf32>
        %get3A_162 = arith.index_cast %scan3A_158 : i32 to index
        %get3A_163 = arith.constant 0 : index
        %get3A_164 = tpu.vector_load %arg12[%get3A_162, %get3A_163] {strides = array<i32>} : memref<128x128xf32, #tpu.memory_space<vmem>>, vector<1x16xf32>,
        %get3A_165 = vector.shape_cast %get3A_164 : vector<1x16xf32> to vector<16xf32>
        %mul3A_166 = arith.mulf %get3A_161, %get3A_165 : vector<16xf32>
        %swap3A = arith.index_cast %scan3A_158 : i32 to index
        %swap3A_167 = arith.constant 0 : index
        %swap3A_168 = tpu.vector_load %arg11[%swap3A, %swap3A_167] {strides = array<i32>} : memref<128x128xf32, #tpu.memory_space<vmem>>, vector<1x16xf32>,
        %swap3A_169 = vector.shape_cast %swap3A_168 : vector<1x16xf32> to vector<16xf32>
        %swap3A_170 = vector.shape_cast %mul3A_166 : vector<16xf32> to vector<1x16xf32>
        tpu.vector_store %arg11[%swap3A, %swap3A_167], %swap3A_170 {strides = array<i32>} : memref<128x128xf32, #tpu.memory_space<vmem>>, vector<1x16xf32>,
        %get3A_171 = arith.index_cast %scan3A_158 : i32 to index
        %get3A_172 = arith.constant 16 : index
        %get3A_173 = tpu.vector_load %arg11[%get3A_171, %get3A_172] {strides = array<i32>} : memref<128x128xf32, #tpu.memory_space<vmem>>, vector<1x16xf32>,
        %get3A_174 = vector.shape_cast %get3A_173 : vector<1x16xf32> to vector<16xf32>
        %get3A_175 = arith.index_cast %scan3A_158 : i32 to index
        %get3A_176 = arith.constant 16 : index
        %get3A_177 = tpu.vector_load %arg12[%get3A_175, %get3A_176] {strides = array<i32>} : memref<128x128xf32, #tpu.memory_space<vmem>>, vector<1x16xf32>,
        %get3A_178 = vector.shape_cast %get3A_177 : vector<1x16xf32> to vector<16xf32>
        %mul3A_179 = arith.mulf %get3A_174, %get3A_178 : vector<16xf32>
        %swap3A_180 = arith.index_cast %scan3A_158 : i32 to index
        %swap3A_181 = arith.constant 16 : index
        %swap3A_182 = tpu.vector_load %arg11[%swap3A_180, %swap3A_181] {strides = array<i32>} : memref<128x128xf32, #tpu.memory_space<vmem>>, vector<1x16xf32>,
        %swap3A_183 = vector.shape_cast %swap3A_182 : vector<1x16xf32> to vector<16xf32>
        %swap3A_184 = vector.shape_cast %mul3A_179 : vector<16xf32> to vector<1x16xf32>
        tpu.vector_store %arg11[%swap3A_180, %swap3A_181], %swap3A_184 {strides = array<i32>} : memref<128x128xf32, #tpu.memory_space<vmem>>, vector<1x16xf32>,
        %get3A_185 = arith.index_cast %scan3A_158 : i32 to index
        %get3A_186 = arith.constant 32 : index
        %get3A_187 = tpu.vector_load %arg11[%get3A_185, %get3A_186] {strides = array<i32>} : memref<128x128xf32, #tpu.memory_space<vmem>>, vector<1x16xf32>,
        %get3A_188 = vector.shape_cast %get3A_187 : vector<1x16xf32> to vector<16xf32>
        %get3A_189 = arith.index_cast %scan3A_158 : i32 to index
        %get3A_190 = arith.constant 32 : index
        %get3A_191 = tpu.vector_load %arg12[%get3A_189, %get3A_190] {strides = array<i32>} : memref<128x128xf32, #tpu.memory_space<vmem>>, vector<1x16xf32>,
        %get3A_192 = vector.shape_cast %get3A_191 : vector<1x16xf32> to vector<16xf32>
        %mul3A_193 = arith.mulf %get3A_188, %get3A_192 : vector<16xf32>
        %swap3A_194 = arith.index_cast %scan3A_158 : i32 to index
        %swap3A_195 = arith.constant 32 : index
        %swap3A_196 = tpu.vector_load %arg11[%swap3A_194, %swap3A_195] {strides = array<i32>} : memref<128x128xf32, #tpu.memory_space<vmem>>, vector<1x16xf32>,
        %swap3A_197 = vector.shape_cast %swap3A_196 : vector<1x16xf32> to vector<16xf32>
        %swap3A_198 = vector.shape_cast %mul3A_193 : vector<16xf32> to vector<1x16xf32>
        tpu.vector_store %arg11[%swap3A_194, %swap3A_195], %swap3A_198 {strides = array<i32>} : memref<128x128xf32, #tpu.memory_space<vmem>>, vector<1x16xf32>,
        %get3A_199 = arith.index_cast %scan3A_158 : i32 to index
        %get3A_200 = arith.constant 48 : index
        %get3A_201 = tpu.vector_load %arg11[%get3A_199, %get3A_200] {strides = array<i32>} : memref<128x128xf32, #tpu.memory_space<vmem>>, vector<1x16xf32>,
        %get3A_202 = vector.shape_cast %get3A_201 : vector<1x16xf32> to vector<16xf32>
        %get3A_203 = arith.index_cast %scan3A_158 : i32 to index
        %get3A_204 = arith.constant 48 : index
        %get3A_205 = tpu.vector_load %arg12[%get3A_203, %get3A_204] {strides = array<i32>} : memref<128x128xf32, #tpu.memory_space<vmem>>, vector<1x16xf32>,
        %get3A_206 = vector.shape_cast %get3A_205 : vector<1x16xf32> to vector<16xf32>
        %mul3A_207 = arith.mulf %get3A_202, %get3A_206 : vector<16xf32>
        %swap3A_208 = arith.index_cast %scan3A_158 : i32 to index
        %swap3A_209 = arith.constant 48 : index
        %swap3A_210 = tpu.vector_load %arg11[%swap3A_208, %swap3A_209] {strides = array<i32>} : memref<128x128xf32, #tpu.memory_space<vmem>>, vector<1x16xf32>,
        %swap3A_211 = vector.shape_cast %swap3A_210 : vector<1x16xf32> to vector<16xf32>
        %swap3A_212 = vector.shape_cast %mul3A_207 : vector<16xf32> to vector<1x16xf32>
        tpu.vector_store %arg11[%swap3A_208, %swap3A_209], %swap3A_212 {strides = array<i32>} : memref<128x128xf32, #tpu.memory_space<vmem>>, vector<1x16xf32>,
        %get3A_213 = arith.index_cast %scan3A_158 : i32 to index
        %get3A_214 = arith.constant 64 : index
        %get3A_215 = tpu.vector_load %arg11[%get3A_213, %get3A_214] {strides = array<i32>} : memref<128x128xf32, #tpu.memory_space<vmem>>, vector<1x16xf32>,
        %get3A_216 = vector.shape_cast %get3A_215 : vector<1x16xf32> to vector<16xf32>
        %get3A_217 = arith.index_cast %scan3A_158 : i32 to index
        %get3A_218 = arith.constant 64 : index
        %get3A_219 = tpu.vector_load %arg12[%get3A_217, %get3A_218] {strides = array<i32>} : memref<128x128xf32, #tpu.memory_space<vmem>>, vector<1x16xf32>,
        %get3A_220 = vector.shape_cast %get3A_219 : vector<1x16xf32> to vector<16xf32>
        %mul3A_221 = arith.mulf %get3A_216, %get3A_220 : vector<16xf32>
        %swap3A_222 = arith.index_cast %scan3A_158 : i32 to index
        %swap3A_223 = arith.constant 64 : index
        %swap3A_224 = tpu.vector_load %arg11[%swap3A_222, %swap3A_223] {strides = array<i32>} : memref<128x128xf32, #tpu.memory_space<vmem>>, vector<1x16xf32>,
        %swap3A_225 = vector.shape_cast %swap3A_224 : vector<1x16xf32> to vector<16xf32>
        %swap3A_226 = vector.shape_cast %mul3A_221 : vector<16xf32> to vector<1x16xf32>
        tpu.vector_store %arg11[%swap3A_222, %swap3A_223], %swap3A_226 {strides = array<i32>} : memref<128x128xf32, #tpu.memory_space<vmem>>, vector<1x16xf32>,
        %get3A_227 = arith.index_cast %scan3A_158 : i32 to index
        %get3A_228 = arith.constant 80 : index
        %get3A_229 = tpu.vector_load %arg11[%get3A_227, %get3A_228] {strides = array<i32>} : memref<128x128xf32, #tpu.memory_space<vmem>>, vector<1x16xf32>,
        %get3A_230 = vector.shape_cast %get3A_229 : vector<1x16xf32> to vector<16xf32>
        %get3A_231 = arith.index_cast %scan3A_158 : i32 to index
        %get3A_232 = arith.constant 80 : index
        %get3A_233 = tpu.vector_load %arg12[%get3A_231, %get3A_232] {strides = array<i32>} : memref<128x128xf32, #tpu.memory_space<vmem>>, vector<1x16xf32>,
        %get3A_234 = vector.shape_cast %get3A_233 : vector<1x16xf32> to vector<16xf32>
        %mul3A_235 = arith.mulf %get3A_230, %get3A_234 : vector<16xf32>
        %swap3A_236 = arith.index_cast %scan3A_158 : i32 to index
        %swap3A_237 = arith.constant 80 : index
        %swap3A_238 = tpu.vector_load %arg11[%swap3A_236, %swap3A_237] {strides = array<i32>} : memref<128x128xf32, #tpu.memory_space<vmem>>, vector<1x16xf32>,
        %swap3A_239 = vector.shape_cast %swap3A_238 : vector<1x16xf32> to vector<16xf32>
        %swap3A_240 = vector.shape_cast %mul3A_235 : vector<16xf32> to vector<1x16xf32>
        tpu.vector_store %arg11[%swap3A_236, %swap3A_237], %swap3A_240 {strides = array<i32>} : memref<128x128xf32, #tpu.memory_space<vmem>>, vector<1x16xf32>,
        %get3A_241 = arith.index_cast %scan3A_158 : i32 to index
        %get3A_242 = arith.constant 96 : index
        %get3A_243 = tpu.vector_load %arg11[%get3A_241, %get3A_242] {strides = array<i32>} : memref<128x128xf32, #tpu.memory_space<vmem>>, vector<1x16xf32>,
        %get3A_244 = vector.shape_cast %get3A_243 : vector<1x16xf32> to vector<16xf32>
        %get3A_245 = arith.index_cast %scan3A_158 : i32 to index
        %get3A_246 = arith.constant 96 : index
        %get3A_247 = tpu.vector_load %arg12[%get3A_245, %get3A_246] {strides = array<i32>} : memref<128x128xf32, #tpu.memory_space<vmem>>, vector<1x16xf32>,
        %get3A_248 = vector.shape_cast %get3A_247 : vector<1x16xf32> to vector<16xf32>
        %mul3A_249 = arith.mulf %get3A_244, %get3A_248 : vector<16xf32>
        %swap3A_250 = arith.index_cast %scan3A_158 : i32 to index
        %swap3A_251 = arith.constant 96 : index
        %swap3A_252 = tpu.vector_load %arg11[%swap3A_250, %swap3A_251] {strides = array<i32>} : memref<128x128xf32, #tpu.memory_space<vmem>>, vector<1x16xf32>,
        %swap3A_253 = vector.shape_cast %swap3A_252 : vector<1x16xf32> to vector<16xf32>
        %swap3A_254 = vector.shape_cast %mul3A_249 : vector<16xf32> to vector<1x16xf32>
        tpu.vector_store %arg11[%swap3A_250, %swap3A_251], %swap3A_254 {strides = array<i32>} : memref<128x128xf32, #tpu.memory_space<vmem>>, vector<1x16xf32>,
        %get3A_255 = arith.index_cast %scan3A_158 : i32 to index
        %get3A_256 = arith.constant 112 : index
        %get3A_257 = tpu.vector_load %arg11[%get3A_255, %get3A_256] {strides = array<i32>} : memref<128x128xf32, #tpu.memory_space<vmem>>, vector<1x16xf32>,
        %get3A_258 = vector.shape_cast %get3A_257 : vector<1x16xf32> to vector<16xf32>
        %get3A_259 = arith.index_cast %scan3A_158 : i32 to index
        %get3A_260 = arith.constant 112 : index
        %get3A_261 = tpu.vector_load %arg12[%get3A_259, %get3A_260] {strides = array<i32>} : memref<128x128xf32, #tpu.memory_space<vmem>>, vector<1x16xf32>,
        %get3A_262 = vector.shape_cast %get3A_261 : vector<1x16xf32> to vector<16xf32>
        %mul3A_263 = arith.mulf %get3A_258, %get3A_262 : vector<16xf32>
        %swap3A_264 = arith.index_cast %scan3A_158 : i32 to index
        %swap3A_265 = arith.constant 112 : index
        %swap3A_266 = tpu.vector_load %arg11[%swap3A_264, %swap3A_265] {strides = array<i32>} : memref<128x128xf32, #tpu.memory_space<vmem>>, vector<1x16xf32>,
        %swap3A_267 = vector.shape_cast %swap3A_266 : vector<1x16xf32> to vector<16xf32>
        %swap3A_268 = vector.shape_cast %mul3A_263 : vector<16xf32> to vector<1x16xf32>
        tpu.vector_store %arg11[%swap3A_264, %swap3A_265], %swap3A_268 {strides = array<i32>} : memref<128x128xf32, #tpu.memory_space<vmem>>, vector<1x16xf32>,
      }
      %scan3A_104 = arith.constant 128 : i32
      %add3A_105 = arith.addi %mul3A_2, %mul3A_77 : i32
      %mul3A_106 = arith.constant 128 : i32
      %mul3A_107 = arith.muli %add3A_105, %mul3A_106 : i32
      %dma_start3A_108 = arith.constant 0 : i32
      %dma_start3A_109 = tpu.memref_slice %arg7[%mul3A_107, %dma_start3A_108] : memref<163840x128xf32, #tpu.memory_space<hbm>> -> memref<128x128xf32, #tpu.memory_space<hbm>>
      %dma_start3A_110 = arith.constant 0 : i32
      %dma_start3A_111 = tpu.memref_slice %arg7[%mul3A_107, %dma_start3A_110] : memref<163840x128xf32, #tpu.memory_space<hbm>> -> memref<128x128xf32, #tpu.memory_space<hbm>>
      tpu.enqueue_dma source(%arg11 : memref<128x128xf32, #tpu.memory_space<vmem>>) target(%dma_start3A_111 : memref<128x128xf32, #tpu.memory_space<hbm>>) target_semaphore(%arg19 : memref<!tpu.dma_semaphore, #tpu.memory_space<semaphore_mem>>)
      %dma_start3A_112 = arith.constant 0 : i32
      %dma_start3A_113 = tpu.memref_slice %arg8[%mul3A_107, %dma_start3A_112] : memref<163840x128xf32, #tpu.memory_space<hbm>> -> memref<128x128xf32, #tpu.memory_space<hbm>>
      %dma_start3A_114 = arith.constant 0 : i32
      %dma_start3A_115 = tpu.memref_slice %arg8[%mul3A_107, %dma_start3A_114] : memref<163840x128xf32, #tpu.memory_space<hbm>> -> memref<128x128xf32, #tpu.memory_space<hbm>>
      tpu.enqueue_dma source(%arg13 : memref<128x128xf32, #tpu.memory_space<vmem>>) target(%dma_start3A_115 : memref<128x128xf32, #tpu.memory_space<hbm>>) target_semaphore(%arg19 : memref<!tpu.dma_semaphore, #tpu.memory_space<semaphore_mem>>)
      %lt3A = arith.constant 19 : i32
      %lt3A_116 = arith.cmpi slt, %scan3A_51, %lt3A : i32
      %convert_element_type3A_117 = arith.extui %lt3A_116 : i1 to i32
      %cond3A_118 = arith.constant 0 : i32
      %cond3A_119 = arith.cmpi ne, %convert_element_type3A_117, %cond3A_118 : i32
      scf.if %cond3A_119 {
        %dma_wait3A_158 = arith.constant 0 : i32
        %dma_wait3A_159 = arith.constant 0 : i32
        %dma_wait3A_160 = tpu.memref_slice %arg7[%dma_wait3A_158, %dma_wait3A_159] : memref<163840x128xf32, #tpu.memory_space<hbm>> -> memref<128x128xf32, #tpu.memory_space<hbm>>
        %dma_wait3A_161 = arith.constant 0 : i32
        %dma_wait3A_162 = arith.constant 0 : i32
        %dma_wait3A_163 = tpu.memref_slice %arg7[%dma_wait3A_161, %dma_wait3A_162] : memref<163840x128xf32, #tpu.memory_space<hbm>> -> memref<128x128xf32, #tpu.memory_space<hbm>>
        tpu.wait_dma2 semaphore(%arg19 : memref<!tpu.dma_semaphore, #tpu.memory_space<semaphore_mem>>) src(%arg11 : memref<128x128xf32, #tpu.memory_space<vmem>>) dst(%dma_wait3A_163 : memref<128x128xf32, #tpu.memory_space<hbm>>)
        %dma_wait3A_164 = arith.constant 0 : i32
        %dma_wait3A_165 = arith.constant 0 : i32
        %dma_wait3A_166 = tpu.memref_slice %arg7[%dma_wait3A_164, %dma_wait3A_165] : memref<163840x128xf32, #tpu.memory_space<hbm>> -> memref<128x128xf32, #tpu.memory_space<hbm>>
        %dma_wait3A_167 = arith.constant 0 : i32
        %dma_wait3A_168 = arith.constant 0 : i32
        %dma_wait3A_169 = tpu.memref_slice %arg7[%dma_wait3A_167, %dma_wait3A_168] : memref<163840x128xf32, #tpu.memory_space<hbm>> -> memref<128x128xf32, #tpu.memory_space<hbm>>
        tpu.wait_dma2 semaphore(%arg19 : memref<!tpu.dma_semaphore, #tpu.memory_space<semaphore_mem>>) src(%arg11 : memref<128x128xf32, #tpu.memory_space<vmem>>) dst(%dma_wait3A_169 : memref<128x128xf32, #tpu.memory_space<hbm>>)
        %mul3A_170 = arith.constant 2 : i32
        %mul3A_171 = arith.muli %mul3A_170, %scan3A_51 : i32
        %add3A_172 = arith.constant 2 : i32
        %add3A_173 = arith.addi %mul3A_171, %add3A_172 : i32
        %dma_start3A_174 = arith.constant 0 : i32
        %dma_start3A_175 = tpu.memref_slice %arg9[%add3A_173, %dma_start3A_174] : memref<40x128xi32, #tpu.memory_space<vmem>> -> memref<1x128xi32, #tpu.memory_space<vmem>>
        %dma_start3A_176 = tpu.memref_squeeze %dma_start3A_175 : memref<1x128xi32, #tpu.memory_space<vmem>> -> memref<128xi32, #tpu.memory_space<vmem>>
        %dma_start3A_177 = arith.constant 0 : i32
        %dma_start3A_178 = arith.constant 0 : i32
        %dma_start3A_179 = tpu.memref_slice %arg2[%dma_start3A_177, %dma_start3A_178] : memref<10240x128xf32, #tpu.memory_space<hbm>> -> memref<10240x128xf32, #tpu.memory_space<hbm>>
        tpu.enqueue_indirect_dma source(%dma_start3A_179 : memref<10240x128xf32, #tpu.memory_space<hbm>>) target(%arg11 : memref<128x128xf32, #tpu.memory_space<vmem>>) offsets(%dma_start3A_176 : memref<128xi32, #tpu.memory_space<vmem>>) semaphore(%arg17 : memref<!tpu.dma_semaphore, #tpu.memory_space<semaphore_mem>>)
        %dma_start3A_180 = arith.constant 0 : i32
        %dma_start3A_181 = tpu.memref_slice %arg10[%add3A_173, %dma_start3A_180] : memref<40x128xi32, #tpu.memory_space<vmem>> -> memref<1x128xi32, #tpu.memory_space<vmem>>
        %dma_start3A_182 = tpu.memref_squeeze %dma_start3A_181 : memref<1x128xi32, #tpu.memory_space<vmem>> -> memref<128xi32, #tpu.memory_space<vmem>>
        %dma_start3A_183 = arith.constant 0 : i32
        %dma_start3A_184 = arith.constant 0 : i32
        %dma_start3A_185 = tpu.memref_slice %arg3[%dma_start3A_183, %dma_start3A_184] : memref<10240x128xf32, #tpu.memory_space<hbm>> -> memref<10240x128xf32, #tpu.memory_space<hbm>>
        tpu.enqueue_indirect_dma source(%dma_start3A_185 : memref<10240x128xf32, #tpu.memory_space<hbm>>) target(%arg12 : memref<128x128xf32, #tpu.memory_space<vmem>>) offsets(%dma_start3A_182 : memref<128xi32, #tpu.memory_space<vmem>>) semaphore(%arg17 : memref<!tpu.dma_semaphore, #tpu.memory_space<semaphore_mem>>)
        %dma_start3A_186 = arith.constant 0 : i32
        %dma_start3A_187 = tpu.memref_slice %arg9[%add3A_173, %dma_start3A_186] : memref<40x128xi32, #tpu.memory_space<vmem>> -> memref<1x128xi32, #tpu.memory_space<vmem>>
        %dma_start3A_188 = tpu.memref_squeeze %dma_start3A_187 : memref<1x128xi32, #tpu.memory_space<vmem>> -> memref<128xi32, #tpu.memory_space<vmem>>
        %dma_start3A_189 = arith.constant 0 : i32
        %dma_start3A_190 = arith.constant 0 : i32
        %dma_start3A_191 = tpu.memref_slice %arg4[%dma_start3A_189, %dma_start3A_190] : memref<10240x128xf32, #tpu.memory_space<hbm>> -> memref<10240x128xf32, #tpu.memory_space<hbm>>
        tpu.enqueue_indirect_dma source(%dma_start3A_191 : memref<10240x128xf32, #tpu.memory_space<hbm>>) target(%arg13 : memref<128x128xf32, #tpu.memory_space<vmem>>) offsets(%dma_start3A_188 : memref<128xi32, #tpu.memory_space<vmem>>) semaphore(%arg17 : memref<!tpu.dma_semaphore, #tpu.memory_space<semaphore_mem>>)
      } else {
      }
      %dma_wait3A_120 = arith.constant 0 : i32
      %dma_wait3A_121 = arith.constant 0 : i32
      %dma_wait3A_122 = tpu.memref_slice %arg9[%dma_wait3A_120, %dma_wait3A_121] : memref<40x128xi32, #tpu.memory_space<vmem>> -> memref<1x128xi32, #tpu.memory_space<vmem>>
      %dma_wait3A_123 = tpu.memref_squeeze %dma_wait3A_122 : memref<1x128xi32, #tpu.memory_space<vmem>> -> memref<128xi32, #tpu.memory_space<vmem>>
      %dma_wait3A_124 = arith.constant 0 : i32
      %dma_wait3A_125 = arith.constant 0 : i32
      %dma_wait3A_126 = tpu.memref_slice %arg2[%dma_wait3A_124, %dma_wait3A_125] : memref<10240x128xf32, #tpu.memory_space<hbm>> -> memref<10240x128xf32, #tpu.memory_space<hbm>>
      tpu.wait_indirect_dma semaphore(%arg18 : memref<!tpu.dma_semaphore, #tpu.memory_space<semaphore_mem>>) src(%dma_wait3A_126 : memref<10240x128xf32, #tpu.memory_space<hbm>>) dst(%arg14 : memref<128x128xf32, #tpu.memory_space<vmem>>)
      %dma_wait3A_127 = arith.constant 0 : i32
      %dma_wait3A_128 = arith.constant 0 : i32
      %dma_wait3A_129 = tpu.memref_slice %arg9[%dma_wait3A_127, %dma_wait3A_128] : memref<40x128xi32, #tpu.memory_space<vmem>> -> memref<1x128xi32, #tpu.memory_space<vmem>>
      %dma_wait3A_130 = tpu.memref_squeeze %dma_wait3A_129 : memref<1x128xi32, #tpu.memory_space<vmem>> -> memref<128xi32, #tpu.memory_space<vmem>>
      %dma_wait3A_131 = arith.constant 0 : i32
      %dma_wait3A_132 = arith.constant 0 : i32
      %dma_wait3A_133 = tpu.memref_slice %arg2[%dma_wait3A_131, %dma_wait3A_132] : memref<10240x128xf32, #tpu.memory_space<hbm>> -> memref<10240x128xf32, #tpu.memory_space<hbm>>
      tpu.wait_indirect_dma semaphore(%arg18 : memref<!tpu.dma_semaphore, #tpu.memory_space<semaphore_mem>>) src(%dma_wait3A_133 : memref<10240x128xf32, #tpu.memory_space<hbm>>) dst(%arg14 : memref<128x128xf32, #tpu.memory_space<vmem>>)
      %dma_wait3A_134 = arith.constant 0 : i32
      %dma_wait3A_135 = arith.constant 0 : i32
      %dma_wait3A_136 = tpu.memref_slice %arg9[%dma_wait3A_134, %dma_wait3A_135] : memref<40x128xi32, #tpu.memory_space<vmem>> -> memref<1x128xi32, #tpu.memory_space<vmem>>
      %dma_wait3A_137 = tpu.memref_squeeze %dma_wait3A_136 : memref<1x128xi32, #tpu.memory_space<vmem>> -> memref<128xi32, #tpu.memory_space<vmem>>
      %dma_wait3A_138 = arith.constant 0 : i32
      %dma_wait3A_139 = arith.constant 0 : i32
      %dma_wait3A_140 = tpu.memref_slice %arg2[%dma_wait3A_138, %dma_wait3A_139] : memref<10240x128xf32, #tpu.memory_space<hbm>> -> memref<10240x128xf32, #tpu.memory_space<hbm>>
      tpu.wait_indirect_dma semaphore(%arg18 : memref<!tpu.dma_semaphore, #tpu.memory_space<semaphore_mem>>) src(%dma_wait3A_140 : memref<10240x128xf32, #tpu.memory_space<hbm>>) dst(%arg14 : memref<128x128xf32, #tpu.memory_space<vmem>>)
      %scan3A_141 = arith.constant 0 : i32
      %scan3A_142 = arith.constant 0 : i32
      %scan3A_143 = arith.constant 128 : i32
      %scan3A_144 = arith.addi %scan3A_142, %scan3A_143 : i32
      %scan3A_145 = arith.constant 1 : i32
      scf.for %scan3A_158 = %scan3A_142 to %scan3A_144 step %scan3A_145  : i32 {
        %get3A = arith.index_cast %scan3A_158 : i32 to index
        %get3A_159 = arith.constant 0 : index
        %get3A_160 = tpu.vector_load %arg14[%get3A, %get3A_159] {strides = array<i32>} : memref<128x128xf32, #tpu.memory_space<vmem>>, vector<1x16xf32>,
        %get3A_161 = vector.shape_cast %get3A_160 : vector<1x16xf32> to vector<16xf32>
        %get3A_162 = arith.index_cast %scan3A_158 : i32 to index
        %get3A_163 = arith.constant 0 : index
        %get3A_164 = tpu.vector_load %arg15[%get3A_162, %get3A_163] {strides = array<i32>} : memref<128x128xf32, #tpu.memory_space<vmem>>, vector<1x16xf32>,
        %get3A_165 = vector.shape_cast %get3A_164 : vector<1x16xf32> to vector<16xf32>
        %mul3A_166 = arith.mulf %get3A_161, %get3A_165 : vector<16xf32>
        %swap3A = arith.index_cast %scan3A_158 : i32 to index
        %swap3A_167 = arith.constant 0 : index
        %swap3A_168 = tpu.vector_load %arg14[%swap3A, %swap3A_167] {strides = array<i32>} : memref<128x128xf32, #tpu.memory_space<vmem>>, vector<1x16xf32>,
        %swap3A_169 = vector.shape_cast %swap3A_168 : vector<1x16xf32> to vector<16xf32>
        %swap3A_170 = vector.shape_cast %mul3A_166 : vector<16xf32> to vector<1x16xf32>
        tpu.vector_store %arg14[%swap3A, %swap3A_167], %swap3A_170 {strides = array<i32>} : memref<128x128xf32, #tpu.memory_space<vmem>>, vector<1x16xf32>,
        %get3A_171 = arith.index_cast %scan3A_158 : i32 to index
        %get3A_172 = arith.constant 16 : index
        %get3A_173 = tpu.vector_load %arg14[%get3A_171, %get3A_172] {strides = array<i32>} : memref<128x128xf32, #tpu.memory_space<vmem>>, vector<1x16xf32>,
        %get3A_174 = vector.shape_cast %get3A_173 : vector<1x16xf32> to vector<16xf32>
        %get3A_175 = arith.index_cast %scan3A_158 : i32 to index
        %get3A_176 = arith.constant 16 : index
        %get3A_177 = tpu.vector_load %arg15[%get3A_175, %get3A_176] {strides = array<i32>} : memref<128x128xf32, #tpu.memory_space<vmem>>, vector<1x16xf32>,
        %get3A_178 = vector.shape_cast %get3A_177 : vector<1x16xf32> to vector<16xf32>
        %mul3A_179 = arith.mulf %get3A_174, %get3A_178 : vector<16xf32>
        %swap3A_180 = arith.index_cast %scan3A_158 : i32 to index
        %swap3A_181 = arith.constant 16 : index
        %swap3A_182 = tpu.vector_load %arg14[%swap3A_180, %swap3A_181] {strides = array<i32>} : memref<128x128xf32, #tpu.memory_space<vmem>>, vector<1x16xf32>,
        %swap3A_183 = vector.shape_cast %swap3A_182 : vector<1x16xf32> to vector<16xf32>
        %swap3A_184 = vector.shape_cast %mul3A_179 : vector<16xf32> to vector<1x16xf32>
        tpu.vector_store %arg14[%swap3A_180, %swap3A_181], %swap3A_184 {strides = array<i32>} : memref<128x128xf32, #tpu.memory_space<vmem>>, vector<1x16xf32>,
        %get3A_185 = arith.index_cast %scan3A_158 : i32 to index
        %get3A_186 = arith.constant 32 : index
        %get3A_187 = tpu.vector_load %arg14[%get3A_185, %get3A_186] {strides = array<i32>} : memref<128x128xf32, #tpu.memory_space<vmem>>, vector<1x16xf32>,
        %get3A_188 = vector.shape_cast %get3A_187 : vector<1x16xf32> to vector<16xf32>
        %get3A_189 = arith.index_cast %scan3A_158 : i32 to index
        %get3A_190 = arith.constant 32 : index
        %get3A_191 = tpu.vector_load %arg15[%get3A_189, %get3A_190] {strides = array<i32>} : memref<128x128xf32, #tpu.memory_space<vmem>>, vector<1x16xf32>,
        %get3A_192 = vector.shape_cast %get3A_191 : vector<1x16xf32> to vector<16xf32>
        %mul3A_193 = arith.mulf %get3A_188, %get3A_192 : vector<16xf32>
        %swap3A_194 = arith.index_cast %scan3A_158 : i32 to index
        %swap3A_195 = arith.constant 32 : index
        %swap3A_196 = tpu.vector_load %arg14[%swap3A_194, %swap3A_195] {strides = array<i32>} : memref<128x128xf32, #tpu.memory_space<vmem>>, vector<1x16xf32>,
        %swap3A_197 = vector.shape_cast %swap3A_196 : vector<1x16xf32> to vector<16xf32>
        %swap3A_198 = vector.shape_cast %mul3A_193 : vector<16xf32> to vector<1x16xf32>
        tpu.vector_store %arg14[%swap3A_194, %swap3A_195], %swap3A_198 {strides = array<i32>} : memref<128x128xf32, #tpu.memory_space<vmem>>, vector<1x16xf32>,
        %get3A_199 = arith.index_cast %scan3A_158 : i32 to index
        %get3A_200 = arith.constant 48 : index
        %get3A_201 = tpu.vector_load %arg14[%get3A_199, %get3A_200] {strides = array<i32>} : memref<128x128xf32, #tpu.memory_space<vmem>>, vector<1x16xf32>,
        %get3A_202 = vector.shape_cast %get3A_201 : vector<1x16xf32> to vector<16xf32>
        %get3A_203 = arith.index_cast %scan3A_158 : i32 to index
        %get3A_204 = arith.constant 48 : index
        %get3A_205 = tpu.vector_load %arg15[%get3A_203, %get3A_204] {strides = array<i32>} : memref<128x128xf32, #tpu.memory_space<vmem>>, vector<1x16xf32>,
        %get3A_206 = vector.shape_cast %get3A_205 : vector<1x16xf32> to vector<16xf32>
        %mul3A_207 = arith.mulf %get3A_202, %get3A_206 : vector<16xf32>
        %swap3A_208 = arith.index_cast %scan3A_158 : i32 to index
        %swap3A_209 = arith.constant 48 : index
        %swap3A_210 = tpu.vector_load %arg14[%swap3A_208, %swap3A_209] {strides = array<i32>} : memref<128x128xf32, #tpu.memory_space<vmem>>, vector<1x16xf32>,
        %swap3A_211 = vector.shape_cast %swap3A_210 : vector<1x16xf32> to vector<16xf32>
        %swap3A_212 = vector.shape_cast %mul3A_207 : vector<16xf32> to vector<1x16xf32>
        tpu.vector_store %arg14[%swap3A_208, %swap3A_209], %swap3A_212 {strides = array<i32>} : memref<128x128xf32, #tpu.memory_space<vmem>>, vector<1x16xf32>,
        %get3A_213 = arith.index_cast %scan3A_158 : i32 to index
        %get3A_214 = arith.constant 64 : index
        %get3A_215 = tpu.vector_load %arg14[%get3A_213, %get3A_214] {strides = array<i32>} : memref<128x128xf32, #tpu.memory_space<vmem>>, vector<1x16xf32>,
        %get3A_216 = vector.shape_cast %get3A_215 : vector<1x16xf32> to vector<16xf32>
        %get3A_217 = arith.index_cast %scan3A_158 : i32 to index
        %get3A_218 = arith.constant 64 : index
        %get3A_219 = tpu.vector_load %arg15[%get3A_217, %get3A_218] {strides = array<i32>} : memref<128x128xf32, #tpu.memory_space<vmem>>, vector<1x16xf32>,
        %get3A_220 = vector.shape_cast %get3A_219 : vector<1x16xf32> to vector<16xf32>
        %mul3A_221 = arith.mulf %get3A_216, %get3A_220 : vector<16xf32>
        %swap3A_222 = arith.index_cast %scan3A_158 : i32 to index
        %swap3A_223 = arith.constant 64 : index
        %swap3A_224 = tpu.vector_load %arg14[%swap3A_222, %swap3A_223] {strides = array<i32>} : memref<128x128xf32, #tpu.memory_space<vmem>>, vector<1x16xf32>,
        %swap3A_225 = vector.shape_cast %swap3A_224 : vector<1x16xf32> to vector<16xf32>
        %swap3A_226 = vector.shape_cast %mul3A_221 : vector<16xf32> to vector<1x16xf32>
        tpu.vector_store %arg14[%swap3A_222, %swap3A_223], %swap3A_226 {strides = array<i32>} : memref<128x128xf32, #tpu.memory_space<vmem>>, vector<1x16xf32>,
        %get3A_227 = arith.index_cast %scan3A_158 : i32 to index
        %get3A_228 = arith.constant 80 : index
        %get3A_229 = tpu.vector_load %arg14[%get3A_227, %get3A_228] {strides = array<i32>} : memref<128x128xf32, #tpu.memory_space<vmem>>, vector<1x16xf32>,
        %get3A_230 = vector.shape_cast %get3A_229 : vector<1x16xf32> to vector<16xf32>
        %get3A_231 = arith.index_cast %scan3A_158 : i32 to index
        %get3A_232 = arith.constant 80 : index
        %get3A_233 = tpu.vector_load %arg15[%get3A_231, %get3A_232] {strides = array<i32>} : memref<128x128xf32, #tpu.memory_space<vmem>>, vector<1x16xf32>,
        %get3A_234 = vector.shape_cast %get3A_233 : vector<1x16xf32> to vector<16xf32>
        %mul3A_235 = arith.mulf %get3A_230, %get3A_234 : vector<16xf32>
        %swap3A_236 = arith.index_cast %scan3A_158 : i32 to index
        %swap3A_237 = arith.constant 80 : index
        %swap3A_238 = tpu.vector_load %arg14[%swap3A_236, %swap3A_237] {strides = array<i32>} : memref<128x128xf32, #tpu.memory_space<vmem>>, vector<1x16xf32>,
        %swap3A_239 = vector.shape_cast %swap3A_238 : vector<1x16xf32> to vector<16xf32>
        %swap3A_240 = vector.shape_cast %mul3A_235 : vector<16xf32> to vector<1x16xf32>
        tpu.vector_store %arg14[%swap3A_236, %swap3A_237], %swap3A_240 {strides = array<i32>} : memref<128x128xf32, #tpu.memory_space<vmem>>, vector<1x16xf32>,
        %get3A_241 = arith.index_cast %scan3A_158 : i32 to index
        %get3A_242 = arith.constant 96 : index
        %get3A_243 = tpu.vector_load %arg14[%get3A_241, %get3A_242] {strides = array<i32>} : memref<128x128xf32, #tpu.memory_space<vmem>>, vector<1x16xf32>,
        %get3A_244 = vector.shape_cast %get3A_243 : vector<1x16xf32> to vector<16xf32>
        %get3A_245 = arith.index_cast %scan3A_158 : i32 to index
        %get3A_246 = arith.constant 96 : index
        %get3A_247 = tpu.vector_load %arg15[%get3A_245, %get3A_246] {strides = array<i32>} : memref<128x128xf32, #tpu.memory_space<vmem>>, vector<1x16xf32>,
        %get3A_248 = vector.shape_cast %get3A_247 : vector<1x16xf32> to vector<16xf32>
        %mul3A_249 = arith.mulf %get3A_244, %get3A_248 : vector<16xf32>
        %swap3A_250 = arith.index_cast %scan3A_158 : i32 to index
        %swap3A_251 = arith.constant 96 : index
        %swap3A_252 = tpu.vector_load %arg14[%swap3A_250, %swap3A_251] {strides = array<i32>} : memref<128x128xf32, #tpu.memory_space<vmem>>, vector<1x16xf32>,
        %swap3A_253 = vector.shape_cast %swap3A_252 : vector<1x16xf32> to vector<16xf32>
        %swap3A_254 = vector.shape_cast %mul3A_249 : vector<16xf32> to vector<1x16xf32>
        tpu.vector_store %arg14[%swap3A_250, %swap3A_251], %swap3A_254 {strides = array<i32>} : memref<128x128xf32, #tpu.memory_space<vmem>>, vector<1x16xf32>,
        %get3A_255 = arith.index_cast %scan3A_158 : i32 to index
        %get3A_256 = arith.constant 112 : index
        %get3A_257 = tpu.vector_load %arg14[%get3A_255, %get3A_256] {strides = array<i32>} : memref<128x128xf32, #tpu.memory_space<vmem>>, vector<1x16xf32>,
        %get3A_258 = vector.shape_cast %get3A_257 : vector<1x16xf32> to vector<16xf32>
        %get3A_259 = arith.index_cast %scan3A_158 : i32 to index
        %get3A_260 = arith.constant 112 : index
        %get3A_261 = tpu.vector_load %arg15[%get3A_259, %get3A_260] {strides = array<i32>} : memref<128x128xf32, #tpu.memory_space<vmem>>, vector<1x16xf32>,
        %get3A_262 = vector.shape_cast %get3A_261 : vector<1x16xf32> to vector<16xf32>
        %mul3A_263 = arith.mulf %get3A_258, %get3A_262 : vector<16xf32>
        %swap3A_264 = arith.index_cast %scan3A_158 : i32 to index
        %swap3A_265 = arith.constant 112 : index
        %swap3A_266 = tpu.vector_load %arg14[%swap3A_264, %swap3A_265] {strides = array<i32>} : memref<128x128xf32, #tpu.memory_space<vmem>>, vector<1x16xf32>,
        %swap3A_267 = vector.shape_cast %swap3A_266 : vector<1x16xf32> to vector<16xf32>
        %swap3A_268 = vector.shape_cast %mul3A_263 : vector<16xf32> to vector<1x16xf32>
        tpu.vector_store %arg14[%swap3A_264, %swap3A_265], %swap3A_268 {strides = array<i32>} : memref<128x128xf32, #tpu.memory_space<vmem>>, vector<1x16xf32>,
      }
      %scan3A_146 = arith.constant 128 : i32
      %add3A_147 = arith.addi %mul3A_2, %add3A_55 : i32
      %mul3A_148 = arith.constant 128 : i32
      %mul3A_149 = arith.muli %add3A_147, %mul3A_148 : i32
      %dma_start3A_150 = arith.constant 0 : i32
      %dma_start3A_151 = tpu.memref_slice %arg7[%mul3A_149, %dma_start3A_150] : memref<163840x128xf32, #tpu.memory_space<hbm>> -> memref<128x128xf32, #tpu.memory_space<hbm>>
      %dma_start3A_152 = arith.constant 0 : i32
      %dma_start3A_153 = tpu.memref_slice %arg7[%mul3A_149, %dma_start3A_152] : memref<163840x128xf32, #tpu.memory_space<hbm>> -> memref<128x128xf32, #tpu.memory_space<hbm>>
      tpu.enqueue_dma source(%arg14 : memref<128x128xf32, #tpu.memory_space<vmem>>) target(%dma_start3A_153 : memref<128x128xf32, #tpu.memory_space<hbm>>) target_semaphore(%arg20 : memref<!tpu.dma_semaphore, #tpu.memory_space<semaphore_mem>>)
      %dma_start3A_154 = arith.constant 0 : i32
      %dma_start3A_155 = tpu.memref_slice %arg8[%mul3A_149, %dma_start3A_154] : memref<163840x128xf32, #tpu.memory_space<hbm>> -> memref<128x128xf32, #tpu.memory_space<hbm>>
      %dma_start3A_156 = arith.constant 0 : i32
      %dma_start3A_157 = tpu.memref_slice %arg8[%mul3A_149, %dma_start3A_156] : memref<163840x128xf32, #tpu.memory_space<hbm>> -> memref<128x128xf32, #tpu.memory_space<hbm>>
      tpu.enqueue_dma source(%arg16 : memref<128x128xf32, #tpu.memory_space<vmem>>) target(%dma_start3A_157 : memref<128x128xf32, #tpu.memory_space<hbm>>) target_semaphore(%arg20 : memref<!tpu.dma_semaphore, #tpu.memory_space<semaphore_mem>>)
    }
    %scan3A_27 = arith.constant 20 : i32
    %dma_wait3A = arith.constant 0 : i32
    %dma_wait3A_28 = arith.constant 0 : i32
    %dma_wait3A_29 = tpu.memref_slice %arg7[%dma_wait3A, %dma_wait3A_28] : memref<163840x128xf32, #tpu.memory_space<hbm>> -> memref<128x128xf32, #tpu.memory_space<hbm>>
    %dma_wait3A_30 = arith.constant 0 : i32
    %dma_wait3A_31 = arith.constant 0 : i32
    %dma_wait3A_32 = tpu.memref_slice %arg7[%dma_wait3A_30, %dma_wait3A_31] : memref<163840x128xf32, #tpu.memory_space<hbm>> -> memref<128x128xf32, #tpu.memory_space<hbm>>
    tpu.wait_dma2 semaphore(%arg19 : memref<!tpu.dma_semaphore, #tpu.memory_space<semaphore_mem>>) src(%arg11 : memref<128x128xf32, #tpu.memory_space<vmem>>) dst(%dma_wait3A_32 : memref<128x128xf32, #tpu.memory_space<hbm>>)
    %dma_wait3A_33 = arith.constant 0 : i32
    %dma_wait3A_34 = arith.constant 0 : i32
    %dma_wait3A_35 = tpu.memref_slice %arg7[%dma_wait3A_33, %dma_wait3A_34] : memref<163840x128xf32, #tpu.memory_space<hbm>> -> memref<128x128xf32, #tpu.memory_space<hbm>>
    %dma_wait3A_36 = arith.constant 0 : i32
    %dma_wait3A_37 = arith.constant 0 : i32
    %dma_wait3A_38 = tpu.memref_slice %arg7[%dma_wait3A_36, %dma_wait3A_37] : memref<163840x128xf32, #tpu.memory_space<hbm>> -> memref<128x128xf32, #tpu.memory_space<hbm>>
    tpu.wait_dma2 semaphore(%arg19 : memref<!tpu.dma_semaphore, #tpu.memory_space<semaphore_mem>>) src(%arg11 : memref<128x128xf32, #tpu.memory_space<vmem>>) dst(%dma_wait3A_38 : memref<128x128xf32, #tpu.memory_space<hbm>>)
    %dma_wait3A_39 = arith.constant 0 : i32
    %dma_wait3A_40 = arith.constant 0 : i32
    %dma_wait3A_41 = tpu.memref_slice %arg7[%dma_wait3A_39, %dma_wait3A_40] : memref<163840x128xf32, #tpu.memory_space<hbm>> -> memref<128x128xf32, #tpu.memory_space<hbm>>
    %dma_wait3A_42 = arith.constant 0 : i32
    %dma_wait3A_43 = arith.constant 0 : i32
    %dma_wait3A_44 = tpu.memref_slice %arg7[%dma_wait3A_42, %dma_wait3A_43] : memref<163840x128xf32, #tpu.memory_space<hbm>> -> memref<128x128xf32, #tpu.memory_space<hbm>>
    tpu.wait_dma2 semaphore(%arg20 : memref<!tpu.dma_semaphore, #tpu.memory_space<semaphore_mem>>) src(%arg14 : memref<128x128xf32, #tpu.memory_space<vmem>>) dst(%dma_wait3A_44 : memref<128x128xf32, #tpu.memory_space<hbm>>)
    %dma_wait3A_45 = arith.constant 0 : i32
    %dma_wait3A_46 = arith.constant 0 : i32
    %dma_wait3A_47 = tpu.memref_slice %arg7[%dma_wait3A_45, %dma_wait3A_46] : memref<163840x128xf32, #tpu.memory_space<hbm>> -> memref<128x128xf32, #tpu.memory_space<hbm>>
    %dma_wait3A_48 = arith.constant 0 : i32
    %dma_wait3A_49 = arith.constant 0 : i32
    %dma_wait3A_50 = tpu.memref_slice %arg7[%dma_wait3A_48, %dma_wait3A_49] : memref<163840x128xf32, #tpu.memory_space<hbm>> -> memref<128x128xf32, #tpu.memory_space<hbm>>
    tpu.wait_dma2 semaphore(%arg20 : memref<!tpu.dma_semaphore, #tpu.memory_space<semaphore_mem>>) src(%arg14 : memref<128x128xf32, #tpu.memory_space<vmem>>) dst(%dma_wait3A_50 : memref<128x128xf32, #tpu.memory_space<hbm>>)
    return
  }
}

#map = affine_map<(d0, d1) -> (0, 0)>
module attributes {stable_mosaic.version = 14 : i64} {
  func.func @_k(%arg0: i32, %arg1: i32, %arg2: memref<163840x144xf32, #tpu.memory_space<hbm>>, %arg3: memref<2560x64xi32, #tpu.memory_space<hbm>>, %arg4: memref<10240x144xf32, #tpu.memory_space<hbm>>, %arg5: memref<20480x144xf32, #tpu.memory_space<hbm>>, %arg6: memref<80x64xi32, #tpu.memory_space<vmem>>, %arg7: memref<64x144xf32, #tpu.memory_space<vmem>>, %arg8: memref<64x144xf32, #tpu.memory_space<vmem>>, %arg9: memref<10240x144xf32, #tpu.memory_space<vmem_shared>>, %arg10: memref<!tpu.dma_semaphore, #tpu.memory_space<semaphore_mem>>, %arg11: memref<!tpu.dma_semaphore, #tpu.memory_space<semaphore_mem>>, %arg12: memref<!tpu.dma_semaphore, #tpu.memory_space<semaphore_mem>>, %arg13: memref<!tpu.dma_semaphore, #tpu.memory_space<semaphore_mem>>) attributes {dimension_semantics = [#tpu.dimension_semantics<core_parallel>, #tpu.dimension_semantics<subcore_parallel>], iteration_bounds = array<i64: 2, 16>, scalar_prefetch = 0 : i64, scratch_operands = 8 : i64, tpu.core_type = #tpu.core_type<sc_vector_subcore>, window_params = [{transform_indices = #map}, {transform_indices = #map}, {transform_indices = #map}, {transform_indices = #map}]} {
    %mul3A = arith.constant 2 : i32
    %mul3A_0 = arith.muli %arg1, %mul3A : i32
    %add3A = arith.addi %mul3A_0, %arg0 : i32
    %mul3A_1 = arith.constant 80 : i32
    %mul3A_2 = arith.muli %add3A, %mul3A_1 : i32
    "tpu.region"() ({
      %run_scoped3A = tpu.sem_alloc : memref<!tpu.dma_semaphore, #tpu.memory_space<semaphore_mem>>
      %dma_start3A_40 = arith.constant 0 : i32
      %dma_start3A_41 = tpu.memref_slice %arg3[%mul3A_2, %dma_start3A_40] : memref<2560x64xi32, #tpu.memory_space<hbm>> -> memref<80x64xi32, #tpu.memory_space<hbm>>
      %dma_start3A_42 = arith.constant 0 : i32
      %dma_start3A_43 = tpu.memref_slice %arg3[%mul3A_2, %dma_start3A_42] : memref<2560x64xi32, #tpu.memory_space<hbm>> -> memref<80x64xi32, #tpu.memory_space<hbm>>
      tpu.enqueue_dma source(%dma_start3A_43 : memref<80x64xi32, #tpu.memory_space<hbm>>) target(%arg6 : memref<80x64xi32, #tpu.memory_space<vmem>>) target_semaphore(%run_scoped3A : memref<!tpu.dma_semaphore, #tpu.memory_space<semaphore_mem>>)
      %dma_wait3A_44 = arith.constant 0 : i32
      %dma_wait3A_45 = tpu.memref_slice %arg3[%mul3A_2, %dma_wait3A_44] : memref<2560x64xi32, #tpu.memory_space<hbm>> -> memref<80x64xi32, #tpu.memory_space<hbm>>
      %dma_wait3A_46 = arith.constant 0 : i32
      %dma_wait3A_47 = tpu.memref_slice %arg3[%mul3A_2, %dma_wait3A_46] : memref<2560x64xi32, #tpu.memory_space<hbm>> -> memref<80x64xi32, #tpu.memory_space<hbm>>
      tpu.wait_dma2 semaphore(%run_scoped3A : memref<!tpu.dma_semaphore, #tpu.memory_space<semaphore_mem>>) src(%dma_wait3A_47 : memref<80x64xi32, #tpu.memory_space<hbm>>) dst(%arg6 : memref<80x64xi32, #tpu.memory_space<vmem>>)
      tpu.yield
    }) : () -> ()
    %mul3A_3 = arith.constant 640 : i32
    %mul3A_4 = arith.muli %arg1, %mul3A_3 : i32
    %mul3A_5 = arith.constant 640 : i32
    %mul3A_6 = arith.muli %arg1, %mul3A_5 : i32
    "tpu.region"() ({
      %run_scoped3A = tpu.sem_alloc : memref<!tpu.dma_semaphore, #tpu.memory_space<semaphore_mem>>
      %dma_start3A_40 = arith.constant 0 : i32
      %dma_start3A_41 = tpu.memref_slice %arg9[%mul3A_6, %dma_start3A_40] : memref<10240x144xf32, #tpu.memory_space<vmem_shared>> -> memref<640x144xf32, #tpu.memory_space<vmem_shared>>
      %dma_start3A_42 = arith.constant 0 : i32
      %dma_start3A_43 = tpu.memref_slice %arg4[%mul3A_4, %dma_start3A_42] : memref<10240x144xf32, #tpu.memory_space<hbm>> -> memref<640x144xf32, #tpu.memory_space<hbm>>
      tpu.enqueue_dma source(%dma_start3A_43 : memref<640x144xf32, #tpu.memory_space<hbm>>) target(%dma_start3A_41 : memref<640x144xf32, #tpu.memory_space<vmem_shared>>) target_semaphore(%run_scoped3A : memref<!tpu.dma_semaphore, #tpu.memory_space<semaphore_mem>>)
      %dma_wait3A_44 = arith.constant 0 : i32
      %dma_wait3A_45 = tpu.memref_slice %arg9[%mul3A_6, %dma_wait3A_44] : memref<10240x144xf32, #tpu.memory_space<vmem_shared>> -> memref<640x144xf32, #tpu.memory_space<vmem_shared>>
      %dma_wait3A_46 = arith.constant 0 : i32
      %dma_wait3A_47 = tpu.memref_slice %arg4[%mul3A_4, %dma_wait3A_46] : memref<10240x144xf32, #tpu.memory_space<hbm>> -> memref<640x144xf32, #tpu.memory_space<hbm>>
      tpu.wait_dma2 semaphore(%run_scoped3A : memref<!tpu.dma_semaphore, #tpu.memory_space<semaphore_mem>>) src(%dma_wait3A_47 : memref<640x144xf32, #tpu.memory_space<hbm>>) dst(%dma_wait3A_45 : memref<640x144xf32, #tpu.memory_space<vmem_shared>>)
      tpu.yield
    }) : () -> ()
    %barrier3A = arith.constant 0 : index
    tpu.barrier barrier_id(%barrier3A)
    %add3A_7 = arith.constant 0 : i32
    %add3A_8 = arith.addi %mul3A_2, %add3A_7 : i32
    %mul3A_9 = arith.constant 64 : i32
    %mul3A_10 = arith.muli %add3A_8, %mul3A_9 : i32
    %dma_start3A = arith.constant 0 : i32
    %dma_start3A_11 = tpu.memref_slice %arg2[%mul3A_10, %dma_start3A] : memref<163840x144xf32, #tpu.memory_space<hbm>> -> memref<64x144xf32, #tpu.memory_space<hbm>>
    %dma_start3A_12 = arith.constant 0 : i32
    %dma_start3A_13 = tpu.memref_slice %arg2[%mul3A_10, %dma_start3A_12] : memref<163840x144xf32, #tpu.memory_space<hbm>> -> memref<64x144xf32, #tpu.memory_space<hbm>>
    tpu.enqueue_dma source(%dma_start3A_13 : memref<64x144xf32, #tpu.memory_space<hbm>>) target(%arg7 : memref<64x144xf32, #tpu.memory_space<vmem>>) target_semaphore(%arg10 : memref<!tpu.dma_semaphore, #tpu.memory_space<semaphore_mem>>)
    %scan3A = arith.constant 0 : i32
    %scan3A_14 = arith.constant 0 : i32
    %scan3A_15 = arith.constant 40 : i32
    %scan3A_16 = arith.addi %scan3A_14, %scan3A_15 : i32
    %scan3A_17 = arith.constant 1 : i32
    scf.for %scan3A_40 = %scan3A_14 to %scan3A_16 step %scan3A_17  : i32 {
      %mul3A_41 = arith.constant 2 : i32
      %mul3A_42 = arith.muli %mul3A_41, %scan3A_40 : i32
      %add3A_43 = arith.constant 1 : i32
      %add3A_44 = arith.addi %mul3A_42, %add3A_43 : i32
      %gt3A = arith.constant 0 : i32
      %gt3A_45 = arith.cmpi sgt, %scan3A_40, %gt3A : i32
      %convert_element_type3A = arith.extui %gt3A_45 : i1 to i32
      %cond3A = arith.constant 0 : i32
      %cond3A_46 = arith.cmpi ne, %convert_element_type3A, %cond3A : i32
      scf.if %cond3A_46 {
        %dma_wait3A_84 = arith.constant 0 : i32
        %dma_wait3A_85 = arith.constant 0 : i32
        %dma_wait3A_86 = tpu.memref_slice %arg6[%dma_wait3A_84, %dma_wait3A_85] : memref<80x64xi32, #tpu.memory_space<vmem>> -> memref<1x64xi32, #tpu.memory_space<vmem>>
        %dma_wait3A_87 = tpu.memref_squeeze %dma_wait3A_86 : memref<1x64xi32, #tpu.memory_space<vmem>> -> memref<64xi32, #tpu.memory_space<vmem>>
        %dma_wait3A_88 = arith.constant 0 : i32
        %dma_wait3A_89 = arith.constant 0 : i32
        %dma_wait3A_90 = tpu.memref_slice %arg9[%dma_wait3A_88, %dma_wait3A_89] : memref<10240x144xf32, #tpu.memory_space<vmem_shared>> -> memref<10240x144xf32, #tpu.memory_space<vmem_shared>>
        tpu.wait_indirect_dma semaphore(%arg13 : memref<!tpu.dma_semaphore, #tpu.memory_space<semaphore_mem>>) src(%arg8 : memref<64x144xf32, #tpu.memory_space<vmem>>) dst(%dma_wait3A_90 : memref<10240x144xf32, #tpu.memory_space<vmem_shared>>)
      } else {
      }
      %add3A_47 = arith.addi %mul3A_2, %add3A_44 : i32
      %mul3A_48 = arith.constant 64 : i32
      %mul3A_49 = arith.muli %add3A_47, %mul3A_48 : i32
      %dma_start3A_50 = arith.constant 0 : i32
      %dma_start3A_51 = tpu.memref_slice %arg2[%mul3A_49, %dma_start3A_50] : memref<163840x144xf32, #tpu.memory_space<hbm>> -> memref<64x144xf32, #tpu.memory_space<hbm>>
      %dma_start3A_52 = arith.constant 0 : i32
      %dma_start3A_53 = tpu.memref_slice %arg2[%mul3A_49, %dma_start3A_52] : memref<163840x144xf32, #tpu.memory_space<hbm>> -> memref<64x144xf32, #tpu.memory_space<hbm>>
      tpu.enqueue_dma source(%dma_start3A_53 : memref<64x144xf32, #tpu.memory_space<hbm>>) target(%arg8 : memref<64x144xf32, #tpu.memory_space<vmem>>) target_semaphore(%arg11 : memref<!tpu.dma_semaphore, #tpu.memory_space<semaphore_mem>>)
      %dma_wait3A_54 = arith.constant 0 : i32
      %dma_wait3A_55 = arith.constant 0 : i32
      %dma_wait3A_56 = tpu.memref_slice %arg2[%dma_wait3A_54, %dma_wait3A_55] : memref<163840x144xf32, #tpu.memory_space<hbm>> -> memref<64x144xf32, #tpu.memory_space<hbm>>
      %dma_wait3A_57 = arith.constant 0 : i32
      %dma_wait3A_58 = arith.constant 0 : i32
      %dma_wait3A_59 = tpu.memref_slice %arg2[%dma_wait3A_57, %dma_wait3A_58] : memref<163840x144xf32, #tpu.memory_space<hbm>> -> memref<64x144xf32, #tpu.memory_space<hbm>>
      tpu.wait_dma2 semaphore(%arg10 : memref<!tpu.dma_semaphore, #tpu.memory_space<semaphore_mem>>) src(%dma_wait3A_59 : memref<64x144xf32, #tpu.memory_space<hbm>>) dst(%arg7 : memref<64x144xf32, #tpu.memory_space<vmem>>)
      %mul3A_60 = arith.constant 2 : i32
      %mul3A_61 = arith.muli %mul3A_60, %scan3A_40 : i32
      %dma_start3A_62 = arith.constant 0 : i32
      %dma_start3A_63 = tpu.memref_slice %arg6[%mul3A_61, %dma_start3A_62] : memref<80x64xi32, #tpu.memory_space<vmem>> -> memref<1x64xi32, #tpu.memory_space<vmem>>
      %dma_start3A_64 = tpu.memref_squeeze %dma_start3A_63 : memref<1x64xi32, #tpu.memory_space<vmem>> -> memref<64xi32, #tpu.memory_space<vmem>>
      %dma_start3A_65 = arith.constant 0 : i32
      %dma_start3A_66 = arith.constant 0 : i32
      %dma_start3A_67 = tpu.memref_slice %arg9[%dma_start3A_65, %dma_start3A_66] : memref<10240x144xf32, #tpu.memory_space<vmem_shared>> -> memref<10240x144xf32, #tpu.memory_space<vmem_shared>>
      tpu.enqueue_indirect_dma source(%arg7 : memref<64x144xf32, #tpu.memory_space<vmem>>) target(%dma_start3A_67 : memref<10240x144xf32, #tpu.memory_space<vmem_shared>>) offsets(%dma_start3A_64 : memref<64xi32, #tpu.memory_space<vmem>>) semaphore(%arg12 : memref<!tpu.dma_semaphore, #tpu.memory_space<semaphore_mem>>) {add = true}
      %lt3A = arith.constant 39 : i32
      %lt3A_68 = arith.cmpi slt, %scan3A_40, %lt3A : i32
      %convert_element_type3A_69 = arith.extui %lt3A_68 : i1 to i32
      %cond3A_70 = arith.constant 0 : i32
      %cond3A_71 = arith.cmpi ne, %convert_element_type3A_69, %cond3A_70 : i32
      scf.if %cond3A_71 {
        %dma_wait3A_84 = arith.constant 0 : i32
        %dma_wait3A_85 = arith.constant 0 : i32
        %dma_wait3A_86 = tpu.memref_slice %arg6[%dma_wait3A_84, %dma_wait3A_85] : memref<80x64xi32, #tpu.memory_space<vmem>> -> memref<1x64xi32, #tpu.memory_space<vmem>>
        %dma_wait3A_87 = tpu.memref_squeeze %dma_wait3A_86 : memref<1x64xi32, #tpu.memory_space<vmem>> -> memref<64xi32, #tpu.memory_space<vmem>>
        %dma_wait3A_88 = arith.constant 0 : i32
        %dma_wait3A_89 = arith.constant 0 : i32
        %dma_wait3A_90 = tpu.memref_slice %arg9[%dma_wait3A_88, %dma_wait3A_89] : memref<10240x144xf32, #tpu.memory_space<vmem_shared>> -> memref<10240x144xf32, #tpu.memory_space<vmem_shared>>
        tpu.wait_indirect_dma semaphore(%arg12 : memref<!tpu.dma_semaphore, #tpu.memory_space<semaphore_mem>>) src(%arg7 : memref<64x144xf32, #tpu.memory_space<vmem>>) dst(%dma_wait3A_90 : memref<10240x144xf32, #tpu.memory_space<vmem_shared>>)
        %mul3A_91 = arith.constant 2 : i32
        %mul3A_92 = arith.muli %mul3A_91, %scan3A_40 : i32
        %add3A_93 = arith.constant 2 : i32
        %add3A_94 = arith.addi %mul3A_92, %add3A_93 : i32
        %add3A_95 = arith.addi %mul3A_2, %add3A_94 : i32
        %mul3A_96 = arith.constant 64 : i32
        %mul3A_97 = arith.muli %add3A_95, %mul3A_96 : i32
        %dma_start3A_98 = arith.constant 0 : i32
        %dma_start3A_99 = tpu.memref_slice %arg2[%mul3A_97, %dma_start3A_98] : memref<163840x144xf32, #tpu.memory_space<hbm>> -> memref<64x144xf32, #tpu.memory_space<hbm>>
        %dma_start3A_100 = arith.constant 0 : i32
        %dma_start3A_101 = tpu.memref_slice %arg2[%mul3A_97, %dma_start3A_100] : memref<163840x144xf32, #tpu.memory_space<hbm>> -> memref<64x144xf32, #tpu.memory_space<hbm>>
        tpu.enqueue_dma source(%dma_start3A_101 : memref<64x144xf32, #tpu.memory_space<hbm>>) target(%arg7 : memref<64x144xf32, #tpu.memory_space<vmem>>) target_semaphore(%arg10 : memref<!tpu.dma_semaphore, #tpu.memory_space<semaphore_mem>>)
      } else {
      }
      %dma_wait3A_72 = arith.constant 0 : i32
      %dma_wait3A_73 = arith.constant 0 : i32
      %dma_wait3A_74 = tpu.memref_slice %arg2[%dma_wait3A_72, %dma_wait3A_73] : memref<163840x144xf32, #tpu.memory_space<hbm>> -> memref<64x144xf32, #tpu.memory_space<hbm>>
      %dma_wait3A_75 = arith.constant 0 : i32
      %dma_wait3A_76 = arith.constant 0 : i32
      %dma_wait3A_77 = tpu.memref_slice %arg2[%dma_wait3A_75, %dma_wait3A_76] : memref<163840x144xf32, #tpu.memory_space<hbm>> -> memref<64x144xf32, #tpu.memory_space<hbm>>
      tpu.wait_dma2 semaphore(%arg11 : memref<!tpu.dma_semaphore, #tpu.memory_space<semaphore_mem>>) src(%dma_wait3A_77 : memref<64x144xf32, #tpu.memory_space<hbm>>) dst(%arg8 : memref<64x144xf32, #tpu.memory_space<vmem>>)
      %dma_start3A_78 = arith.constant 0 : i32
      %dma_start3A_79 = tpu.memref_slice %arg6[%add3A_44, %dma_start3A_78] : memref<80x64xi32, #tpu.memory_space<vmem>> -> memref<1x64xi32, #tpu.memory_space<vmem>>
      %dma_start3A_80 = tpu.memref_squeeze %dma_start3A_79 : memref<1x64xi32, #tpu.memory_space<vmem>> -> memref<64xi32, #tpu.memory_space<vmem>>
      %dma_start3A_81 = arith.constant 0 : i32
      %dma_start3A_82 = arith.constant 0 : i32
      %dma_start3A_83 = tpu.memref_slice %arg9[%dma_start3A_81, %dma_start3A_82] : memref<10240x144xf32, #tpu.memory_space<vmem_shared>> -> memref<10240x144xf32, #tpu.memory_space<vmem_shared>>
      tpu.enqueue_indirect_dma source(%arg8 : memref<64x144xf32, #tpu.memory_space<vmem>>) target(%dma_start3A_83 : memref<10240x144xf32, #tpu.memory_space<vmem_shared>>) offsets(%dma_start3A_80 : memref<64xi32, #tpu.memory_space<vmem>>) semaphore(%arg13 : memref<!tpu.dma_semaphore, #tpu.memory_space<semaphore_mem>>) {add = true}
    }
    %scan3A_18 = arith.constant 40 : i32
    %dma_wait3A = arith.constant 0 : i32
    %dma_wait3A_19 = arith.constant 0 : i32
    %dma_wait3A_20 = tpu.memref_slice %arg6[%dma_wait3A, %dma_wait3A_19] : memref<80x64xi32, #tpu.memory_space<vmem>> -> memref<1x64xi32, #tpu.memory_space<vmem>>
    %dma_wait3A_21 = tpu.memref_squeeze %dma_wait3A_20 : memref<1x64xi32, #tpu.memory_space<vmem>> -> memref<64xi32, #tpu.memory_space<vmem>>
    %dma_wait3A_22 = arith.constant 0 : i32
    %dma_wait3A_23 = arith.constant 0 : i32
    %dma_wait3A_24 = tpu.memref_slice %arg9[%dma_wait3A_22, %dma_wait3A_23] : memref<10240x144xf32, #tpu.memory_space<vmem_shared>> -> memref<10240x144xf32, #tpu.memory_space<vmem_shared>>
    tpu.wait_indirect_dma semaphore(%arg12 : memref<!tpu.dma_semaphore, #tpu.memory_space<semaphore_mem>>) src(%arg7 : memref<64x144xf32, #tpu.memory_space<vmem>>) dst(%dma_wait3A_24 : memref<10240x144xf32, #tpu.memory_space<vmem_shared>>)
    %dma_wait3A_25 = arith.constant 0 : i32
    %dma_wait3A_26 = arith.constant 0 : i32
    %dma_wait3A_27 = tpu.memref_slice %arg6[%dma_wait3A_25, %dma_wait3A_26] : memref<80x64xi32, #tpu.memory_space<vmem>> -> memref<1x64xi32, #tpu.memory_space<vmem>>
    %dma_wait3A_28 = tpu.memref_squeeze %dma_wait3A_27 : memref<1x64xi32, #tpu.memory_space<vmem>> -> memref<64xi32, #tpu.memory_space<vmem>>
    %dma_wait3A_29 = arith.constant 0 : i32
    %dma_wait3A_30 = arith.constant 0 : i32
    %dma_wait3A_31 = tpu.memref_slice %arg9[%dma_wait3A_29, %dma_wait3A_30] : memref<10240x144xf32, #tpu.memory_space<vmem_shared>> -> memref<10240x144xf32, #tpu.memory_space<vmem_shared>>
    tpu.wait_indirect_dma semaphore(%arg13 : memref<!tpu.dma_semaphore, #tpu.memory_space<semaphore_mem>>) src(%arg8 : memref<64x144xf32, #tpu.memory_space<vmem>>) dst(%dma_wait3A_31 : memref<10240x144xf32, #tpu.memory_space<vmem_shared>>)
    %barrier3A_32 = arith.constant 0 : index
    tpu.barrier barrier_id(%barrier3A_32)
    %mul3A_33 = arith.constant 640 : i32
    %mul3A_34 = arith.muli %arg1, %mul3A_33 : i32
    %mul3A_35 = arith.constant 10240 : i32
    %mul3A_36 = arith.muli %arg0, %mul3A_35 : i32
    %mul3A_37 = arith.constant 640 : i32
    %mul3A_38 = arith.muli %arg1, %mul3A_37 : i32
    %add3A_39 = arith.addi %mul3A_36, %mul3A_38 : i32
    "tpu.region"() ({
      %run_scoped3A = tpu.sem_alloc : memref<!tpu.dma_semaphore, #tpu.memory_space<semaphore_mem>>
      %dma_start3A_40 = arith.constant 0 : i32
      %dma_start3A_41 = tpu.memref_slice %arg5[%add3A_39, %dma_start3A_40] : memref<20480x144xf32, #tpu.memory_space<hbm>> -> memref<640x144xf32, #tpu.memory_space<hbm>>
      %dma_start3A_42 = arith.constant 0 : i32
      %dma_start3A_43 = tpu.memref_slice %arg9[%mul3A_34, %dma_start3A_42] : memref<10240x144xf32, #tpu.memory_space<vmem_shared>> -> memref<640x144xf32, #tpu.memory_space<vmem_shared>>
      tpu.enqueue_dma source(%dma_start3A_43 : memref<640x144xf32, #tpu.memory_space<vmem_shared>>) target(%dma_start3A_41 : memref<640x144xf32, #tpu.memory_space<hbm>>) target_semaphore(%run_scoped3A : memref<!tpu.dma_semaphore, #tpu.memory_space<semaphore_mem>>)
      %dma_wait3A_44 = arith.constant 0 : i32
      %dma_wait3A_45 = tpu.memref_slice %arg5[%add3A_39, %dma_wait3A_44] : memref<20480x144xf32, #tpu.memory_space<hbm>> -> memref<640x144xf32, #tpu.memory_space<hbm>>
      %dma_wait3A_46 = arith.constant 0 : i32
      %dma_wait3A_47 = tpu.memref_slice %arg9[%mul3A_34, %dma_wait3A_46] : memref<10240x144xf32, #tpu.memory_space<vmem_shared>> -> memref<640x144xf32, #tpu.memory_space<vmem_shared>>
      tpu.wait_dma2 semaphore(%run_scoped3A : memref<!tpu.dma_semaphore, #tpu.memory_space<semaphore_mem>>) src(%dma_wait3A_47 : memref<640x144xf32, #tpu.memory_space<vmem_shared>>) dst(%dma_wait3A_45 : memref<640x144xf32, #tpu.memory_space<hbm>>)
      tpu.yield
    }) : () -> ()
    return
  }
}

#map = affine_map<(d0, d1) -> (0, 0)>
module attributes {stable_mosaic.version = 14 : i64} {
  func.func @_k(%arg0: i32, %arg1: i32, %arg2: memref<10240x128xf32, #tpu.memory_space<hbm>>, %arg3: memref<10240x128xf32, #tpu.memory_space<hbm>>, %arg4: memref<10240x128xf32, #tpu.memory_space<hbm>>, %arg5: memref<1280x128xi32, #tpu.memory_space<hbm>>, %arg6: memref<1280x128xi32, #tpu.memory_space<hbm>>, %arg7: memref<163840x128xf32, #tpu.memory_space<hbm>>, %arg8: memref<163840x128xf32, #tpu.memory_space<hbm>>, %arg9: memref<40x128xi32, #tpu.memory_space<vmem>>, %arg10: memref<40x128xi32, #tpu.memory_space<vmem>>, %arg11: memref<128x128xf32, #tpu.memory_space<vmem>>, %arg12: memref<128x128xf32, #tpu.memory_space<vmem>>, %arg13: memref<128x128xf32, #tpu.memory_space<vmem>>, %arg14: memref<128x128xf32, #tpu.memory_space<vmem>>, %arg15: memref<128x128xf32, #tpu.memory_space<vmem>>, %arg16: memref<128x128xf32, #tpu.memory_space<vmem>>, %arg17: memref<!tpu.dma_semaphore, #tpu.memory_space<semaphore_mem>>, %arg18: memref<!tpu.dma_semaphore, #tpu.memory_space<semaphore_mem>>, %arg19: memref<!tpu.dma_semaphore, #tpu.memory_space<semaphore_mem>>, %arg20: memref<!tpu.dma_semaphore, #tpu.memory_space<semaphore_mem>>) attributes {dimension_semantics = [#tpu.dimension_semantics<core_parallel>, #tpu.dimension_semantics<subcore_parallel>], iteration_bounds = array<i64: 2, 16>, scalar_prefetch = 0 : i64, scratch_operands = 12 : i64, tpu.core_type = #tpu.core_type<sc_vector_subcore>, window_params = [{transform_indices = #map}, {transform_indices = #map}, {transform_indices = #map}, {transform_indices = #map}, {transform_indices = #map}, {transform_indices = #map}, {transform_indices = #map}]} {
    %mul3A = arith.constant 2 : i32
    %mul3A_0 = arith.muli %arg1, %mul3A : i32
    %add3A = arith.addi %mul3A_0, %arg0 : i32
    %mul3A_1 = arith.constant 40 : i32
    %mul3A_2 = arith.muli %add3A, %mul3A_1 : i32
    "tpu.region"() ({
      %run_scoped3A = tpu.sem_alloc : memref<!tpu.dma_semaphore, #tpu.memory_space<semaphore_mem>>
      %dma_start3A_51 = arith.constant 0 : i32
      %dma_start3A_52 = tpu.memref_slice %arg5[%mul3A_2, %dma_start3A_51] : memref<1280x128xi32, #tpu.memory_space<hbm>> -> memref<40x128xi32, #tpu.memory_space<hbm>>
      %dma_start3A_53 = arith.constant 0 : i32
      %dma_start3A_54 = tpu.memref_slice %arg5[%mul3A_2, %dma_start3A_53] : memref<1280x128xi32, #tpu.memory_space<hbm>> -> memref<40x128xi32, #tpu.memory_space<hbm>>
      tpu.enqueue_dma source(%dma_start3A_54 : memref<40x128xi32, #tpu.memory_space<hbm>>) target(%arg9 : memref<40x128xi32, #tpu.memory_space<vmem>>) target_semaphore(%run_scoped3A : memref<!tpu.dma_semaphore, #tpu.memory_space<semaphore_mem>>)
      %dma_wait3A_55 = arith.constant 0 : i32
      %dma_wait3A_56 = tpu.memref_slice %arg5[%mul3A_2, %dma_wait3A_55] : memref<1280x128xi32, #tpu.memory_space<hbm>> -> memref<40x128xi32, #tpu.memory_space<hbm>>
      %dma_wait3A_57 = arith.constant 0 : i32
      %dma_wait3A_58 = tpu.memref_slice %arg5[%mul3A_2, %dma_wait3A_57] : memref<1280x128xi32, #tpu.memory_space<hbm>> -> memref<40x128xi32, #tpu.memory_space<hbm>>
      tpu.wait_dma2 semaphore(%run_scoped3A : memref<!tpu.dma_semaphore, #tpu.memory_space<semaphore_mem>>) src(%dma_wait3A_58 : memref<40x128xi32, #tpu.memory_space<hbm>>) dst(%arg9 : memref<40x128xi32, #tpu.memory_space<vmem>>)
      tpu.yield
    }) : () -> ()
    "tpu.region"() ({
      %run_scoped3A = tpu.sem_alloc : memref<!tpu.dma_semaphore, #tpu.memory_space<semaphore_mem>>
      %dma_start3A_51 = arith.constant 0 : i32
      %dma_start3A_52 = tpu.memref_slice %arg6[%mul3A_2, %dma_start3A_51] : memref<1280x128xi32, #tpu.memory_space<hbm>> -> memref<40x128xi32, #tpu.memory_space<hbm>>
      %dma_start3A_53 = arith.constant 0 : i32
      %dma_start3A_54 = tpu.memref_slice %arg6[%mul3A_2, %dma_start3A_53] : memref<1280x128xi32, #tpu.memory_space<hbm>> -> memref<40x128xi32, #tpu.memory_space<hbm>>
      tpu.enqueue_dma source(%dma_start3A_54 : memref<40x128xi32, #tpu.memory_space<hbm>>) target(%arg10 : memref<40x128xi32, #tpu.memory_space<vmem>>) target_semaphore(%run_scoped3A : memref<!tpu.dma_semaphore, #tpu.memory_space<semaphore_mem>>)
      %dma_wait3A_55 = arith.constant 0 : i32
      %dma_wait3A_56 = tpu.memref_slice %arg6[%mul3A_2, %dma_wait3A_55] : memref<1280x128xi32, #tpu.memory_space<hbm>> -> memref<40x128xi32, #tpu.memory_space<hbm>>
      %dma_wait3A_57 = arith.constant 0 : i32
      %dma_wait3A_58 = tpu.memref_slice %arg6[%mul3A_2, %dma_wait3A_57] : memref<1280x128xi32, #tpu.memory_space<hbm>> -> memref<40x128xi32, #tpu.memory_space<hbm>>
      tpu.wait_dma2 semaphore(%run_scoped3A : memref<!tpu.dma_semaphore, #tpu.memory_space<semaphore_mem>>) src(%dma_wait3A_58 : memref<40x128xi32, #tpu.memory_space<hbm>>) dst(%arg10 : memref<40x128xi32, #tpu.memory_space<vmem>>)
      tpu.yield
    }) : () -> ()
    %dma_start3A = arith.constant 0 : i32
    %dma_start3A_3 = arith.constant 0 : i32
    %dma_start3A_4 = tpu.memref_slice %arg9[%dma_start3A, %dma_start3A_3] : memref<40x128xi32, #tpu.memory_space<vmem>> -> memref<1x128xi32, #tpu.memory_space<vmem>>
    %dma_start3A_5 = tpu.memref_squeeze %dma_start3A_4 : memref<1x128xi32, #tpu.memory_space<vmem>> -> memref<128xi32, #tpu.memory_space<vmem>>
    %dma_start3A_6 = arith.constant 0 : i32
    %dma_start3A_7 = arith.constant 0 : i32
    %dma_start3A_8 = tpu.memref_slice %arg2[%dma_start3A_6, %dma_start3A_7] : memref<10240x128xf32, #tpu.memory_space<hbm>> -> memref<10240x128xf32, #tpu.memory_space<hbm>>
    tpu.enqueue_indirect_dma source(%dma_start3A_8 : memref<10240x128xf32, #tpu.memory_space<hbm>>) target(%arg11 : memref<128x128xf32, #tpu.memory_space<vmem>>) offsets(%dma_start3A_5 : memref<128xi32, #tpu.memory_space<vmem>>) semaphore(%arg17 : memref<!tpu.dma_semaphore, #tpu.memory_space<semaphore_mem>>)
    %dma_start3A_9 = arith.constant 0 : i32
    %dma_start3A_10 = arith.constant 0 : i32
    %dma_start3A_11 = tpu.memref_slice %arg10[%dma_start3A_9, %dma_start3A_10] : memref<40x128xi32, #tpu.memory_space<vmem>> -> memref<1x128xi32, #tpu.memory_space<vmem>>
    %dma_start3A_12 = tpu.memref_squeeze %dma_start3A_11 : memref<1x128xi32, #tpu.memory_space<vmem>> -> memref<128xi32, #tpu.memory_space<vmem>>
    %dma_start3A_13 = arith.constant 0 : i32
    %dma_start3A_14 = arith.constant 0 : i32
    %dma_start3A_15 = tpu.memref_slice %arg3[%dma_start3A_13, %dma_start3A_14] : memref<10240x128xf32, #tpu.memory_space<hbm>> -> memref<10240x128xf32, #tpu.memory_space<hbm>>
    tpu.enqueue_indirect_dma source(%dma_start3A_15 : memref<10240x128xf32, #tpu.memory_space<hbm>>) target(%arg12 : memref<128x128xf32, #tpu.memory_space<vmem>>) offsets(%dma_start3A_12 : memref<128xi32, #tpu.memory_space<vmem>>) semaphore(%arg17 : memref<!tpu.dma_semaphore, #tpu.memory_space<semaphore_mem>>)
    %dma_start3A_16 = arith.constant 0 : i32
    %dma_start3A_17 = arith.constant 0 : i32
    %dma_start3A_18 = tpu.memref_slice %arg9[%dma_start3A_16, %dma_start3A_17] : memref<40x128xi32, #tpu.memory_space<vmem>> -> memref<1x128xi32, #tpu.memory_space<vmem>>
    %dma_start3A_19 = tpu.memref_squeeze %dma_start3A_18 : memref<1x128xi32, #tpu.memory_space<vmem>> -> memref<128xi32, #tpu.memory_space<vmem>>
    %dma_start3A_20 = arith.constant 0 : i32
    %dma_start3A_21 = arith.constant 0 : i32
    %dma_start3A_22 = tpu.memref_slice %arg4[%dma_start3A_20, %dma_start3A_21] : memref<10240x128xf32, #tpu.memory_space<hbm>> -> memref<10240x128xf32, #tpu.memory_space<hbm>>
    tpu.enqueue_indirect_dma source(%dma_start3A_22 : memref<10240x128xf32, #tpu.memory_space<hbm>>) target(%arg13 : memref<128x128xf32, #tpu.memory_space<vmem>>) offsets(%dma_start3A_19 : memref<128xi32, #tpu.memory_space<vmem>>) semaphore(%arg17 : memref<!tpu.dma_semaphore, #tpu.memory_space<semaphore_mem>>)
    %scan3A = arith.constant 0 : i32
    %scan3A_23 = arith.constant 0 : i32
    %scan3A_24 = arith.constant 20 : i32
    %scan3A_25 = arith.addi %scan3A_23, %scan3A_24 : i32
    %scan3A_26 = arith.constant 1 : i32
    scf.for %scan3A_51 = %scan3A_23 to %scan3A_25 step %scan3A_26  : i32 {
      %mul3A_52 = arith.constant 2 : i32
      %mul3A_53 = arith.muli %mul3A_52, %scan3A_51 : i32
      %add3A_54 = arith.constant 1 : i32
      %add3A_55 = arith.addi %mul3A_53, %add3A_54 : i32
      %gt3A = arith.constant 0 : i32
      %gt3A_56 = arith.cmpi sgt, %scan3A_51, %gt3A : i32
      %convert_element_type3A = arith.extui %gt3A_56 : i1 to i32
      %cond3A = arith.constant 0 : i32
      %cond3A_57 = arith.cmpi ne, %convert_element_type3A, %cond3A : i32
      scf.if %cond3A_57 {
        %dma_wait3A_158 = arith.constant 0 : i32
        %dma_wait3A_159 = arith.constant 0 : i32
        %dma_wait3A_160 = tpu.memref_slice %arg7[%dma_wait3A_158, %dma_wait3A_159] : memref<163840x128xf32, #tpu.memory_space<hbm>> -> memref<128x128xf32, #tpu.memory_space<hbm>>
        %dma_wait3A_161 = arith.constant 0 : i32
        %dma_wait3A_162 = arith.constant 0 : i32
        %dma_wait3A_163 = tpu.memref_slice %arg7[%dma_wait3A_161, %dma_wait3A_162] : memref<163840x128xf32, #tpu.memory_space<hbm>> -> memref<128x128xf32, #tpu.memory_space<hbm>>
        tpu.wait_dma2 semaphore(%arg20 : memref<!tpu.dma_semaphore, #tpu.memory_space<semaphore_mem>>) src(%arg14 : memref<128x128xf32, #tpu.memory_space<vmem>>) dst(%dma_wait3A_163 : memref<128x128xf32, #tpu.memory_space<hbm>>)
        %dma_wait3A_164 = arith.constant 0 : i32
        %dma_wait3A_165 = arith.constant 0 : i32
        %dma_wait3A_166 = tpu.memref_slice %arg7[%dma_wait3A_164, %dma_wait3A_165] : memref<163840x128xf32, #tpu.memory_space<hbm>> -> memref<128x128xf32, #tpu.memory_space<hbm>>
        %dma_wait3A_167 = arith.constant 0 : i32
        %dma_wait3A_168 = arith.constant 0 : i32
        %dma_wait3A_169 = tpu.memref_slice %arg7[%dma_wait3A_167, %dma_wait3A_168] : memref<163840x128xf32, #tpu.memory_space<hbm>> -> memref<128x128xf32, #tpu.memory_space<hbm>>
        tpu.wait_dma2 semaphore(%arg20 : memref<!tpu.dma_semaphore, #tpu.memory_space<semaphore_mem>>) src(%arg14 : memref<128x128xf32, #tpu.memory_space<vmem>>) dst(%dma_wait3A_169 : memref<128x128xf32, #tpu.memory_space<hbm>>)
      } else {
      }
      %dma_start3A_58 = arith.constant 0 : i32
      %dma_start3A_59 = tpu.memref_slice %arg9[%add3A_55, %dma_start3A_58] : memref<40x128xi32, #tpu.memory_space<vmem>> -> memref<1x128xi32, #tpu.memory_space<vmem>>
      %dma_start3A_60 = tpu.memref_squeeze %dma_start3A_59 : memref<1x128xi32, #tpu.memory_space<vmem>> -> memref<128xi32, #tpu.memory_space<vmem>>
      %dma_start3A_61 = arith.constant 0 : i32
      %dma_start3A_62 = arith.constant 0 : i32
      %dma_start3A_63 = tpu.memref_slice %arg2[%dma_start3A_61, %dma_start3A_62] : memref<10240x128xf32, #tpu.memory_space<hbm>> -> memref<10240x128xf32, #tpu.memory_space<hbm>>
      tpu.enqueue_indirect_dma source(%dma_start3A_63 : memref<10240x128xf32, #tpu.memory_space<hbm>>) target(%arg14 : memref<128x128xf32, #tpu.memory_space<vmem>>) offsets(%dma_start3A_60 : memref<128xi32, #tpu.memory_space<vmem>>) semaphore(%arg18 : memref<!tpu.dma_semaphore, #tpu.memory_space<semaphore_mem>>)
      %dma_start3A_64 = arith.constant 0 : i32
      %dma_start3A_65 = tpu.memref_slice %arg10[%add3A_55, %dma_start3A_64] : memref<40x128xi32, #tpu.memory_space<vmem>> -> memref<1x128xi32, #tpu.memory_space<vmem>>
      %dma_start3A_66 = tpu.memref_squeeze %dma_start3A_65 : memref<1x128xi32, #tpu.memory_space<vmem>> -> memref<128xi32, #tpu.memory_space<vmem>>
      %dma_start3A_67 = arith.constant 0 : i32
      %dma_start3A_68 = arith.constant 0 : i32
      %dma_start3A_69 = tpu.memref_slice %arg3[%dma_start3A_67, %dma_start3A_68] : memref<10240x128xf32, #tpu.memory_space<hbm>> -> memref<10240x128xf32, #tpu.memory_space<hbm>>
      tpu.enqueue_indirect_dma source(%dma_start3A_69 : memref<10240x128xf32, #tpu.memory_space<hbm>>) target(%arg15 : memref<128x128xf32, #tpu.memory_space<vmem>>) offsets(%dma_start3A_66 : memref<128xi32, #tpu.memory_space<vmem>>) semaphore(%arg18 : memref<!tpu.dma_semaphore, #tpu.memory_space<semaphore_mem>>)
      %dma_start3A_70 = arith.constant 0 : i32
      %dma_start3A_71 = tpu.memref_slice %arg9[%add3A_55, %dma_start3A_70] : memref<40x128xi32, #tpu.memory_space<vmem>> -> memref<1x128xi32, #tpu.memory_space<vmem>>
      %dma_start3A_72 = tpu.memref_squeeze %dma_start3A_71 : memref<1x128xi32, #tpu.memory_space<vmem>> -> memref<128xi32, #tpu.memory_space<vmem>>
      %dma_start3A_73 = arith.constant 0 : i32
      %dma_start3A_74 = arith.constant 0 : i32
      %dma_start3A_75 = tpu.memref_slice %arg4[%dma_start3A_73, %dma_start3A_74] : memref<10240x128xf32, #tpu.memory_space<hbm>> -> memref<10240x128xf32, #tpu.memory_space<hbm>>
      tpu.enqueue_indirect_dma source(%dma_start3A_75 : memref<10240x128xf32, #tpu.memory_space<hbm>>) target(%arg16 : memref<128x128xf32, #tpu.memory_space<vmem>>) offsets(%dma_start3A_72 : memref<128xi32, #tpu.memory_space<vmem>>) semaphore(%arg18 : memref<!tpu.dma_semaphore, #tpu.memory_space<semaphore_mem>>)
      %mul3A_76 = arith.constant 2 : i32
      %mul3A_77 = arith.muli %mul3A_76, %scan3A_51 : i32
      %dma_wait3A_78 = arith.constant 0 : i32
      %dma_wait3A_79 = arith.constant 0 : i32
      %dma_wait3A_80 = tpu.memref_slice %arg9[%dma_wait3A_78, %dma_wait3A_79] : memref<40x128xi32, #tpu.memory_space<vmem>> -> memref<1x128xi32, #tpu.memory_space<vmem>>
      %dma_wait3A_81 = tpu.memref_squeeze %dma_wait3A_80 : memref<1x128xi32, #tpu.memory_space<vmem>> -> memref<128xi32, #tpu.memory_space<vmem>>
      %dma_wait3A_82 = arith.constant 0 : i32
      %dma_wait3A_83 = arith.constant 0 : i32
      %dma_wait3A_84 = tpu.memref_slice %arg2[%dma_wait3A_82, %dma_wait3A_83] : memref<10240x128xf32, #tpu.memory_space<hbm>> -> memref<10240x128xf32, #tpu.memory_space<hbm>>
      tpu.wait_indirect_dma semaphore(%arg17 : memref<!tpu.dma_semaphore, #tpu.memory_space<semaphore_mem>>) src(%dma_wait3A_84 : memref<10240x128xf32, #tpu.memory_space<hbm>>) dst(%arg11 : memref<128x128xf32, #tpu.memory_space<vmem>>)
      %dma_wait3A_85 = arith.constant 0 : i32
      %dma_wait3A_86 = arith.constant 0 : i32
      %dma_wait3A_87 = tpu.memref_slice %arg9[%dma_wait3A_85, %dma_wait3A_86] : memref<40x128xi32, #tpu.memory_space<vmem>> -> memref<1x128xi32, #tpu.memory_space<vmem>>
      %dma_wait3A_88 = tpu.memref_squeeze %dma_wait3A_87 : memref<1x128xi32, #tpu.memory_space<vmem>> -> memref<128xi32, #tpu.memory_space<vmem>>
      %dma_wait3A_89 = arith.constant 0 : i32
      %dma_wait3A_90 = arith.constant 0 : i32
      %dma_wait3A_91 = tpu.memref_slice %arg2[%dma_wait3A_89, %dma_wait3A_90] : memref<10240x128xf32, #tpu.memory_space<hbm>> -> memref<10240x128xf32, #tpu.memory_space<hbm>>
      tpu.wait_indirect_dma semaphore(%arg17 : memref<!tpu.dma_semaphore, #tpu.memory_space<semaphore_mem>>) src(%dma_wait3A_91 : memref<10240x128xf32, #tpu.memory_space<hbm>>) dst(%arg11 : memref<128x128xf32, #tpu.memory_space<vmem>>)
      %dma_wait3A_92 = arith.constant 0 : i32
      %dma_wait3A_93 = arith.constant 0 : i32
      %dma_wait3A_94 = tpu.memref_slice %arg9[%dma_wait3A_92, %dma_wait3A_93] : memref<40x128xi32, #tpu.memory_space<vmem>> -> memref<1x128xi32, #tpu.memory_space<vmem>>
      %dma_wait3A_95 = tpu.memref_squeeze %dma_wait3A_94 : memref<1x128xi32, #tpu.memory_space<vmem>> -> memref<128xi32, #tpu.memory_space<vmem>>
      %dma_wait3A_96 = arith.constant 0 : i32
      %dma_wait3A_97 = arith.constant 0 : i32
      %dma_wait3A_98 = tpu.memref_slice %arg2[%dma_wait3A_96, %dma_wait3A_97] : memref<10240x128xf32, #tpu.memory_space<hbm>> -> memref<10240x128xf32, #tpu.memory_space<hbm>>
      tpu.wait_indirect_dma semaphore(%arg17 : memref<!tpu.dma_semaphore, #tpu.memory_space<semaphore_mem>>) src(%dma_wait3A_98 : memref<10240x128xf32, #tpu.memory_space<hbm>>) dst(%arg11 : memref<128x128xf32, #tpu.memory_space<vmem>>)
      %scan3A_99 = arith.constant 0 : i32
      %scan3A_100 = arith.constant 0 : i32
      %scan3A_101 = arith.constant 128 : i32
      %scan3A_102 = arith.addi %scan3A_100, %scan3A_101 : i32
      %scan3A_103 = arith.constant 1 : i32
      scf.for %scan3A_158 = %scan3A_100 to %scan3A_102 step %scan3A_103  : i32 {
        %get3A = arith.index_cast %scan3A_158 : i32 to index
        %get3A_159 = arith.constant 0 : index
        %get3A_160 = tpu.vector_load %arg11[%get3A, %get3A_159] {strides = array<i32>} : memref<128x128xf32, #tpu.memory_space<vmem>>, vector<1x16xf32>,
        %get3A_161 = vector.shape_cast %get3A_160 : vector<1x16xf32> to vector<16xf32>
        %get3A_162 = arith.index_cast %scan3A_158 : i32 to index
        %get3A_163 = arith.constant 0 : index
        %get3A_164 = tpu.vector_load %arg12[%get3A_162, %get3A_163] {strides = array<i32>} : memref<128x128xf32, #tpu.memory_space<vmem>>, vector<1x16xf32>,
        %get3A_165 = vector.shape_cast %get3A_164 : vector<1x16xf32> to vector<16xf32>
        %mul3A_166 = arith.mulf %get3A_161, %get3A_165 : vector<16xf32>
        %swap3A = arith.index_cast %scan3A_158 : i32 to index
        %swap3A_167 = arith.constant 0 : index
        %swap3A_168 = tpu.vector_load %arg11[%swap3A, %swap3A_167] {strides = array<i32>} : memref<128x128xf32, #tpu.memory_space<vmem>>, vector<1x16xf32>,
        %swap3A_169 = vector.shape_cast %swap3A_168 : vector<1x16xf32> to vector<16xf32>
        %swap3A_170 = vector.shape_cast %mul3A_166 : vector<16xf32> to vector<1x16xf32>
        tpu.vector_store %arg11[%swap3A, %swap3A_167], %swap3A_170 {strides = array<i32>} : memref<128x128xf32, #tpu.memory_space<vmem>>, vector<1x16xf32>,
        %get3A_171 = arith.index_cast %scan3A_158 : i32 to index
        %get3A_172 = arith.constant 16 : index
        %get3A_173 = tpu.vector_load %arg11[%get3A_171, %get3A_172] {strides = array<i32>} : memref<128x128xf32, #tpu.memory_space<vmem>>, vector<1x16xf32>,
        %get3A_174 = vector.shape_cast %get3A_173 : vector<1x16xf32> to vector<16xf32>
        %get3A_175 = arith.index_cast %scan3A_158 : i32 to index
        %get3A_176 = arith.constant 16 : index
        %get3A_177 = tpu.vector_load %arg12[%get3A_175, %get3A_176] {strides = array<i32>} : memref<128x128xf32, #tpu.memory_space<vmem>>, vector<1x16xf32>,
        %get3A_178 = vector.shape_cast %get3A_177 : vector<1x16xf32> to vector<16xf32>
        %mul3A_179 = arith.mulf %get3A_174, %get3A_178 : vector<16xf32>
        %swap3A_180 = arith.index_cast %scan3A_158 : i32 to index
        %swap3A_181 = arith.constant 16 : index
        %swap3A_182 = tpu.vector_load %arg11[%swap3A_180, %swap3A_181] {strides = array<i32>} : memref<128x128xf32, #tpu.memory_space<vmem>>, vector<1x16xf32>,
        %swap3A_183 = vector.shape_cast %swap3A_182 : vector<1x16xf32> to vector<16xf32>
        %swap3A_184 = vector.shape_cast %mul3A_179 : vector<16xf32> to vector<1x16xf32>
        tpu.vector_store %arg11[%swap3A_180, %swap3A_181], %swap3A_184 {strides = array<i32>} : memref<128x128xf32, #tpu.memory_space<vmem>>, vector<1x16xf32>,
        %get3A_185 = arith.index_cast %scan3A_158 : i32 to index
        %get3A_186 = arith.constant 32 : index
        %get3A_187 = tpu.vector_load %arg11[%get3A_185, %get3A_186] {strides = array<i32>} : memref<128x128xf32, #tpu.memory_space<vmem>>, vector<1x16xf32>,
        %get3A_188 = vector.shape_cast %get3A_187 : vector<1x16xf32> to vector<16xf32>
        %get3A_189 = arith.index_cast %scan3A_158 : i32 to index
        %get3A_190 = arith.constant 32 : index
        %get3A_191 = tpu.vector_load %arg12[%get3A_189, %get3A_190] {strides = array<i32>} : memref<128x128xf32, #tpu.memory_space<vmem>>, vector<1x16xf32>,
        %get3A_192 = vector.shape_cast %get3A_191 : vector<1x16xf32> to vector<16xf32>
        %mul3A_193 = arith.mulf %get3A_188, %get3A_192 : vector<16xf32>
        %swap3A_194 = arith.index_cast %scan3A_158 : i32 to index
        %swap3A_195 = arith.constant 32 : index
        %swap3A_196 = tpu.vector_load %arg11[%swap3A_194, %swap3A_195] {strides = array<i32>} : memref<128x128xf32, #tpu.memory_space<vmem>>, vector<1x16xf32>,
        %swap3A_197 = vector.shape_cast %swap3A_196 : vector<1x16xf32> to vector<16xf32>
        %swap3A_198 = vector.shape_cast %mul3A_193 : vector<16xf32> to vector<1x16xf32>
        tpu.vector_store %arg11[%swap3A_194, %swap3A_195], %swap3A_198 {strides = array<i32>} : memref<128x128xf32, #tpu.memory_space<vmem>>, vector<1x16xf32>,
        %get3A_199 = arith.index_cast %scan3A_158 : i32 to index
        %get3A_200 = arith.constant 48 : index
        %get3A_201 = tpu.vector_load %arg11[%get3A_199, %get3A_200] {strides = array<i32>} : memref<128x128xf32, #tpu.memory_space<vmem>>, vector<1x16xf32>,
        %get3A_202 = vector.shape_cast %get3A_201 : vector<1x16xf32> to vector<16xf32>
        %get3A_203 = arith.index_cast %scan3A_158 : i32 to index
        %get3A_204 = arith.constant 48 : index
        %get3A_205 = tpu.vector_load %arg12[%get3A_203, %get3A_204] {strides = array<i32>} : memref<128x128xf32, #tpu.memory_space<vmem>>, vector<1x16xf32>,
        %get3A_206 = vector.shape_cast %get3A_205 : vector<1x16xf32> to vector<16xf32>
        %mul3A_207 = arith.mulf %get3A_202, %get3A_206 : vector<16xf32>
        %swap3A_208 = arith.index_cast %scan3A_158 : i32 to index
        %swap3A_209 = arith.constant 48 : index
        %swap3A_210 = tpu.vector_load %arg11[%swap3A_208, %swap3A_209] {strides = array<i32>} : memref<128x128xf32, #tpu.memory_space<vmem>>, vector<1x16xf32>,
        %swap3A_211 = vector.shape_cast %swap3A_210 : vector<1x16xf32> to vector<16xf32>
        %swap3A_212 = vector.shape_cast %mul3A_207 : vector<16xf32> to vector<1x16xf32>
        tpu.vector_store %arg11[%swap3A_208, %swap3A_209], %swap3A_212 {strides = array<i32>} : memref<128x128xf32, #tpu.memory_space<vmem>>, vector<1x16xf32>,
        %get3A_213 = arith.index_cast %scan3A_158 : i32 to index
        %get3A_214 = arith.constant 64 : index
        %get3A_215 = tpu.vector_load %arg11[%get3A_213, %get3A_214] {strides = array<i32>} : memref<128x128xf32, #tpu.memory_space<vmem>>, vector<1x16xf32>,
        %get3A_216 = vector.shape_cast %get3A_215 : vector<1x16xf32> to vector<16xf32>
        %get3A_217 = arith.index_cast %scan3A_158 : i32 to index
        %get3A_218 = arith.constant 64 : index
        %get3A_219 = tpu.vector_load %arg12[%get3A_217, %get3A_218] {strides = array<i32>} : memref<128x128xf32, #tpu.memory_space<vmem>>, vector<1x16xf32>,
        %get3A_220 = vector.shape_cast %get3A_219 : vector<1x16xf32> to vector<16xf32>
        %mul3A_221 = arith.mulf %get3A_216, %get3A_220 : vector<16xf32>
        %swap3A_222 = arith.index_cast %scan3A_158 : i32 to index
        %swap3A_223 = arith.constant 64 : index
        %swap3A_224 = tpu.vector_load %arg11[%swap3A_222, %swap3A_223] {strides = array<i32>} : memref<128x128xf32, #tpu.memory_space<vmem>>, vector<1x16xf32>,
        %swap3A_225 = vector.shape_cast %swap3A_224 : vector<1x16xf32> to vector<16xf32>
        %swap3A_226 = vector.shape_cast %mul3A_221 : vector<16xf32> to vector<1x16xf32>
        tpu.vector_store %arg11[%swap3A_222, %swap3A_223], %swap3A_226 {strides = array<i32>} : memref<128x128xf32, #tpu.memory_space<vmem>>, vector<1x16xf32>,
        %get3A_227 = arith.index_cast %scan3A_158 : i32 to index
        %get3A_228 = arith.constant 80 : index
        %get3A_229 = tpu.vector_load %arg11[%get3A_227, %get3A_228] {strides = array<i32>} : memref<128x128xf32, #tpu.memory_space<vmem>>, vector<1x16xf32>,
        %get3A_230 = vector.shape_cast %get3A_229 : vector<1x16xf32> to vector<16xf32>
        %get3A_231 = arith.index_cast %scan3A_158 : i32 to index
        %get3A_232 = arith.constant 80 : index
        %get3A_233 = tpu.vector_load %arg12[%get3A_231, %get3A_232] {strides = array<i32>} : memref<128x128xf32, #tpu.memory_space<vmem>>, vector<1x16xf32>,
        %get3A_234 = vector.shape_cast %get3A_233 : vector<1x16xf32> to vector<16xf32>
        %mul3A_235 = arith.mulf %get3A_230, %get3A_234 : vector<16xf32>
        %swap3A_236 = arith.index_cast %scan3A_158 : i32 to index
        %swap3A_237 = arith.constant 80 : index
        %swap3A_238 = tpu.vector_load %arg11[%swap3A_236, %swap3A_237] {strides = array<i32>} : memref<128x128xf32, #tpu.memory_space<vmem>>, vector<1x16xf32>,
        %swap3A_239 = vector.shape_cast %swap3A_238 : vector<1x16xf32> to vector<16xf32>
        %swap3A_240 = vector.shape_cast %mul3A_235 : vector<16xf32> to vector<1x16xf32>
        tpu.vector_store %arg11[%swap3A_236, %swap3A_237], %swap3A_240 {strides = array<i32>} : memref<128x128xf32, #tpu.memory_space<vmem>>, vector<1x16xf32>,
        %get3A_241 = arith.index_cast %scan3A_158 : i32 to index
        %get3A_242 = arith.constant 96 : index
        %get3A_243 = tpu.vector_load %arg11[%get3A_241, %get3A_242] {strides = array<i32>} : memref<128x128xf32, #tpu.memory_space<vmem>>, vector<1x16xf32>,
        %get3A_244 = vector.shape_cast %get3A_243 : vector<1x16xf32> to vector<16xf32>
        %get3A_245 = arith.index_cast %scan3A_158 : i32 to index
        %get3A_246 = arith.constant 96 : index
        %get3A_247 = tpu.vector_load %arg12[%get3A_245, %get3A_246] {strides = array<i32>} : memref<128x128xf32, #tpu.memory_space<vmem>>, vector<1x16xf32>,
        %get3A_248 = vector.shape_cast %get3A_247 : vector<1x16xf32> to vector<16xf32>
        %mul3A_249 = arith.mulf %get3A_244, %get3A_248 : vector<16xf32>
        %swap3A_250 = arith.index_cast %scan3A_158 : i32 to index
        %swap3A_251 = arith.constant 96 : index
        %swap3A_252 = tpu.vector_load %arg11[%swap3A_250, %swap3A_251] {strides = array<i32>} : memref<128x128xf32, #tpu.memory_space<vmem>>, vector<1x16xf32>,
        %swap3A_253 = vector.shape_cast %swap3A_252 : vector<1x16xf32> to vector<16xf32>
        %swap3A_254 = vector.shape_cast %mul3A_249 : vector<16xf32> to vector<1x16xf32>
        tpu.vector_store %arg11[%swap3A_250, %swap3A_251], %swap3A_254 {strides = array<i32>} : memref<128x128xf32, #tpu.memory_space<vmem>>, vector<1x16xf32>,
        %get3A_255 = arith.index_cast %scan3A_158 : i32 to index
        %get3A_256 = arith.constant 112 : index
        %get3A_257 = tpu.vector_load %arg11[%get3A_255, %get3A_256] {strides = array<i32>} : memref<128x128xf32, #tpu.memory_space<vmem>>, vector<1x16xf32>,
        %get3A_258 = vector.shape_cast %get3A_257 : vector<1x16xf32> to vector<16xf32>
        %get3A_259 = arith.index_cast %scan3A_158 : i32 to index
        %get3A_260 = arith.constant 112 : index
        %get3A_261 = tpu.vector_load %arg12[%get3A_259, %get3A_260] {strides = array<i32>} : memref<128x128xf32, #tpu.memory_space<vmem>>, vector<1x16xf32>,
        %get3A_262 = vector.shape_cast %get3A_261 : vector<1x16xf32> to vector<16xf32>
        %mul3A_263 = arith.mulf %get3A_258, %get3A_262 : vector<16xf32>
        %swap3A_264 = arith.index_cast %scan3A_158 : i32 to index
        %swap3A_265 = arith.constant 112 : index
        %swap3A_266 = tpu.vector_load %arg11[%swap3A_264, %swap3A_265] {strides = array<i32>} : memref<128x128xf32, #tpu.memory_space<vmem>>, vector<1x16xf32>,
        %swap3A_267 = vector.shape_cast %swap3A_266 : vector<1x16xf32> to vector<16xf32>
        %swap3A_268 = vector.shape_cast %mul3A_263 : vector<16xf32> to vector<1x16xf32>
        tpu.vector_store %arg11[%swap3A_264, %swap3A_265], %swap3A_268 {strides = array<i32>} : memref<128x128xf32, #tpu.memory_space<vmem>>, vector<1x16xf32>,
      }
      %scan3A_104 = arith.constant 128 : i32
      %add3A_105 = arith.addi %mul3A_2, %mul3A_77 : i32
      %mul3A_106 = arith.constant 128 : i32
      %mul3A_107 = arith.muli %add3A_105, %mul3A_106 : i32
      %dma_start3A_108 = arith.constant 0 : i32
      %dma_start3A_109 = tpu.memref_slice %arg7[%mul3A_107, %dma_start3A_108] : memref<163840x128xf32, #tpu.memory_space<hbm>> -> memref<128x128xf32, #tpu.memory_space<hbm>>
      %dma_start3A_110 = arith.constant 0 : i32
      %dma_start3A_111 = tpu.memref_slice %arg7[%mul3A_107, %dma_start3A_110] : memref<163840x128xf32, #tpu.memory_space<hbm>> -> memref<128x128xf32, #tpu.memory_space<hbm>>
      tpu.enqueue_dma source(%arg11 : memref<128x128xf32, #tpu.memory_space<vmem>>) target(%dma_start3A_111 : memref<128x128xf32, #tpu.memory_space<hbm>>) target_semaphore(%arg19 : memref<!tpu.dma_semaphore, #tpu.memory_space<semaphore_mem>>)
      %dma_start3A_112 = arith.constant 0 : i32
      %dma_start3A_113 = tpu.memref_slice %arg8[%mul3A_107, %dma_start3A_112] : memref<163840x128xf32, #tpu.memory_space<hbm>> -> memref<128x128xf32, #tpu.memory_space<hbm>>
      %dma_start3A_114 = arith.constant 0 : i32
      %dma_start3A_115 = tpu.memref_slice %arg8[%mul3A_107, %dma_start3A_114] : memref<163840x128xf32, #tpu.memory_space<hbm>> -> memref<128x128xf32, #tpu.memory_space<hbm>>
      tpu.enqueue_dma source(%arg13 : memref<128x128xf32, #tpu.memory_space<vmem>>) target(%dma_start3A_115 : memref<128x128xf32, #tpu.memory_space<hbm>>) target_semaphore(%arg19 : memref<!tpu.dma_semaphore, #tpu.memory_space<semaphore_mem>>)
      %lt3A = arith.constant 19 : i32
      %lt3A_116 = arith.cmpi slt, %scan3A_51, %lt3A : i32
      %convert_element_type3A_117 = arith.extui %lt3A_116 : i1 to i32
      %cond3A_118 = arith.constant 0 : i32
      %cond3A_119 = arith.cmpi ne, %convert_element_type3A_117, %cond3A_118 : i32
      scf.if %cond3A_119 {
        %dma_wait3A_158 = arith.constant 0 : i32
        %dma_wait3A_159 = arith.constant 0 : i32
        %dma_wait3A_160 = tpu.memref_slice %arg7[%dma_wait3A_158, %dma_wait3A_159] : memref<163840x128xf32, #tpu.memory_space<hbm>> -> memref<128x128xf32, #tpu.memory_space<hbm>>
        %dma_wait3A_161 = arith.constant 0 : i32
        %dma_wait3A_162 = arith.constant 0 : i32
        %dma_wait3A_163 = tpu.memref_slice %arg7[%dma_wait3A_161, %dma_wait3A_162] : memref<163840x128xf32, #tpu.memory_space<hbm>> -> memref<128x128xf32, #tpu.memory_space<hbm>>
        tpu.wait_dma2 semaphore(%arg19 : memref<!tpu.dma_semaphore, #tpu.memory_space<semaphore_mem>>) src(%arg11 : memref<128x128xf32, #tpu.memory_space<vmem>>) dst(%dma_wait3A_163 : memref<128x128xf32, #tpu.memory_space<hbm>>)
        %dma_wait3A_164 = arith.constant 0 : i32
        %dma_wait3A_165 = arith.constant 0 : i32
        %dma_wait3A_166 = tpu.memref_slice %arg7[%dma_wait3A_164, %dma_wait3A_165] : memref<163840x128xf32, #tpu.memory_space<hbm>> -> memref<128x128xf32, #tpu.memory_space<hbm>>
        %dma_wait3A_167 = arith.constant 0 : i32
        %dma_wait3A_168 = arith.constant 0 : i32
        %dma_wait3A_169 = tpu.memref_slice %arg7[%dma_wait3A_167, %dma_wait3A_168] : memref<163840x128xf32, #tpu.memory_space<hbm>> -> memref<128x128xf32, #tpu.memory_space<hbm>>
        tpu.wait_dma2 semaphore(%arg19 : memref<!tpu.dma_semaphore, #tpu.memory_space<semaphore_mem>>) src(%arg11 : memref<128x128xf32, #tpu.memory_space<vmem>>) dst(%dma_wait3A_169 : memref<128x128xf32, #tpu.memory_space<hbm>>)
        %mul3A_170 = arith.constant 2 : i32
        %mul3A_171 = arith.muli %mul3A_170, %scan3A_51 : i32
        %add3A_172 = arith.constant 2 : i32
        %add3A_173 = arith.addi %mul3A_171, %add3A_172 : i32
        %dma_start3A_174 = arith.constant 0 : i32
        %dma_start3A_175 = tpu.memref_slice %arg9[%add3A_173, %dma_start3A_174] : memref<40x128xi32, #tpu.memory_space<vmem>> -> memref<1x128xi32, #tpu.memory_space<vmem>>
        %dma_start3A_176 = tpu.memref_squeeze %dma_start3A_175 : memref<1x128xi32, #tpu.memory_space<vmem>> -> memref<128xi32, #tpu.memory_space<vmem>>
        %dma_start3A_177 = arith.constant 0 : i32
        %dma_start3A_178 = arith.constant 0 : i32
        %dma_start3A_179 = tpu.memref_slice %arg2[%dma_start3A_177, %dma_start3A_178] : memref<10240x128xf32, #tpu.memory_space<hbm>> -> memref<10240x128xf32, #tpu.memory_space<hbm>>
        tpu.enqueue_indirect_dma source(%dma_start3A_179 : memref<10240x128xf32, #tpu.memory_space<hbm>>) target(%arg11 : memref<128x128xf32, #tpu.memory_space<vmem>>) offsets(%dma_start3A_176 : memref<128xi32, #tpu.memory_space<vmem>>) semaphore(%arg17 : memref<!tpu.dma_semaphore, #tpu.memory_space<semaphore_mem>>)
        %dma_start3A_180 = arith.constant 0 : i32
        %dma_start3A_181 = tpu.memref_slice %arg10[%add3A_173, %dma_start3A_180] : memref<40x128xi32, #tpu.memory_space<vmem>> -> memref<1x128xi32, #tpu.memory_space<vmem>>
        %dma_start3A_182 = tpu.memref_squeeze %dma_start3A_181 : memref<1x128xi32, #tpu.memory_space<vmem>> -> memref<128xi32, #tpu.memory_space<vmem>>
        %dma_start3A_183 = arith.constant 0 : i32
        %dma_start3A_184 = arith.constant 0 : i32
        %dma_start3A_185 = tpu.memref_slice %arg3[%dma_start3A_183, %dma_start3A_184] : memref<10240x128xf32, #tpu.memory_space<hbm>> -> memref<10240x128xf32, #tpu.memory_space<hbm>>
        tpu.enqueue_indirect_dma source(%dma_start3A_185 : memref<10240x128xf32, #tpu.memory_space<hbm>>) target(%arg12 : memref<128x128xf32, #tpu.memory_space<vmem>>) offsets(%dma_start3A_182 : memref<128xi32, #tpu.memory_space<vmem>>) semaphore(%arg17 : memref<!tpu.dma_semaphore, #tpu.memory_space<semaphore_mem>>)
        %dma_start3A_186 = arith.constant 0 : i32
        %dma_start3A_187 = tpu.memref_slice %arg9[%add3A_173, %dma_start3A_186] : memref<40x128xi32, #tpu.memory_space<vmem>> -> memref<1x128xi32, #tpu.memory_space<vmem>>
        %dma_start3A_188 = tpu.memref_squeeze %dma_start3A_187 : memref<1x128xi32, #tpu.memory_space<vmem>> -> memref<128xi32, #tpu.memory_space<vmem>>
        %dma_start3A_189 = arith.constant 0 : i32
        %dma_start3A_190 = arith.constant 0 : i32
        %dma_start3A_191 = tpu.memref_slice %arg4[%dma_start3A_189, %dma_start3A_190] : memref<10240x128xf32, #tpu.memory_space<hbm>> -> memref<10240x128xf32, #tpu.memory_space<hbm>>
        tpu.enqueue_indirect_dma source(%dma_start3A_191 : memref<10240x128xf32, #tpu.memory_space<hbm>>) target(%arg13 : memref<128x128xf32, #tpu.memory_space<vmem>>) offsets(%dma_start3A_188 : memref<128xi32, #tpu.memory_space<vmem>>) semaphore(%arg17 : memref<!tpu.dma_semaphore, #tpu.memory_space<semaphore_mem>>)
      } else {
      }
      %dma_wait3A_120 = arith.constant 0 : i32
      %dma_wait3A_121 = arith.constant 0 : i32
      %dma_wait3A_122 = tpu.memref_slice %arg9[%dma_wait3A_120, %dma_wait3A_121] : memref<40x128xi32, #tpu.memory_space<vmem>> -> memref<1x128xi32, #tpu.memory_space<vmem>>
      %dma_wait3A_123 = tpu.memref_squeeze %dma_wait3A_122 : memref<1x128xi32, #tpu.memory_space<vmem>> -> memref<128xi32, #tpu.memory_space<vmem>>
      %dma_wait3A_124 = arith.constant 0 : i32
      %dma_wait3A_125 = arith.constant 0 : i32
      %dma_wait3A_126 = tpu.memref_slice %arg2[%dma_wait3A_124, %dma_wait3A_125] : memref<10240x128xf32, #tpu.memory_space<hbm>> -> memref<10240x128xf32, #tpu.memory_space<hbm>>
      tpu.wait_indirect_dma semaphore(%arg18 : memref<!tpu.dma_semaphore, #tpu.memory_space<semaphore_mem>>) src(%dma_wait3A_126 : memref<10240x128xf32, #tpu.memory_space<hbm>>) dst(%arg14 : memref<128x128xf32, #tpu.memory_space<vmem>>)
      %dma_wait3A_127 = arith.constant 0 : i32
      %dma_wait3A_128 = arith.constant 0 : i32
      %dma_wait3A_129 = tpu.memref_slice %arg9[%dma_wait3A_127, %dma_wait3A_128] : memref<40x128xi32, #tpu.memory_space<vmem>> -> memref<1x128xi32, #tpu.memory_space<vmem>>
      %dma_wait3A_130 = tpu.memref_squeeze %dma_wait3A_129 : memref<1x128xi32, #tpu.memory_space<vmem>> -> memref<128xi32, #tpu.memory_space<vmem>>
      %dma_wait3A_131 = arith.constant 0 : i32
      %dma_wait3A_132 = arith.constant 0 : i32
      %dma_wait3A_133 = tpu.memref_slice %arg2[%dma_wait3A_131, %dma_wait3A_132] : memref<10240x128xf32, #tpu.memory_space<hbm>> -> memref<10240x128xf32, #tpu.memory_space<hbm>>
      tpu.wait_indirect_dma semaphore(%arg18 : memref<!tpu.dma_semaphore, #tpu.memory_space<semaphore_mem>>) src(%dma_wait3A_133 : memref<10240x128xf32, #tpu.memory_space<hbm>>) dst(%arg14 : memref<128x128xf32, #tpu.memory_space<vmem>>)
      %dma_wait3A_134 = arith.constant 0 : i32
      %dma_wait3A_135 = arith.constant 0 : i32
      %dma_wait3A_136 = tpu.memref_slice %arg9[%dma_wait3A_134, %dma_wait3A_135] : memref<40x128xi32, #tpu.memory_space<vmem>> -> memref<1x128xi32, #tpu.memory_space<vmem>>
      %dma_wait3A_137 = tpu.memref_squeeze %dma_wait3A_136 : memref<1x128xi32, #tpu.memory_space<vmem>> -> memref<128xi32, #tpu.memory_space<vmem>>
      %dma_wait3A_138 = arith.constant 0 : i32
      %dma_wait3A_139 = arith.constant 0 : i32
      %dma_wait3A_140 = tpu.memref_slice %arg2[%dma_wait3A_138, %dma_wait3A_139] : memref<10240x128xf32, #tpu.memory_space<hbm>> -> memref<10240x128xf32, #tpu.memory_space<hbm>>
      tpu.wait_indirect_dma semaphore(%arg18 : memref<!tpu.dma_semaphore, #tpu.memory_space<semaphore_mem>>) src(%dma_wait3A_140 : memref<10240x128xf32, #tpu.memory_space<hbm>>) dst(%arg14 : memref<128x128xf32, #tpu.memory_space<vmem>>)
      %scan3A_141 = arith.constant 0 : i32
      %scan3A_142 = arith.constant 0 : i32
      %scan3A_143 = arith.constant 128 : i32
      %scan3A_144 = arith.addi %scan3A_142, %scan3A_143 : i32
      %scan3A_145 = arith.constant 1 : i32
      scf.for %scan3A_158 = %scan3A_142 to %scan3A_144 step %scan3A_145  : i32 {
        %get3A = arith.index_cast %scan3A_158 : i32 to index
        %get3A_159 = arith.constant 0 : index
        %get3A_160 = tpu.vector_load %arg14[%get3A, %get3A_159] {strides = array<i32>} : memref<128x128xf32, #tpu.memory_space<vmem>>, vector<1x16xf32>,
        %get3A_161 = vector.shape_cast %get3A_160 : vector<1x16xf32> to vector<16xf32>
        %get3A_162 = arith.index_cast %scan3A_158 : i32 to index
        %get3A_163 = arith.constant 0 : index
        %get3A_164 = tpu.vector_load %arg15[%get3A_162, %get3A_163] {strides = array<i32>} : memref<128x128xf32, #tpu.memory_space<vmem>>, vector<1x16xf32>,
        %get3A_165 = vector.shape_cast %get3A_164 : vector<1x16xf32> to vector<16xf32>
        %mul3A_166 = arith.mulf %get3A_161, %get3A_165 : vector<16xf32>
        %swap3A = arith.index_cast %scan3A_158 : i32 to index
        %swap3A_167 = arith.constant 0 : index
        %swap3A_168 = tpu.vector_load %arg14[%swap3A, %swap3A_167] {strides = array<i32>} : memref<128x128xf32, #tpu.memory_space<vmem>>, vector<1x16xf32>,
        %swap3A_169 = vector.shape_cast %swap3A_168 : vector<1x16xf32> to vector<16xf32>
        %swap3A_170 = vector.shape_cast %mul3A_166 : vector<16xf32> to vector<1x16xf32>
        tpu.vector_store %arg14[%swap3A, %swap3A_167], %swap3A_170 {strides = array<i32>} : memref<128x128xf32, #tpu.memory_space<vmem>>, vector<1x16xf32>,
        %get3A_171 = arith.index_cast %scan3A_158 : i32 to index
        %get3A_172 = arith.constant 16 : index
        %get3A_173 = tpu.vector_load %arg14[%get3A_171, %get3A_172] {strides = array<i32>} : memref<128x128xf32, #tpu.memory_space<vmem>>, vector<1x16xf32>,
        %get3A_174 = vector.shape_cast %get3A_173 : vector<1x16xf32> to vector<16xf32>
        %get3A_175 = arith.index_cast %scan3A_158 : i32 to index
        %get3A_176 = arith.constant 16 : index
        %get3A_177 = tpu.vector_load %arg15[%get3A_175, %get3A_176] {strides = array<i32>} : memref<128x128xf32, #tpu.memory_space<vmem>>, vector<1x16xf32>,
        %get3A_178 = vector.shape_cast %get3A_177 : vector<1x16xf32> to vector<16xf32>
        %mul3A_179 = arith.mulf %get3A_174, %get3A_178 : vector<16xf32>
        %swap3A_180 = arith.index_cast %scan3A_158 : i32 to index
        %swap3A_181 = arith.constant 16 : index
        %swap3A_182 = tpu.vector_load %arg14[%swap3A_180, %swap3A_181] {strides = array<i32>} : memref<128x128xf32, #tpu.memory_space<vmem>>, vector<1x16xf32>,
        %swap3A_183 = vector.shape_cast %swap3A_182 : vector<1x16xf32> to vector<16xf32>
        %swap3A_184 = vector.shape_cast %mul3A_179 : vector<16xf32> to vector<1x16xf32>
        tpu.vector_store %arg14[%swap3A_180, %swap3A_181], %swap3A_184 {strides = array<i32>} : memref<128x128xf32, #tpu.memory_space<vmem>>, vector<1x16xf32>,
        %get3A_185 = arith.index_cast %scan3A_158 : i32 to index
        %get3A_186 = arith.constant 32 : index
        %get3A_187 = tpu.vector_load %arg14[%get3A_185, %get3A_186] {strides = array<i32>} : memref<128x128xf32, #tpu.memory_space<vmem>>, vector<1x16xf32>,
        %get3A_188 = vector.shape_cast %get3A_187 : vector<1x16xf32> to vector<16xf32>
        %get3A_189 = arith.index_cast %scan3A_158 : i32 to index
        %get3A_190 = arith.constant 32 : index
        %get3A_191 = tpu.vector_load %arg15[%get3A_189, %get3A_190] {strides = array<i32>} : memref<128x128xf32, #tpu.memory_space<vmem>>, vector<1x16xf32>,
        %get3A_192 = vector.shape_cast %get3A_191 : vector<1x16xf32> to vector<16xf32>
        %mul3A_193 = arith.mulf %get3A_188, %get3A_192 : vector<16xf32>
        %swap3A_194 = arith.index_cast %scan3A_158 : i32 to index
        %swap3A_195 = arith.constant 32 : index
        %swap3A_196 = tpu.vector_load %arg14[%swap3A_194, %swap3A_195] {strides = array<i32>} : memref<128x128xf32, #tpu.memory_space<vmem>>, vector<1x16xf32>,
        %swap3A_197 = vector.shape_cast %swap3A_196 : vector<1x16xf32> to vector<16xf32>
        %swap3A_198 = vector.shape_cast %mul3A_193 : vector<16xf32> to vector<1x16xf32>
        tpu.vector_store %arg14[%swap3A_194, %swap3A_195], %swap3A_198 {strides = array<i32>} : memref<128x128xf32, #tpu.memory_space<vmem>>, vector<1x16xf32>,
        %get3A_199 = arith.index_cast %scan3A_158 : i32 to index
        %get3A_200 = arith.constant 48 : index
        %get3A_201 = tpu.vector_load %arg14[%get3A_199, %get3A_200] {strides = array<i32>} : memref<128x128xf32, #tpu.memory_space<vmem>>, vector<1x16xf32>,
        %get3A_202 = vector.shape_cast %get3A_201 : vector<1x16xf32> to vector<16xf32>
        %get3A_203 = arith.index_cast %scan3A_158 : i32 to index
        %get3A_204 = arith.constant 48 : index
        %get3A_205 = tpu.vector_load %arg15[%get3A_203, %get3A_204] {strides = array<i32>} : memref<128x128xf32, #tpu.memory_space<vmem>>, vector<1x16xf32>,
        %get3A_206 = vector.shape_cast %get3A_205 : vector<1x16xf32> to vector<16xf32>
        %mul3A_207 = arith.mulf %get3A_202, %get3A_206 : vector<16xf32>
        %swap3A_208 = arith.index_cast %scan3A_158 : i32 to index
        %swap3A_209 = arith.constant 48 : index
        %swap3A_210 = tpu.vector_load %arg14[%swap3A_208, %swap3A_209] {strides = array<i32>} : memref<128x128xf32, #tpu.memory_space<vmem>>, vector<1x16xf32>,
        %swap3A_211 = vector.shape_cast %swap3A_210 : vector<1x16xf32> to vector<16xf32>
        %swap3A_212 = vector.shape_cast %mul3A_207 : vector<16xf32> to vector<1x16xf32>
        tpu.vector_store %arg14[%swap3A_208, %swap3A_209], %swap3A_212 {strides = array<i32>} : memref<128x128xf32, #tpu.memory_space<vmem>>, vector<1x16xf32>,
        %get3A_213 = arith.index_cast %scan3A_158 : i32 to index
        %get3A_214 = arith.constant 64 : index
        %get3A_215 = tpu.vector_load %arg14[%get3A_213, %get3A_214] {strides = array<i32>} : memref<128x128xf32, #tpu.memory_space<vmem>>, vector<1x16xf32>,
        %get3A_216 = vector.shape_cast %get3A_215 : vector<1x16xf32> to vector<16xf32>
        %get3A_217 = arith.index_cast %scan3A_158 : i32 to index
        %get3A_218 = arith.constant 64 : index
        %get3A_219 = tpu.vector_load %arg15[%get3A_217, %get3A_218] {strides = array<i32>} : memref<128x128xf32, #tpu.memory_space<vmem>>, vector<1x16xf32>,
        %get3A_220 = vector.shape_cast %get3A_219 : vector<1x16xf32> to vector<16xf32>
        %mul3A_221 = arith.mulf %get3A_216, %get3A_220 : vector<16xf32>
        %swap3A_222 = arith.index_cast %scan3A_158 : i32 to index
        %swap3A_223 = arith.constant 64 : index
        %swap3A_224 = tpu.vector_load %arg14[%swap3A_222, %swap3A_223] {strides = array<i32>} : memref<128x128xf32, #tpu.memory_space<vmem>>, vector<1x16xf32>,
        %swap3A_225 = vector.shape_cast %swap3A_224 : vector<1x16xf32> to vector<16xf32>
        %swap3A_226 = vector.shape_cast %mul3A_221 : vector<16xf32> to vector<1x16xf32>
        tpu.vector_store %arg14[%swap3A_222, %swap3A_223], %swap3A_226 {strides = array<i32>} : memref<128x128xf32, #tpu.memory_space<vmem>>, vector<1x16xf32>,
        %get3A_227 = arith.index_cast %scan3A_158 : i32 to index
        %get3A_228 = arith.constant 80 : index
        %get3A_229 = tpu.vector_load %arg14[%get3A_227, %get3A_228] {strides = array<i32>} : memref<128x128xf32, #tpu.memory_space<vmem>>, vector<1x16xf32>,
        %get3A_230 = vector.shape_cast %get3A_229 : vector<1x16xf32> to vector<16xf32>
        %get3A_231 = arith.index_cast %scan3A_158 : i32 to index
        %get3A_232 = arith.constant 80 : index
        %get3A_233 = tpu.vector_load %arg15[%get3A_231, %get3A_232] {strides = array<i32>} : memref<128x128xf32, #tpu.memory_space<vmem>>, vector<1x16xf32>,
        %get3A_234 = vector.shape_cast %get3A_233 : vector<1x16xf32> to vector<16xf32>
        %mul3A_235 = arith.mulf %get3A_230, %get3A_234 : vector<16xf32>
        %swap3A_236 = arith.index_cast %scan3A_158 : i32 to index
        %swap3A_237 = arith.constant 80 : index
        %swap3A_238 = tpu.vector_load %arg14[%swap3A_236, %swap3A_237] {strides = array<i32>} : memref<128x128xf32, #tpu.memory_space<vmem>>, vector<1x16xf32>,
        %swap3A_239 = vector.shape_cast %swap3A_238 : vector<1x16xf32> to vector<16xf32>
        %swap3A_240 = vector.shape_cast %mul3A_235 : vector<16xf32> to vector<1x16xf32>
        tpu.vector_store %arg14[%swap3A_236, %swap3A_237], %swap3A_240 {strides = array<i32>} : memref<128x128xf32, #tpu.memory_space<vmem>>, vector<1x16xf32>,
        %get3A_241 = arith.index_cast %scan3A_158 : i32 to index
        %get3A_242 = arith.constant 96 : index
        %get3A_243 = tpu.vector_load %arg14[%get3A_241, %get3A_242] {strides = array<i32>} : memref<128x128xf32, #tpu.memory_space<vmem>>, vector<1x16xf32>,
        %get3A_244 = vector.shape_cast %get3A_243 : vector<1x16xf32> to vector<16xf32>
        %get3A_245 = arith.index_cast %scan3A_158 : i32 to index
        %get3A_246 = arith.constant 96 : index
        %get3A_247 = tpu.vector_load %arg15[%get3A_245, %get3A_246] {strides = array<i32>} : memref<128x128xf32, #tpu.memory_space<vmem>>, vector<1x16xf32>,
        %get3A_248 = vector.shape_cast %get3A_247 : vector<1x16xf32> to vector<16xf32>
        %mul3A_249 = arith.mulf %get3A_244, %get3A_248 : vector<16xf32>
        %swap3A_250 = arith.index_cast %scan3A_158 : i32 to index
        %swap3A_251 = arith.constant 96 : index
        %swap3A_252 = tpu.vector_load %arg14[%swap3A_250, %swap3A_251] {strides = array<i32>} : memref<128x128xf32, #tpu.memory_space<vmem>>, vector<1x16xf32>,
        %swap3A_253 = vector.shape_cast %swap3A_252 : vector<1x16xf32> to vector<16xf32>
        %swap3A_254 = vector.shape_cast %mul3A_249 : vector<16xf32> to vector<1x16xf32>
        tpu.vector_store %arg14[%swap3A_250, %swap3A_251], %swap3A_254 {strides = array<i32>} : memref<128x128xf32, #tpu.memory_space<vmem>>, vector<1x16xf32>,
        %get3A_255 = arith.index_cast %scan3A_158 : i32 to index
        %get3A_256 = arith.constant 112 : index
        %get3A_257 = tpu.vector_load %arg14[%get3A_255, %get3A_256] {strides = array<i32>} : memref<128x128xf32, #tpu.memory_space<vmem>>, vector<1x16xf32>,
        %get3A_258 = vector.shape_cast %get3A_257 : vector<1x16xf32> to vector<16xf32>
        %get3A_259 = arith.index_cast %scan3A_158 : i32 to index
        %get3A_260 = arith.constant 112 : index
        %get3A_261 = tpu.vector_load %arg15[%get3A_259, %get3A_260] {strides = array<i32>} : memref<128x128xf32, #tpu.memory_space<vmem>>, vector<1x16xf32>,
        %get3A_262 = vector.shape_cast %get3A_261 : vector<1x16xf32> to vector<16xf32>
        %mul3A_263 = arith.mulf %get3A_258, %get3A_262 : vector<16xf32>
        %swap3A_264 = arith.index_cast %scan3A_158 : i32 to index
        %swap3A_265 = arith.constant 112 : index
        %swap3A_266 = tpu.vector_load %arg14[%swap3A_264, %swap3A_265] {strides = array<i32>} : memref<128x128xf32, #tpu.memory_space<vmem>>, vector<1x16xf32>,
        %swap3A_267 = vector.shape_cast %swap3A_266 : vector<1x16xf32> to vector<16xf32>
        %swap3A_268 = vector.shape_cast %mul3A_263 : vector<16xf32> to vector<1x16xf32>
        tpu.vector_store %arg14[%swap3A_264, %swap3A_265], %swap3A_268 {strides = array<i32>} : memref<128x128xf32, #tpu.memory_space<vmem>>, vector<1x16xf32>,
      }
      %scan3A_146 = arith.constant 128 : i32
      %add3A_147 = arith.addi %mul3A_2, %add3A_55 : i32
      %mul3A_148 = arith.constant 128 : i32
      %mul3A_149 = arith.muli %add3A_147, %mul3A_148 : i32
      %dma_start3A_150 = arith.constant 0 : i32
      %dma_start3A_151 = tpu.memref_slice %arg7[%mul3A_149, %dma_start3A_150] : memref<163840x128xf32, #tpu.memory_space<hbm>> -> memref<128x128xf32, #tpu.memory_space<hbm>>
      %dma_start3A_152 = arith.constant 0 : i32
      %dma_start3A_153 = tpu.memref_slice %arg7[%mul3A_149, %dma_start3A_152] : memref<163840x128xf32, #tpu.memory_space<hbm>> -> memref<128x128xf32, #tpu.memory_space<hbm>>
      tpu.enqueue_dma source(%arg14 : memref<128x128xf32, #tpu.memory_space<vmem>>) target(%dma_start3A_153 : memref<128x128xf32, #tpu.memory_space<hbm>>) target_semaphore(%arg20 : memref<!tpu.dma_semaphore, #tpu.memory_space<semaphore_mem>>)
      %dma_start3A_154 = arith.constant 0 : i32
      %dma_start3A_155 = tpu.memref_slice %arg8[%mul3A_149, %dma_start3A_154] : memref<163840x128xf32, #tpu.memory_space<hbm>> -> memref<128x128xf32, #tpu.memory_space<hbm>>
      %dma_start3A_156 = arith.constant 0 : i32
      %dma_start3A_157 = tpu.memref_slice %arg8[%mul3A_149, %dma_start3A_156] : memref<163840x128xf32, #tpu.memory_space<hbm>> -> memref<128x128xf32, #tpu.memory_space<hbm>>
      tpu.enqueue_dma source(%arg16 : memref<128x128xf32, #tpu.memory_space<vmem>>) target(%dma_start3A_157 : memref<128x128xf32, #tpu.memory_space<hbm>>) target_semaphore(%arg20 : memref<!tpu.dma_semaphore, #tpu.memory_space<semaphore_mem>>)
    }
    %scan3A_27 = arith.constant 20 : i32
    %dma_wait3A = arith.constant 0 : i32
    %dma_wait3A_28 = arith.constant 0 : i32
    %dma_wait3A_29 = tpu.memref_slice %arg7[%dma_wait3A, %dma_wait3A_28] : memref<163840x128xf32, #tpu.memory_space<hbm>> -> memref<128x128xf32, #tpu.memory_space<hbm>>
    %dma_wait3A_30 = arith.constant 0 : i32
    %dma_wait3A_31 = arith.constant 0 : i32
    %dma_wait3A_32 = tpu.memref_slice %arg7[%dma_wait3A_30, %dma_wait3A_31] : memref<163840x128xf32, #tpu.memory_space<hbm>> -> memref<128x128xf32, #tpu.memory_space<hbm>>
    tpu.wait_dma2 semaphore(%arg19 : memref<!tpu.dma_semaphore, #tpu.memory_space<semaphore_mem>>) src(%arg11 : memref<128x128xf32, #tpu.memory_space<vmem>>) dst(%dma_wait3A_32 : memref<128x128xf32, #tpu.memory_space<hbm>>)
    %dma_wait3A_33 = arith.constant 0 : i32
    %dma_wait3A_34 = arith.constant 0 : i32
    %dma_wait3A_35 = tpu.memref_slice %arg7[%dma_wait3A_33, %dma_wait3A_34] : memref<163840x128xf32, #tpu.memory_space<hbm>> -> memref<128x128xf32, #tpu.memory_space<hbm>>
    %dma_wait3A_36 = arith.constant 0 : i32
    %dma_wait3A_37 = arith.constant 0 : i32
    %dma_wait3A_38 = tpu.memref_slice %arg7[%dma_wait3A_36, %dma_wait3A_37] : memref<163840x128xf32, #tpu.memory_space<hbm>> -> memref<128x128xf32, #tpu.memory_space<hbm>>
    tpu.wait_dma2 semaphore(%arg19 : memref<!tpu.dma_semaphore, #tpu.memory_space<semaphore_mem>>) src(%arg11 : memref<128x128xf32, #tpu.memory_space<vmem>>) dst(%dma_wait3A_38 : memref<128x128xf32, #tpu.memory_space<hbm>>)
    %dma_wait3A_39 = arith.constant 0 : i32
    %dma_wait3A_40 = arith.constant 0 : i32
    %dma_wait3A_41 = tpu.memref_slice %arg7[%dma_wait3A_39, %dma_wait3A_40] : memref<163840x128xf32, #tpu.memory_space<hbm>> -> memref<128x128xf32, #tpu.memory_space<hbm>>
    %dma_wait3A_42 = arith.constant 0 : i32
    %dma_wait3A_43 = arith.constant 0 : i32
    %dma_wait3A_44 = tpu.memref_slice %arg7[%dma_wait3A_42, %dma_wait3A_43] : memref<163840x128xf32, #tpu.memory_space<hbm>> -> memref<128x128xf32, #tpu.memory_space<hbm>>
    tpu.wait_dma2 semaphore(%arg20 : memref<!tpu.dma_semaphore, #tpu.memory_space<semaphore_mem>>) src(%arg14 : memref<128x128xf32, #tpu.memory_space<vmem>>) dst(%dma_wait3A_44 : memref<128x128xf32, #tpu.memory_space<hbm>>)
    %dma_wait3A_45 = arith.constant 0 : i32
    %dma_wait3A_46 = arith.constant 0 : i32
    %dma_wait3A_47 = tpu.memref_slice %arg7[%dma_wait3A_45, %dma_wait3A_46] : memref<163840x128xf32, #tpu.memory_space<hbm>> -> memref<128x128xf32, #tpu.memory_space<hbm>>
    %dma_wait3A_48 = arith.constant 0 : i32
    %dma_wait3A_49 = arith.constant 0 : i32
    %dma_wait3A_50 = tpu.memref_slice %arg7[%dma_wait3A_48, %dma_wait3A_49] : memref<163840x128xf32, #tpu.memory_space<hbm>> -> memref<128x128xf32, #tpu.memory_space<hbm>>
    tpu.wait_dma2 semaphore(%arg20 : memref<!tpu.dma_semaphore, #tpu.memory_space<semaphore_mem>>) src(%arg14 : memref<128x128xf32, #tpu.memory_space<vmem>>) dst(%dma_wait3A_50 : memref<128x128xf32, #tpu.memory_space<hbm>>)
    return
  }
}

#map = affine_map<(d0, d1) -> (0, 0)>
module attributes {stable_mosaic.version = 14 : i64} {
  func.func @_k(%arg0: i32, %arg1: i32, %arg2: memref<163840x144xf32, #tpu.memory_space<hbm>>, %arg3: memref<2560x64xi32, #tpu.memory_space<hbm>>, %arg4: memref<10240x144xf32, #tpu.memory_space<hbm>>, %arg5: memref<20480x144xf32, #tpu.memory_space<hbm>>, %arg6: memref<80x64xi32, #tpu.memory_space<vmem>>, %arg7: memref<64x144xf32, #tpu.memory_space<vmem>>, %arg8: memref<64x144xf32, #tpu.memory_space<vmem>>, %arg9: memref<10240x144xf32, #tpu.memory_space<vmem_shared>>, %arg10: memref<!tpu.dma_semaphore, #tpu.memory_space<semaphore_mem>>, %arg11: memref<!tpu.dma_semaphore, #tpu.memory_space<semaphore_mem>>, %arg12: memref<!tpu.dma_semaphore, #tpu.memory_space<semaphore_mem>>, %arg13: memref<!tpu.dma_semaphore, #tpu.memory_space<semaphore_mem>>) attributes {dimension_semantics = [#tpu.dimension_semantics<core_parallel>, #tpu.dimension_semantics<subcore_parallel>], iteration_bounds = array<i64: 2, 16>, scalar_prefetch = 0 : i64, scratch_operands = 8 : i64, tpu.core_type = #tpu.core_type<sc_vector_subcore>, window_params = [{transform_indices = #map}, {transform_indices = #map}, {transform_indices = #map}, {transform_indices = #map}]} {
    %mul3A = arith.constant 2 : i32
    %mul3A_0 = arith.muli %arg1, %mul3A : i32
    %add3A = arith.addi %mul3A_0, %arg0 : i32
    %mul3A_1 = arith.constant 80 : i32
    %mul3A_2 = arith.muli %add3A, %mul3A_1 : i32
    "tpu.region"() ({
      %run_scoped3A = tpu.sem_alloc : memref<!tpu.dma_semaphore, #tpu.memory_space<semaphore_mem>>
      %dma_start3A_40 = arith.constant 0 : i32
      %dma_start3A_41 = tpu.memref_slice %arg3[%mul3A_2, %dma_start3A_40] : memref<2560x64xi32, #tpu.memory_space<hbm>> -> memref<80x64xi32, #tpu.memory_space<hbm>>
      %dma_start3A_42 = arith.constant 0 : i32
      %dma_start3A_43 = tpu.memref_slice %arg3[%mul3A_2, %dma_start3A_42] : memref<2560x64xi32, #tpu.memory_space<hbm>> -> memref<80x64xi32, #tpu.memory_space<hbm>>
      tpu.enqueue_dma source(%dma_start3A_43 : memref<80x64xi32, #tpu.memory_space<hbm>>) target(%arg6 : memref<80x64xi32, #tpu.memory_space<vmem>>) target_semaphore(%run_scoped3A : memref<!tpu.dma_semaphore, #tpu.memory_space<semaphore_mem>>)
      %dma_wait3A_44 = arith.constant 0 : i32
      %dma_wait3A_45 = tpu.memref_slice %arg3[%mul3A_2, %dma_wait3A_44] : memref<2560x64xi32, #tpu.memory_space<hbm>> -> memref<80x64xi32, #tpu.memory_space<hbm>>
      %dma_wait3A_46 = arith.constant 0 : i32
      %dma_wait3A_47 = tpu.memref_slice %arg3[%mul3A_2, %dma_wait3A_46] : memref<2560x64xi32, #tpu.memory_space<hbm>> -> memref<80x64xi32, #tpu.memory_space<hbm>>
      tpu.wait_dma2 semaphore(%run_scoped3A : memref<!tpu.dma_semaphore, #tpu.memory_space<semaphore_mem>>) src(%dma_wait3A_47 : memref<80x64xi32, #tpu.memory_space<hbm>>) dst(%arg6 : memref<80x64xi32, #tpu.memory_space<vmem>>)
      tpu.yield
    }) : () -> ()
    %mul3A_3 = arith.constant 640 : i32
    %mul3A_4 = arith.muli %arg1, %mul3A_3 : i32
    %mul3A_5 = arith.constant 640 : i32
    %mul3A_6 = arith.muli %arg1, %mul3A_5 : i32
    "tpu.region"() ({
      %run_scoped3A = tpu.sem_alloc : memref<!tpu.dma_semaphore, #tpu.memory_space<semaphore_mem>>
      %dma_start3A_40 = arith.constant 0 : i32
      %dma_start3A_41 = tpu.memref_slice %arg9[%mul3A_6, %dma_start3A_40] : memref<10240x144xf32, #tpu.memory_space<vmem_shared>> -> memref<640x144xf32, #tpu.memory_space<vmem_shared>>
      %dma_start3A_42 = arith.constant 0 : i32
      %dma_start3A_43 = tpu.memref_slice %arg4[%mul3A_4, %dma_start3A_42] : memref<10240x144xf32, #tpu.memory_space<hbm>> -> memref<640x144xf32, #tpu.memory_space<hbm>>
      tpu.enqueue_dma source(%dma_start3A_43 : memref<640x144xf32, #tpu.memory_space<hbm>>) target(%dma_start3A_41 : memref<640x144xf32, #tpu.memory_space<vmem_shared>>) target_semaphore(%run_scoped3A : memref<!tpu.dma_semaphore, #tpu.memory_space<semaphore_mem>>)
      %dma_wait3A_44 = arith.constant 0 : i32
      %dma_wait3A_45 = tpu.memref_slice %arg9[%mul3A_6, %dma_wait3A_44] : memref<10240x144xf32, #tpu.memory_space<vmem_shared>> -> memref<640x144xf32, #tpu.memory_space<vmem_shared>>
      %dma_wait3A_46 = arith.constant 0 : i32
      %dma_wait3A_47 = tpu.memref_slice %arg4[%mul3A_4, %dma_wait3A_46] : memref<10240x144xf32, #tpu.memory_space<hbm>> -> memref<640x144xf32, #tpu.memory_space<hbm>>
      tpu.wait_dma2 semaphore(%run_scoped3A : memref<!tpu.dma_semaphore, #tpu.memory_space<semaphore_mem>>) src(%dma_wait3A_47 : memref<640x144xf32, #tpu.memory_space<hbm>>) dst(%dma_wait3A_45 : memref<640x144xf32, #tpu.memory_space<vmem_shared>>)
      tpu.yield
    }) : () -> ()
    %barrier3A = arith.constant 0 : index
    tpu.barrier barrier_id(%barrier3A)
    %add3A_7 = arith.constant 0 : i32
    %add3A_8 = arith.addi %mul3A_2, %add3A_7 : i32
    %mul3A_9 = arith.constant 64 : i32
    %mul3A_10 = arith.muli %add3A_8, %mul3A_9 : i32
    %dma_start3A = arith.constant 0 : i32
    %dma_start3A_11 = tpu.memref_slice %arg2[%mul3A_10, %dma_start3A] : memref<163840x144xf32, #tpu.memory_space<hbm>> -> memref<64x144xf32, #tpu.memory_space<hbm>>
    %dma_start3A_12 = arith.constant 0 : i32
    %dma_start3A_13 = tpu.memref_slice %arg2[%mul3A_10, %dma_start3A_12] : memref<163840x144xf32, #tpu.memory_space<hbm>> -> memref<64x144xf32, #tpu.memory_space<hbm>>
    tpu.enqueue_dma source(%dma_start3A_13 : memref<64x144xf32, #tpu.memory_space<hbm>>) target(%arg7 : memref<64x144xf32, #tpu.memory_space<vmem>>) target_semaphore(%arg10 : memref<!tpu.dma_semaphore, #tpu.memory_space<semaphore_mem>>)
    %scan3A = arith.constant 0 : i32
    %scan3A_14 = arith.constant 0 : i32
    %scan3A_15 = arith.constant 40 : i32
    %scan3A_16 = arith.addi %scan3A_14, %scan3A_15 : i32
    %scan3A_17 = arith.constant 1 : i32
    scf.for %scan3A_40 = %scan3A_14 to %scan3A_16 step %scan3A_17  : i32 {
      %mul3A_41 = arith.constant 2 : i32
      %mul3A_42 = arith.muli %mul3A_41, %scan3A_40 : i32
      %add3A_43 = arith.constant 1 : i32
      %add3A_44 = arith.addi %mul3A_42, %add3A_43 : i32
      %gt3A = arith.constant 0 : i32
      %gt3A_45 = arith.cmpi sgt, %scan3A_40, %gt3A : i32
      %convert_element_type3A = arith.extui %gt3A_45 : i1 to i32
      %cond3A = arith.constant 0 : i32
      %cond3A_46 = arith.cmpi ne, %convert_element_type3A, %cond3A : i32
      scf.if %cond3A_46 {
        %dma_wait3A_84 = arith.constant 0 : i32
        %dma_wait3A_85 = arith.constant 0 : i32
        %dma_wait3A_86 = tpu.memref_slice %arg6[%dma_wait3A_84, %dma_wait3A_85] : memref<80x64xi32, #tpu.memory_space<vmem>> -> memref<1x64xi32, #tpu.memory_space<vmem>>
        %dma_wait3A_87 = tpu.memref_squeeze %dma_wait3A_86 : memref<1x64xi32, #tpu.memory_space<vmem>> -> memref<64xi32, #tpu.memory_space<vmem>>
        %dma_wait3A_88 = arith.constant 0 : i32
        %dma_wait3A_89 = arith.constant 0 : i32
        %dma_wait3A_90 = tpu.memref_slice %arg9[%dma_wait3A_88, %dma_wait3A_89] : memref<10240x144xf32, #tpu.memory_space<vmem_shared>> -> memref<10240x144xf32, #tpu.memory_space<vmem_shared>>
        tpu.wait_indirect_dma semaphore(%arg13 : memref<!tpu.dma_semaphore, #tpu.memory_space<semaphore_mem>>) src(%arg8 : memref<64x144xf32, #tpu.memory_space<vmem>>) dst(%dma_wait3A_90 : memref<10240x144xf32, #tpu.memory_space<vmem_shared>>)
      } else {
      }
      %add3A_47 = arith.addi %mul3A_2, %add3A_44 : i32
      %mul3A_48 = arith.constant 64 : i32
      %mul3A_49 = arith.muli %add3A_47, %mul3A_48 : i32
      %dma_start3A_50 = arith.constant 0 : i32
      %dma_start3A_51 = tpu.memref_slice %arg2[%mul3A_49, %dma_start3A_50] : memref<163840x144xf32, #tpu.memory_space<hbm>> -> memref<64x144xf32, #tpu.memory_space<hbm>>
      %dma_start3A_52 = arith.constant 0 : i32
      %dma_start3A_53 = tpu.memref_slice %arg2[%mul3A_49, %dma_start3A_52] : memref<163840x144xf32, #tpu.memory_space<hbm>> -> memref<64x144xf32, #tpu.memory_space<hbm>>
      tpu.enqueue_dma source(%dma_start3A_53 : memref<64x144xf32, #tpu.memory_space<hbm>>) target(%arg8 : memref<64x144xf32, #tpu.memory_space<vmem>>) target_semaphore(%arg11 : memref<!tpu.dma_semaphore, #tpu.memory_space<semaphore_mem>>)
      %dma_wait3A_54 = arith.constant 0 : i32
      %dma_wait3A_55 = arith.constant 0 : i32
      %dma_wait3A_56 = tpu.memref_slice %arg2[%dma_wait3A_54, %dma_wait3A_55] : memref<163840x144xf32, #tpu.memory_space<hbm>> -> memref<64x144xf32, #tpu.memory_space<hbm>>
      %dma_wait3A_57 = arith.constant 0 : i32
      %dma_wait3A_58 = arith.constant 0 : i32
      %dma_wait3A_59 = tpu.memref_slice %arg2[%dma_wait3A_57, %dma_wait3A_58] : memref<163840x144xf32, #tpu.memory_space<hbm>> -> memref<64x144xf32, #tpu.memory_space<hbm>>
      tpu.wait_dma2 semaphore(%arg10 : memref<!tpu.dma_semaphore, #tpu.memory_space<semaphore_mem>>) src(%dma_wait3A_59 : memref<64x144xf32, #tpu.memory_space<hbm>>) dst(%arg7 : memref<64x144xf32, #tpu.memory_space<vmem>>)
      %mul3A_60 = arith.constant 2 : i32
      %mul3A_61 = arith.muli %mul3A_60, %scan3A_40 : i32
      %dma_start3A_62 = arith.constant 0 : i32
      %dma_start3A_63 = tpu.memref_slice %arg6[%mul3A_61, %dma_start3A_62] : memref<80x64xi32, #tpu.memory_space<vmem>> -> memref<1x64xi32, #tpu.memory_space<vmem>>
      %dma_start3A_64 = tpu.memref_squeeze %dma_start3A_63 : memref<1x64xi32, #tpu.memory_space<vmem>> -> memref<64xi32, #tpu.memory_space<vmem>>
      %dma_start3A_65 = arith.constant 0 : i32
      %dma_start3A_66 = arith.constant 0 : i32
      %dma_start3A_67 = tpu.memref_slice %arg9[%dma_start3A_65, %dma_start3A_66] : memref<10240x144xf32, #tpu.memory_space<vmem_shared>> -> memref<10240x144xf32, #tpu.memory_space<vmem_shared>>
      tpu.enqueue_indirect_dma source(%arg7 : memref<64x144xf32, #tpu.memory_space<vmem>>) target(%dma_start3A_67 : memref<10240x144xf32, #tpu.memory_space<vmem_shared>>) offsets(%dma_start3A_64 : memref<64xi32, #tpu.memory_space<vmem>>) semaphore(%arg12 : memref<!tpu.dma_semaphore, #tpu.memory_space<semaphore_mem>>) {add = true}
      %lt3A = arith.constant 39 : i32
      %lt3A_68 = arith.cmpi slt, %scan3A_40, %lt3A : i32
      %convert_element_type3A_69 = arith.extui %lt3A_68 : i1 to i32
      %cond3A_70 = arith.constant 0 : i32
      %cond3A_71 = arith.cmpi ne, %convert_element_type3A_69, %cond3A_70 : i32
      scf.if %cond3A_71 {
        %dma_wait3A_84 = arith.constant 0 : i32
        %dma_wait3A_85 = arith.constant 0 : i32
        %dma_wait3A_86 = tpu.memref_slice %arg6[%dma_wait3A_84, %dma_wait3A_85] : memref<80x64xi32, #tpu.memory_space<vmem>> -> memref<1x64xi32, #tpu.memory_space<vmem>>
        %dma_wait3A_87 = tpu.memref_squeeze %dma_wait3A_86 : memref<1x64xi32, #tpu.memory_space<vmem>> -> memref<64xi32, #tpu.memory_space<vmem>>
        %dma_wait3A_88 = arith.constant 0 : i32
        %dma_wait3A_89 = arith.constant 0 : i32
        %dma_wait3A_90 = tpu.memref_slice %arg9[%dma_wait3A_88, %dma_wait3A_89] : memref<10240x144xf32, #tpu.memory_space<vmem_shared>> -> memref<10240x144xf32, #tpu.memory_space<vmem_shared>>
        tpu.wait_indirect_dma semaphore(%arg12 : memref<!tpu.dma_semaphore, #tpu.memory_space<semaphore_mem>>) src(%arg7 : memref<64x144xf32, #tpu.memory_space<vmem>>) dst(%dma_wait3A_90 : memref<10240x144xf32, #tpu.memory_space<vmem_shared>>)
        %mul3A_91 = arith.constant 2 : i32
        %mul3A_92 = arith.muli %mul3A_91, %scan3A_40 : i32
        %add3A_93 = arith.constant 2 : i32
        %add3A_94 = arith.addi %mul3A_92, %add3A_93 : i32
        %add3A_95 = arith.addi %mul3A_2, %add3A_94 : i32
        %mul3A_96 = arith.constant 64 : i32
        %mul3A_97 = arith.muli %add3A_95, %mul3A_96 : i32
        %dma_start3A_98 = arith.constant 0 : i32
        %dma_start3A_99 = tpu.memref_slice %arg2[%mul3A_97, %dma_start3A_98] : memref<163840x144xf32, #tpu.memory_space<hbm>> -> memref<64x144xf32, #tpu.memory_space<hbm>>
        %dma_start3A_100 = arith.constant 0 : i32
        %dma_start3A_101 = tpu.memref_slice %arg2[%mul3A_97, %dma_start3A_100] : memref<163840x144xf32, #tpu.memory_space<hbm>> -> memref<64x144xf32, #tpu.memory_space<hbm>>
        tpu.enqueue_dma source(%dma_start3A_101 : memref<64x144xf32, #tpu.memory_space<hbm>>) target(%arg7 : memref<64x144xf32, #tpu.memory_space<vmem>>) target_semaphore(%arg10 : memref<!tpu.dma_semaphore, #tpu.memory_space<semaphore_mem>>)
      } else {
      }
      %dma_wait3A_72 = arith.constant 0 : i32
      %dma_wait3A_73 = arith.constant 0 : i32
      %dma_wait3A_74 = tpu.memref_slice %arg2[%dma_wait3A_72, %dma_wait3A_73] : memref<163840x144xf32, #tpu.memory_space<hbm>> -> memref<64x144xf32, #tpu.memory_space<hbm>>
      %dma_wait3A_75 = arith.constant 0 : i32
      %dma_wait3A_76 = arith.constant 0 : i32
      %dma_wait3A_77 = tpu.memref_slice %arg2[%dma_wait3A_75, %dma_wait3A_76] : memref<163840x144xf32, #tpu.memory_space<hbm>> -> memref<64x144xf32, #tpu.memory_space<hbm>>
      tpu.wait_dma2 semaphore(%arg11 : memref<!tpu.dma_semaphore, #tpu.memory_space<semaphore_mem>>) src(%dma_wait3A_77 : memref<64x144xf32, #tpu.memory_space<hbm>>) dst(%arg8 : memref<64x144xf32, #tpu.memory_space<vmem>>)
      %dma_start3A_78 = arith.constant 0 : i32
      %dma_start3A_79 = tpu.memref_slice %arg6[%add3A_44, %dma_start3A_78] : memref<80x64xi32, #tpu.memory_space<vmem>> -> memref<1x64xi32, #tpu.memory_space<vmem>>
      %dma_start3A_80 = tpu.memref_squeeze %dma_start3A_79 : memref<1x64xi32, #tpu.memory_space<vmem>> -> memref<64xi32, #tpu.memory_space<vmem>>
      %dma_start3A_81 = arith.constant 0 : i32
      %dma_start3A_82 = arith.constant 0 : i32
      %dma_start3A_83 = tpu.memref_slice %arg9[%dma_start3A_81, %dma_start3A_82] : memref<10240x144xf32, #tpu.memory_space<vmem_shared>> -> memref<10240x144xf32, #tpu.memory_space<vmem_shared>>
      tpu.enqueue_indirect_dma source(%arg8 : memref<64x144xf32, #tpu.memory_space<vmem>>) target(%dma_start3A_83 : memref<10240x144xf32, #tpu.memory_space<vmem_shared>>) offsets(%dma_start3A_80 : memref<64xi32, #tpu.memory_space<vmem>>) semaphore(%arg13 : memref<!tpu.dma_semaphore, #tpu.memory_space<semaphore_mem>>) {add = true}
    }
    %scan3A_18 = arith.constant 40 : i32
    %dma_wait3A = arith.constant 0 : i32
    %dma_wait3A_19 = arith.constant 0 : i32
    %dma_wait3A_20 = tpu.memref_slice %arg6[%dma_wait3A, %dma_wait3A_19] : memref<80x64xi32, #tpu.memory_space<vmem>> -> memref<1x64xi32, #tpu.memory_space<vmem>>
    %dma_wait3A_21 = tpu.memref_squeeze %dma_wait3A_20 : memref<1x64xi32, #tpu.memory_space<vmem>> -> memref<64xi32, #tpu.memory_space<vmem>>
    %dma_wait3A_22 = arith.constant 0 : i32
    %dma_wait3A_23 = arith.constant 0 : i32
    %dma_wait3A_24 = tpu.memref_slice %arg9[%dma_wait3A_22, %dma_wait3A_23] : memref<10240x144xf32, #tpu.memory_space<vmem_shared>> -> memref<10240x144xf32, #tpu.memory_space<vmem_shared>>
    tpu.wait_indirect_dma semaphore(%arg12 : memref<!tpu.dma_semaphore, #tpu.memory_space<semaphore_mem>>) src(%arg7 : memref<64x144xf32, #tpu.memory_space<vmem>>) dst(%dma_wait3A_24 : memref<10240x144xf32, #tpu.memory_space<vmem_shared>>)
    %dma_wait3A_25 = arith.constant 0 : i32
    %dma_wait3A_26 = arith.constant 0 : i32
    %dma_wait3A_27 = tpu.memref_slice %arg6[%dma_wait3A_25, %dma_wait3A_26] : memref<80x64xi32, #tpu.memory_space<vmem>> -> memref<1x64xi32, #tpu.memory_space<vmem>>
    %dma_wait3A_28 = tpu.memref_squeeze %dma_wait3A_27 : memref<1x64xi32, #tpu.memory_space<vmem>> -> memref<64xi32, #tpu.memory_space<vmem>>
    %dma_wait3A_29 = arith.constant 0 : i32
    %dma_wait3A_30 = arith.constant 0 : i32
    %dma_wait3A_31 = tpu.memref_slice %arg9[%dma_wait3A_29, %dma_wait3A_30] : memref<10240x144xf32, #tpu.memory_space<vmem_shared>> -> memref<10240x144xf32, #tpu.memory_space<vmem_shared>>
    tpu.wait_indirect_dma semaphore(%arg13 : memref<!tpu.dma_semaphore, #tpu.memory_space<semaphore_mem>>) src(%arg8 : memref<64x144xf32, #tpu.memory_space<vmem>>) dst(%dma_wait3A_31 : memref<10240x144xf32, #tpu.memory_space<vmem_shared>>)
    %barrier3A_32 = arith.constant 0 : index
    tpu.barrier barrier_id(%barrier3A_32)
    %mul3A_33 = arith.constant 640 : i32
    %mul3A_34 = arith.muli %arg1, %mul3A_33 : i32
    %mul3A_35 = arith.constant 10240 : i32
    %mul3A_36 = arith.muli %arg0, %mul3A_35 : i32
    %mul3A_37 = arith.constant 640 : i32
    %mul3A_38 = arith.muli %arg1, %mul3A_37 : i32
    %add3A_39 = arith.addi %mul3A_36, %mul3A_38 : i32
    "tpu.region"() ({
      %run_scoped3A = tpu.sem_alloc : memref<!tpu.dma_semaphore, #tpu.memory_space<semaphore_mem>>
      %dma_start3A_40 = arith.constant 0 : i32
      %dma_start3A_41 = tpu.memref_slice %arg5[%add3A_39, %dma_start3A_40] : memref<20480x144xf32, #tpu.memory_space<hbm>> -> memref<640x144xf32, #tpu.memory_space<hbm>>
      %dma_start3A_42 = arith.constant 0 : i32
      %dma_start3A_43 = tpu.memref_slice %arg9[%mul3A_34, %dma_start3A_42] : memref<10240x144xf32, #tpu.memory_space<vmem_shared>> -> memref<640x144xf32, #tpu.memory_space<vmem_shared>>
      tpu.enqueue_dma source(%dma_start3A_43 : memref<640x144xf32, #tpu.memory_space<vmem_shared>>) target(%dma_start3A_41 : memref<640x144xf32, #tpu.memory_space<hbm>>) target_semaphore(%run_scoped3A : memref<!tpu.dma_semaphore, #tpu.memory_space<semaphore_mem>>)
      %dma_wait3A_44 = arith.constant 0 : i32
      %dma_wait3A_45 = tpu.memref_slice %arg5[%add3A_39, %dma_wait3A_44] : memref<20480x144xf32, #tpu.memory_space<hbm>> -> memref<640x144xf32, #tpu.memory_space<hbm>>
      %dma_wait3A_46 = arith.constant 0 : i32
      %dma_wait3A_47 = tpu.memref_slice %arg9[%mul3A_34, %dma_wait3A_46] : memref<10240x144xf32, #tpu.memory_space<vmem_shared>> -> memref<640x144xf32, #tpu.memory_space<vmem_shared>>
      tpu.wait_dma2 semaphore(%run_scoped3A : memref<!tpu.dma_semaphore, #tpu.memory_space<semaphore_mem>>) src(%dma_wait3A_47 : memref<640x144xf32, #tpu.memory_space<vmem_shared>>) dst(%dma_wait3A_45 : memref<640x144xf32, #tpu.memory_space<hbm>>)
      tpu.yield
    }) : () -> ()
    return
  }
}

module attributes {stable_mosaic.version = 14 : i64} {
  func.func @body(%arg0: i32, %arg1: memref<512x1xi32, #tpu.memory_space<vmem>>, %arg2: memref<128x128xf32, #tpu.memory_space<vmem>>, %arg3: memref<128x128xf32, #tpu.memory_space<vmem>>, %arg4: memref<128x128xf32, #tpu.memory_space<vmem>>, %arg5: memref<128x128xf32, #tpu.memory_space<vmem>>, %arg6: memref<512x128xf32, #tpu.memory_space<vmem>>, %arg7: memref<512x128xf32, #tpu.memory_space<vmem>>, %arg8: memref<512x128xf32, #tpu.memory_space<vmem>>, %arg9: memref<512x128xf32, #tpu.memory_space<vmem>>) attributes {dimension_semantics = [#tpu.dimension_semantics<arbitrary>], iteration_bounds = array<i64: 20>, scalar_prefetch = 0 : i64, scratch_operands = 0 : i64, tpu.core_type = #tpu.core_type<tc>, window_params = [{transform_indices = @transform_0, window_bounds = array<i64: 512, 1>}, {pipeline_mode = #tpu.pipeline_mode<synchronous>, transform_indices = @transform_1, window_bounds = array<i64: 128, 128>}, {pipeline_mode = #tpu.pipeline_mode<synchronous>, transform_indices = @transform_2, window_bounds = array<i64: 128, 128>}, {pipeline_mode = #tpu.pipeline_mode<synchronous>, transform_indices = @transform_3, window_bounds = array<i64: 128, 128>}, {pipeline_mode = #tpu.pipeline_mode<synchronous>, transform_indices = @transform_4, window_bounds = array<i64: 128, 128>}, {transform_indices = @transform_5, window_bounds = array<i64: 512, 128>}, {transform_indices = @transform_6, window_bounds = array<i64: 512, 128>}, {transform_indices = @transform_7, window_bounds = array<i64: 512, 128>}, {transform_indices = @transform_8, window_bounds = array<i64: 512, 128>}]} {
    %get3A = arith.constant 0 : index
    %get3A_0 = arith.constant 0 : index
    %get3A_1 = vector.load %arg1[%get3A, %get3A_0] : memref<512x1xi32, #tpu.memory_space<vmem>>, vector<512x1xi32>
    %iota3A = tpu.iota {dimensions = array<i32: 1>} : vector<512x128xi32>
    %eq3A = vector.broadcast %get3A_1 : vector<512x1xi32> to vector<512x128xi32>
    %eq3A_2 = arith.cmpi eq, %iota3A, %eq3A : vector<512x128xi32>
    %convert_element_type3A = arith.extui %eq3A_2 : vector<512x128xi1> to vector<512x128xi32>
    %convert_element_type3A_3 = arith.sitofp %convert_element_type3A : vector<512x128xi32> to vector<512x128xf32>
    %get3A_4 = arith.constant 0 : index
    %get3A_5 = arith.constant 0 : index
    %get3A_6 = vector.load %arg2[%get3A_4, %get3A_5] : memref<128x128xf32, #tpu.memory_space<vmem>>, vector<128x128xf32>
    %dot_general3A = arith.constant dense<0.000000e+00> : vector<512x128xf32>
    %dot_general3A_7 = tpu.matmul %convert_element_type3A_3, %get3A_6, %dot_general3A {dimension_numbers = #tpu.dot_dimension_numbers<[1], [0], [0], [1], [0, 0, 1, 1], [], []>, transpose_lhs_hint = false} : vector<512x128xf32>, vector<128x128xf32>, vector<512x128xf32> -> vector<512x128xf32>
    %swap3A = arith.constant 0 : index
    %swap3A_8 = arith.constant 0 : index
    %swap3A_9 = vector.load %arg6[%swap3A, %swap3A_8] : memref<512x128xf32, #tpu.memory_space<vmem>>, vector<512x128xf32>
    tpu.vector_store %arg6[%swap3A, %swap3A_8], %dot_general3A_7 {strides = array<i32>} : memref<512x128xf32, #tpu.memory_space<vmem>>, vector<512x128xf32>,
    %get3A_10 = arith.constant 0 : index
    %get3A_11 = arith.constant 0 : index
    %get3A_12 = vector.load %arg3[%get3A_10, %get3A_11] : memref<128x128xf32, #tpu.memory_space<vmem>>, vector<128x128xf32>
    %dot_general3A_13 = arith.constant dense<0.000000e+00> : vector<512x128xf32>
    %dot_general3A_14 = tpu.matmul %dot_general3A_7, %get3A_12, %dot_general3A_13 {dimension_numbers = #tpu.dot_dimension_numbers<[1], [0], [0], [1], [0, 0, 1, 1], [], []>, transpose_lhs_hint = false} : vector<512x128xf32>, vector<128x128xf32>, vector<512x128xf32> -> vector<512x128xf32>
    %mul3A = arith.constant 2.500000e-01 : f32
    %mul3A_15 = vector.broadcast %mul3A : f32 to vector<512x128xf32>
    %mul3A_16 = arith.mulf %dot_general3A_14, %mul3A_15 : vector<512x128xf32>
    %swap3A_17 = arith.constant 0 : index
    %swap3A_18 = arith.constant 0 : index
    %swap3A_19 = vector.load %arg7[%swap3A_17, %swap3A_18] : memref<512x128xf32, #tpu.memory_space<vmem>>, vector<512x128xf32>
    tpu.vector_store %arg7[%swap3A_17, %swap3A_18], %mul3A_16 {strides = array<i32>} : memref<512x128xf32, #tpu.memory_space<vmem>>, vector<512x128xf32>,
    %get3A_20 = arith.constant 0 : index
    %get3A_21 = arith.constant 0 : index
    %get3A_22 = vector.load %arg4[%get3A_20, %get3A_21] : memref<128x128xf32, #tpu.memory_space<vmem>>, vector<128x128xf32>
    %dot_general3A_23 = arith.constant dense<0.000000e+00> : vector<512x128xf32>
    %dot_general3A_24 = tpu.matmul %dot_general3A_7, %get3A_22, %dot_general3A_23 {dimension_numbers = #tpu.dot_dimension_numbers<[1], [0], [0], [1], [0, 0, 1, 1], [], []>, transpose_lhs_hint = false} : vector<512x128xf32>, vector<128x128xf32>, vector<512x128xf32> -> vector<512x128xf32>
    %swap3A_25 = arith.constant 0 : index
    %swap3A_26 = arith.constant 0 : index
    %swap3A_27 = vector.load %arg8[%swap3A_25, %swap3A_26] : memref<512x128xf32, #tpu.memory_space<vmem>>, vector<512x128xf32>
    tpu.vector_store %arg8[%swap3A_25, %swap3A_26], %dot_general3A_24 {strides = array<i32>} : memref<512x128xf32, #tpu.memory_space<vmem>>, vector<512x128xf32>,
    %get3A_28 = arith.constant 0 : index
    %get3A_29 = arith.constant 0 : index
    %get3A_30 = vector.load %arg5[%get3A_28, %get3A_29] : memref<128x128xf32, #tpu.memory_space<vmem>>, vector<128x128xf32>
    %dot_general3A_31 = arith.constant dense<0.000000e+00> : vector<512x128xf32>
    %dot_general3A_32 = tpu.matmul %dot_general3A_7, %get3A_30, %dot_general3A_31 {dimension_numbers = #tpu.dot_dimension_numbers<[1], [0], [0], [1], [0, 0, 1, 1], [], []>, transpose_lhs_hint = false} : vector<512x128xf32>, vector<128x128xf32>, vector<512x128xf32> -> vector<512x128xf32>
    %swap3A_33 = arith.constant 0 : index
    %swap3A_34 = arith.constant 0 : index
    %swap3A_35 = vector.load %arg9[%swap3A_33, %swap3A_34] : memref<512x128xf32, #tpu.memory_space<vmem>>, vector<512x128xf32>
    tpu.vector_store %arg9[%swap3A_33, %swap3A_34], %dot_general3A_32 {strides = array<i32>} : memref<512x128xf32, #tpu.memory_space<vmem>>, vector<512x128xf32>,
    return
  }
  func.func @transform_0(%arg0: i32) -> (i32, i32) {
    %c0_i32 = arith.constant 0 : i32
    %c0_i32_0 = arith.constant 0 : i32
    return %arg0, %c0_i32 : i32, i32
  }
  func.func @transform_1(%arg0: i32) -> (i32, i32) {
    %c0_i32 = arith.constant 0 : i32
    %c0_i32_0 = arith.constant 0 : i32
    %c0_i32_1 = arith.constant 0 : i32
    return %c0_i32, %c0_i32_0 : i32, i32
  }
  func.func @transform_2(%arg0: i32) -> (i32, i32) {
    %c0_i32 = arith.constant 0 : i32
    %c0_i32_0 = arith.constant 0 : i32
    %c0_i32_1 = arith.constant 0 : i32
    return %c0_i32, %c0_i32_0 : i32, i32
  }
  func.func @transform_3(%arg0: i32) -> (i32, i32) {
    %c0_i32 = arith.constant 0 : i32
    %c0_i32_0 = arith.constant 0 : i32
    %c0_i32_1 = arith.constant 0 : i32
    return %c0_i32, %c0_i32_0 : i32, i32
  }
  func.func @transform_4(%arg0: i32) -> (i32, i32) {
    %c0_i32 = arith.constant 0 : i32
    %c0_i32_0 = arith.constant 0 : i32
    %c0_i32_1 = arith.constant 0 : i32
    return %c0_i32, %c0_i32_0 : i32, i32
  }
  func.func @transform_5(%arg0: i32) -> (i32, i32) {
    %c0_i32 = arith.constant 0 : i32
    %c0_i32_0 = arith.constant 0 : i32
    return %arg0, %c0_i32 : i32, i32
  }
  func.func @transform_6(%arg0: i32) -> (i32, i32) {
    %c0_i32 = arith.constant 0 : i32
    %c0_i32_0 = arith.constant 0 : i32
    return %arg0, %c0_i32 : i32, i32
  }
  func.func @transform_7(%arg0: i32) -> (i32, i32) {
    %c0_i32 = arith.constant 0 : i32
    %c0_i32_0 = arith.constant 0 : i32
    return %arg0, %c0_i32 : i32, i32
  }
  func.func @transform_8(%arg0: i32) -> (i32, i32) {
    %c0_i32 = arith.constant 0 : i32
    %c0_i32_0 = arith.constant 0 : i32
    return %arg0, %c0_i32 : i32, i32
  }
}

module attributes {stable_mosaic.version = 14 : i64} {
  func.func @body(%arg0: i32, %arg1: memref<512x1xi32, #tpu.memory_space<vmem>>, %arg2: memref<512x128xf32, #tpu.memory_space<vmem>>, %arg3: memref<512x128xf32, #tpu.memory_space<vmem>>, %arg4: memref<16x128xf32, #tpu.memory_space<vmem>>, %arg5: memref<128x128xf32, #tpu.memory_space<vmem>>, %arg6: memref<128x128xf32, #tpu.memory_space<vmem>>, %arg7: memref<128x256xf32, #tpu.memory_space<vmem>>, %arg8: memref<256x128xf32, #tpu.memory_space<vmem>>, %arg9: memref<128x128xf32, #tpu.memory_space<vmem>>, %arg10: memref<512x144xf32, #tpu.memory_space<vmem>>, %arg11: memref<512x128xf32, #tpu.memory_space<vmem>>) attributes {dimension_semantics = [#tpu.dimension_semantics<arbitrary>], iteration_bounds = array<i64: 320>, scalar_prefetch = 0 : i64, scratch_operands = 0 : i64, tpu.core_type = #tpu.core_type<tc>, window_params = [{transform_indices = @transform_0, window_bounds = array<i64: 512, 1>}, {transform_indices = @transform_1, window_bounds = array<i64: 512, 128>}, {transform_indices = @transform_2, window_bounds = array<i64: 512, 128>}, {pipeline_mode = #tpu.pipeline_mode<synchronous>, transform_indices = @transform_3, window_bounds = array<i64: 16, 128>}, {pipeline_mode = #tpu.pipeline_mode<synchronous>, transform_indices = @transform_4, window_bounds = array<i64: 128, 128>}, {pipeline_mode = #tpu.pipeline_mode<synchronous>, transform_indices = @transform_5, window_bounds = array<i64: 128, 128>}, {pipeline_mode = #tpu.pipeline_mode<synchronous>, transform_indices = @transform_6, window_bounds = array<i64: 128, 256>}, {pipeline_mode = #tpu.pipeline_mode<synchronous>, transform_indices = @transform_7, window_bounds = array<i64: 256, 128>}, {pipeline_mode = #tpu.pipeline_mode<synchronous>, transform_indices = @transform_8, window_bounds = array<i64: 128, 128>}, {transform_indices = @transform_9, window_bounds = array<i64: 512, 144>}, {transform_indices = @transform_10, window_bounds = array<i64: 512, 128>}]} {
    %get3A = arith.constant 0 : index
    %get3A_0 = arith.constant 0 : index
    %get3A_1 = vector.load %arg1[%get3A, %get3A_0] : memref<512x1xi32, #tpu.memory_space<vmem>>, vector<512x1xi32>
    %iota3A = tpu.iota {dimensions = array<i32: 1>} : vector<512x16xi32>
    %eq3A = vector.broadcast %get3A_1 : vector<512x1xi32> to vector<512x16xi32>
    %eq3A_2 = arith.cmpi eq, %iota3A, %eq3A : vector<512x16xi32>
    %convert_element_type3A = arith.extui %eq3A_2 : vector<512x16xi1> to vector<512x16xi32>
    %convert_element_type3A_3 = arith.sitofp %convert_element_type3A : vector<512x16xi32> to vector<512x16xf32>
    %get3A_4 = arith.constant 0 : index
    %get3A_5 = arith.constant 0 : index
    %get3A_6 = vector.load %arg4[%get3A_4, %get3A_5] : memref<16x128xf32, #tpu.memory_space<vmem>>, vector<16x128xf32>
    %dot_general3A = arith.constant dense<0.000000e+00> : vector<512x128xf32>
    %dot_general3A_7 = tpu.matmul %convert_element_type3A_3, %get3A_6, %dot_general3A {dimension_numbers = #tpu.dot_dimension_numbers<[1], [0], [0], [1], [0, 0, 1, 1], [], []>, transpose_lhs_hint = false} : vector<512x16xf32>, vector<16x128xf32>, vector<512x128xf32> -> vector<512x128xf32>
    %get3A_8 = arith.constant 0 : index
    %get3A_9 = arith.constant 0 : index
    %get3A_10 = vector.load %arg5[%get3A_8, %get3A_9] : memref<128x128xf32, #tpu.memory_space<vmem>>, vector<128x128xf32>
    %dot_general3A_11 = arith.constant dense<0.000000e+00> : vector<16x128xf32>
    %dot_general3A_12 = tpu.matmul %get3A_6, %get3A_10, %dot_general3A_11 {dimension_numbers = #tpu.dot_dimension_numbers<[1], [0], [0], [1], [0, 0, 1, 1], [], []>, transpose_lhs_hint = false} : vector<16x128xf32>, vector<128x128xf32>, vector<16x128xf32> -> vector<16x128xf32>
    %dot_general3A_13 = arith.constant dense<0.000000e+00> : vector<512x128xf32>
    %dot_general3A_14 = tpu.matmul %convert_element_type3A_3, %dot_general3A_12, %dot_general3A_13 {dimension_numbers = #tpu.dot_dimension_numbers<[1], [0], [0], [1], [0, 0, 1, 1], [], []>, transpose_lhs_hint = false} : vector<512x16xf32>, vector<16x128xf32>, vector<512x128xf32> -> vector<512x128xf32>
    %get3A_15 = arith.constant 0 : index
    %get3A_16 = arith.constant 0 : index
    %get3A_17 = vector.load %arg2[%get3A_15, %get3A_16] : memref<512x128xf32, #tpu.memory_space<vmem>>, vector<512x128xf32>
    %mul3A = arith.mulf %get3A_17, %dot_general3A_14 : vector<512x128xf32>
    %iota3A_18 = tpu.iota {dimensions = array<i32: 0>} : vector<128x8xi32>
    %jit3A = arith.constant 16 : i32
    %div3A = vector.broadcast %jit3A : i32 to vector<128x8xi32>
    %div3A_19 = arith.divsi %iota3A_18, %div3A : vector<128x8xi32>
    %sign3A = arith.constant 0 : i32
    %sign3A_20 = vector.broadcast %sign3A : i32 to vector<128x8xi32>
    %sign3A_21 = arith.cmpi sgt, %iota3A_18, %sign3A_20 : vector<128x8xi32>
    %sign3A_22 = arith.extui %sign3A_21 : vector<128x8xi1> to vector<128x8xi32>
    %sign3A_23 = arith.constant 0 : i32
    %sign3A_24 = vector.broadcast %sign3A_23 : i32 to vector<128x8xi32>
    %sign3A_25 = arith.cmpi slt, %iota3A_18, %sign3A_24 : vector<128x8xi32>
    %sign3A_26 = arith.extui %sign3A_25 : vector<128x8xi1> to vector<128x8xi32>
    %sign3A_27 = arith.subi %sign3A_22, %sign3A_26 : vector<128x8xi32>
    %sign3A_28 = arith.constant 0 : i32
    %sign3A_29 = arith.cmpi sgt, %jit3A, %sign3A_28 : i32
    %sign3A_30 = arith.extui %sign3A_29 : i1 to i32
    %sign3A_31 = arith.constant 0 : i32
    %sign3A_32 = arith.cmpi slt, %jit3A, %sign3A_31 : i32
    %sign3A_33 = arith.extui %sign3A_32 : i1 to i32
    %sign3A_34 = arith.subi %sign3A_30, %sign3A_33 : i32
    %ne3A = vector.broadcast %sign3A_34 : i32 to vector<128x8xi32>
    %ne3A_35 = arith.cmpi ne, %sign3A_27, %ne3A : vector<128x8xi32>
    %rem3A = vector.broadcast %jit3A : i32 to vector<128x8xi32>
    %rem3A_36 = arith.remsi %iota3A_18, %rem3A : vector<128x8xi32>
    %ne3A_37 = arith.constant 0 : i32
    %ne3A_38 = vector.broadcast %ne3A_37 : i32 to vector<128x8xi32>
    %ne3A_39 = arith.cmpi ne, %rem3A_36, %ne3A_38 : vector<128x8xi32>
    %and3A = arith.andi %ne3A_35, %ne3A_39 : vector<128x8xi1>
    %sub3A = arith.constant 1 : i32
    %sub3A_40 = vector.broadcast %sub3A : i32 to vector<128x8xi32>
    %sub3A_41 = arith.subi %div3A_19, %sub3A_40 : vector<128x8xi32>
    %select_n3A = arith.select %and3A, %sub3A_41, %div3A_19 : vector<128x8xi1>, vector<128x8xi32>
    %iota3A_42 = tpu.iota {dimensions = array<i32: 1>} : vector<128x8xi32>
    %eq3A_43 = arith.cmpi eq, %select_n3A, %iota3A_42 : vector<128x8xi32>
    %convert_element_type3A_44 = arith.extui %eq3A_43 : vector<128x8xi1> to vector<128x8xi32>
    %convert_element_type3A_45 = arith.sitofp %convert_element_type3A_44 : vector<128x8xi32> to vector<128x8xf32>
    %dot_general3A_46 = arith.constant dense<0.000000e+00> : vector<512x8xf32>
    %dot_general3A_47 = tpu.matmul %mul3A, %convert_element_type3A_45, %dot_general3A_46 {dimension_numbers = #tpu.dot_dimension_numbers<[1], [0], [0], [1], [0, 0, 1, 1], [], []>, transpose_lhs_hint = false} : vector<512x128xf32>, vector<128x8xf32>, vector<512x8xf32> -> vector<512x8xf32>
    %iota3A_48 = tpu.iota {dimensions = array<i32: 0>} : vector<512x1xi32>
    %mul3A_49 = arith.constant 512 : i32
    %mul3A_50 = arith.muli %arg0, %mul3A_49 : i32
    %add3A = vector.broadcast %mul3A_50 : i32 to vector<512x1xi32>
    %add3A_51 = arith.addi %iota3A_48, %add3A : vector<512x1xi32>
    %lt3A = arith.constant 160000 : i32
    %lt3A_52 = vector.broadcast %lt3A : i32 to vector<512x1xi32>
    %lt3A_53 = arith.cmpi slt, %add3A_51, %lt3A_52 : vector<512x1xi32>
    %convert_element_type3A_54 = arith.extui %lt3A_53 : vector<512x1xi1> to vector<512x1xi32>
    %convert_element_type3A_55 = arith.sitofp %convert_element_type3A_54 : vector<512x1xi32> to vector<512x1xf32>
    %jit3A_56 = arith.constant -5.000000e+00 : f32
    %jit3A_57 = arith.constant 5.000000e+00 : f32
    %max3A = vector.broadcast %jit3A_56 : f32 to vector<512x8xf32>
    %max3A_58 = arith.maximumf %max3A, %dot_general3A_47 : vector<512x8xf32>
    %min3A = vector.broadcast %jit3A_57 : f32 to vector<512x8xf32>
    %min3A_59 = arith.minimumf %min3A, %max3A_58 : vector<512x8xf32>
    %exp3A = math.exp %min3A_59 : vector<512x8xf32>
    %mul3A_60 = vector.broadcast %convert_element_type3A_55 : vector<512x1xf32> to vector<512x8xf32>
    %mul3A_61 = arith.mulf %exp3A, %mul3A_60 : vector<512x8xf32>
    %iota3A_62 = tpu.iota {dimensions = array<i32: 1>} : vector<8x128xi32>
    %jit3A_63 = arith.constant 16 : i32
    %div3A_64 = vector.broadcast %jit3A_63 : i32 to vector<8x128xi32>
    %div3A_65 = arith.divsi %iota3A_62, %div3A_64 : vector<8x128xi32>
    %sign3A_66 = arith.constant 0 : i32
    %sign3A_67 = vector.broadcast %sign3A_66 : i32 to vector<8x128xi32>
    %sign3A_68 = arith.cmpi sgt, %iota3A_62, %sign3A_67 : vector<8x128xi32>
    %sign3A_69 = arith.extui %sign3A_68 : vector<8x128xi1> to vector<8x128xi32>
    %sign3A_70 = arith.constant 0 : i32
    %sign3A_71 = vector.broadcast %sign3A_70 : i32 to vector<8x128xi32>
    %sign3A_72 = arith.cmpi slt, %iota3A_62, %sign3A_71 : vector<8x128xi32>
    %sign3A_73 = arith.extui %sign3A_72 : vector<8x128xi1> to vector<8x128xi32>
    %sign3A_74 = arith.subi %sign3A_69, %sign3A_73 : vector<8x128xi32>
    %sign3A_75 = arith.constant 0 : i32
    %sign3A_76 = arith.cmpi sgt, %jit3A_63, %sign3A_75 : i32
    %sign3A_77 = arith.extui %sign3A_76 : i1 to i32
    %sign3A_78 = arith.constant 0 : i32
    %sign3A_79 = arith.cmpi slt, %jit3A_63, %sign3A_78 : i32
    %sign3A_80 = arith.extui %sign3A_79 : i1 to i32
    %sign3A_81 = arith.subi %sign3A_77, %sign3A_80 : i32
    %ne3A_82 = vector.broadcast %sign3A_81 : i32 to vector<8x128xi32>
    %ne3A_83 = arith.cmpi ne, %sign3A_74, %ne3A_82 : vector<8x128xi32>
    %rem3A_84 = vector.broadcast %jit3A_63 : i32 to vector<8x128xi32>
    %rem3A_85 = arith.remsi %iota3A_62, %rem3A_84 : vector<8x128xi32>
    %ne3A_86 = arith.constant 0 : i32
    %ne3A_87 = vector.broadcast %ne3A_86 : i32 to vector<8x128xi32>
    %ne3A_88 = arith.cmpi ne, %rem3A_85, %ne3A_87 : vector<8x128xi32>
    %and3A_89 = arith.andi %ne3A_83, %ne3A_88 : vector<8x128xi1>
    %sub3A_90 = arith.constant 1 : i32
    %sub3A_91 = vector.broadcast %sub3A_90 : i32 to vector<8x128xi32>
    %sub3A_92 = arith.subi %div3A_65, %sub3A_91 : vector<8x128xi32>
    %select_n3A_93 = arith.select %and3A_89, %sub3A_92, %div3A_65 : vector<8x128xi1>, vector<8x128xi32>
    %iota3A_94 = tpu.iota {dimensions = array<i32: 0>} : vector<8x128xi32>
    %eq3A_95 = arith.cmpi eq, %select_n3A_93, %iota3A_94 : vector<8x128xi32>
    %convert_element_type3A_96 = arith.extui %eq3A_95 : vector<8x128xi1> to vector<8x128xi32>
    %convert_element_type3A_97 = arith.sitofp %convert_element_type3A_96 : vector<8x128xi32> to vector<8x128xf32>
    %dot_general3A_98 = arith.constant dense<0.000000e+00> : vector<512x128xf32>
    %dot_general3A_99 = tpu.matmul %mul3A_61, %convert_element_type3A_97, %dot_general3A_98 {dimension_numbers = #tpu.dot_dimension_numbers<[1], [0], [0], [1], [0, 0, 1, 1], [], []>, transpose_lhs_hint = false} : vector<512x8xf32>, vector<8x128xf32>, vector<512x128xf32> -> vector<512x128xf32>
    %get3A_100 = arith.constant 0 : index
    %get3A_101 = arith.constant 0 : index
    %get3A_102 = vector.load %arg3[%get3A_100, %get3A_101] : memref<512x128xf32, #tpu.memory_space<vmem>>, vector<512x128xf32>
    %mul3A_103 = arith.mulf %get3A_102, %dot_general3A_99 : vector<512x128xf32>
    %broadcast_in_dim3A = arith.constant 0.000000e+00 : f32
    %broadcast_in_dim3A_104 = vector.broadcast %broadcast_in_dim3A : f32 to vector<512x8xf32>
    %concatenate3A = tpu.concatenate %mul3A_103, %mul3A_61, %broadcast_in_dim3A_104 in 1 : vector<512x128xf32>, vector<512x8xf32>, vector<512x8xf32> -> vector<512x144xf32>
    %swap3A = arith.constant 0 : index
    %swap3A_105 = arith.constant 0 : index
    %swap3A_106 = vector.load %arg10[%swap3A, %swap3A_105] : memref<512x144xf32, #tpu.memory_space<vmem>>, vector<512x144xf32>
    tpu.vector_store %arg10[%swap3A, %swap3A_105], %concatenate3A {strides = array<i32>} : memref<512x144xf32, #tpu.memory_space<vmem>>, vector<512x144xf32>,
    %get3A_107 = arith.constant 0 : index
    %get3A_108 = arith.constant 0 : index
    %get3A_109 = vector.load %arg6[%get3A_107, %get3A_108] : memref<128x128xf32, #tpu.memory_space<vmem>>, vector<128x128xf32>
    %dot_general3A_110 = arith.constant dense<0.000000e+00> : vector<512x128xf32>
    %dot_general3A_111 = tpu.matmul %mul3A, %get3A_109, %dot_general3A_110 {dimension_numbers = #tpu.dot_dimension_numbers<[1], [0], [0], [1], [0, 0, 1, 1], [], []>, transpose_lhs_hint = false} : vector<512x128xf32>, vector<128x128xf32>, vector<512x128xf32> -> vector<512x128xf32>
    %add3A_112 = arith.addf %dot_general3A_7, %dot_general3A_111 : vector<512x128xf32>
    %reduce_sum3A = arith.constant dense<0.000000e+00> : vector<512xf32>
    %reduce_sum3A_113 = vector.multi_reduction <add>, %add3A_112, %reduce_sum3A [1] : vector<512x128xf32> to vector<512xf32>
    %broadcast_in_dim3A_114 = vector.shape_cast %reduce_sum3A_113 : vector<512xf32> to vector<512x1xf32>
    %div3A_115 = arith.constant 1.280000e+02 : f32
    %div3A_116 = vector.broadcast %div3A_115 : f32 to vector<512x1xf32>
    %div3A_117 = arith.divf %broadcast_in_dim3A_114, %div3A_116 : vector<512x1xf32>
    %sub3A_118 = vector.broadcast %div3A_117 : vector<512x1xf32> to vector<512x128xf32>
    %sub3A_119 = arith.subf %add3A_112, %sub3A_118 : vector<512x128xf32>
    %integer_pow3A = arith.mulf %sub3A_119, %sub3A_119 : vector<512x128xf32>
    %reduce_sum3A_120 = arith.constant dense<0.000000e+00> : vector<512xf32>
    %reduce_sum3A_121 = vector.multi_reduction <add>, %integer_pow3A, %reduce_sum3A_120 [1] : vector<512x128xf32> to vector<512xf32>
    %broadcast_in_dim3A_122 = vector.shape_cast %reduce_sum3A_121 : vector<512xf32> to vector<512x1xf32>
    %div3A_123 = arith.constant 1.280000e+02 : f32
    %div3A_124 = vector.broadcast %div3A_123 : f32 to vector<512x1xf32>
    %div3A_125 = arith.divf %broadcast_in_dim3A_122, %div3A_124 : vector<512x1xf32>
    %sub3A_126 = vector.broadcast %div3A_117 : vector<512x1xf32> to vector<512x128xf32>
    %sub3A_127 = arith.subf %add3A_112, %sub3A_126 : vector<512x128xf32>
    %add3A_128 = arith.constant 9.99999974E-6 : f32
    %add3A_129 = vector.broadcast %add3A_128 : f32 to vector<512x1xf32>
    %add3A_130 = arith.addf %div3A_125, %add3A_129 : vector<512x1xf32>
    %sqrt3A = math.sqrt %add3A_130 : vector<512x1xf32>
    %div3A_131 = vector.broadcast %sqrt3A : vector<512x1xf32> to vector<512x128xf32>
    %div3A_132 = arith.divf %sub3A_127, %div3A_131 : vector<512x128xf32>
    %get3A_133 = arith.constant 0 : index
    %get3A_134 = arith.constant 0 : index
    %get3A_135 = vector.load %arg7[%get3A_133, %get3A_134] : memref<128x256xf32, #tpu.memory_space<vmem>>, vector<128x256xf32>
    %dot_general3A_136 = arith.constant dense<0.000000e+00> : vector<512x256xf32>
    %dot_general3A_137 = tpu.matmul %div3A_132, %get3A_135, %dot_general3A_136 {dimension_numbers = #tpu.dot_dimension_numbers<[1], [0], [0], [1], [0, 0, 1, 1], [], []>, transpose_lhs_hint = false} : vector<512x128xf32>, vector<128x256xf32>, vector<512x256xf32> -> vector<512x256xf32>
    %max3A_138 = arith.constant 0.000000e+00 : f32
    %max3A_139 = vector.broadcast %max3A_138 : f32 to vector<512x256xf32>
    %max3A_140 = arith.maximumf %dot_general3A_137, %max3A_139 : vector<512x256xf32>
    %get3A_141 = arith.constant 0 : index
    %get3A_142 = arith.constant 0 : index
    %get3A_143 = vector.load %arg8[%get3A_141, %get3A_142] : memref<256x128xf32, #tpu.memory_space<vmem>>, vector<256x128xf32>
    %dot_general3A_144 = arith.constant dense<0.000000e+00> : vector<512x128xf32>
    %dot_general3A_145 = tpu.matmul %max3A_140, %get3A_143, %dot_general3A_144 {dimension_numbers = #tpu.dot_dimension_numbers<[1], [0], [0], [1], [0, 0, 1, 1], [], []>, transpose_lhs_hint = false} : vector<512x256xf32>, vector<256x128xf32>, vector<512x128xf32> -> vector<512x128xf32>
    %add3A_146 = arith.addf %div3A_132, %dot_general3A_145 : vector<512x128xf32>
    %reduce_sum3A_147 = arith.constant dense<0.000000e+00> : vector<512xf32>
    %reduce_sum3A_148 = vector.multi_reduction <add>, %add3A_146, %reduce_sum3A_147 [1] : vector<512x128xf32> to vector<512xf32>
    %broadcast_in_dim3A_149 = vector.shape_cast %reduce_sum3A_148 : vector<512xf32> to vector<512x1xf32>
    %div3A_150 = arith.constant 1.280000e+02 : f32
    %div3A_151 = vector.broadcast %div3A_150 : f32 to vector<512x1xf32>
    %div3A_152 = arith.divf %broadcast_in_dim3A_149, %div3A_151 : vector<512x1xf32>
    %sub3A_153 = vector.broadcast %div3A_152 : vector<512x1xf32> to vector<512x128xf32>
    %sub3A_154 = arith.subf %add3A_146, %sub3A_153 : vector<512x128xf32>
    %integer_pow3A_155 = arith.mulf %sub3A_154, %sub3A_154 : vector<512x128xf32>
    %reduce_sum3A_156 = arith.constant dense<0.000000e+00> : vector<512xf32>
    %reduce_sum3A_157 = vector.multi_reduction <add>, %integer_pow3A_155, %reduce_sum3A_156 [1] : vector<512x128xf32> to vector<512xf32>
    %broadcast_in_dim3A_158 = vector.shape_cast %reduce_sum3A_157 : vector<512xf32> to vector<512x1xf32>
    %div3A_159 = arith.constant 1.280000e+02 : f32
    %div3A_160 = vector.broadcast %div3A_159 : f32 to vector<512x1xf32>
    %div3A_161 = arith.divf %broadcast_in_dim3A_158, %div3A_160 : vector<512x1xf32>
    %sub3A_162 = vector.broadcast %div3A_152 : vector<512x1xf32> to vector<512x128xf32>
    %sub3A_163 = arith.subf %add3A_146, %sub3A_162 : vector<512x128xf32>
    %add3A_164 = arith.constant 9.99999974E-6 : f32
    %add3A_165 = vector.broadcast %add3A_164 : f32 to vector<512x1xf32>
    %add3A_166 = arith.addf %div3A_161, %add3A_165 : vector<512x1xf32>
    %sqrt3A_167 = math.sqrt %add3A_166 : vector<512x1xf32>
    %div3A_168 = vector.broadcast %sqrt3A_167 : vector<512x1xf32> to vector<512x128xf32>
    %div3A_169 = arith.divf %sub3A_163, %div3A_168 : vector<512x128xf32>
    %get3A_170 = arith.constant 0 : index
    %get3A_171 = arith.constant 0 : index
    %get3A_172 = vector.load %arg9[%get3A_170, %get3A_171] : memref<128x128xf32, #tpu.memory_space<vmem>>, vector<128x128xf32>
    %dot_general3A_173 = arith.constant dense<0.000000e+00> : vector<512x128xf32>
    %dot_general3A_174 = tpu.matmul %div3A_169, %get3A_172, %dot_general3A_173 {dimension_numbers = #tpu.dot_dimension_numbers<[1], [0], [0], [1], [0, 0, 1, 1], [], []>, transpose_lhs_hint = false} : vector<512x128xf32>, vector<128x128xf32>, vector<512x128xf32> -> vector<512x128xf32>
    %swap3A_175 = arith.constant 0 : index
    %swap3A_176 = arith.constant 0 : index
    %swap3A_177 = vector.load %arg11[%swap3A_175, %swap3A_176] : memref<512x128xf32, #tpu.memory_space<vmem>>, vector<512x128xf32>
    tpu.vector_store %arg11[%swap3A_175, %swap3A_176], %dot_general3A_174 {strides = array<i32>} : memref<512x128xf32, #tpu.memory_space<vmem>>, vector<512x128xf32>,
    return
  }
  func.func @transform_0(%arg0: i32) -> (i32, i32) {
    %c0_i32 = arith.constant 0 : i32
    %c0_i32_0 = arith.constant 0 : i32
    return %arg0, %c0_i32 : i32, i32
  }
  func.func @transform_1(%arg0: i32) -> (i32, i32) {
    %c0_i32 = arith.constant 0 : i32
    %c0_i32_0 = arith.constant 0 : i32
    return %arg0, %c0_i32 : i32, i32
  }
  func.func @transform_2(%arg0: i32) -> (i32, i32) {
    %c0_i32 = arith.constant 0 : i32
    %c0_i32_0 = arith.constant 0 : i32
    return %arg0, %c0_i32 : i32, i32
  }
  func.func @transform_3(%arg0: i32) -> (i32, i32) {
    %c0_i32 = arith.constant 0 : i32
    %c0_i32_0 = arith.constant 0 : i32
    %c0_i32_1 = arith.constant 0 : i32
    return %c0_i32, %c0_i32_0 : i32, i32
  }
  func.func @transform_4(%arg0: i32) -> (i32, i32) {
    %c0_i32 = arith.constant 0 : i32
    %c0_i32_0 = arith.constant 0 : i32
    %c0_i32_1 = arith.constant 0 : i32
    return %c0_i32, %c0_i32_0 : i32, i32
  }
  func.func @transform_5(%arg0: i32) -> (i32, i32) {
    %c0_i32 = arith.constant 0 : i32
    %c0_i32_0 = arith.constant 0 : i32
    %c0_i32_1 = arith.constant 0 : i32
    return %c0_i32, %c0_i32_0 : i32, i32
  }
  func.func @transform_6(%arg0: i32) -> (i32, i32) {
    %c0_i32 = arith.constant 0 : i32
    %c0_i32_0 = arith.constant 0 : i32
    %c0_i32_1 = arith.constant 0 : i32
    return %c0_i32, %c0_i32_0 : i32, i32
  }
  func.func @transform_7(%arg0: i32) -> (i32, i32) {
    %c0_i32 = arith.constant 0 : i32
    %c0_i32_0 = arith.constant 0 : i32
    %c0_i32_1 = arith.constant 0 : i32
    return %c0_i32, %c0_i32_0 : i32, i32
  }
  func.func @transform_8(%arg0: i32) -> (i32, i32) {
    %c0_i32 = arith.constant 0 : i32
    %c0_i32_0 = arith.constant 0 : i32
    %c0_i32_1 = arith.constant 0 : i32
    return %c0_i32, %c0_i32_0 : i32, i32
  }
  func.func @transform_9(%arg0: i32) -> (i32, i32) {
    %c0_i32 = arith.constant 0 : i32
    %c0_i32_0 = arith.constant 0 : i32
    return %arg0, %c0_i32 : i32, i32
  }
  func.func @transform_10(%arg0: i32) -> (i32, i32) {
    %c0_i32 = arith.constant 0 : i32
    %c0_i32_0 = arith.constant 0 : i32
    return %arg0, %c0_i32 : i32, i32
  }
}

module attributes {stable_mosaic.version = 14 : i64} {
  func.func @body(%arg0: i32, %arg1: memref<2x512x144xf32, #tpu.memory_space<vmem>>, %arg2: memref<512x128xf32, #tpu.memory_space<vmem>>, %arg3: memref<128x128xf32, #tpu.memory_space<vmem>>, %arg4: memref<128x256xf32, #tpu.memory_space<vmem>>, %arg5: memref<256x128xf32, #tpu.memory_space<vmem>>, %arg6: memref<128x128xf32, #tpu.memory_space<vmem>>, %arg7: memref<128x128xf32, #tpu.memory_space<vmem>>, %arg8: memref<128x128xf32, #tpu.memory_space<vmem>>, %arg9: memref<512x128xf32, #tpu.memory_space<vmem>>, %arg10: memref<512x128xf32, #tpu.memory_space<vmem>>, %arg11: memref<512x128xf32, #tpu.memory_space<vmem>>, %arg12: memref<512x128xf32, #tpu.memory_space<vmem>>) attributes {dimension_semantics = [#tpu.dimension_semantics<arbitrary>], iteration_bounds = array<i64: 20>, scalar_prefetch = 0 : i64, scratch_operands = 0 : i64, tpu.core_type = #tpu.core_type<tc>, window_params = [{transform_indices = @transform_0, window_bounds = array<i64: 2, 512, 144>}, {transform_indices = @transform_1, window_bounds = array<i64: 512, 128>}, {pipeline_mode = #tpu.pipeline_mode<synchronous>, transform_indices = @transform_2, window_bounds = array<i64: 128, 128>}, {pipeline_mode = #tpu.pipeline_mode<synchronous>, transform_indices = @transform_3, window_bounds = array<i64: 128, 256>}, {pipeline_mode = #tpu.pipeline_mode<synchronous>, transform_indices = @transform_4, window_bounds = array<i64: 256, 128>}, {pipeline_mode = #tpu.pipeline_mode<synchronous>, transform_indices = @transform_5, window_bounds = array<i64: 128, 128>}, {pipeline_mode = #tpu.pipeline_mode<synchronous>, transform_indices = @transform_6, window_bounds = array<i64: 128, 128>}, {pipeline_mode = #tpu.pipeline_mode<synchronous>, transform_indices = @transform_7, window_bounds = array<i64: 128, 128>}, {transform_indices = @transform_8, window_bounds = array<i64: 512, 128>}, {transform_indices = @transform_9, window_bounds = array<i64: 512, 128>}, {transform_indices = @transform_10, window_bounds = array<i64: 512, 128>}, {transform_indices = @transform_11, window_bounds = array<i64: 512, 128>}]} {
    %get3A = arith.constant 0 : index
    %get3A_0 = arith.constant 0 : index
    %get3A_1 = arith.constant 0 : index
    %get3A_2 = vector.load %arg1[%get3A, %get3A_0, %get3A_1] : memref<2x512x144xf32, #tpu.memory_space<vmem>>, vector<1x512x144xf32>
    %get3A_3 = vector.shape_cast %get3A_2 : vector<1x512x144xf32> to vector<512x144xf32>
    %get3A_4 = arith.constant 1 : index
    %get3A_5 = arith.constant 0 : index
    %get3A_6 = arith.constant 0 : index
    %get3A_7 = vector.load %arg1[%get3A_4, %get3A_5, %get3A_6] : memref<2x512x144xf32, #tpu.memory_space<vmem>>, vector<1x512x144xf32>
    %get3A_8 = vector.shape_cast %get3A_7 : vector<1x512x144xf32> to vector<512x144xf32>
    %add3A = arith.addf %get3A_3, %get3A_8 : vector<512x144xf32>
    %slice3A = vector.extract_strided_slice %add3A {offsets = [0, 0], sizes = [512, 128], strides = [1, 1]} : vector<512x144xf32> to vector<512x128xf32>
    %slice3A_9 = vector.extract_strided_slice %add3A {offsets = [0, 128], sizes = [512, 8], strides = [1, 1]} : vector<512x144xf32> to vector<512x8xf32>
    %iota3A = tpu.iota {dimensions = array<i32: 1>} : vector<8x128xi32>
    %jit3A = arith.constant 16 : i32
    %div3A = vector.broadcast %jit3A : i32 to vector<8x128xi32>
    %div3A_10 = arith.divsi %iota3A, %div3A : vector<8x128xi32>
    %sign3A = arith.constant 0 : i32
    %sign3A_11 = vector.broadcast %sign3A : i32 to vector<8x128xi32>
    %sign3A_12 = arith.cmpi sgt, %iota3A, %sign3A_11 : vector<8x128xi32>
    %sign3A_13 = arith.extui %sign3A_12 : vector<8x128xi1> to vector<8x128xi32>
    %sign3A_14 = arith.constant 0 : i32
    %sign3A_15 = vector.broadcast %sign3A_14 : i32 to vector<8x128xi32>
    %sign3A_16 = arith.cmpi slt, %iota3A, %sign3A_15 : vector<8x128xi32>
    %sign3A_17 = arith.extui %sign3A_16 : vector<8x128xi1> to vector<8x128xi32>
    %sign3A_18 = arith.subi %sign3A_13, %sign3A_17 : vector<8x128xi32>
    %sign3A_19 = arith.constant 0 : i32
    %sign3A_20 = arith.cmpi sgt, %jit3A, %sign3A_19 : i32
    %sign3A_21 = arith.extui %sign3A_20 : i1 to i32
    %sign3A_22 = arith.constant 0 : i32
    %sign3A_23 = arith.cmpi slt, %jit3A, %sign3A_22 : i32
    %sign3A_24 = arith.extui %sign3A_23 : i1 to i32
    %sign3A_25 = arith.subi %sign3A_21, %sign3A_24 : i32
    %ne3A = vector.broadcast %sign3A_25 : i32 to vector<8x128xi32>
    %ne3A_26 = arith.cmpi ne, %sign3A_18, %ne3A : vector<8x128xi32>
    %rem3A = vector.broadcast %jit3A : i32 to vector<8x128xi32>
    %rem3A_27 = arith.remsi %iota3A, %rem3A : vector<8x128xi32>
    %ne3A_28 = arith.constant 0 : i32
    %ne3A_29 = vector.broadcast %ne3A_28 : i32 to vector<8x128xi32>
    %ne3A_30 = arith.cmpi ne, %rem3A_27, %ne3A_29 : vector<8x128xi32>
    %and3A = arith.andi %ne3A_26, %ne3A_30 : vector<8x128xi1>
    %sub3A = arith.constant 1 : i32
    %sub3A_31 = vector.broadcast %sub3A : i32 to vector<8x128xi32>
    %sub3A_32 = arith.subi %div3A_10, %sub3A_31 : vector<8x128xi32>
    %select_n3A = arith.select %and3A, %sub3A_32, %div3A_10 : vector<8x128xi1>, vector<8x128xi32>
    %iota3A_33 = tpu.iota {dimensions = array<i32: 0>} : vector<8x128xi32>
    %eq3A = arith.cmpi eq, %select_n3A, %iota3A_33 : vector<8x128xi32>
    %convert_element_type3A = arith.extui %eq3A : vector<8x128xi1> to vector<8x128xi32>
    %convert_element_type3A_34 = arith.sitofp %convert_element_type3A : vector<8x128xi32> to vector<8x128xf32>
    %dot_general3A = arith.constant dense<0.000000e+00> : vector<512x128xf32>
    %dot_general3A_35 = tpu.matmul %slice3A_9, %convert_element_type3A_34, %dot_general3A {dimension_numbers = #tpu.dot_dimension_numbers<[1], [0], [0], [1], [0, 0, 1, 1], [], []>, transpose_lhs_hint = false} : vector<512x8xf32>, vector<8x128xf32>, vector<512x128xf32> -> vector<512x128xf32>
    %add3A_36 = arith.constant 9.99999997E-7 : f32
    %add3A_37 = vector.broadcast %add3A_36 : f32 to vector<512x128xf32>
    %add3A_38 = arith.addf %dot_general3A_35, %add3A_37 : vector<512x128xf32>
    %div3A_39 = arith.divf %slice3A, %add3A_38 : vector<512x128xf32>
    %get3A_40 = arith.constant 0 : index
    %get3A_41 = arith.constant 0 : index
    %get3A_42 = vector.load %arg2[%get3A_40, %get3A_41] : memref<512x128xf32, #tpu.memory_space<vmem>>, vector<512x128xf32>
    %get3A_43 = arith.constant 0 : index
    %get3A_44 = arith.constant 0 : index
    %get3A_45 = vector.load %arg3[%get3A_43, %get3A_44] : memref<128x128xf32, #tpu.memory_space<vmem>>, vector<128x128xf32>
    %dot_general3A_46 = arith.constant dense<0.000000e+00> : vector<512x128xf32>
    %dot_general3A_47 = tpu.matmul %div3A_39, %get3A_45, %dot_general3A_46 {dimension_numbers = #tpu.dot_dimension_numbers<[1], [0], [0], [1], [0, 0, 1, 1], [], []>, transpose_lhs_hint = false} : vector<512x128xf32>, vector<128x128xf32>, vector<512x128xf32> -> vector<512x128xf32>
    %add3A_48 = arith.addf %get3A_42, %dot_general3A_47 : vector<512x128xf32>
    %reduce_sum3A = arith.constant dense<0.000000e+00> : vector<512xf32>
    %reduce_sum3A_49 = vector.multi_reduction <add>, %add3A_48, %reduce_sum3A [1] : vector<512x128xf32> to vector<512xf32>
    %broadcast_in_dim3A = vector.shape_cast %reduce_sum3A_49 : vector<512xf32> to vector<512x1xf32>
    %div3A_50 = arith.constant 1.280000e+02 : f32
    %div3A_51 = vector.broadcast %div3A_50 : f32 to vector<512x1xf32>
    %div3A_52 = arith.divf %broadcast_in_dim3A, %div3A_51 : vector<512x1xf32>
    %sub3A_53 = vector.broadcast %div3A_52 : vector<512x1xf32> to vector<512x128xf32>
    %sub3A_54 = arith.subf %add3A_48, %sub3A_53 : vector<512x128xf32>
    %integer_pow3A = arith.mulf %sub3A_54, %sub3A_54 : vector<512x128xf32>
    %reduce_sum3A_55 = arith.constant dense<0.000000e+00> : vector<512xf32>
    %reduce_sum3A_56 = vector.multi_reduction <add>, %integer_pow3A, %reduce_sum3A_55 [1] : vector<512x128xf32> to vector<512xf32>
    %broadcast_in_dim3A_57 = vector.shape_cast %reduce_sum3A_56 : vector<512xf32> to vector<512x1xf32>
    %div3A_58 = arith.constant 1.280000e+02 : f32
    %div3A_59 = vector.broadcast %div3A_58 : f32 to vector<512x1xf32>
    %div3A_60 = arith.divf %broadcast_in_dim3A_57, %div3A_59 : vector<512x1xf32>
    %sub3A_61 = vector.broadcast %div3A_52 : vector<512x1xf32> to vector<512x128xf32>
    %sub3A_62 = arith.subf %add3A_48, %sub3A_61 : vector<512x128xf32>
    %add3A_63 = arith.constant 9.99999974E-6 : f32
    %add3A_64 = vector.broadcast %add3A_63 : f32 to vector<512x1xf32>
    %add3A_65 = arith.addf %div3A_60, %add3A_64 : vector<512x1xf32>
    %sqrt3A = math.sqrt %add3A_65 : vector<512x1xf32>
    %div3A_66 = vector.broadcast %sqrt3A : vector<512x1xf32> to vector<512x128xf32>
    %div3A_67 = arith.divf %sub3A_62, %div3A_66 : vector<512x128xf32>
    %get3A_68 = arith.constant 0 : index
    %get3A_69 = arith.constant 0 : index
    %get3A_70 = vector.load %arg4[%get3A_68, %get3A_69] : memref<128x256xf32, #tpu.memory_space<vmem>>, vector<128x256xf32>
    %dot_general3A_71 = arith.constant dense<0.000000e+00> : vector<512x256xf32>
    %dot_general3A_72 = tpu.matmul %div3A_67, %get3A_70, %dot_general3A_71 {dimension_numbers = #tpu.dot_dimension_numbers<[1], [0], [0], [1], [0, 0, 1, 1], [], []>, transpose_lhs_hint = false} : vector<512x128xf32>, vector<128x256xf32>, vector<512x256xf32> -> vector<512x256xf32>
    %max3A = arith.constant 0.000000e+00 : f32
    %max3A_73 = vector.broadcast %max3A : f32 to vector<512x256xf32>
    %max3A_74 = arith.maximumf %dot_general3A_72, %max3A_73 : vector<512x256xf32>
    %get3A_75 = arith.constant 0 : index
    %get3A_76 = arith.constant 0 : index
    %get3A_77 = vector.load %arg5[%get3A_75, %get3A_76] : memref<256x128xf32, #tpu.memory_space<vmem>>, vector<256x128xf32>
    %dot_general3A_78 = arith.constant dense<0.000000e+00> : vector<512x128xf32>
    %dot_general3A_79 = tpu.matmul %max3A_74, %get3A_77, %dot_general3A_78 {dimension_numbers = #tpu.dot_dimension_numbers<[1], [0], [0], [1], [0, 0, 1, 1], [], []>, transpose_lhs_hint = false} : vector<512x256xf32>, vector<256x128xf32>, vector<512x128xf32> -> vector<512x128xf32>
    %add3A_80 = arith.addf %div3A_67, %dot_general3A_79 : vector<512x128xf32>
    %reduce_sum3A_81 = arith.constant dense<0.000000e+00> : vector<512xf32>
    %reduce_sum3A_82 = vector.multi_reduction <add>, %add3A_80, %reduce_sum3A_81 [1] : vector<512x128xf32> to vector<512xf32>
    %broadcast_in_dim3A_83 = vector.shape_cast %reduce_sum3A_82 : vector<512xf32> to vector<512x1xf32>
    %div3A_84 = arith.constant 1.280000e+02 : f32
    %div3A_85 = vector.broadcast %div3A_84 : f32 to vector<512x1xf32>
    %div3A_86 = arith.divf %broadcast_in_dim3A_83, %div3A_85 : vector<512x1xf32>
    %sub3A_87 = vector.broadcast %div3A_86 : vector<512x1xf32> to vector<512x128xf32>
    %sub3A_88 = arith.subf %add3A_80, %sub3A_87 : vector<512x128xf32>
    %integer_pow3A_89 = arith.mulf %sub3A_88, %sub3A_88 : vector<512x128xf32>
    %reduce_sum3A_90 = arith.constant dense<0.000000e+00> : vector<512xf32>
    %reduce_sum3A_91 = vector.multi_reduction <add>, %integer_pow3A_89, %reduce_sum3A_90 [1] : vector<512x128xf32> to vector<512xf32>
    %broadcast_in_dim3A_92 = vector.shape_cast %reduce_sum3A_91 : vector<512xf32> to vector<512x1xf32>
    %div3A_93 = arith.constant 1.280000e+02 : f32
    %div3A_94 = vector.broadcast %div3A_93 : f32 to vector<512x1xf32>
    %div3A_95 = arith.divf %broadcast_in_dim3A_92, %div3A_94 : vector<512x1xf32>
    %sub3A_96 = vector.broadcast %div3A_86 : vector<512x1xf32> to vector<512x128xf32>
    %sub3A_97 = arith.subf %add3A_80, %sub3A_96 : vector<512x128xf32>
    %add3A_98 = arith.constant 9.99999974E-6 : f32
    %add3A_99 = vector.broadcast %add3A_98 : f32 to vector<512x1xf32>
    %add3A_100 = arith.addf %div3A_95, %add3A_99 : vector<512x1xf32>
    %sqrt3A_101 = math.sqrt %add3A_100 : vector<512x1xf32>
    %div3A_102 = vector.broadcast %sqrt3A_101 : vector<512x1xf32> to vector<512x128xf32>
    %div3A_103 = arith.divf %sub3A_97, %div3A_102 : vector<512x128xf32>
    %swap3A = arith.constant 0 : index
    %swap3A_104 = arith.constant 0 : index
    %swap3A_105 = vector.load %arg9[%swap3A, %swap3A_104] : memref<512x128xf32, #tpu.memory_space<vmem>>, vector<512x128xf32>
    tpu.vector_store %arg9[%swap3A, %swap3A_104], %div3A_103 {strides = array<i32>} : memref<512x128xf32, #tpu.memory_space<vmem>>, vector<512x128xf32>,
    %get3A_106 = arith.constant 0 : index
    %get3A_107 = arith.constant 0 : index
    %get3A_108 = vector.load %arg6[%get3A_106, %get3A_107] : memref<128x128xf32, #tpu.memory_space<vmem>>, vector<128x128xf32>
    %dot_general3A_109 = arith.constant dense<0.000000e+00> : vector<512x128xf32>
    %dot_general3A_110 = tpu.matmul %div3A_103, %get3A_108, %dot_general3A_109 {dimension_numbers = #tpu.dot_dimension_numbers<[1], [0], [0], [1], [0, 0, 1, 1], [], []>, transpose_lhs_hint = false} : vector<512x128xf32>, vector<128x128xf32>, vector<512x128xf32> -> vector<512x128xf32>
    %mul3A = arith.constant 2.500000e-01 : f32
    %mul3A_111 = vector.broadcast %mul3A : f32 to vector<512x128xf32>
    %mul3A_112 = arith.mulf %dot_general3A_110, %mul3A_111 : vector<512x128xf32>
    %swap3A_113 = arith.constant 0 : index
    %swap3A_114 = arith.constant 0 : index
    %swap3A_115 = vector.load %arg10[%swap3A_113, %swap3A_114] : memref<512x128xf32, #tpu.memory_space<vmem>>, vector<512x128xf32>
    tpu.vector_store %arg10[%swap3A_113, %swap3A_114], %mul3A_112 {strides = array<i32>} : memref<512x128xf32, #tpu.memory_space<vmem>>, vector<512x128xf32>,
    %get3A_116 = arith.constant 0 : index
    %get3A_117 = arith.constant 0 : index
    %get3A_118 = vector.load %arg7[%get3A_116, %get3A_117] : memref<128x128xf32, #tpu.memory_space<vmem>>, vector<128x128xf32>
    %dot_general3A_119 = arith.constant dense<0.000000e+00> : vector<512x128xf32>
    %dot_general3A_120 = tpu.matmul %div3A_103, %get3A_118, %dot_general3A_119 {dimension_numbers = #tpu.dot_dimension_numbers<[1], [0], [0], [1], [0, 0, 1, 1], [], []>, transpose_lhs_hint = false} : vector<512x128xf32>, vector<128x128xf32>, vector<512x128xf32> -> vector<512x128xf32>
    %swap3A_121 = arith.constant 0 : index
    %swap3A_122 = arith.constant 0 : index
    %swap3A_123 = vector.load %arg11[%swap3A_121, %swap3A_122] : memref<512x128xf32, #tpu.memory_space<vmem>>, vector<512x128xf32>
    tpu.vector_store %arg11[%swap3A_121, %swap3A_122], %dot_general3A_120 {strides = array<i32>} : memref<512x128xf32, #tpu.memory_space<vmem>>, vector<512x128xf32>,
    %get3A_124 = arith.constant 0 : index
    %get3A_125 = arith.constant 0 : index
    %get3A_126 = vector.load %arg8[%get3A_124, %get3A_125] : memref<128x128xf32, #tpu.memory_space<vmem>>, vector<128x128xf32>
    %dot_general3A_127 = arith.constant dense<0.000000e+00> : vector<512x128xf32>
    %dot_general3A_128 = tpu.matmul %div3A_103, %get3A_126, %dot_general3A_127 {dimension_numbers = #tpu.dot_dimension_numbers<[1], [0], [0], [1], [0, 0, 1, 1], [], []>, transpose_lhs_hint = false} : vector<512x128xf32>, vector<128x128xf32>, vector<512x128xf32> -> vector<512x128xf32>
    %swap3A_129 = arith.constant 0 : index
    %swap3A_130 = arith.constant 0 : index
    %swap3A_131 = vector.load %arg12[%swap3A_129, %swap3A_130] : memref<512x128xf32, #tpu.memory_space<vmem>>, vector<512x128xf32>
    tpu.vector_store %arg12[%swap3A_129, %swap3A_130], %dot_general3A_128 {strides = array<i32>} : memref<512x128xf32, #tpu.memory_space<vmem>>, vector<512x128xf32>,
    return
  }
  func.func @transform_0(%arg0: i32) -> (i32, i32, i32) {
    %c0_i32 = arith.constant 0 : i32
    %c0_i32_0 = arith.constant 0 : i32
    %c0_i32_1 = arith.constant 0 : i32
    return %c0_i32, %arg0, %c0_i32_0 : i32, i32, i32
  }
  func.func @transform_1(%arg0: i32) -> (i32, i32) {
    %c0_i32 = arith.constant 0 : i32
    %c0_i32_0 = arith.constant 0 : i32
    return %arg0, %c0_i32 : i32, i32
  }
  func.func @transform_2(%arg0: i32) -> (i32, i32) {
    %c0_i32 = arith.constant 0 : i32
    %c0_i32_0 = arith.constant 0 : i32
    %c0_i32_1 = arith.constant 0 : i32
    return %c0_i32, %c0_i32_0 : i32, i32
  }
  func.func @transform_3(%arg0: i32) -> (i32, i32) {
    %c0_i32 = arith.constant 0 : i32
    %c0_i32_0 = arith.constant 0 : i32
    %c0_i32_1 = arith.constant 0 : i32
    return %c0_i32, %c0_i32_0 : i32, i32
  }
  func.func @transform_4(%arg0: i32) -> (i32, i32) {
    %c0_i32 = arith.constant 0 : i32
    %c0_i32_0 = arith.constant 0 : i32
    %c0_i32_1 = arith.constant 0 : i32
    return %c0_i32, %c0_i32_0 : i32, i32
  }
  func.func @transform_5(%arg0: i32) -> (i32, i32) {
    %c0_i32 = arith.constant 0 : i32
    %c0_i32_0 = arith.constant 0 : i32
    %c0_i32_1 = arith.constant 0 : i32
    return %c0_i32, %c0_i32_0 : i32, i32
  }
  func.func @transform_6(%arg0: i32) -> (i32, i32) {
    %c0_i32 = arith.constant 0 : i32
    %c0_i32_0 = arith.constant 0 : i32
    %c0_i32_1 = arith.constant 0 : i32
    return %c0_i32, %c0_i32_0 : i32, i32
  }
  func.func @transform_7(%arg0: i32) -> (i32, i32) {
    %c0_i32 = arith.constant 0 : i32
    %c0_i32_0 = arith.constant 0 : i32
    %c0_i32_1 = arith.constant 0 : i32
    return %c0_i32, %c0_i32_0 : i32, i32
  }
  func.func @transform_8(%arg0: i32) -> (i32, i32) {
    %c0_i32 = arith.constant 0 : i32
    %c0_i32_0 = arith.constant 0 : i32
    return %arg0, %c0_i32 : i32, i32
  }
  func.func @transform_9(%arg0: i32) -> (i32, i32) {
    %c0_i32 = arith.constant 0 : i32
    %c0_i32_0 = arith.constant 0 : i32
    return %arg0, %c0_i32 : i32, i32
  }
  func.func @transform_10(%arg0: i32) -> (i32, i32) {
    %c0_i32 = arith.constant 0 : i32
    %c0_i32_0 = arith.constant 0 : i32
    return %arg0, %c0_i32 : i32, i32
  }
  func.func @transform_11(%arg0: i32) -> (i32, i32) {
    %c0_i32 = arith.constant 0 : i32
    %c0_i32_0 = arith.constant 0 : i32
    return %arg0, %c0_i32 : i32, i32
  }
}

module attributes {stable_mosaic.version = 14 : i64} {
  func.func @body(%arg0: i32, %arg1: memref<512x128xf32, #tpu.memory_space<vmem>>, %arg2: memref<512x128xf32, #tpu.memory_space<vmem>>, %arg3: memref<512x128xf32, #tpu.memory_space<vmem>>, %arg4: memref<512x144xf32, #tpu.memory_space<vmem>>) attributes {dimension_semantics = [#tpu.dimension_semantics<arbitrary>], iteration_bounds = array<i64: 320>, scalar_prefetch = 0 : i64, scratch_operands = 0 : i64, tpu.core_type = #tpu.core_type<tc>, window_params = [{transform_indices = @transform_0, window_bounds = array<i64: 512, 128>}, {transform_indices = @transform_1, window_bounds = array<i64: 512, 128>}, {transform_indices = @transform_2, window_bounds = array<i64: 512, 128>}, {transform_indices = @transform_3, window_bounds = array<i64: 512, 144>}]} {
    %get3A = arith.constant 0 : index
    %get3A_0 = arith.constant 0 : index
    %get3A_1 = vector.load %arg1[%get3A, %get3A_0] : memref<512x128xf32, #tpu.memory_space<vmem>>, vector<512x128xf32>
    %get3A_2 = arith.constant 0 : index
    %get3A_3 = arith.constant 0 : index
    %get3A_4 = vector.load %arg3[%get3A_2, %get3A_3] : memref<512x128xf32, #tpu.memory_space<vmem>>, vector<512x128xf32>
    %mul3A = arith.mulf %get3A_1, %get3A_4 : vector<512x128xf32>
    %iota3A = tpu.iota {dimensions = array<i32: 0>} : vector<128x8xi32>
    %jit3A = arith.constant 16 : i32
    %div3A = vector.broadcast %jit3A : i32 to vector<128x8xi32>
    %div3A_5 = arith.divsi %iota3A, %div3A : vector<128x8xi32>
    %sign3A = arith.constant 0 : i32
    %sign3A_6 = vector.broadcast %sign3A : i32 to vector<128x8xi32>
    %sign3A_7 = arith.cmpi sgt, %iota3A, %sign3A_6 : vector<128x8xi32>
    %sign3A_8 = arith.extui %sign3A_7 : vector<128x8xi1> to vector<128x8xi32>
    %sign3A_9 = arith.constant 0 : i32
    %sign3A_10 = vector.broadcast %sign3A_9 : i32 to vector<128x8xi32>
    %sign3A_11 = arith.cmpi slt, %iota3A, %sign3A_10 : vector<128x8xi32>
    %sign3A_12 = arith.extui %sign3A_11 : vector<128x8xi1> to vector<128x8xi32>
    %sign3A_13 = arith.subi %sign3A_8, %sign3A_12 : vector<128x8xi32>
    %sign3A_14 = arith.constant 0 : i32
    %sign3A_15 = arith.cmpi sgt, %jit3A, %sign3A_14 : i32
    %sign3A_16 = arith.extui %sign3A_15 : i1 to i32
    %sign3A_17 = arith.constant 0 : i32
    %sign3A_18 = arith.cmpi slt, %jit3A, %sign3A_17 : i32
    %sign3A_19 = arith.extui %sign3A_18 : i1 to i32
    %sign3A_20 = arith.subi %sign3A_16, %sign3A_19 : i32
    %ne3A = vector.broadcast %sign3A_20 : i32 to vector<128x8xi32>
    %ne3A_21 = arith.cmpi ne, %sign3A_13, %ne3A : vector<128x8xi32>
    %rem3A = vector.broadcast %jit3A : i32 to vector<128x8xi32>
    %rem3A_22 = arith.remsi %iota3A, %rem3A : vector<128x8xi32>
    %ne3A_23 = arith.constant 0 : i32
    %ne3A_24 = vector.broadcast %ne3A_23 : i32 to vector<128x8xi32>
    %ne3A_25 = arith.cmpi ne, %rem3A_22, %ne3A_24 : vector<128x8xi32>
    %and3A = arith.andi %ne3A_21, %ne3A_25 : vector<128x8xi1>
    %sub3A = arith.constant 1 : i32
    %sub3A_26 = vector.broadcast %sub3A : i32 to vector<128x8xi32>
    %sub3A_27 = arith.subi %div3A_5, %sub3A_26 : vector<128x8xi32>
    %select_n3A = arith.select %and3A, %sub3A_27, %div3A_5 : vector<128x8xi1>, vector<128x8xi32>
    %iota3A_28 = tpu.iota {dimensions = array<i32: 1>} : vector<128x8xi32>
    %eq3A = arith.cmpi eq, %select_n3A, %iota3A_28 : vector<128x8xi32>
    %convert_element_type3A = arith.extui %eq3A : vector<128x8xi1> to vector<128x8xi32>
    %convert_element_type3A_29 = arith.sitofp %convert_element_type3A : vector<128x8xi32> to vector<128x8xf32>
    %dot_general3A = arith.constant dense<0.000000e+00> : vector<512x8xf32>
    %dot_general3A_30 = tpu.matmul %mul3A, %convert_element_type3A_29, %dot_general3A {dimension_numbers = #tpu.dot_dimension_numbers<[1], [0], [0], [1], [0, 0, 1, 1], [], []>, transpose_lhs_hint = false} : vector<512x128xf32>, vector<128x8xf32>, vector<512x8xf32> -> vector<512x8xf32>
    %iota3A_31 = tpu.iota {dimensions = array<i32: 0>} : vector<512x1xi32>
    %mul3A_32 = arith.constant 512 : i32
    %mul3A_33 = arith.muli %arg0, %mul3A_32 : i32
    %add3A = vector.broadcast %mul3A_33 : i32 to vector<512x1xi32>
    %add3A_34 = arith.addi %iota3A_31, %add3A : vector<512x1xi32>
    %lt3A = arith.constant 160000 : i32
    %lt3A_35 = vector.broadcast %lt3A : i32 to vector<512x1xi32>
    %lt3A_36 = arith.cmpi slt, %add3A_34, %lt3A_35 : vector<512x1xi32>
    %convert_element_type3A_37 = arith.extui %lt3A_36 : vector<512x1xi1> to vector<512x1xi32>
    %convert_element_type3A_38 = arith.sitofp %convert_element_type3A_37 : vector<512x1xi32> to vector<512x1xf32>
    %jit3A_39 = arith.constant -5.000000e+00 : f32
    %jit3A_40 = arith.constant 5.000000e+00 : f32
    %max3A = vector.broadcast %jit3A_39 : f32 to vector<512x8xf32>
    %max3A_41 = arith.maximumf %max3A, %dot_general3A_30 : vector<512x8xf32>
    %min3A = vector.broadcast %jit3A_40 : f32 to vector<512x8xf32>
    %min3A_42 = arith.minimumf %min3A, %max3A_41 : vector<512x8xf32>
    %exp3A = math.exp %min3A_42 : vector<512x8xf32>
    %mul3A_43 = vector.broadcast %convert_element_type3A_38 : vector<512x1xf32> to vector<512x8xf32>
    %mul3A_44 = arith.mulf %exp3A, %mul3A_43 : vector<512x8xf32>
    %iota3A_45 = tpu.iota {dimensions = array<i32: 1>} : vector<8x128xi32>
    %jit3A_46 = arith.constant 16 : i32
    %div3A_47 = vector.broadcast %jit3A_46 : i32 to vector<8x128xi32>
    %div3A_48 = arith.divsi %iota3A_45, %div3A_47 : vector<8x128xi32>
    %sign3A_49 = arith.constant 0 : i32
    %sign3A_50 = vector.broadcast %sign3A_49 : i32 to vector<8x128xi32>
    %sign3A_51 = arith.cmpi sgt, %iota3A_45, %sign3A_50 : vector<8x128xi32>
    %sign3A_52 = arith.extui %sign3A_51 : vector<8x128xi1> to vector<8x128xi32>
    %sign3A_53 = arith.constant 0 : i32
    %sign3A_54 = vector.broadcast %sign3A_53 : i32 to vector<8x128xi32>
    %sign3A_55 = arith.cmpi slt, %iota3A_45, %sign3A_54 : vector<8x128xi32>
    %sign3A_56 = arith.extui %sign3A_55 : vector<8x128xi1> to vector<8x128xi32>
    %sign3A_57 = arith.subi %sign3A_52, %sign3A_56 : vector<8x128xi32>
    %sign3A_58 = arith.constant 0 : i32
    %sign3A_59 = arith.cmpi sgt, %jit3A_46, %sign3A_58 : i32
    %sign3A_60 = arith.extui %sign3A_59 : i1 to i32
    %sign3A_61 = arith.constant 0 : i32
    %sign3A_62 = arith.cmpi slt, %jit3A_46, %sign3A_61 : i32
    %sign3A_63 = arith.extui %sign3A_62 : i1 to i32
    %sign3A_64 = arith.subi %sign3A_60, %sign3A_63 : i32
    %ne3A_65 = vector.broadcast %sign3A_64 : i32 to vector<8x128xi32>
    %ne3A_66 = arith.cmpi ne, %sign3A_57, %ne3A_65 : vector<8x128xi32>
    %rem3A_67 = vector.broadcast %jit3A_46 : i32 to vector<8x128xi32>
    %rem3A_68 = arith.remsi %iota3A_45, %rem3A_67 : vector<8x128xi32>
    %ne3A_69 = arith.constant 0 : i32
    %ne3A_70 = vector.broadcast %ne3A_69 : i32 to vector<8x128xi32>
    %ne3A_71 = arith.cmpi ne, %rem3A_68, %ne3A_70 : vector<8x128xi32>
    %and3A_72 = arith.andi %ne3A_66, %ne3A_71 : vector<8x128xi1>
    %sub3A_73 = arith.constant 1 : i32
    %sub3A_74 = vector.broadcast %sub3A_73 : i32 to vector<8x128xi32>
    %sub3A_75 = arith.subi %div3A_48, %sub3A_74 : vector<8x128xi32>
    %select_n3A_76 = arith.select %and3A_72, %sub3A_75, %div3A_48 : vector<8x128xi1>, vector<8x128xi32>
    %iota3A_77 = tpu.iota {dimensions = array<i32: 0>} : vector<8x128xi32>
    %eq3A_78 = arith.cmpi eq, %select_n3A_76, %iota3A_77 : vector<8x128xi32>
    %convert_element_type3A_79 = arith.extui %eq3A_78 : vector<8x128xi1> to vector<8x128xi32>
    %convert_element_type3A_80 = arith.sitofp %convert_element_type3A_79 : vector<8x128xi32> to vector<8x128xf32>
    %dot_general3A_81 = arith.constant dense<0.000000e+00> : vector<512x128xf32>
    %dot_general3A_82 = tpu.matmul %mul3A_44, %convert_element_type3A_80, %dot_general3A_81 {dimension_numbers = #tpu.dot_dimension_numbers<[1], [0], [0], [1], [0, 0, 1, 1], [], []>, transpose_lhs_hint = false} : vector<512x8xf32>, vector<8x128xf32>, vector<512x128xf32> -> vector<512x128xf32>
    %get3A_83 = arith.constant 0 : index
    %get3A_84 = arith.constant 0 : index
    %get3A_85 = vector.load %arg2[%get3A_83, %get3A_84] : memref<512x128xf32, #tpu.memory_space<vmem>>, vector<512x128xf32>
    %mul3A_86 = arith.mulf %get3A_85, %dot_general3A_82 : vector<512x128xf32>
    %broadcast_in_dim3A = arith.constant 0.000000e+00 : f32
    %broadcast_in_dim3A_87 = vector.broadcast %broadcast_in_dim3A : f32 to vector<512x8xf32>
    %concatenate3A = tpu.concatenate %mul3A_86, %mul3A_44, %broadcast_in_dim3A_87 in 1 : vector<512x128xf32>, vector<512x8xf32>, vector<512x8xf32> -> vector<512x144xf32>
    %swap3A = arith.constant 0 : index
    %swap3A_88 = arith.constant 0 : index
    %swap3A_89 = vector.load %arg4[%swap3A, %swap3A_88] : memref<512x144xf32, #tpu.memory_space<vmem>>, vector<512x144xf32>
    tpu.vector_store %arg4[%swap3A, %swap3A_88], %concatenate3A {strides = array<i32>} : memref<512x144xf32, #tpu.memory_space<vmem>>, vector<512x144xf32>,
    return
  }
  func.func @transform_0(%arg0: i32) -> (i32, i32) {
    %c0_i32 = arith.constant 0 : i32
    %c0_i32_0 = arith.constant 0 : i32
    return %arg0, %c0_i32 : i32, i32
  }
  func.func @transform_1(%arg0: i32) -> (i32, i32) {
    %c0_i32 = arith.constant 0 : i32
    %c0_i32_0 = arith.constant 0 : i32
    return %arg0, %c0_i32 : i32, i32
  }
  func.func @transform_2(%arg0: i32) -> (i32, i32) {
    %c0_i32 = arith.constant 0 : i32
    %c0_i32_0 = arith.constant 0 : i32
    return %arg0, %c0_i32 : i32, i32
  }
  func.func @transform_3(%arg0: i32) -> (i32, i32) {
    %c0_i32 = arith.constant 0 : i32
    %c0_i32_0 = arith.constant 0 : i32
    return %arg0, %c0_i32 : i32, i32
  }
}

module attributes {stable_mosaic.version = 14 : i64} {
  func.func @body(%arg0: i32, %arg1: memref<2x512x144xf32, #tpu.memory_space<vmem>>, %arg2: memref<512x128xf32, #tpu.memory_space<vmem>>, %arg3: memref<128x128xf32, #tpu.memory_space<vmem>>, %arg4: memref<128x256xf32, #tpu.memory_space<vmem>>, %arg5: memref<256x128xf32, #tpu.memory_space<vmem>>, %arg6: memref<128x1xf32, #tpu.memory_space<vmem>>, %arg7: memref<1x1xf32, #tpu.memory_space<vmem>>, %arg8: memref<512x1xf32, #tpu.memory_space<vmem>>) attributes {dimension_semantics = [#tpu.dimension_semantics<arbitrary>], iteration_bounds = array<i64: 20>, scalar_prefetch = 0 : i64, scratch_operands = 0 : i64, tpu.core_type = #tpu.core_type<tc>, window_params = [{transform_indices = @transform_0, window_bounds = array<i64: 2, 512, 144>}, {transform_indices = @transform_1, window_bounds = array<i64: 512, 128>}, {pipeline_mode = #tpu.pipeline_mode<synchronous>, transform_indices = @transform_2, window_bounds = array<i64: 128, 128>}, {pipeline_mode = #tpu.pipeline_mode<synchronous>, transform_indices = @transform_3, window_bounds = array<i64: 128, 256>}, {pipeline_mode = #tpu.pipeline_mode<synchronous>, transform_indices = @transform_4, window_bounds = array<i64: 256, 128>}, {pipeline_mode = #tpu.pipeline_mode<synchronous>, transform_indices = @transform_5, window_bounds = array<i64: 128, 1>}, {pipeline_mode = #tpu.pipeline_mode<synchronous>, transform_indices = @transform_6, window_bounds = array<i64: 1, 1>}, {transform_indices = @transform_7, window_bounds = array<i64: 512, 1>}]} {
    %get3A = arith.constant 0 : index
    %get3A_0 = arith.constant 0 : index
    %get3A_1 = arith.constant 0 : index
    %get3A_2 = vector.load %arg1[%get3A, %get3A_0, %get3A_1] : memref<2x512x144xf32, #tpu.memory_space<vmem>>, vector<1x512x144xf32>
    %get3A_3 = vector.shape_cast %get3A_2 : vector<1x512x144xf32> to vector<512x144xf32>
    %get3A_4 = arith.constant 1 : index
    %get3A_5 = arith.constant 0 : index
    %get3A_6 = arith.constant 0 : index
    %get3A_7 = vector.load %arg1[%get3A_4, %get3A_5, %get3A_6] : memref<2x512x144xf32, #tpu.memory_space<vmem>>, vector<1x512x144xf32>
    %get3A_8 = vector.shape_cast %get3A_7 : vector<1x512x144xf32> to vector<512x144xf32>
    %add3A = arith.addf %get3A_3, %get3A_8 : vector<512x144xf32>
    %slice3A = vector.extract_strided_slice %add3A {offsets = [0, 0], sizes = [512, 128], strides = [1, 1]} : vector<512x144xf32> to vector<512x128xf32>
    %slice3A_9 = vector.extract_strided_slice %add3A {offsets = [0, 128], sizes = [512, 8], strides = [1, 1]} : vector<512x144xf32> to vector<512x8xf32>
    %iota3A = tpu.iota {dimensions = array<i32: 1>} : vector<8x128xi32>
    %jit3A = arith.constant 16 : i32
    %div3A = vector.broadcast %jit3A : i32 to vector<8x128xi32>
    %div3A_10 = arith.divsi %iota3A, %div3A : vector<8x128xi32>
    %sign3A = arith.constant 0 : i32
    %sign3A_11 = vector.broadcast %sign3A : i32 to vector<8x128xi32>
    %sign3A_12 = arith.cmpi sgt, %iota3A, %sign3A_11 : vector<8x128xi32>
    %sign3A_13 = arith.extui %sign3A_12 : vector<8x128xi1> to vector<8x128xi32>
    %sign3A_14 = arith.constant 0 : i32
    %sign3A_15 = vector.broadcast %sign3A_14 : i32 to vector<8x128xi32>
    %sign3A_16 = arith.cmpi slt, %iota3A, %sign3A_15 : vector<8x128xi32>
    %sign3A_17 = arith.extui %sign3A_16 : vector<8x128xi1> to vector<8x128xi32>
    %sign3A_18 = arith.subi %sign3A_13, %sign3A_17 : vector<8x128xi32>
    %sign3A_19 = arith.constant 0 : i32
    %sign3A_20 = arith.cmpi sgt, %jit3A, %sign3A_19 : i32
    %sign3A_21 = arith.extui %sign3A_20 : i1 to i32
    %sign3A_22 = arith.constant 0 : i32
    %sign3A_23 = arith.cmpi slt, %jit3A, %sign3A_22 : i32
    %sign3A_24 = arith.extui %sign3A_23 : i1 to i32
    %sign3A_25 = arith.subi %sign3A_21, %sign3A_24 : i32
    %ne3A = vector.broadcast %sign3A_25 : i32 to vector<8x128xi32>
    %ne3A_26 = arith.cmpi ne, %sign3A_18, %ne3A : vector<8x128xi32>
    %rem3A = vector.broadcast %jit3A : i32 to vector<8x128xi32>
    %rem3A_27 = arith.remsi %iota3A, %rem3A : vector<8x128xi32>
    %ne3A_28 = arith.constant 0 : i32
    %ne3A_29 = vector.broadcast %ne3A_28 : i32 to vector<8x128xi32>
    %ne3A_30 = arith.cmpi ne, %rem3A_27, %ne3A_29 : vector<8x128xi32>
    %and3A = arith.andi %ne3A_26, %ne3A_30 : vector<8x128xi1>
    %sub3A = arith.constant 1 : i32
    %sub3A_31 = vector.broadcast %sub3A : i32 to vector<8x128xi32>
    %sub3A_32 = arith.subi %div3A_10, %sub3A_31 : vector<8x128xi32>
    %select_n3A = arith.select %and3A, %sub3A_32, %div3A_10 : vector<8x128xi1>, vector<8x128xi32>
    %iota3A_33 = tpu.iota {dimensions = array<i32: 0>} : vector<8x128xi32>
    %eq3A = arith.cmpi eq, %select_n3A, %iota3A_33 : vector<8x128xi32>
    %convert_element_type3A = arith.extui %eq3A : vector<8x128xi1> to vector<8x128xi32>
    %convert_element_type3A_34 = arith.sitofp %convert_element_type3A : vector<8x128xi32> to vector<8x128xf32>
    %dot_general3A = arith.constant dense<0.000000e+00> : vector<512x128xf32>
    %dot_general3A_35 = tpu.matmul %slice3A_9, %convert_element_type3A_34, %dot_general3A {dimension_numbers = #tpu.dot_dimension_numbers<[1], [0], [0], [1], [0, 0, 1, 1], [], []>, transpose_lhs_hint = false} : vector<512x8xf32>, vector<8x128xf32>, vector<512x128xf32> -> vector<512x128xf32>
    %add3A_36 = arith.constant 9.99999997E-7 : f32
    %add3A_37 = vector.broadcast %add3A_36 : f32 to vector<512x128xf32>
    %add3A_38 = arith.addf %dot_general3A_35, %add3A_37 : vector<512x128xf32>
    %div3A_39 = arith.divf %slice3A, %add3A_38 : vector<512x128xf32>
    %get3A_40 = arith.constant 0 : index
    %get3A_41 = arith.constant 0 : index
    %get3A_42 = vector.load %arg2[%get3A_40, %get3A_41] : memref<512x128xf32, #tpu.memory_space<vmem>>, vector<512x128xf32>
    %get3A_43 = arith.constant 0 : index
    %get3A_44 = arith.constant 0 : index
    %get3A_45 = vector.load %arg3[%get3A_43, %get3A_44] : memref<128x128xf32, #tpu.memory_space<vmem>>, vector<128x128xf32>
    %dot_general3A_46 = arith.constant dense<0.000000e+00> : vector<512x128xf32>
    %dot_general3A_47 = tpu.matmul %div3A_39, %get3A_45, %dot_general3A_46 {dimension_numbers = #tpu.dot_dimension_numbers<[1], [0], [0], [1], [0, 0, 1, 1], [], []>, transpose_lhs_hint = false} : vector<512x128xf32>, vector<128x128xf32>, vector<512x128xf32> -> vector<512x128xf32>
    %add3A_48 = arith.addf %get3A_42, %dot_general3A_47 : vector<512x128xf32>
    %reduce_sum3A = arith.constant dense<0.000000e+00> : vector<512xf32>
    %reduce_sum3A_49 = vector.multi_reduction <add>, %add3A_48, %reduce_sum3A [1] : vector<512x128xf32> to vector<512xf32>
    %broadcast_in_dim3A = vector.shape_cast %reduce_sum3A_49 : vector<512xf32> to vector<512x1xf32>
    %div3A_50 = arith.constant 1.280000e+02 : f32
    %div3A_51 = vector.broadcast %div3A_50 : f32 to vector<512x1xf32>
    %div3A_52 = arith.divf %broadcast_in_dim3A, %div3A_51 : vector<512x1xf32>
    %sub3A_53 = vector.broadcast %div3A_52 : vector<512x1xf32> to vector<512x128xf32>
    %sub3A_54 = arith.subf %add3A_48, %sub3A_53 : vector<512x128xf32>
    %integer_pow3A = arith.mulf %sub3A_54, %sub3A_54 : vector<512x128xf32>
    %reduce_sum3A_55 = arith.constant dense<0.000000e+00> : vector<512xf32>
    %reduce_sum3A_56 = vector.multi_reduction <add>, %integer_pow3A, %reduce_sum3A_55 [1] : vector<512x128xf32> to vector<512xf32>
    %broadcast_in_dim3A_57 = vector.shape_cast %reduce_sum3A_56 : vector<512xf32> to vector<512x1xf32>
    %div3A_58 = arith.constant 1.280000e+02 : f32
    %div3A_59 = vector.broadcast %div3A_58 : f32 to vector<512x1xf32>
    %div3A_60 = arith.divf %broadcast_in_dim3A_57, %div3A_59 : vector<512x1xf32>
    %sub3A_61 = vector.broadcast %div3A_52 : vector<512x1xf32> to vector<512x128xf32>
    %sub3A_62 = arith.subf %add3A_48, %sub3A_61 : vector<512x128xf32>
    %add3A_63 = arith.constant 9.99999974E-6 : f32
    %add3A_64 = vector.broadcast %add3A_63 : f32 to vector<512x1xf32>
    %add3A_65 = arith.addf %div3A_60, %add3A_64 : vector<512x1xf32>
    %sqrt3A = math.sqrt %add3A_65 : vector<512x1xf32>
    %div3A_66 = vector.broadcast %sqrt3A : vector<512x1xf32> to vector<512x128xf32>
    %div3A_67 = arith.divf %sub3A_62, %div3A_66 : vector<512x128xf32>
    %get3A_68 = arith.constant 0 : index
    %get3A_69 = arith.constant 0 : index
    %get3A_70 = vector.load %arg4[%get3A_68, %get3A_69] : memref<128x256xf32, #tpu.memory_space<vmem>>, vector<128x256xf32>
    %dot_general3A_71 = arith.constant dense<0.000000e+00> : vector<512x256xf32>
    %dot_general3A_72 = tpu.matmul %div3A_67, %get3A_70, %dot_general3A_71 {dimension_numbers = #tpu.dot_dimension_numbers<[1], [0], [0], [1], [0, 0, 1, 1], [], []>, transpose_lhs_hint = false} : vector<512x128xf32>, vector<128x256xf32>, vector<512x256xf32> -> vector<512x256xf32>
    %max3A = arith.constant 0.000000e+00 : f32
    %max3A_73 = vector.broadcast %max3A : f32 to vector<512x256xf32>
    %max3A_74 = arith.maximumf %dot_general3A_72, %max3A_73 : vector<512x256xf32>
    %get3A_75 = arith.constant 0 : index
    %get3A_76 = arith.constant 0 : index
    %get3A_77 = vector.load %arg5[%get3A_75, %get3A_76] : memref<256x128xf32, #tpu.memory_space<vmem>>, vector<256x128xf32>
    %dot_general3A_78 = arith.constant dense<0.000000e+00> : vector<512x128xf32>
    %dot_general3A_79 = tpu.matmul %max3A_74, %get3A_77, %dot_general3A_78 {dimension_numbers = #tpu.dot_dimension_numbers<[1], [0], [0], [1], [0, 0, 1, 1], [], []>, transpose_lhs_hint = false} : vector<512x256xf32>, vector<256x128xf32>, vector<512x128xf32> -> vector<512x128xf32>
    %add3A_80 = arith.addf %div3A_67, %dot_general3A_79 : vector<512x128xf32>
    %reduce_sum3A_81 = arith.constant dense<0.000000e+00> : vector<512xf32>
    %reduce_sum3A_82 = vector.multi_reduction <add>, %add3A_80, %reduce_sum3A_81 [1] : vector<512x128xf32> to vector<512xf32>
    %broadcast_in_dim3A_83 = vector.shape_cast %reduce_sum3A_82 : vector<512xf32> to vector<512x1xf32>
    %div3A_84 = arith.constant 1.280000e+02 : f32
    %div3A_85 = vector.broadcast %div3A_84 : f32 to vector<512x1xf32>
    %div3A_86 = arith.divf %broadcast_in_dim3A_83, %div3A_85 : vector<512x1xf32>
    %sub3A_87 = vector.broadcast %div3A_86 : vector<512x1xf32> to vector<512x128xf32>
    %sub3A_88 = arith.subf %add3A_80, %sub3A_87 : vector<512x128xf32>
    %integer_pow3A_89 = arith.mulf %sub3A_88, %sub3A_88 : vector<512x128xf32>
    %reduce_sum3A_90 = arith.constant dense<0.000000e+00> : vector<512xf32>
    %reduce_sum3A_91 = vector.multi_reduction <add>, %integer_pow3A_89, %reduce_sum3A_90 [1] : vector<512x128xf32> to vector<512xf32>
    %broadcast_in_dim3A_92 = vector.shape_cast %reduce_sum3A_91 : vector<512xf32> to vector<512x1xf32>
    %div3A_93 = arith.constant 1.280000e+02 : f32
    %div3A_94 = vector.broadcast %div3A_93 : f32 to vector<512x1xf32>
    %div3A_95 = arith.divf %broadcast_in_dim3A_92, %div3A_94 : vector<512x1xf32>
    %sub3A_96 = vector.broadcast %div3A_86 : vector<512x1xf32> to vector<512x128xf32>
    %sub3A_97 = arith.subf %add3A_80, %sub3A_96 : vector<512x128xf32>
    %add3A_98 = arith.constant 9.99999974E-6 : f32
    %add3A_99 = vector.broadcast %add3A_98 : f32 to vector<512x1xf32>
    %add3A_100 = arith.addf %div3A_95, %add3A_99 : vector<512x1xf32>
    %sqrt3A_101 = math.sqrt %add3A_100 : vector<512x1xf32>
    %div3A_102 = vector.broadcast %sqrt3A_101 : vector<512x1xf32> to vector<512x128xf32>
    %div3A_103 = arith.divf %sub3A_97, %div3A_102 : vector<512x128xf32>
    %get3A_104 = arith.constant 0 : index
    %get3A_105 = arith.constant 0 : index
    %get3A_106 = vector.load %arg6[%get3A_104, %get3A_105] : memref<128x1xf32, #tpu.memory_space<vmem>>, vector<128x1xf32>
    %dot_general3A_107 = arith.constant dense<0.000000e+00> : vector<512x1xf32>
    %dot_general3A_108 = tpu.matmul %div3A_103, %get3A_106, %dot_general3A_107 {dimension_numbers = #tpu.dot_dimension_numbers<[1], [0], [0], [1], [0, 0, 1, 1], [], []>, transpose_lhs_hint = false} : vector<512x128xf32>, vector<128x1xf32>, vector<512x1xf32> -> vector<512x1xf32>
    %get3A_109 = arith.constant 0 : index
    %get3A_110 = arith.constant 0 : index
    %get3A_111 = vector.load %arg7[%get3A_109, %get3A_110] : memref<1x1xf32, #tpu.memory_space<vmem>>, vector<1x1xf32>
    %add3A_112 = vector.broadcast %get3A_111 : vector<1x1xf32> to vector<512x1xf32>
    %add3A_113 = arith.addf %dot_general3A_108, %add3A_112 : vector<512x1xf32>
    %swap3A = arith.constant 0 : index
    %swap3A_114 = arith.constant 0 : index
    %swap3A_115 = vector.load %arg8[%swap3A, %swap3A_114] : memref<512x1xf32, #tpu.memory_space<vmem>>, vector<512x1xf32>
    tpu.vector_store %arg8[%swap3A, %swap3A_114], %add3A_113 {strides = array<i32>} : memref<512x1xf32, #tpu.memory_space<vmem>>, vector<512x1xf32>,
    return
  }
  func.func @transform_0(%arg0: i32) -> (i32, i32, i32) {
    %c0_i32 = arith.constant 0 : i32
    %c0_i32_0 = arith.constant 0 : i32
    %c0_i32_1 = arith.constant 0 : i32
    return %c0_i32, %arg0, %c0_i32_0 : i32, i32, i32
  }
  func.func @transform_1(%arg0: i32) -> (i32, i32) {
    %c0_i32 = arith.constant 0 : i32
    %c0_i32_0 = arith.constant 0 : i32
    return %arg0, %c0_i32 : i32, i32
  }
  func.func @transform_2(%arg0: i32) -> (i32, i32) {
    %c0_i32 = arith.constant 0 : i32
    %c0_i32_0 = arith.constant 0 : i32
    %c0_i32_1 = arith.constant 0 : i32
    return %c0_i32, %c0_i32_0 : i32, i32
  }
  func.func @transform_3(%arg0: i32) -> (i32, i32) {
    %c0_i32 = arith.constant 0 : i32
    %c0_i32_0 = arith.constant 0 : i32
    %c0_i32_1 = arith.constant 0 : i32
    return %c0_i32, %c0_i32_0 : i32, i32
  }
  func.func @transform_4(%arg0: i32) -> (i32, i32) {
    %c0_i32 = arith.constant 0 : i32
    %c0_i32_0 = arith.constant 0 : i32
    %c0_i32_1 = arith.constant 0 : i32
    return %c0_i32, %c0_i32_0 : i32, i32
  }
  func.func @transform_5(%arg0: i32) -> (i32, i32) {
    %c0_i32 = arith.constant 0 : i32
    %c0_i32_0 = arith.constant 0 : i32
    %c0_i32_1 = arith.constant 0 : i32
    return %c0_i32, %c0_i32_0 : i32, i32
  }
  func.func @transform_6(%arg0: i32) -> (i32, i32) {
    %c0_i32 = arith.constant 0 : i32
    %c0_i32_0 = arith.constant 0 : i32
    %c0_i32_1 = arith.constant 0 : i32
    return %c0_i32, %c0_i32_0 : i32, i32
  }
  func.func @transform_7(%arg0: i32) -> (i32, i32) {
    %c0_i32 = arith.constant 0 : i32
    %c0_i32_0 = arith.constant 0 : i32
    return %arg0, %c0_i32 : i32, i32
  }
}

module attributes {stable_mosaic.version = 14 : i64} {
  func.func @body(%arg0: i32, %arg1: memref<8x1xi32, #tpu.memory_space<vmem>>, %arg2: memref<512x1xi32, #tpu.memory_space<vmem>>, %arg3: memref<512x1xf32, #tpu.memory_space<vmem>>, %arg4: memref<104x1xf32, #tpu.memory_space<vmem>>) attributes {dimension_semantics = [#tpu.dimension_semantics<arbitrary>], iteration_bounds = array<i64: 20>, scalar_prefetch = 0 : i64, scratch_operands = 0 : i64, tpu.core_type = #tpu.core_type<tc>, window_params = [{pipeline_mode = #tpu.pipeline_mode<synchronous>, transform_indices = @transform_0, window_bounds = array<i64: 8, 1>}, {transform_indices = @transform_1, window_bounds = array<i64: 512, 1>}, {transform_indices = @transform_2, window_bounds = array<i64: 512, 1>}, {pipeline_mode = #tpu.pipeline_mode<synchronous>, transform_indices = @transform_3, window_bounds = array<i64: 104, 1>}]} {
    %eq3A = arith.constant 0 : i32
    %eq3A_0 = arith.cmpi eq, %arg0, %eq3A : i32
    %convert_element_type3A = arith.extui %eq3A_0 : i1 to i32
    %cond3A = arith.constant 0 : i32
    %cond3A_1 = arith.cmpi ne, %convert_element_type3A, %cond3A : i32
    scf.if %cond3A_1 {
      %broadcast_in_dim3A_183 = arith.constant 0.000000e+00 : f32
      %broadcast_in_dim3A_184 = vector.broadcast %broadcast_in_dim3A_183 : f32 to vector<104x1xf32>
      %swap3A_185 = arith.constant 0 : index
      %swap3A_186 = arith.constant 0 : index
      %swap3A_187 = vector.load %arg4[%swap3A_185, %swap3A_186] : memref<104x1xf32, #tpu.memory_space<vmem>>, vector<104x1xf32>
      tpu.vector_store %arg4[%swap3A_185, %swap3A_186], %broadcast_in_dim3A_184 {strides = array<i32>} : memref<104x1xf32, #tpu.memory_space<vmem>>, vector<104x1xf32>,
    } else {
    }
    %get3A = arith.constant 0 : index
    %get3A_2 = arith.constant 0 : index
    %get3A_3 = vector.load %arg1[%get3A, %get3A_2] : memref<8x1xi32, #tpu.memory_space<vmem>>, vector<1x1xi32>
    %get3A_4 = arith.constant 1 : index
    %get3A_5 = arith.constant 0 : index
    %get3A_6 = vector.load %arg1[%get3A_4, %get3A_5] : memref<8x1xi32, #tpu.memory_space<vmem>>, vector<1x1xi32>
    %get3A_7 = arith.constant 0 : index
    %get3A_8 = arith.constant 0 : index
    %get3A_9 = vector.load %arg2[%get3A_7, %get3A_8] : memref<512x1xi32, #tpu.memory_space<vmem>>, vector<512x1xi32>
    %sub3A = arith.constant 1 : i32
    %sub3A_10 = vector.broadcast %sub3A : i32 to vector<512x1xi32>
    %sub3A_11 = arith.subi %get3A_9, %sub3A_10 : vector<512x1xi32>
    %jit3A = arith.constant 7 : i32
    %div3A = vector.broadcast %jit3A : i32 to vector<512x1xi32>
    %div3A_12 = arith.divsi %sub3A_11, %div3A : vector<512x1xi32>
    %sign3A = arith.constant 0 : i32
    %sign3A_13 = vector.broadcast %sign3A : i32 to vector<512x1xi32>
    %sign3A_14 = arith.cmpi sgt, %sub3A_11, %sign3A_13 : vector<512x1xi32>
    %sign3A_15 = arith.extui %sign3A_14 : vector<512x1xi1> to vector<512x1xi32>
    %sign3A_16 = arith.constant 0 : i32
    %sign3A_17 = vector.broadcast %sign3A_16 : i32 to vector<512x1xi32>
    %sign3A_18 = arith.cmpi slt, %sub3A_11, %sign3A_17 : vector<512x1xi32>
    %sign3A_19 = arith.extui %sign3A_18 : vector<512x1xi1> to vector<512x1xi32>
    %sign3A_20 = arith.subi %sign3A_15, %sign3A_19 : vector<512x1xi32>
    %sign3A_21 = arith.constant 0 : i32
    %sign3A_22 = arith.cmpi sgt, %jit3A, %sign3A_21 : i32
    %sign3A_23 = arith.extui %sign3A_22 : i1 to i32
    %sign3A_24 = arith.constant 0 : i32
    %sign3A_25 = arith.cmpi slt, %jit3A, %sign3A_24 : i32
    %sign3A_26 = arith.extui %sign3A_25 : i1 to i32
    %sign3A_27 = arith.subi %sign3A_23, %sign3A_26 : i32
    %ne3A = vector.broadcast %sign3A_27 : i32 to vector<512x1xi32>
    %ne3A_28 = arith.cmpi ne, %sign3A_20, %ne3A : vector<512x1xi32>
    %rem3A = vector.broadcast %jit3A : i32 to vector<512x1xi32>
    %rem3A_29 = arith.remsi %sub3A_11, %rem3A : vector<512x1xi32>
    %ne3A_30 = arith.constant 0 : i32
    %ne3A_31 = vector.broadcast %ne3A_30 : i32 to vector<512x1xi32>
    %ne3A_32 = arith.cmpi ne, %rem3A_29, %ne3A_31 : vector<512x1xi32>
    %and3A = arith.andi %ne3A_28, %ne3A_32 : vector<512x1xi1>
    %sub3A_33 = arith.constant 1 : i32
    %sub3A_34 = vector.broadcast %sub3A_33 : i32 to vector<512x1xi32>
    %sub3A_35 = arith.subi %div3A_12, %sub3A_34 : vector<512x1xi32>
    %select_n3A = arith.select %and3A, %sub3A_35, %div3A_12 : vector<512x1xi1>, vector<512x1xi32>
    %add3A = arith.constant 1 : i32
    %add3A_36 = vector.broadcast %add3A : i32 to vector<512x1xi32>
    %add3A_37 = arith.addi %select_n3A, %add3A_36 : vector<512x1xi32>
    %add3A_38 = arith.constant 3 : i32
    %add3A_39 = vector.broadcast %add3A_38 : i32 to vector<512x1xi32>
    %add3A_40 = arith.addi %add3A_37, %add3A_39 : vector<512x1xi32>
    %ge3A = vector.broadcast %get3A_3 : vector<1x1xi32> to vector<512x1xi32>
    %ge3A_41 = arith.cmpi sge, %add3A_40, %ge3A : vector<512x1xi32>
    %add3A_42 = arith.constant 3 : i32
    %add3A_43 = vector.broadcast %add3A_42 : i32 to vector<512x1xi32>
    %add3A_44 = arith.addi %add3A_37, %add3A_43 : vector<512x1xi32>
    %le3A = vector.broadcast %get3A_6 : vector<1x1xi32> to vector<512x1xi32>
    %le3A_45 = arith.cmpi sle, %add3A_44, %le3A : vector<512x1xi32>
    %and3A_46 = arith.andi %ge3A_41, %le3A_45 : vector<512x1xi1>
    %get3A_47 = arith.constant 0 : index
    %get3A_48 = arith.constant 0 : index
    %get3A_49 = vector.load %arg3[%get3A_47, %get3A_48] : memref<512x1xf32, #tpu.memory_space<vmem>>, vector<512x1xf32>
    %broadcast_in_dim3A = arith.constant 0.000000e+00 : f32
    %broadcast_in_dim3A_50 = vector.broadcast %broadcast_in_dim3A : f32 to vector<104x1xf32>
    %add3A_51 = arith.constant 0 : i32
    %add3A_52 = vector.broadcast %add3A_51 : i32 to vector<512x1xi32>
    %add3A_53 = arith.addi %add3A_37, %add3A_52 : vector<512x1xi32>
    %sub3A_54 = vector.broadcast %get3A_3 : vector<1x1xi32> to vector<512x1xi32>
    %sub3A_55 = arith.subi %add3A_53, %sub3A_54 : vector<512x1xi32>
    %ge3A_56 = arith.constant 0 : i32
    %ge3A_57 = vector.broadcast %ge3A_56 : i32 to vector<512x1xi32>
    %ge3A_58 = arith.cmpi sge, %sub3A_55, %ge3A_57 : vector<512x1xi32>
    %and3A_59 = arith.andi %and3A_46, %ge3A_58 : vector<512x1xi1>
    %lt3A = arith.constant 104 : i32
    %lt3A_60 = vector.broadcast %lt3A : i32 to vector<512x1xi32>
    %lt3A_61 = arith.cmpi slt, %sub3A_55, %lt3A_60 : vector<512x1xi32>
    %and3A_62 = arith.andi %and3A_59, %lt3A_61 : vector<512x1xi1>
    %convert_element_type3A_63 = arith.extui %and3A_62 : vector<512x1xi1> to vector<512x1xi32>
    %convert_element_type3A_64 = arith.sitofp %convert_element_type3A_63 : vector<512x1xi32> to vector<512x1xf32>
    %mul3A = arith.constant 1.000000e+00 : f32
    %mul3A_65 = vector.broadcast %mul3A : f32 to vector<512x1xf32>
    %mul3A_66 = arith.mulf %mul3A_65, %convert_element_type3A_64 : vector<512x1xf32>
    %mul3A_67 = arith.mulf %get3A_49, %mul3A_66 : vector<512x1xf32>
    %jit3A_68 = arith.constant 0 : i32
    %jit3A_69 = arith.constant 103 : i32
    %max3A = vector.broadcast %jit3A_68 : i32 to vector<512x1xi32>
    %max3A_70 = arith.maxsi %max3A, %sub3A_55 : vector<512x1xi32>
    %min3A = vector.broadcast %jit3A_69 : i32 to vector<512x1xi32>
    %min3A_71 = arith.minsi %min3A, %max3A_70 : vector<512x1xi32>
    %iota3A = tpu.iota {dimensions = array<i32: 1>} : vector<512x104xi32>
    %eq3A_72 = vector.broadcast %min3A_71 : vector<512x1xi32> to vector<512x104xi32>
    %eq3A_73 = arith.cmpi eq, %iota3A, %eq3A_72 : vector<512x104xi32>
    %convert_element_type3A_74 = arith.extui %eq3A_73 : vector<512x104xi1> to vector<512x104xi32>
    %convert_element_type3A_75 = arith.sitofp %convert_element_type3A_74 : vector<512x104xi32> to vector<512x104xf32>
    %dot_general3A = arith.constant dense<0.000000e+00> : vector<104x1xf32>
    %dot_general3A_76 = tpu.matmul %convert_element_type3A_75, %mul3A_67, %dot_general3A {dimension_numbers = #tpu.dot_dimension_numbers<[0], [0], [1], [1], [0, 1, 1, 1], [], []>, transpose_lhs_hint = false} : vector<512x104xf32>, vector<512x1xf32>, vector<104x1xf32> -> vector<104x1xf32>
    %add3A_77 = arith.addf %broadcast_in_dim3A_50, %dot_general3A_76 : vector<104x1xf32>
    %add3A_78 = arith.constant 1 : i32
    %add3A_79 = vector.broadcast %add3A_78 : i32 to vector<512x1xi32>
    %add3A_80 = arith.addi %add3A_37, %add3A_79 : vector<512x1xi32>
    %sub3A_81 = vector.broadcast %get3A_3 : vector<1x1xi32> to vector<512x1xi32>
    %sub3A_82 = arith.subi %add3A_80, %sub3A_81 : vector<512x1xi32>
    %ge3A_83 = arith.constant 0 : i32
    %ge3A_84 = vector.broadcast %ge3A_83 : i32 to vector<512x1xi32>
    %ge3A_85 = arith.cmpi sge, %sub3A_82, %ge3A_84 : vector<512x1xi32>
    %and3A_86 = arith.andi %and3A_46, %ge3A_85 : vector<512x1xi1>
    %lt3A_87 = arith.constant 104 : i32
    %lt3A_88 = vector.broadcast %lt3A_87 : i32 to vector<512x1xi32>
    %lt3A_89 = arith.cmpi slt, %sub3A_82, %lt3A_88 : vector<512x1xi32>
    %and3A_90 = arith.andi %and3A_86, %lt3A_89 : vector<512x1xi1>
    %convert_element_type3A_91 = arith.extui %and3A_90 : vector<512x1xi1> to vector<512x1xi32>
    %convert_element_type3A_92 = arith.sitofp %convert_element_type3A_91 : vector<512x1xi32> to vector<512x1xf32>
    %mul3A_93 = arith.constant 7.500000e-01 : f32
    %mul3A_94 = vector.broadcast %mul3A_93 : f32 to vector<512x1xf32>
    %mul3A_95 = arith.mulf %mul3A_94, %convert_element_type3A_92 : vector<512x1xf32>
    %mul3A_96 = arith.mulf %get3A_49, %mul3A_95 : vector<512x1xf32>
    %jit3A_97 = arith.constant 0 : i32
    %jit3A_98 = arith.constant 103 : i32
    %max3A_99 = vector.broadcast %jit3A_97 : i32 to vector<512x1xi32>
    %max3A_100 = arith.maxsi %max3A_99, %sub3A_82 : vector<512x1xi32>
    %min3A_101 = vector.broadcast %jit3A_98 : i32 to vector<512x1xi32>
    %min3A_102 = arith.minsi %min3A_101, %max3A_100 : vector<512x1xi32>
    %iota3A_103 = tpu.iota {dimensions = array<i32: 1>} : vector<512x104xi32>
    %eq3A_104 = vector.broadcast %min3A_102 : vector<512x1xi32> to vector<512x104xi32>
    %eq3A_105 = arith.cmpi eq, %iota3A_103, %eq3A_104 : vector<512x104xi32>
    %convert_element_type3A_106 = arith.extui %eq3A_105 : vector<512x104xi1> to vector<512x104xi32>
    %convert_element_type3A_107 = arith.sitofp %convert_element_type3A_106 : vector<512x104xi32> to vector<512x104xf32>
    %dot_general3A_108 = arith.constant dense<0.000000e+00> : vector<104x1xf32>
    %dot_general3A_109 = tpu.matmul %convert_element_type3A_107, %mul3A_96, %dot_general3A_108 {dimension_numbers = #tpu.dot_dimension_numbers<[0], [0], [1], [1], [0, 1, 1, 1], [], []>, transpose_lhs_hint = false} : vector<512x104xf32>, vector<512x1xf32>, vector<104x1xf32> -> vector<104x1xf32>
    %add3A_110 = arith.addf %add3A_77, %dot_general3A_109 : vector<104x1xf32>
    %add3A_111 = arith.constant 2 : i32
    %add3A_112 = vector.broadcast %add3A_111 : i32 to vector<512x1xi32>
    %add3A_113 = arith.addi %add3A_37, %add3A_112 : vector<512x1xi32>
    %sub3A_114 = vector.broadcast %get3A_3 : vector<1x1xi32> to vector<512x1xi32>
    %sub3A_115 = arith.subi %add3A_113, %sub3A_114 : vector<512x1xi32>
    %ge3A_116 = arith.constant 0 : i32
    %ge3A_117 = vector.broadcast %ge3A_116 : i32 to vector<512x1xi32>
    %ge3A_118 = arith.cmpi sge, %sub3A_115, %ge3A_117 : vector<512x1xi32>
    %and3A_119 = arith.andi %and3A_46, %ge3A_118 : vector<512x1xi1>
    %lt3A_120 = arith.constant 104 : i32
    %lt3A_121 = vector.broadcast %lt3A_120 : i32 to vector<512x1xi32>
    %lt3A_122 = arith.cmpi slt, %sub3A_115, %lt3A_121 : vector<512x1xi32>
    %and3A_123 = arith.andi %and3A_119, %lt3A_122 : vector<512x1xi1>
    %convert_element_type3A_124 = arith.extui %and3A_123 : vector<512x1xi1> to vector<512x1xi32>
    %convert_element_type3A_125 = arith.sitofp %convert_element_type3A_124 : vector<512x1xi32> to vector<512x1xf32>
    %mul3A_126 = arith.constant 5.000000e-01 : f32
    %mul3A_127 = vector.broadcast %mul3A_126 : f32 to vector<512x1xf32>
    %mul3A_128 = arith.mulf %mul3A_127, %convert_element_type3A_125 : vector<512x1xf32>
    %mul3A_129 = arith.mulf %get3A_49, %mul3A_128 : vector<512x1xf32>
    %jit3A_130 = arith.constant 0 : i32
    %jit3A_131 = arith.constant 103 : i32
    %max3A_132 = vector.broadcast %jit3A_130 : i32 to vector<512x1xi32>
    %max3A_133 = arith.maxsi %max3A_132, %sub3A_115 : vector<512x1xi32>
    %min3A_134 = vector.broadcast %jit3A_131 : i32 to vector<512x1xi32>
    %min3A_135 = arith.minsi %min3A_134, %max3A_133 : vector<512x1xi32>
    %iota3A_136 = tpu.iota {dimensions = array<i32: 1>} : vector<512x104xi32>
    %eq3A_137 = vector.broadcast %min3A_135 : vector<512x1xi32> to vector<512x104xi32>
    %eq3A_138 = arith.cmpi eq, %iota3A_136, %eq3A_137 : vector<512x104xi32>
    %convert_element_type3A_139 = arith.extui %eq3A_138 : vector<512x104xi1> to vector<512x104xi32>
    %convert_element_type3A_140 = arith.sitofp %convert_element_type3A_139 : vector<512x104xi32> to vector<512x104xf32>
    %dot_general3A_141 = arith.constant dense<0.000000e+00> : vector<104x1xf32>
    %dot_general3A_142 = tpu.matmul %convert_element_type3A_140, %mul3A_129, %dot_general3A_141 {dimension_numbers = #tpu.dot_dimension_numbers<[0], [0], [1], [1], [0, 1, 1, 1], [], []>, transpose_lhs_hint = false} : vector<512x104xf32>, vector<512x1xf32>, vector<104x1xf32> -> vector<104x1xf32>
    %add3A_143 = arith.addf %add3A_110, %dot_general3A_142 : vector<104x1xf32>
    %add3A_144 = arith.constant 3 : i32
    %add3A_145 = vector.broadcast %add3A_144 : i32 to vector<512x1xi32>
    %add3A_146 = arith.addi %add3A_37, %add3A_145 : vector<512x1xi32>
    %sub3A_147 = vector.broadcast %get3A_3 : vector<1x1xi32> to vector<512x1xi32>
    %sub3A_148 = arith.subi %add3A_146, %sub3A_147 : vector<512x1xi32>
    %ge3A_149 = arith.constant 0 : i32
    %ge3A_150 = vector.broadcast %ge3A_149 : i32 to vector<512x1xi32>
    %ge3A_151 = arith.cmpi sge, %sub3A_148, %ge3A_150 : vector<512x1xi32>
    %and3A_152 = arith.andi %and3A_46, %ge3A_151 : vector<512x1xi1>
    %lt3A_153 = arith.constant 104 : i32
    %lt3A_154 = vector.broadcast %lt3A_153 : i32 to vector<512x1xi32>
    %lt3A_155 = arith.cmpi slt, %sub3A_148, %lt3A_154 : vector<512x1xi32>
    %and3A_156 = arith.andi %and3A_152, %lt3A_155 : vector<512x1xi1>
    %convert_element_type3A_157 = arith.extui %and3A_156 : vector<512x1xi1> to vector<512x1xi32>
    %convert_element_type3A_158 = arith.sitofp %convert_element_type3A_157 : vector<512x1xi32> to vector<512x1xf32>
    %mul3A_159 = arith.constant 2.500000e-01 : f32
    %mul3A_160 = vector.broadcast %mul3A_159 : f32 to vector<512x1xf32>
    %mul3A_161 = arith.mulf %mul3A_160, %convert_element_type3A_158 : vector<512x1xf32>
    %mul3A_162 = arith.mulf %get3A_49, %mul3A_161 : vector<512x1xf32>
    %jit3A_163 = arith.constant 0 : i32
    %jit3A_164 = arith.constant 103 : i32
    %max3A_165 = vector.broadcast %jit3A_163 : i32 to vector<512x1xi32>
    %max3A_166 = arith.maxsi %max3A_165, %sub3A_148 : vector<512x1xi32>
    %min3A_167 = vector.broadcast %jit3A_164 : i32 to vector<512x1xi32>
    %min3A_168 = arith.minsi %min3A_167, %max3A_166 : vector<512x1xi32>
    %iota3A_169 = tpu.iota {dimensions = array<i32: 1>} : vector<512x104xi32>
    %eq3A_170 = vector.broadcast %min3A_168 : vector<512x1xi32> to vector<512x104xi32>
    %eq3A_171 = arith.cmpi eq, %iota3A_169, %eq3A_170 : vector<512x104xi32>
    %convert_element_type3A_172 = arith.extui %eq3A_171 : vector<512x104xi1> to vector<512x104xi32>
    %convert_element_type3A_173 = arith.sitofp %convert_element_type3A_172 : vector<512x104xi32> to vector<512x104xf32>
    %dot_general3A_174 = arith.constant dense<0.000000e+00> : vector<104x1xf32>
    %dot_general3A_175 = tpu.matmul %convert_element_type3A_173, %mul3A_162, %dot_general3A_174 {dimension_numbers = #tpu.dot_dimension_numbers<[0], [0], [1], [1], [0, 1, 1, 1], [], []>, transpose_lhs_hint = false} : vector<512x104xf32>, vector<512x1xf32>, vector<104x1xf32> -> vector<104x1xf32>
    %add3A_176 = arith.addf %add3A_143, %dot_general3A_175 : vector<104x1xf32>
    %get3A_177 = arith.constant 0 : index
    %get3A_178 = arith.constant 0 : index
    %get3A_179 = vector.load %arg4[%get3A_177, %get3A_178] : memref<104x1xf32, #tpu.memory_space<vmem>>, vector<104x1xf32>
    %add3A_180 = arith.addf %get3A_179, %add3A_176 : vector<104x1xf32>
    %swap3A = arith.constant 0 : index
    %swap3A_181 = arith.constant 0 : index
    %swap3A_182 = vector.load %arg4[%swap3A, %swap3A_181] : memref<104x1xf32, #tpu.memory_space<vmem>>, vector<104x1xf32>
    tpu.vector_store %arg4[%swap3A, %swap3A_181], %add3A_180 {strides = array<i32>} : memref<104x1xf32, #tpu.memory_space<vmem>>, vector<104x1xf32>,
    return
  }
  func.func @transform_0(%arg0: i32) -> (i32, i32) {
    %c0_i32 = arith.constant 0 : i32
    %c0_i32_0 = arith.constant 0 : i32
    %c0_i32_1 = arith.constant 0 : i32
    return %c0_i32, %c0_i32_0 : i32, i32
  }
  func.func @transform_1(%arg0: i32) -> (i32, i32) {
    %c0_i32 = arith.constant 0 : i32
    %c0_i32_0 = arith.constant 0 : i32
    return %arg0, %c0_i32 : i32, i32
  }
  func.func @transform_2(%arg0: i32) -> (i32, i32) {
    %c0_i32 = arith.constant 0 : i32
    %c0_i32_0 = arith.constant 0 : i32
    return %arg0, %c0_i32 : i32, i32
  }
  func.func @transform_3(%arg0: i32) -> (i32, i32) {
    %c0_i32 = arith.constant 0 : i32
    %c0_i32_0 = arith.constant 0 : i32
    %c0_i32_1 = arith.constant 0 : i32
    return %c0_i32, %c0_i32_0 : i32, i32
  }
}

module attributes {stable_mosaic.version = 14 : i64} {
  func.func @body(%arg0: i32, %arg1: memref<104x1xf32, #tpu.memory_space<vmem>>, %arg2: memref<104x1xf32, #tpu.memory_space<vmem>>, %arg3: memref<8x1xf32, #tpu.memory_space<vmem>>, %arg4: memref<1x1xf32, #tpu.memory_space<vmem>>, %arg5: memref<1x64xf32, #tpu.memory_space<vmem>>, %arg6: memref<1x64xf32, #tpu.memory_space<vmem>>, %arg7: memref<64x1xf32, #tpu.memory_space<vmem>>, %arg8: memref<1x1xf32, #tpu.memory_space<vmem>>, %arg9: memref<104x1xf32, #tpu.memory_space<vmem>>) attributes {dimension_semantics = [#tpu.dimension_semantics<arbitrary>], iteration_bounds = array<i64: 1>, scalar_prefetch = 0 : i64, scratch_operands = 0 : i64, tpu.core_type = #tpu.core_type<tc>, window_params = [{pipeline_mode = #tpu.pipeline_mode<synchronous>, transform_indices = @transform_0, window_bounds = array<i64: 104, 1>}, {pipeline_mode = #tpu.pipeline_mode<synchronous>, transform_indices = @transform_1, window_bounds = array<i64: 104, 1>}, {pipeline_mode = #tpu.pipeline_mode<synchronous>, transform_indices = @transform_2, window_bounds = array<i64: 8, 1>}, {pipeline_mode = #tpu.pipeline_mode<synchronous>, transform_indices = @transform_3, window_bounds = array<i64: 1, 1>}, {pipeline_mode = #tpu.pipeline_mode<synchronous>, transform_indices = @transform_4, window_bounds = array<i64: 1, 64>}, {pipeline_mode = #tpu.pipeline_mode<synchronous>, transform_indices = @transform_5, window_bounds = array<i64: 1, 64>}, {pipeline_mode = #tpu.pipeline_mode<synchronous>, transform_indices = @transform_6, window_bounds = array<i64: 64, 1>}, {pipeline_mode = #tpu.pipeline_mode<synchronous>, transform_indices = @transform_7, window_bounds = array<i64: 1, 1>}, {pipeline_mode = #tpu.pipeline_mode<synchronous>, transform_indices = @transform_8, window_bounds = array<i64: 104, 1>}]} {
    %get3A = arith.constant 0 : index
    %get3A_0 = arith.constant 0 : index
    %get3A_1 = vector.load %arg1[%get3A, %get3A_0] : memref<104x1xf32, #tpu.memory_space<vmem>>, vector<104x1xf32>
    %get3A_2 = arith.constant 0 : index
    %get3A_3 = arith.constant 0 : index
    %get3A_4 = vector.load %arg2[%get3A_2, %get3A_3] : memref<104x1xf32, #tpu.memory_space<vmem>>, vector<104x1xf32>
    %get3A_5 = arith.constant 0 : index
    %get3A_6 = arith.constant 0 : index
    %get3A_7 = vector.load %arg3[%get3A_5, %get3A_6] : memref<8x1xf32, #tpu.memory_space<vmem>>, vector<1x1xf32>
    %mul3A = vector.broadcast %get3A_7 : vector<1x1xf32> to vector<104x1xf32>
    %mul3A_8 = arith.mulf %get3A_4, %mul3A : vector<104x1xf32>
    %get3A_9 = arith.constant 1 : index
    %get3A_10 = arith.constant 0 : index
    %get3A_11 = vector.load %arg3[%get3A_9, %get3A_10] : memref<8x1xf32, #tpu.memory_space<vmem>>, vector<1x1xf32>
    %mul3A_12 = vector.broadcast %get3A_11 : vector<1x1xf32> to vector<104x1xf32>
    %mul3A_13 = arith.mulf %get3A_1, %mul3A_12 : vector<104x1xf32>
    %add3A = arith.addf %mul3A_8, %mul3A_13 : vector<104x1xf32>
    %get3A_14 = arith.constant 0 : index
    %get3A_15 = arith.constant 0 : index
    %get3A_16 = vector.load %arg4[%get3A_14, %get3A_15] : memref<1x1xf32, #tpu.memory_space<vmem>>, vector<1x1xf32>
    %add3A_17 = vector.broadcast %get3A_16 : vector<1x1xf32> to vector<104x1xf32>
    %add3A_18 = arith.addf %add3A, %add3A_17 : vector<104x1xf32>
    %iota3A = tpu.iota {dimensions = array<i32: 0>} : vector<104x1xi32>
    %lt3A = arith.constant 52 : i32
    %lt3A_19 = vector.broadcast %lt3A : i32 to vector<104x1xi32>
    %lt3A_20 = arith.cmpi slt, %iota3A, %lt3A_19 : vector<104x1xi32>
    %select_n3A = arith.select %lt3A_20, %add3A_18, %get3A_1 : vector<104x1xi1>, vector<104x1xf32>
    %get3A_21 = arith.constant 0 : index
    %get3A_22 = arith.constant 0 : index
    %get3A_23 = vector.load %arg5[%get3A_21, %get3A_22] : memref<1x64xf32, #tpu.memory_space<vmem>>, vector<1x64xf32>
    %mul3A_24 = vector.broadcast %select_n3A : vector<104x1xf32> to vector<104x64xf32>
    %mul3A_25 = vector.broadcast %get3A_23 : vector<1x64xf32> to vector<104x64xf32>
    %mul3A_26 = arith.mulf %mul3A_24, %mul3A_25 : vector<104x64xf32>
    %get3A_27 = arith.constant 0 : index
    %get3A_28 = arith.constant 0 : index
    %get3A_29 = vector.load %arg6[%get3A_27, %get3A_28] : memref<1x64xf32, #tpu.memory_space<vmem>>, vector<1x64xf32>
    %add3A_30 = vector.broadcast %get3A_29 : vector<1x64xf32> to vector<104x64xf32>
    %add3A_31 = arith.addf %mul3A_26, %add3A_30 : vector<104x64xf32>
    %max3A = arith.constant 0.000000e+00 : f32
    %max3A_32 = vector.broadcast %max3A : f32 to vector<104x64xf32>
    %max3A_33 = arith.maximumf %add3A_31, %max3A_32 : vector<104x64xf32>
    %get3A_34 = arith.constant 0 : index
    %get3A_35 = arith.constant 0 : index
    %get3A_36 = vector.load %arg7[%get3A_34, %get3A_35] : memref<64x1xf32, #tpu.memory_space<vmem>>, vector<64x1xf32>
    %dot_general3A = arith.constant dense<0.000000e+00> : vector<104x1xf32>
    %dot_general3A_37 = tpu.matmul %max3A_33, %get3A_36, %dot_general3A {dimension_numbers = #tpu.dot_dimension_numbers<[1], [0], [0], [1], [0, 0, 1, 1], [], []>, transpose_lhs_hint = false} : vector<104x64xf32>, vector<64x1xf32>, vector<104x1xf32> -> vector<104x1xf32>
    %get3A_38 = arith.constant 0 : index
    %get3A_39 = arith.constant 0 : index
    %get3A_40 = vector.load %arg8[%get3A_38, %get3A_39] : memref<1x1xf32, #tpu.memory_space<vmem>>, vector<1x1xf32>
    %add3A_41 = vector.broadcast %get3A_40 : vector<1x1xf32> to vector<104x1xf32>
    %add3A_42 = arith.addf %dot_general3A_37, %add3A_41 : vector<104x1xf32>
    %swap3A = arith.constant 0 : index
    %swap3A_43 = arith.constant 0 : index
    %swap3A_44 = vector.load %arg9[%swap3A, %swap3A_43] : memref<104x1xf32, #tpu.memory_space<vmem>>, vector<104x1xf32>
    tpu.vector_store %arg9[%swap3A, %swap3A_43], %add3A_42 {strides = array<i32>} : memref<104x1xf32, #tpu.memory_space<vmem>>, vector<104x1xf32>,
    return
  }
  func.func @transform_0(%arg0: i32) -> (i32, i32) {
    %c0_i32 = arith.constant 0 : i32
    %c0_i32_0 = arith.constant 0 : i32
    %c0_i32_1 = arith.constant 0 : i32
    return %c0_i32, %c0_i32_0 : i32, i32
  }
  func.func @transform_1(%arg0: i32) -> (i32, i32) {
    %c0_i32 = arith.constant 0 : i32
    %c0_i32_0 = arith.constant 0 : i32
    %c0_i32_1 = arith.constant 0 : i32
    return %c0_i32, %c0_i32_0 : i32, i32
  }
  func.func @transform_2(%arg0: i32) -> (i32, i32) {
    %c0_i32 = arith.constant 0 : i32
    %c0_i32_0 = arith.constant 0 : i32
    %c0_i32_1 = arith.constant 0 : i32
    return %c0_i32, %c0_i32_0 : i32, i32
  }
  func.func @transform_3(%arg0: i32) -> (i32, i32) {
    %c0_i32 = arith.constant 0 : i32
    %c0_i32_0 = arith.constant 0 : i32
    %c0_i32_1 = arith.constant 0 : i32
    return %c0_i32, %c0_i32_0 : i32, i32
  }
  func.func @transform_4(%arg0: i32) -> (i32, i32) {
    %c0_i32 = arith.constant 0 : i32
    %c0_i32_0 = arith.constant 0 : i32
    %c0_i32_1 = arith.constant 0 : i32
    return %c0_i32, %c0_i32_0 : i32, i32
  }
  func.func @transform_5(%arg0: i32) -> (i32, i32) {
    %c0_i32 = arith.constant 0 : i32
    %c0_i32_0 = arith.constant 0 : i32
    %c0_i32_1 = arith.constant 0 : i32
    return %c0_i32, %c0_i32_0 : i32, i32
  }
  func.func @transform_6(%arg0: i32) -> (i32, i32) {
    %c0_i32 = arith.constant 0 : i32
    %c0_i32_0 = arith.constant 0 : i32
    %c0_i32_1 = arith.constant 0 : i32
    return %c0_i32, %c0_i32_0 : i32, i32
  }
  func.func @transform_7(%arg0: i32) -> (i32, i32) {
    %c0_i32 = arith.constant 0 : i32
    %c0_i32_0 = arith.constant 0 : i32
    %c0_i32_1 = arith.constant 0 : i32
    return %c0_i32, %c0_i32_0 : i32, i32
  }
  func.func @transform_8(%arg0: i32) -> (i32, i32) {
    %c0_i32 = arith.constant 0 : i32
    %c0_i32_0 = arith.constant 0 : i32
    %c0_i32_1 = arith.constant 0 : i32
    return %c0_i32, %c0_i32_0 : i32, i32
  }
}

</mosaic_0001>

<sc_bundles>
// kernel: kernel.13.cloned.1.call-start
scs
__scs_entry_jumppad:
0x0: {  	(pc) =	sbr.rel $0x88, $3  }
0x1: {  	(tag) =	ssettag $0x0;
	lr =	simm.s32 $0x1  }
0x2: {  	[smem:$0x3F7F] =	sst lr;
	_ =	strace $0xD0000000  }
0x3: {  	_ = 	snop  }
0x4: {  	_ = 	snop  }
0x5: {  	_ = 	snop  }
0x6: {  	_ = 	snop  }
0x7: {  	_ = 	snop  }
__scs_overlays_trampoline_lowered:
0x8: {  	[smem:$0x3F8E] =	sst s0  }
0x9: {  	[smem:$0x3F8F] =	sst s1  }
0xa: {  	[smem:$0x3F90] =	sst s2  }
0xb: {  	[smem:$0x3F91] =	sst s3  }
0xc: {  	[smem:$0x3F92] =	sst s4  }
0xd: {  	[smem:$0x3F93] =	sst s5  }
0xe: {  	[smem:$0x3F94] =	sst s6  }
0xf: {  	[smem:$0x3F95] =	sst s7  }
0x10: {  	[smem:$0x3F96] =	sst s8  }
0x11: {  	[smem:$0x3F97] =	sst s9;
	s0 =	simm.s32 @!p0 $0x0  }
0x12: {  	s1 =	sld [smem:$0x3F7D];
	s0 =	simm.s32 @p0 $0x1  }
0x13: {  	[smem:$0x3F98] =	sst s0;
	s0 =	simm.s32 @!p1 $0x0  }
0x14: {  	s2 =	sld [smem:$0x3F7C];
	s0 =	simm.s32 @p1 $0x1  }
0x15: {  	[smem:$0x3F99] =	sst s0;
	s0 =	simm.s32 @!p2 $0x0  }
0x16: {  	s3 =	sld [smem:$0x3FDB];
	s0 =	simm.s32 @p2 $0x1  }
0x17: {  	s4 =	simm.s32 $0x1BF5;
	[smem:$0x3F9B] =	sst s0  }
0x18: {  	s0 =	sld [smem:$0x3F7E];
	_ =	swait.ge [sflag:s4], $0x0  }
0x19: {  	s7 =	sld [smem:$0x3F7F]  }
0x1a: {  	s8 =	sadd.s32 $0xFFFFE003, lr  }
0x1b: {  	s9 =	sadd.s32 $0xFFFFFEF7, lr;
	s5 =	simm.s32 $0xFFFFFFFF;
	p2 =	slt.u32 s8, $0xFFFFF086  }
0x1c: {  	p1 =	slt.u32 s9, $0xF7A;
	s5 =	simm.s32 @!p2 $0x0  }
0x1d: {  	s5 =	simm.s32 @p1 $0x1;
	p0 =	seq.s32 s7, s2  }
0x1e: {  	s7 =	smul.u32 @!p0 $0xF7A, s2;
	p2 =	seq.s32 @!p0 s5, $0x0  }
0x1f: {  	s9 =	smul.u32 $0xF7A, s1;
	s8 =	simm.s32 @!p0 $0x1BF5;
	p2 =	por !p2, p0  }
0x20: {  	[sflag:s8] =	ssyncset.s32 @!p0 $0xFFFFF086;
	s6 =	sadd.s32 @!p0 s3, s7;
	s7 =	simm.s32 @!p0 $0x108  }
0x21: {  	s3 =	sadd.s32 s3, s9;
	s6 =	sadd.s32 @!p0 $0x88, s6;
	s7 =	simm.s32 @p2 $0x1082  }
0x22: {  	[simem:s7], [sflag:s8] =	dma.local @!p0 [hbm:s6], $0xF7A  }
0x23: {  	s9 =	sor.u32 $0xD0000000, s2;
	s6 =	simm.s32 $0x108;
	_ =	swait.ge @!p0 [sflag:s8], $0x0  }
0x24: {  	s3 =	sadd.s32 $0x88, s3;
	s6 =	simm.s32 @!p1 $0x1082;
	[sflag:s4] =	ssyncset.s32 $0xFFFFF086  }
0x25: {  	[simem:s6], [sflag:s4] =	dma.local [hbm:s3], $0xF7A  }
0x26: {  	[smem:$0x3F7F] =	sst s1;
	(tag) =	ssettag s2;
	_ =	strace s9  }
0x27: {  	s1 =	sld [smem:$0x3F8F]  }
0x28: {  	s2 =	sld [smem:$0x3F90]  }
0x29: {  	s4 =	sld [smem:$0x3F92]  }
0x2a: {  	p0 =	seq.s32 s5, $0x0;
	s5 =	sld [smem:$0x3F93]  }
0x2b: {  	s6 =	sld [smem:$0x3F94]  }
0x2c: {  	s7 =	sld [smem:$0x3F95]  }
0x2d: {  	s3 =	simm.s32 $0x108;
	s8 =	sld [smem:$0x3F96]  }
0x2e: {  	s3 =	simm.s32 @!p0 $0x1082;
	s9 =	sld [smem:$0x3F97]  }
0x2f: {  	lr =	sadd.s32 s0, s3;
	s0 =	sld [smem:$0x3F8E]  }
0x30: {  	s3 =	sld [smem:$0x3F91]  }
0x31: {  	[smem:$0x3F9A] =	sst s10  }
0x32: {  	s10 =	sld [smem:$0x3F98];
	_ =	sdelay $0x3  }
0x33: {  	p0 =	seq.s32 s10, $0x1;
	s10 =	sld [smem:$0x3F9A];
	_ =	sdelay $0x3  }
0x34: {  	[smem:$0x3F9A] =	sst s10  }
0x35: {  	s10 =	sld [smem:$0x3F99];
	_ =	sdelay $0x3  }
0x36: {  	p1 =	seq.s32 s10, $0x1;
	s10 =	sld [smem:$0x3F9A];
	_ =	sdelay $0x3  }
0x37: {  	[smem:$0x3F9A] =	sst s10  }
0x38: {  	s10 =	sld [smem:$0x3F9B]  }
0x39: {  	_ = 	snop;
	(pc) =	sbr.ind lr, $3  }
0x3a: {  	_ = 	snop  }
0x3b: {  	_ = 	snop  }
0x3c: {  	p2 =	seq.s32 s10, $0x1;
	s10 =	sld [smem:$0x3F9A]  }
0x3d: {  	_ =	shalt  }
0x3e: {  	_ =	shalt  }
0x3f: {  	_ =	shalt  }
0x40: {  	_ =	shalt  }
0x41: {  	_ =	shalt  }
0x42: {  	_ =	shalt  }
0x43: {  	_ =	shalt  }
0x44: {  	_ =	shalt  }
0x45: {  	_ =	shalt  }
0x46: {  	_ =	shalt  }
0x47: {  	_ =	shalt  }
0x48: {  	_ =	shalt  }
0x49: {  	_ =	shalt  }
0x4a: {  	_ =	shalt  }
0x4b: {  	_ =	shalt  }
0x4c: {  	_ =	shalt  }
0x4d: {  	_ =	shalt  }
0x4e: {  	_ =	shalt  }
0x4f: {  	_ =	shalt  }
0x50: {  	_ =	shalt  }
0x51: {  	_ =	shalt  }
0x52: {  	_ =	shalt  }
0x53: {  	_ =	shalt  }
0x54: {  	_ =	shalt  }
0x55: {  	_ =	shalt  }
0x56: {  	_ =	shalt  }
0x57: {  	_ =	shalt  }
0x58: {  	_ =	shalt  }
0x59: {  	_ =	shalt  }
0x5a: {  	_ =	shalt  }
0x5b: {  	_ =	shalt  }
0x5c: {  	_ =	shalt  }
0x5d: {  	_ =	shalt  }
0x5e: {  	_ =	shalt  }
0x5f: {  	_ =	shalt  }
0x60: {  	_ =	shalt  }
0x61: {  	_ =	shalt  }
0x62: {  	_ =	shalt  }
0x63: {  	_ =	shalt  }
0x64: {  	_ =	shalt  }
0x65: {  	_ =	shalt  }
0x66: {  	_ =	shalt  }
0x67: {  	_ =	shalt  }
0x68: {  	_ =	shalt  }
0x69: {  	_ =	shalt  }
0x6a: {  	_ =	shalt  }
0x6b: {  	_ =	shalt  }
0x6c: {  	_ =	shalt  }
0x6d: {  	_ =	shalt  }
0x6e: {  	_ =	shalt  }
0x6f: {  	_ =	shalt  }
0x70: {  	_ =	shalt  }
0x71: {  	_ =	shalt  }
0x72: {  	_ =	shalt  }
0x73: {  	_ =	shalt  }
0x74: {  	_ =	shalt  }
0x75: {  	_ =	shalt  }
0x76: {  	_ =	shalt  }
0x77: {  	_ =	shalt  }
0x78: {  	_ =	shalt  }
0x79: {  	_ =	shalt  }
0x7a: {  	_ =	shalt  }
0x7b: {  	_ =	shalt  }
0x7c: {  	_ =	shalt  }
0x7d: {  	_ =	shalt  }
0x7e: {  	_ =	shalt  }
0x7f: {  	_ =	shalt  }
0x80: {  	_ =	shalt  }
0x81: {  	_ =	shalt  }
0x82: {  	_ =	shalt  }
0x83: {  	_ =	shalt  }
0x84: {  	_ =	shalt  }
0x85: {  	_ =	shalt  }
0x86: {  	_ =	shalt  }
0x87: {  	_ =	shalt  }
.Lfunc_end0:
.L_simem_size_0:
called_computation_lowered:
.L_overlay_start_0:
0x88: {  	s2 =	sld [smem:$0x3FD9]  }
0x89: {  	s3 =	sld [smem:$0x3FFE];
	_ =	sdelay $0x1  }
0x8a: {  	s1 =	srdreg.scid  }
0x8b: {  	s0 =	sand.u32 $0x1, s1  }
0x8c: {  	s16 =	sshll.u32 s0, $0xA;
	s2 =	sadd.s32 s3, s2  }
0x8d: {  	s2 =	sadd.s32 s2, s16  }
0x8e: {  	[smem:$0x3FA6] =	sst s2  }
0x8f: {  	_ = 	snop  }
0x90: {  	(tm) =	ssettm $0x1  }
0x91: {  	s17 =	sld [smem:$0x3FFB];
	_ =	sdelay $0x3  }
0x92: {  	_ =	strace s17  }
0x93: {  	s2 =	sld [smem:$0x3FFC];
	_ =	sdelay $0x3  }
0x94: {  	_ =	strace s2  }
0x95: {  	s2 =	sld [smem:$0x3FFD];
	_ =	sdelay $0x3  }
0x96: {  	_ =	strace s2  }
0x97: {  	_ =	strace $0x8FFFFFFF  }
0x98: {  	s18 =	sld [smem:$0x3FDB];
	_ =	sdelay $0x1  }
0x99: {  	s19 =	simm.s32 $_scs_section_size  }
0x9a: {  	s4 =	simm.s32 $_size__tile_overlayer_lowered;
	s5 =	simm.s32 $_tile_overlayer_lowered  }
0x9b: {  	s22 =	simm.s32 $0x1BFF;
	s21 =	sshll.u32 s5, $0x1;
	s2 =	sadd.s32 s19, s18  }
0x9c: {  	s6 =	simm.s32 $0x0;
	s20 =	sshll.u32 s4, $0x1;
	s4 =	sadd.s32 s21, s2  }
0x9d: {  	[timem:s6], [sflag:s22] =	dma.local [hbm:s4], s20  }
0x9e: {  	_ =	swait.ge [sflag:s22], s20  }
0x9f: {  	s3 =	ssub.s32 $0x0, s20;
	[sflag:s22] =	ssyncset.done $0x0  }
0xa0: {  	[sflag:s22] =	ssyncadd.s32 s3;
	_ =	sdelay $0x1  }
0xa1: {  	s23 =	simm.s32 $0x1B8B  }
0xa2: {  	_ =	swait.ge [sflag:s23], $0x1  }
0xa3: {  	[sflag:s23] =	ssyncset.done $0x0  }
0xa4: {  	s25 =	simm.s32 $0x1B8E;
	s24 =	sld [smem:$0x3FFE];
	[sflag:s23] =	ssyncadd.s32 $0xFFFFFFFF  }
0xa5: {  	s26 =	simm.s32 $execute0_lowered;
	[smem:$0x3FD2] =	sst s25  }
0xa6: {  	s4 =	sshll.u32 s26, $0x1;
	_ =	strace $0x80000046;
	[dreg:$0x1] =	wrdreg $0xFFFFFFFF  }
0xa7: {  	s28 =	simm.s32 $_size_execute0_lowered;
	s2 =	sadd.s32 s2, s4;
	[dreg:$0x0] =	wrdreg $0x0  }
0xa8: {  	s4 =	sshll.u32 s28, $0x1;
	[dreg:$0x2] =	wrdreg s2  }
0xa9: {  	[dreg:$0x3] =	wrdreg s4  }
0xaa: {  	[dreg:$0x4] =	wrdreg $0xC0  }
0xab: {  	_ =	task [dreg:s6], $0x5FFFF  }
0xac: {  	[dreg:$0x1] =	wrdreg $0xFFFFFFFF  }
0xad: {  	[dreg:$0x0] =	wrdreg $0x60  }
0xae: {  	[dreg:$0x2] =	wrdreg s24  }
0xaf: {  	[dreg:$0x3] =	wrdreg $0x9  }
0xb0: {  	_ =	task.clear_ibuf [dreg:s6], $0x4FFFF;
	_ =	strace $0x90000046  }
0xb1: {  	s29 =	simm.s32 $0x9;
	_ =	strace $0x80000048  }
0xb2: {  	_ =	swait.ge [sflag:s29], $0x1  }
0xb3: {  	[sflag:s29] =	ssyncadd.s32 $0xFFFFFFFF  }
0xb4: {  	_ =	strace $0x90000048  }
0xb5: {  	_ =	sfence  }
0xb6: {  	s30 =	sld [smem:$0x0];
	_ =	sdelay $0x2  }
0xb7: {  	s31 =	sshll.u32 s1, $0xD;
	s1 =	sshrl.u32 s1, $0x2  }
0xb8: {  	s3 =	sand.u32 $0x4000, s31;
	s1 =	sadd.s32 s1, s30  }
0xb9: {  	s0 =	sor.u32 s3, s0;
	s1 =	sshll.u32 s1, $0x11  }
0xba: {  	s0 =	sor.u32 s1, s0  }
0xbb: {  	s0 =	sadd.s32 $0x8F2B, s0  }
0xbc: {  	[sflag:s0] =	ssyncadd.remote.s32 $0x1  }
0xbd: {  	_ =	sfence.sel $0xFFFF  }
0xbe: {  	[dreg:$0x0] =	wrdreg $0xFFFFFFFF;
	(pc) =	sbr.abs _section_cstart, $3  }
0xbf: {  	[dreg:$0x1] =	wrdreg $0xFFFFFFFF  }
0xc0: {  	_ =	task.clear_ibuf [dreg:s6], $0x2FFFF;
	_ =	strace $0x9FFFFFFF  }
0xc1: {  	(tm) =	ssettm $0x7FFFFFFF  }
tec
execute0_lowered:
.L_overlay_start_1:
0x0: {  	(tag) =	ssettag $0x1  }
0x1: {  	s7 =	rddreg [dreg:$0x0]  }
0x2: {  	s3 =	srdreg.scid;
	s1 =	stileid.u32;
	s2 =	simm.s32 $0x0  }
0x3: {  	s12 =	simm.s32 $0x5;
	s13 =	simm.s32 $0x1400;
	s14 =	simm.s32 $0x80  }
0x4: {  	s15 =	simm.s32 $0x2800;
	s16 =	simm.s32 $0x6800;
	s17 =	simm.s32 $0xA800  }
0x5: {  	s18 =	simm.s32 $0xE800;
	s19 =	simm.s32 $0x12800;
	s20 =	simm.s32 $0x16800  }
0x6: {  	s21 =	simm.s32 $0x1;
	s22 =	simm.s32 $0x2;
	s23 =	simm.s32 $0x3  }
0x7: {  	s24 =	simm.s32 $0x4;
	s25 =	simm.s32 $0x0;
	s5 =	sand.u32 $0x1, s3  }
0x8: {  	s31 =	sshll.u32 s1, $0x1;
	[smem:$0x7FF] =	sst s2;
	s3 =	sadd.s32 $0x6400, s7  }
0x9: {  	s4 =	sadd.s32 $0x3D400, s7;
	s8 =	sor.u32 s5, s31;
	s9 =	ssub.s32 $0x2, s5  }
0xa: {  	_ =	strace $0x80000047;
	s6 =	smul.u32 $0x280, s8;
	s11 =	sshrl.u32 s9, $0x1  }
0xb: {  	s5 =	sadd.s32 $0x65400, s7;
	s8 =	smul.u32 $0x28, s8;
	s11 =	ssub.s32 s9, s11  }
0xc: {  	s10 =	sadd.s32 s6, s7;
	s6 =	sadd.s32 $0xB5400, s7;
	s7 =	sadd.s32 $0x335400, s7  }
0xd: {  	s11 =	smax.u32 s11, $0x1;
	s9 =	sadd.s32 $0x38400, s10;
	s10 =	sadd.s32 $0x2E400, s10  }
.LBB2_1:
0xe: {  	[tilespmem:s2], [sflag:$0x5] =	stream.linear.gather [hbm4b:s9+s2], $0x1400, $0x38;
	[tilespmem:$0x1A800] =	vst v63  }
0xf: {  	_ =	swait.ge [sflag:s12], $0x1400  }
0x10: {  	[sflag:s12] =	ssyncset.done $0x0  }
0x11: {  	[sflag:s12] =	ssyncadd.s32 $0xFFFFEC00  }
0x12: {  	[tilespmem:s13], [sflag:$0x5] =	stream.linear.gather [hbm4b:s10+s2], $0x1400, $0x38;
	[tilespmem:$0x1A800] =	vst v63  }
0x13: {  	_ =	swait.ge [sflag:s12], $0x1400  }
0x14: {  	[sflag:s12] =	ssyncset.done $0x0  }
0x15: {  	[sflag:s12] =	ssyncadd.s32 $0xFFFFEC00  }
0x16: {  	[tilespmem:s15], [sflag:$0x1] =	stream.indirect.gather [hbm4b:s3+s14], $0x80, s2, s14, $0xb8;
	[tilespmem:$0x1A800] =	vst v63  }
0x17: {  	_ = 	snop  }
0x18: {  	[tilespmem:s16], [sflag:$0x1] =	stream.indirect.gather [hbm4b:s4+s14], $0x80, s13, s14, $0xb8;
	[tilespmem:$0x1A800] =	vst v63  }
0x19: {  	s26 =	simm.s32 $0x0  }
0x1a: {  	[tilespmem:s17], [sflag:$0x1] =	stream.indirect.gather [hbm4b:s5+s14], $0x80, s2, s14, $0xb8;
	[tilespmem:$0x1A800] =	vst v63  }
.LBB2_2:
0x1b: {  	p0 =	seq.s32 s26, $0x0  }
0x1c: {  	s29 =	simm.s32 @!p0 $0x4  }
0x1d: {  	_ =	swait.ge @!p0 [sflag:s29], $0x4000  }
0x1e: {  	[sflag:s29] =	ssyncset.done @!p0 $0x0  }
0x1f: {  	[sflag:s29] =	ssyncadd.s32 @!p0 $0xFFFFC000  }
0x20: {  	_ =	swait.ge @!p0 [sflag:s29], $0x4000  }
0x21: {  	s28 =	sshllo.u32 s26, $0x1;
	[sflag:s29] =	ssyncset.done @!p0 $0x0  }
0x22: {  	[sflag:s29] =	ssyncadd.s32 @!p0 $0xFFFFC000;
	s29 =	sshll.u32 s28, $0x7  }
0x23: {  	[tilespmem:s18], [sflag:$0x2] =	stream.indirect.gather [hbm4b:s3+s14], $0x80, s29, s14, $0xb8;
	[tilespmem:$0x1A800] =	vst v63  }
0x24: {  	s30 =	sadd.s32 $0x1400, s29  }
0x25: {  	[tilespmem:s19], [sflag:$0x2] =	stream.indirect.gather [hbm4b:s4+s14], $0x80, s30, s14, $0xb8;
	[tilespmem:$0x1A800] =	vst v63  }
0x26: {  	_ = 	snop  }
0x27: {  	[tilespmem:s20], [sflag:$0x2] =	stream.indirect.gather [hbm4b:s5+s14], $0x80, s29, s14, $0xb8;
	[tilespmem:$0x1A800] =	vst v63  }
0x28: {  	_ =	swait.ge [sflag:s21], $0x4000  }
0x29: {  	[sflag:s21] =	ssyncset.done $0x0  }
0x2a: {  	[sflag:s21] =	ssyncadd.s32 $0xFFFFC000  }
0x2b: {  	_ =	swait.ge [sflag:s21], $0x4000  }
0x2c: {  	[sflag:s21] =	ssyncset.done $0x0  }
0x2d: {  	[sflag:s21] =	ssyncadd.s32 $0xFFFFC000  }
0x2e: {  	_ =	swait.ge [sflag:s21], $0x4000  }
0x2f: {  	[sflag:s21] =	ssyncset.done $0x0  }
0x30: {  	s29 =	simm.s32 $0x0;
	[sflag:s21] =	ssyncadd.s32 $0xFFFFC000  }
0x31: {  	v7 =	vld [tilespmem:s29+$0x6800]  }
0x32: {  	v11 =	vld [tilespmem:s29+$0x6810]  }
0x33: {  	v5 =	vld [tilespmem:s29+$0x6820]  }
0x34: {  	v4 =	vld [tilespmem:s29+$0x6830]  }
0x35: {  	v3 =	vld [tilespmem:s29+$0x6840]  }
0x36: {  	v2 =	vld [tilespmem:s29+$0x6850]  }
0x37: {  	v1 =	vld [tilespmem:s29+$0x6860]  }
0x38: {  	v0 =	vld [tilespmem:s29+$0x6870]  }
0x39: {  	v12 =	vld [tilespmem:s29+$0x2800]  }
0x3a: {  	v13 =	vld [tilespmem:s29+$0x2810]  }
0x3b: {  	v10 =	vld [tilespmem:s29+$0x2820]  }
0x3c: {  	v9 =	vld [tilespmem:s29+$0x2830]  }
0x3d: {  	v8 =	vld [tilespmem:s29+$0x2840]  }
0x3e: {  	v6 =	vld [tilespmem:s29+$0x2850];
	v12 =	vmul.f32 v7, v12  }
0x3f: {  	s31 =	simm.s32 $0x200;
	s30 =	sshll.u32 s26, $0x1;
	v11 =	vmul.f32 v11, v13;
	v7 =	vld [tilespmem:s29+$0x2860]  }
.LBB2_3:
0x40: {  	s0 =	sshra.s32 s31, $0x2;
	p0 =	sne.s32 s31, $0xFE00;
	[tilespmem:s29+$0x2800] =	vst v12;
	v5 =	vmul.f32 v5, v10;
	v10 =	vld [tilespmem:s29+$0x2870]  }
0x41: {  	v12 =	vld [tilespmem:s0+$0x6800];
	[tilespmem:s29+$0x2810] =	vst v11;
	v4 =	vmul.f32 v4, v9  }
0x42: {  	v11 =	vld [tilespmem:s0+$0x6810];
	[tilespmem:s29+$0x2820] =	vst v5;
	v3 =	vmul.f32 v3, v8  }
0x43: {  	v5 =	vld [tilespmem:s0+$0x6820];
	[tilespmem:s29+$0x2830] =	vst v4;
	v2 =	vmul.f32 v2, v6  }
0x44: {  	v4 =	vld [tilespmem:s0+$0x6830];
	[tilespmem:s29+$0x2840] =	vst v3;
	v1 =	vmul.f32 v1, v7  }
0x45: {  	v3 =	vld [tilespmem:s0+$0x6840];
	[tilespmem:s29+$0x2850] =	vst v2;
	v0 =	vmul.f32 v0, v10  }
0x46: {  	v2 =	vld [tilespmem:s0+$0x6850];
	[tilespmem:s29+$0x2860] =	vst v1  }
0x47: {  	v1 =	vld [tilespmem:s0+$0x6860];
	[tilespmem:s29+$0x2870] =	vst v0;
	s29 =	smov.u32 s0  }
0x48: {  	v0 =	vld [tilespmem:s29+$0x6870]  }
0x49: {  	v6 =	vld [tilespmem:s29+$0x2800]  }
0x4a: {  	v7 =	vld [tilespmem:s29+$0x2810]  }
.Ltmp0:
0x4b: {  	v10 =	vld [tilespmem:s29+$0x2820];
	(pc) =	sbr.rel @p0 .LBB2_3-.Ltmp0, $4  }
0x4c: {  	v9 =	vld [tilespmem:s29+$0x2830]  }
0x4d: {  	v8 =	vld [tilespmem:s29+$0x2840]  }
0x4e: {  	v12 =	vmul.f32 v12, v6;
	v6 =	vld [tilespmem:s29+$0x2850]  }
0x4f: {  	s31 =	sadd.s32 $0x200, s31;
	v11 =	vmul.f32 v11, v7;
	v7 =	vld [tilespmem:s29+$0x2860]  }
0x50: {  	[tilespmem:s29+$0x2800] =	vst v12;
	v5 =	vmul.f32 v5, v10;
	v10 =	vld [tilespmem:s29+$0x2870]  }
0x51: {  	[tilespmem:s29+$0x2810] =	vst v11;
	v4 =	vmul.f32 v4, v9  }
0x52: {  	[tilespmem:s29+$0x2820] =	vst v5;
	v3 =	vmul.f32 v3, v8  }
0x53: {  	[tilespmem:s29+$0x2830] =	vst v4;
	v2 =	vmul.f32 v2, v6  }
0x54: {  	[tilespmem:s29+$0x2840] =	vst v3;
	v1 =	vmul.f32 v1, v7  }
0x55: {  	s0 =	sadd.s32 s8, s30;
	[tilespmem:s29+$0x2850] =	vst v2;
	v0 =	vmul.f32 v0, v10  }
0x56: {  	s0 =	sshll.u32 s0, $0xB;
	[tilespmem:s29+$0x2860] =	vst v1  }
0x57: {  	[tilespmem:s29+$0x2870] =	vst v0;
	s29 =	sadd.s32 s6, s0  }
0x58: {  	[hbm4b:s29+s2] =	stream.linear.scatter [tilespmem:s15], [sflag:$0x3], $0x4000, $0x38;
	[tilespmem:$0x1A800] =	vst v63  }
0x59: {  	p0 =	seq.s32 s26, $0x13;
	s0 =	sadd.s32 s7, s0  }
0x5a: {  	[hbm4b:s0+s2] =	stream.linear.scatter [tilespmem:s17], [sflag:$0x3], $0x4000, $0x38;
	[tilespmem:$0x1A800] =	vst v63  }
0x5b: {  	s0 =	simm.s32 @!p0 $0x3  }
0x5c: {  	_ =	swait.ge @!p0 [sflag:s0], $0x4000  }
0x5d: {  	[sflag:s0] =	ssyncset.done @!p0 $0x0  }
0x5e: {  	[sflag:s0] =	ssyncadd.s32 @!p0 $0xFFFFC000  }
0x5f: {  	_ =	swait.ge @!p0 [sflag:s0], $0x4000  }
0x60: {  	[sflag:s0] =	ssyncset.done @!p0 $0x0  }
0x61: {  	[sflag:s0] =	ssyncadd.s32 @!p0 $0xFFFFC000;
	s0 =	sshll.u32 @!p0 s26, $0x8  }
0x62: {  	s30 =	simm.s32 @!p0 $0x80;
	s31 =	simm.s32 @!p0 $0x2800;
	s29 =	sadd.s32 @!p0 $0x100, s0  }
0x63: {  	[tilespmem:s31], [sflag:$0x1] =	stream.indirect.gather @!p0 [hbm4b:s3+s30], $0x80, s29, s30, $0xb8;
	[tilespmem:$0x1A800] =	vst v63  }
0x64: {  	s0 =	sadd.s32 @!p0 $0x1500, s0;
	s31 =	simm.s32 @!p0 $0x6800  }
0x65: {  	[tilespmem:s31], [sflag:$0x1] =	stream.indirect.gather @!p0 [hbm4b:s4+s30], $0x80, s0, s30, $0xb8;
	[tilespmem:$0x1A800] =	vst v63  }
0x66: {  	s0 =	simm.s32 @!p0 $0xA800  }
0x67: {  	[tilespmem:s0], [sflag:$0x1] =	stream.indirect.gather @!p0 [hbm4b:s5+s30], $0x80, s29, s30, $0xb8;
	[tilespmem:$0x1A800] =	vst v63  }
0x68: {  	_ =	swait.ge [sflag:s22], $0x4000  }
0x69: {  	[sflag:s22] =	ssyncset.done $0x0  }
0x6a: {  	[sflag:s22] =	ssyncadd.s32 $0xFFFFC000  }
0x6b: {  	_ =	swait.ge [sflag:s22], $0x4000  }
0x6c: {  	[sflag:s22] =	ssyncset.done $0x0  }
0x6d: {  	[sflag:s22] =	ssyncadd.s32 $0xFFFFC000  }
0x6e: {  	_ =	swait.ge [sflag:s22], $0x4000  }
0x6f: {  	[sflag:s22] =	ssyncset.done $0x0  }
0x70: {  	s29 =	simm.s32 $0x0;
	[sflag:s22] =	ssyncadd.s32 $0xFFFFC000  }
0x71: {  	v7 =	vld [tilespmem:s29+$0x12800]  }
0x72: {  	v11 =	vld [tilespmem:s29+$0x12810]  }
0x73: {  	v5 =	vld [tilespmem:s29+$0x12820]  }
0x74: {  	v4 =	vld [tilespmem:s29+$0x12830]  }
0x75: {  	v3 =	vld [tilespmem:s29+$0x12840]  }
0x76: {  	v2 =	vld [tilespmem:s29+$0x12850]  }
0x77: {  	v1 =	vld [tilespmem:s29+$0x12860]  }
0x78: {  	v0 =	vld [tilespmem:s29+$0x12870]  }
0x79: {  	v12 =	vld [tilespmem:s29+$0xE800]  }
0x7a: {  	v13 =	vld [tilespmem:s29+$0xE810]  }
0x7b: {  	v10 =	vld [tilespmem:s29+$0xE820]  }
0x7c: {  	v9 =	vld [tilespmem:s29+$0xE830]  }
0x7d: {  	v8 =	vld [tilespmem:s29+$0xE840]  }
0x7e: {  	v6 =	vld [tilespmem:s29+$0xE850];
	v12 =	vmul.f32 v7, v12  }
0x7f: {  	s30 =	simm.s32 $0x200;
	v11 =	vmul.f32 v11, v13;
	v7 =	vld [tilespmem:s29+$0xE860]  }
.LBB2_5:
0x80: {  	s0 =	sshra.s32 s30, $0x2;
	p0 =	sne.s32 s30, $0xFE00;
	[tilespmem:s29+$0xE800] =	vst v12;
	v5 =	vmul.f32 v5, v10;
	v10 =	vld [tilespmem:s29+$0xE870]  }
0x81: {  	v12 =	vld [tilespmem:s0+$0x12800];
	[tilespmem:s29+$0xE810] =	vst v11;
	v4 =	vmul.f32 v4, v9  }
0x82: {  	v11 =	vld [tilespmem:s0+$0x12810];
	[tilespmem:s29+$0xE820] =	vst v5;
	v3 =	vmul.f32 v3, v8  }
0x83: {  	v5 =	vld [tilespmem:s0+$0x12820];
	[tilespmem:s29+$0xE830] =	vst v4;
	v2 =	vmul.f32 v2, v6  }
0x84: {  	v4 =	vld [tilespmem:s0+$0x12830];
	[tilespmem:s29+$0xE840] =	vst v3;
	v1 =	vmul.f32 v1, v7  }
0x85: {  	v3 =	vld [tilespmem:s0+$0x12840];
	[tilespmem:s29+$0xE850] =	vst v2;
	v0 =	vmul.f32 v0, v10  }
0x86: {  	v2 =	vld [tilespmem:s0+$0x12850];
	[tilespmem:s29+$0xE860] =	vst v1  }
0x87: {  	v1 =	vld [tilespmem:s0+$0x12860];
	[tilespmem:s29+$0xE870] =	vst v0;
	s29 =	smov.u32 s0  }
0x88: {  	v0 =	vld [tilespmem:s29+$0x12870]  }
0x89: {  	v6 =	vld [tilespmem:s29+$0xE800]  }
0x8a: {  	v7 =	vld [tilespmem:s29+$0xE810]  }
.Ltmp1:
0x8b: {  	v10 =	vld [tilespmem:s29+$0xE820];
	(pc) =	sbr.rel @p0 .LBB2_5-.Ltmp1, $4  }
0x8c: {  	v9 =	vld [tilespmem:s29+$0xE830]  }
0x8d: {  	v8 =	vld [tilespmem:s29+$0xE840]  }
0x8e: {  	v12 =	vmul.f32 v12, v6;
	v6 =	vld [tilespmem:s29+$0xE850]  }
0x8f: {  	s30 =	sadd.s32 $0x200, s30;
	v11 =	vmul.f32 v11, v7;
	v7 =	vld [tilespmem:s29+$0xE860]  }
0x90: {  	[tilespmem:s29+$0xE800] =	vst v12;
	v5 =	vmul.f32 v5, v10;
	v63 =	vld [tilespmem:s29+$0xE870]  }
0x91: {  	[tilespmem:s29+$0xE810] =	vst v11;
	v4 =	vmul.f32 v4, v9  }
0x92: {  	[tilespmem:s29+$0xE820] =	vst v5;
	v3 =	vmul.f32 v3, v8  }
0x93: {  	[tilespmem:s29+$0xE830] =	vst v4;
	v2 =	vmul.f32 v2, v6  }
0x94: {  	s0 =	sadd.s32 s8, s28;
	s26 =	sadd.s32 $0x1, s26;
	[tilespmem:s29+$0xE840] =	vst v3;
	v1 =	vmul.f32 v1, v7  }
0x95: {  	s0 =	sshll.u32 s0, $0xB;
	p0 =	sne.s32 s26, $0x14;
	[tilespmem:s29+$0xE850] =	vst v2;
	v0 =	vmul.f32 v0, v63  }
.Ltmp2:
0x96: {  	s0 =	sand.u32 $0x1FFFF800, s0;
	[tilespmem:s29+$0xE860] =	vst v1;
	(pc) =	sbr.rel @p0 .LBB2_2-.Ltmp2, $4  }
0x97: {  	s31 =	sadd.s32 s6, s0;
	[tilespmem:s29+$0xE870] =	vst v0  }
0x98: {  	[hbm4b:s31+s2] =	stream.linear.scatter [tilespmem:s18], [sflag:$0x4], $0x4000, $0x38;
	[tilespmem:$0x1A800] =	vst v63  }
0x99: {  	s0 =	sadd.s32 s7, s0  }
0x9a: {  	[hbm4b:s0+s2] =	stream.linear.scatter [tilespmem:s20], [sflag:$0x4], $0x4000, $0x38;
	[tilespmem:$0x1A800] =	vst v63  }
0x9b: {  	_ =	swait.ge [sflag:s23], $0x4000  }
0x9c: {  	[sflag:s23] =	ssyncset.done $0x0  }
0x9d: {  	[sflag:s23] =	ssyncadd.s32 $0xFFFFC000  }
0x9e: {  	_ =	swait.ge [sflag:s23], $0x4000  }
0x9f: {  	[sflag:s23] =	ssyncset.done $0x0  }
0xa0: {  	s25 =	sadd.s32 $0x1, s25;
	[sflag:s23] =	ssyncadd.s32 $0xFFFFC000  }
0xa1: {  	p0 =	sne.s32 s25, s11;
	_ =	swait.ge [sflag:s24], $0x4000  }
.Ltmp3:
0xa2: {  	[sflag:s24] =	ssyncset.done $0x0;
	(pc) =	sbr.rel @p0 .LBB2_1-.Ltmp3, $4  }
0xa3: {  	[sflag:s24] =	ssyncadd.s32 $0xFFFFC000  }
0xa4: {  	_ =	swait.ge [sflag:s24], $0x4000  }
0xa5: {  	[sflag:s24] =	ssyncset.done $0x0  }
0xa6: {  	[sflag:s24] =	ssyncadd.s32 $0xFFFFC000  }
0xa7: {  	_ =	sfence.sel $0x180000  }
0xa8: {  	[bflag:$0x0] =	sbarrier.arrive $0xFFFF  }
0xa9: {  	_ =	strace $0x90000047  }
0xaa: {  	[bflag:$0x2] =	sbarrier.arrive $0xFFFF  }
0xab: {  	p0 =	sne.s32 s1, $0x0;
	s0 =	rddreg [dreg:$0x1]  }
0xac: {  	s0 =	sadd.s32 @!p0 $0x100000, s0  }
0xad: {  	[sflag:s0] =	ssyncadd.tile.s32 @!p0 $0x1;
	_ =	shalt  }
.Lfunc_end2:
_tile_overlayer_lowered:
.L_overlay_start_2:
0xae: {  	(tag) =	ssettag $0x2  }
0xaf: {  	s0 =	rddreg [dreg:$0x0];
	s2 =	stileid.u32  }
0xb0: {  	s1 =	rddreg [dreg:$0x1];
	p0 =	sne.s32 s2, $0x0  }
0xb1: {  	s3 =	rddreg [dreg:$0x2];
	[bflag:$0x3] =	sbarrier.arrive $0xFFFF;
	s2 =	simm.s32 @!p0 $0x1C05  }
0xb2: {  	[timem:s3], [sflag:s2] =	dma.local @!p0 [hbm:s0], s1  }
0xb3: {  	s0 =	simm.s32 @!p0 $0x5  }
0xb4: {  	_ =	swait.ge @!p0 [sflag:s0], s1  }
0xb5: {  	s1 =	ssub.s32 @!p0 $0x0, s1;
	[sflag:s0] =	ssyncset.done @!p0 $0x0  }
0xb6: {  	[sflag:s0] =	ssyncadd.s32 @!p0 s1  }
0xb7: {  	[bflag:$0x3] =	sbarrier.arrive $0xFFFF  }
0xb8: {  	_ =	shalt  }

// kernel: kernel.16.cloned.1.call-start
scs
__scs_entry_jumppad:
0x0: {  	(pc) =	sbr.rel $0x88, $3  }
0x1: {  	(tag) =	ssettag $0x0;
	lr =	simm.s32 $0x1  }
0x2: {  	[smem:$0x3F7F] =	sst lr;
	_ =	strace $0xD0000000  }
0x3: {  	_ = 	snop  }
0x4: {  	_ = 	snop  }
0x5: {  	_ = 	snop  }
0x6: {  	_ = 	snop  }
0x7: {  	_ = 	snop  }
__scs_overlays_trampoline_lowered:
0x8: {  	[smem:$0x3F8E] =	sst s0  }
0x9: {  	[smem:$0x3F8F] =	sst s1  }
0xa: {  	[smem:$0x3F90] =	sst s2  }
0xb: {  	[smem:$0x3F91] =	sst s3  }
0xc: {  	[smem:$0x3F92] =	sst s4  }
0xd: {  	[smem:$0x3F93] =	sst s5  }
0xe: {  	[smem:$0x3F94] =	sst s6  }
0xf: {  	[smem:$0x3F95] =	sst s7  }
0x10: {  	[smem:$0x3F96] =	sst s8  }
0x11: {  	[smem:$0x3F97] =	sst s9;
	s0 =	simm.s32 @!p0 $0x0  }
0x12: {  	s1 =	sld [smem:$0x3F7D];
	s0 =	simm.s32 @p0 $0x1  }
0x13: {  	[smem:$0x3F98] =	sst s0;
	s0 =	simm.s32 @!p1 $0x0  }
0x14: {  	s2 =	sld [smem:$0x3F7C];
	s0 =	simm.s32 @p1 $0x1  }
0x15: {  	[smem:$0x3F99] =	sst s0;
	s0 =	simm.s32 @!p2 $0x0  }
0x16: {  	s3 =	sld [smem:$0x3FDB];
	s0 =	simm.s32 @p2 $0x1  }
0x17: {  	s4 =	simm.s32 $0x1BF5;
	[smem:$0x3F9B] =	sst s0  }
0x18: {  	s0 =	sld [smem:$0x3F7E];
	_ =	swait.ge [sflag:s4], $0x0  }
0x19: {  	s7 =	sld [smem:$0x3F7F]  }
0x1a: {  	s8 =	sadd.s32 $0xFFFFE003, lr  }
0x1b: {  	s9 =	sadd.s32 $0xFFFFFEF7, lr;
	s5 =	simm.s32 $0xFFFFFFFF;
	p2 =	slt.u32 s8, $0xFFFFF086  }
0x1c: {  	p1 =	slt.u32 s9, $0xF7A;
	s5 =	simm.s32 @!p2 $0x0  }
0x1d: {  	s5 =	simm.s32 @p1 $0x1;
	p0 =	seq.s32 s7, s2  }
0x1e: {  	s7 =	smul.u32 @!p0 $0xF7A, s2;
	p2 =	seq.s32 @!p0 s5, $0x0  }
0x1f: {  	s9 =	smul.u32 $0xF7A, s1;
	s8 =	simm.s32 @!p0 $0x1BF5;
	p2 =	por !p2, p0  }
0x20: {  	[sflag:s8] =	ssyncset.s32 @!p0 $0xFFFFF086;
	s6 =	sadd.s32 @!p0 s3, s7;
	s7 =	simm.s32 @!p0 $0x108  }
0x21: {  	s3 =	sadd.s32 s3, s9;
	s6 =	sadd.s32 @!p0 $0x88, s6;
	s7 =	simm.s32 @p2 $0x1082  }
0x22: {  	[simem:s7], [sflag:s8] =	dma.local @!p0 [hbm:s6], $0xF7A  }
0x23: {  	s9 =	sor.u32 $0xD0000000, s2;
	s6 =	simm.s32 $0x108;
	_ =	swait.ge @!p0 [sflag:s8], $0x0  }
0x24: {  	s3 =	sadd.s32 $0x88, s3;
	s6 =	simm.s32 @!p1 $0x1082;
	[sflag:s4] =	ssyncset.s32 $0xFFFFF086  }
0x25: {  	[simem:s6], [sflag:s4] =	dma.local [hbm:s3], $0xF7A  }
0x26: {  	[smem:$0x3F7F] =	sst s1;
	(tag) =	ssettag s2;
	_ =	strace s9  }
0x27: {  	s1 =	sld [smem:$0x3F8F]  }
0x28: {  	s2 =	sld [smem:$0x3F90]  }
0x29: {  	s4 =	sld [smem:$0x3F92]  }
0x2a: {  	p0 =	seq.s32 s5, $0x0;
	s5 =	sld [smem:$0x3F93]  }
0x2b: {  	s6 =	sld [smem:$0x3F94]  }
0x2c: {  	s7 =	sld [smem:$0x3F95]  }
0x2d: {  	s3 =	simm.s32 $0x108;
	s8 =	sld [smem:$0x3F96]  }
0x2e: {  	s3 =	simm.s32 @!p0 $0x1082;
	s9 =	sld [smem:$0x3F97]  }
0x2f: {  	lr =	sadd.s32 s0, s3;
	s0 =	sld [smem:$0x3F8E]  }
0x30: {  	s3 =	sld [smem:$0x3F91]  }
0x31: {  	[smem:$0x3F9A] =	sst s10  }
0x32: {  	s10 =	sld [smem:$0x3F98];
	_ =	sdelay $0x3  }
0x33: {  	p0 =	seq.s32 s10, $0x1;
	s10 =	sld [smem:$0x3F9A];
	_ =	sdelay $0x3  }
0x34: {  	[smem:$0x3F9A] =	sst s10  }
0x35: {  	s10 =	sld [smem:$0x3F99];
	_ =	sdelay $0x3  }
0x36: {  	p1 =	seq.s32 s10, $0x1;
	s10 =	sld [smem:$0x3F9A];
	_ =	sdelay $0x3  }
0x37: {  	[smem:$0x3F9A] =	sst s10  }
0x38: {  	s10 =	sld [smem:$0x3F9B]  }
0x39: {  	_ = 	snop;
	(pc) =	sbr.ind lr, $3  }
0x3a: {  	_ = 	snop  }
0x3b: {  	_ = 	snop  }
0x3c: {  	p2 =	seq.s32 s10, $0x1;
	s10 =	sld [smem:$0x3F9A]  }
0x3d: {  	_ =	shalt  }
0x3e: {  	_ =	shalt  }
0x3f: {  	_ =	shalt  }
0x40: {  	_ =	shalt  }
0x41: {  	_ =	shalt  }
0x42: {  	_ =	shalt  }
0x43: {  	_ =	shalt  }
0x44: {  	_ =	shalt  }
0x45: {  	_ =	shalt  }
0x46: {  	_ =	shalt  }
0x47: {  	_ =	shalt  }
0x48: {  	_ =	shalt  }
0x49: {  	_ =	shalt  }
0x4a: {  	_ =	shalt  }
0x4b: {  	_ =	shalt  }
0x4c: {  	_ =	shalt  }
0x4d: {  	_ =	shalt  }
0x4e: {  	_ =	shalt  }
0x4f: {  	_ =	shalt  }
0x50: {  	_ =	shalt  }
0x51: {  	_ =	shalt  }
0x52: {  	_ =	shalt  }
0x53: {  	_ =	shalt  }
0x54: {  	_ =	shalt  }
0x55: {  	_ =	shalt  }
0x56: {  	_ =	shalt  }
0x57: {  	_ =	shalt  }
0x58: {  	_ =	shalt  }
0x59: {  	_ =	shalt  }
0x5a: {  	_ =	shalt  }
0x5b: {  	_ =	shalt  }
0x5c: {  	_ =	shalt  }
0x5d: {  	_ =	shalt  }
0x5e: {  	_ =	shalt  }
0x5f: {  	_ =	shalt  }
0x60: {  	_ =	shalt  }
0x61: {  	_ =	shalt  }
0x62: {  	_ =	shalt  }
0x63: {  	_ =	shalt  }
0x64: {  	_ =	shalt  }
0x65: {  	_ =	shalt  }
0x66: {  	_ =	shalt  }
0x67: {  	_ =	shalt  }
0x68: {  	_ =	shalt  }
0x69: {  	_ =	shalt  }
0x6a: {  	_ =	shalt  }
0x6b: {  	_ =	shalt  }
0x6c: {  	_ =	shalt  }
0x6d: {  	_ =	shalt  }
0x6e: {  	_ =	shalt  }
0x6f: {  	_ =	shalt  }
0x70: {  	_ =	shalt  }
0x71: {  	_ =	shalt  }
0x72: {  	_ =	shalt  }
0x73: {  	_ =	shalt  }
0x74: {  	_ =	shalt  }
0x75: {  	_ =	shalt  }
0x76: {  	_ =	shalt  }
0x77: {  	_ =	shalt  }
0x78: {  	_ =	shalt  }
0x79: {  	_ =	shalt  }
0x7a: {  	_ =	shalt  }
0x7b: {  	_ =	shalt  }
0x7c: {  	_ =	shalt  }
0x7d: {  	_ =	shalt  }
0x7e: {  	_ =	shalt  }
0x7f: {  	_ =	shalt  }
0x80: {  	_ =	shalt  }
0x81: {  	_ =	shalt  }
0x82: {  	_ =	shalt  }
0x83: {  	_ =	shalt  }
0x84: {  	_ =	shalt  }
0x85: {  	_ =	shalt  }
0x86: {  	_ =	shalt  }
0x87: {  	_ =	shalt  }
.Lfunc_end0:
.L_simem_size_0:
called_computation.1_lowered:
.L_overlay_start_0:
0x88: {  	s2 =	sld [smem:$0x3FD9]  }
0x89: {  	s3 =	sld [smem:$0x3FFE];
	_ =	sdelay $0x1  }
0x8a: {  	s1 =	srdreg.scid  }
0x8b: {  	s0 =	sand.u32 $0x1, s1  }
0x8c: {  	s16 =	sshll.u32 s0, $0xA;
	s2 =	sadd.s32 s3, s2  }
0x8d: {  	s2 =	sadd.s32 s2, s16  }
0x8e: {  	[smem:$0x3FA6] =	sst s2  }
0x8f: {  	_ = 	snop  }
0x90: {  	(tm) =	ssettm $0x1  }
0x91: {  	s17 =	sld [smem:$0x3FFB];
	_ =	sdelay $0x3  }
0x92: {  	_ =	strace s17  }
0x93: {  	s2 =	sld [smem:$0x3FFC];
	_ =	sdelay $0x3  }
0x94: {  	_ =	strace s2  }
0x95: {  	s2 =	sld [smem:$0x3FFD];
	_ =	sdelay $0x3  }
0x96: {  	_ =	strace s2  }
0x97: {  	_ =	strace $0x8FFFFFFF  }
0x98: {  	s18 =	sld [smem:$0x3FDB];
	_ =	sdelay $0x1  }
0x99: {  	s19 =	simm.s32 $_scs_section_size  }
0x9a: {  	s4 =	simm.s32 $_size__tile_overlayer_lowered;
	s5 =	simm.s32 $_tile_overlayer_lowered  }
0x9b: {  	s22 =	simm.s32 $0x1BFF;
	s21 =	sshll.u32 s5, $0x1;
	s2 =	sadd.s32 s19, s18  }
0x9c: {  	s6 =	simm.s32 $0x0;
	s20 =	sshll.u32 s4, $0x1;
	s4 =	sadd.s32 s21, s2  }
0x9d: {  	[timem:s6], [sflag:s22] =	dma.local [hbm:s4], s20  }
0x9e: {  	_ =	swait.ge [sflag:s22], s20  }
0x9f: {  	s3 =	ssub.s32 $0x0, s20;
	[sflag:s22] =	ssyncset.done $0x0  }
0xa0: {  	[sflag:s22] =	ssyncadd.s32 s3;
	_ =	sdelay $0x1  }
0xa1: {  	s23 =	simm.s32 $0x1B8B  }
0xa2: {  	_ =	swait.ge [sflag:s23], $0x1  }
0xa3: {  	[sflag:s23] =	ssyncset.done $0x0  }
0xa4: {  	s25 =	simm.s32 $0x1B8E;
	s24 =	sld [smem:$0x3FFE];
	[sflag:s23] =	ssyncadd.s32 $0xFFFFFFFF  }
0xa5: {  	s26 =	simm.s32 $execute0_lowered;
	[smem:$0x3FD2] =	sst s25  }
0xa6: {  	s4 =	sshll.u32 s26, $0x1;
	_ =	strace $0x80000049;
	[dreg:$0x1] =	wrdreg $0xFFFFFFFF  }
0xa7: {  	s28 =	simm.s32 $_size_execute0_lowered;
	s2 =	sadd.s32 s2, s4;
	[dreg:$0x0] =	wrdreg $0x0  }
0xa8: {  	s4 =	sshll.u32 s28, $0x1;
	[dreg:$0x2] =	wrdreg s2  }
0xa9: {  	[dreg:$0x3] =	wrdreg s4  }
0xaa: {  	[dreg:$0x4] =	wrdreg $0xC0  }
0xab: {  	_ =	task [dreg:s6], $0x5FFFF  }
0xac: {  	[dreg:$0x1] =	wrdreg $0xFFFFFFFF  }
0xad: {  	[dreg:$0x0] =	wrdreg $0x60  }
0xae: {  	[dreg:$0x2] =	wrdreg s24  }
0xaf: {  	[dreg:$0x3] =	wrdreg $0x5C000  }
0xb0: {  	[dreg:$0x4] =	wrdreg $0x9  }
0xb1: {  	_ =	task.clear_ibuf [dreg:s6], $0x5FFFF;
	_ =	strace $0x90000049  }
0xb2: {  	s29 =	simm.s32 $0x9;
	_ =	strace $0x8000004B  }
0xb3: {  	_ =	swait.ge [sflag:s29], $0x1  }
0xb4: {  	[sflag:s29] =	ssyncadd.s32 $0xFFFFFFFF  }
0xb5: {  	_ =	strace $0x9000004B  }
0xb6: {  	_ =	sfence  }
0xb7: {  	s30 =	sld [smem:$0x0];
	_ =	sdelay $0x2  }
0xb8: {  	s31 =	sshll.u32 s1, $0xD;
	s1 =	sshrl.u32 s1, $0x2  }
0xb9: {  	s3 =	sand.u32 $0x4000, s31;
	s1 =	sadd.s32 s1, s30  }
0xba: {  	s0 =	sor.u32 s3, s0;
	s1 =	sshll.u32 s1, $0x11  }
0xbb: {  	s0 =	sor.u32 s1, s0  }
0xbc: {  	s0 =	sadd.s32 $0x8F2B, s0  }
0xbd: {  	[sflag:s0] =	ssyncadd.remote.s32 $0x1  }
0xbe: {  	_ =	sfence.sel $0xFFFF  }
0xbf: {  	[dreg:$0x0] =	wrdreg $0xFFFFFFFF;
	(pc) =	sbr.abs _section_cstart, $3  }
0xc0: {  	[dreg:$0x1] =	wrdreg $0xFFFFFFFF  }
0xc1: {  	_ =	task.clear_ibuf [dreg:s6], $0x2FFFF;
	_ =	strace $0x9FFFFFFF  }
0xc2: {  	(tm) =	ssettm $0x7FFFFFFF  }
0xc3: {  	_ =	shalt  }
tec
execute0_lowered:
.L_overlay_start_1:
0x0: {  	(tag) =	ssettag $0x1  }
0x1: {  	s1 =	srdreg.scid;
	s5 =	rddreg [dreg:$0x0]  }
0x2: {  	s0 =	stileid.u32;
	s2 =	rddreg [dreg:$0x1];
	s3 =	simm.s32 $0x0  }
0x3: {  	s16 =	simm.s32 $0x1400;
	s17 =	simm.s32 $0x3800;
	s18 =	simm.s32 $0x1  }
0x4: {  	s19 =	simm.s32 $0x40;
	s20 =	simm.s32 $0x3;
	s21 =	simm.s32 $0x2  }
0x5: {  	s22 =	simm.s32 $0x4;
	s23 =	simm.s32 $0x1380;
	s7 =	smul.u32 $0x16800, s0  }
0x6: {  	s24 =	simm.s32 $0x13C0;
	s8 =	sand.u32 $0x1, s1;
	s9 =	smul.u32 $0x2D00, s0  }
0x7: {  	s25 =	sshll.u32 s0, $0x1;
	s1 =	rddreg [dreg:$0x2];
	s29 =	smul.u32 $0x2D000, s0  }
0x8: {  	[smem:$0x7FF] =	sst s3;
	s11 =	sadd.s32 $0xB5400, s5;
	s10 =	smul.u32 $0x2D000, s8  }
0x9: {  	s31 =	sshll.u32 s0, $0x6;
	s4 =	sor.u32 s8, s25;
	s30 =	smul.u32 $0x16800, s8  }
0xa: {  	_ =	strace $0x8000004A;
	s28 =	ssub.s32 $0x2, s8;
	s6 =	smul.u32 $0x280, s4  }
0xb: {  	s25 =	simm.s32 $0x0;
	s12 =	sshrl.u32 s7, $0x3;
	s26 =	smul.u32 $0x50, s4  }
0xc: {  	s13 =	sshrl.u32 s28, $0x1;
	s14 =	smul.u32 $0x16800, s4;
	s15 =	sadd.s32 s7, s2  }
0xd: {  	s9 =	sadd.s32 s9, s10;
	s12 =	sadd.s32 s12, s5;
	s13 =	ssub.s32 s28, s13  }
0xe: {  	s15 =	sshrl.u32 s15, $0x3;
	s6 =	sadd.s32 s6, s5;
	s9 =	sadd.s32 s9, s5  }
0xf: {  	s10 =	sor.u32 $0x2, s26;
	s5 =	sadd.s32 $0x3D400, s12;
	s8 =	smax.u32 s13, $0x1  }
0x10: {  	s12 =	sadd.s32 s29, s11;
	s13 =	simm.s32 $0x5;
	s4 =	sadd.s32 $0x33400, s6  }
0x11: {  	s10 =	smul.u32 $0x480, s10;
	s6 =	sadd.s32 s11, s14;
	s7 =	sadd.s32 $0x385400, s9  }
0x12: {  	s12 =	sadd.s32 s30, s12;
	s14 =	sor.u32 $0x1C05, s31;
	s9 =	sadd.s32 $0x480, s6  }
0x13: {  	s12 =	sadd.s32 $0x1200, s12;
	s10 =	sadd.s32 s11, s10;
	s11 =	sadd.s32 $0x16380, s6  }
.LBB2_1:
0x14: {  	[tilespmem:s3], [sflag:$0x5] =	stream.linear.gather [hbm4b:s4+s3], $0x1400, $0x38;
	[tilespmem:$0x1C400] =	vst v63  }
0x15: {  	_ =	swait.ge [sflag:s13], $0x1400  }
0x16: {  	[sflag:s13] =	ssyncset.done $0x0  }
0x17: {  	[sflag:s13] =	ssyncadd.s32 $0xFFFFEC00  }
0x18: {  	[spmem:s15], [sflag:s14] =	dma.local [hbm:s5], $0x2D00  }
0x19: {  	_ =	swait.ge [sflag:s13], $0x2D00  }
0x1a: {  	[sflag:s13] =	ssyncset.done $0x0  }
0x1b: {  	[sflag:s13] =	ssyncadd.s32 $0xFFFFD300  }
0x1c: {  	[bflag:$0x0] =	sbarrier.arrive $0xFFFF  }
0x1d: {  	[tilespmem:s16], [sflag:$0x1] =	stream.linear.gather [hbm4b:s6+s3], $0x2400, $0x38;
	[tilespmem:$0x1C400] =	vst v63  }
0x1e: {  	_ = 	snop  }
0x1f: {  	[tilespmem:s17], [sflag:$0x2] =	stream.linear.gather [hbm4b:s9+s3], $0x2400, $0x38;
	[tilespmem:$0x1C400] =	vst v63  }
0x20: {  	_ =	swait.ge [sflag:s18], $0x2400  }
0x21: {  	[sflag:s18] =	ssyncset.done $0x0  }
0x22: {  	[sflag:s18] =	ssyncadd.s32 $0xFFFFDC00  }
0x23: {  	[spmem:s2] =	stream.indirect.scatter.add.f32 [tilespmem:s16], [sflag:$0x3], $0x90, s3, s19, $0xb8;
	[tilespmem:$0x1C400] =	vst v63  }
0x24: {  	_ =	swait.ge [sflag:s20], $0x2400  }
0x25: {  	[sflag:s20] =	ssyncset.done $0x0  }
0x26: {  	[sflag:s20] =	ssyncadd.s32 $0xFFFFDC00  }
0x27: {  	[tilespmem:s16], [sflag:$0x1] =	stream.linear.gather [hbm4b:s10+s3], $0x2400, $0x38;
	[tilespmem:$0x1C400] =	vst v63  }
0x28: {  	_ =	swait.ge [sflag:s21], $0x2400  }
0x29: {  	[sflag:s21] =	ssyncset.done $0x0  }
0x2a: {  	[sflag:s21] =	ssyncadd.s32 $0xFFFFDC00  }
0x2b: {  	[spmem:s2] =	stream.indirect.scatter.add.f32 [tilespmem:s17], [sflag:$0x4], $0x90, s19, s19, $0xb8;
	[tilespmem:$0x1C400] =	vst v63  }
0x2c: {  	_ =	swait.ge [sflag:s22], $0x2400  }
0x2d: {  	[sflag:s22] =	ssyncset.done $0x0  }
0x2e: {  	s26 =	sadd.s32 $0xFFFFFB80, s12;
	[sflag:s22] =	ssyncadd.s32 $0xFFFFDC00  }
0x2f: {  	[tilespmem:s17], [sflag:$0x2] =	stream.linear.gather [hbm4b:s26+s3], $0x2400, $0x38;
	[tilespmem:$0x1C400] =	vst v63  }
0x30: {  	_ =	swait.ge [sflag:s18], $0x2400  }
0x31: {  	[sflag:s18] =	ssyncset.done $0x0  }
0x32: {  	s31 =	simm.s32 $0x80;
	[sflag:s18] =	ssyncadd.s32 $0xFFFFDC00  }
0x33: {  	[spmem:s2] =	stream.indirect.scatter.add.f32 [tilespmem:s16], [sflag:$0x3], $0x90, s31, s19, $0xb8;
	[tilespmem:$0x1C400] =	vst v63  }
0x34: {  	_ =	swait.ge [sflag:s20], $0x2400  }
0x35: {  	[sflag:s20] =	ssyncset.done $0x0  }
0x36: {  	[sflag:s20] =	ssyncadd.s32 $0xFFFFDC00  }
0x37: {  	[tilespmem:s16], [sflag:$0x1] =	stream.linear.gather [hbm4b:s12+s3], $0x2400, $0x38;
	[tilespmem:$0x1C400] =	vst v63  }
0x38: {  	_ =	swait.ge [sflag:s21], $0x2400  }
0x39: {  	s29 =	simm.s32 $0xC0;
	[sflag:s21] =	ssyncset.done $0x0  }
0x3a: {  	s28 =	sadd.s32 $0x900, s12;
	s26 =	simm.s32 $0x200;
	[sflag:s21] =	ssyncadd.s32 $0xFFFFDC00  }
.LBB2_2:
0x3b: {  	[spmem:s2] =	stream.indirect.scatter.add.f32 [tilespmem:s17], [sflag:$0x4], $0x90, s29, s19, $0xb8;
	[tilespmem:$0x1C400] =	vst v63  }
0x3c: {  	s29 =	smov.u32 s26  }
0x3d: {  	p0 =	sne.s32 s26, $0x4A00;
	s26 =	sadd.s32 $0x200, s26;
	_ =	swait.ge [sflag:s22], $0x2400  }
0x3e: {  	[sflag:s22] =	ssyncset.done $0x0  }
0x3f: {  	s30 =	sadd.s32 $0xFFFFFB80, s28;
	[sflag:s22] =	ssyncadd.s32 $0xFFFFDC00  }
0x40: {  	[tilespmem:s17], [sflag:$0x2] =	stream.linear.gather [hbm4b:s30+s3], $0x2400, $0x38;
	[tilespmem:$0x1C400] =	vst v63  }
0x41: {  	_ =	swait.ge [sflag:s18], $0x2400  }
0x42: {  	s29 =	sshra.s32 s29, $0x2;
	[sflag:s18] =	ssyncset.done $0x0  }
0x43: {  	s30 =	sadd.s32 $0x80, s29;
	[sflag:s18] =	ssyncadd.s32 $0xFFFFDC00  }
0x44: {  	[spmem:s2] =	stream.indirect.scatter.add.f32 [tilespmem:s16], [sflag:$0x3], $0x90, s30, s19, $0xb8;
	[tilespmem:$0x1C400] =	vst v63  }
0x45: {  	_ =	swait.ge [sflag:s20], $0x2400  }
0x46: {  	[sflag:s20] =	ssyncset.done $0x0  }
.Ltmp0:
0x47: {  	[sflag:s20] =	ssyncadd.s32 $0xFFFFDC00;
	(pc) =	sbr.rel @p0 .LBB2_2-.Ltmp0, $4  }
0x48: {  	[tilespmem:s16], [sflag:$0x1] =	stream.linear.gather [hbm4b:s28+s3], $0x2400, $0x38;
	[tilespmem:$0x1C400] =	vst v63  }
0x49: {  	_ =	swait.ge [sflag:s21], $0x2400  }
0x4a: {  	[sflag:s21] =	ssyncset.done $0x0  }
0x4b: {  	s29 =	sadd.s32 $0xC0, s29;
	s28 =	sadd.s32 $0x900, s28;
	[sflag:s21] =	ssyncadd.s32 $0xFFFFDC00  }
0x4c: {  	[spmem:s2] =	stream.indirect.scatter.add.f32 [tilespmem:s17], [sflag:$0x4], $0x90, s29, s19, $0xb8;
	[tilespmem:$0x1C400] =	vst v63  }
0x4d: {  	_ =	swait.ge [sflag:s22], $0x2400  }
0x4e: {  	[sflag:s22] =	ssyncset.done $0x0  }
0x4f: {  	[sflag:s22] =	ssyncadd.s32 $0xFFFFDC00  }
0x50: {  	[tilespmem:s17], [sflag:$0x2] =	stream.linear.gather [hbm4b:s11+s3], $0x2400, $0x38;
	[tilespmem:$0x1C400] =	vst v63  }
0x51: {  	_ =	swait.ge [sflag:s18], $0x2400  }
0x52: {  	[sflag:s18] =	ssyncset.done $0x0  }
0x53: {  	[sflag:s18] =	ssyncadd.s32 $0xFFFFDC00  }
0x54: {  	[spmem:s2] =	stream.indirect.scatter.add.f32 [tilespmem:s16], [sflag:$0x3], $0x90, s23, s19, $0xb8;
	[tilespmem:$0x1C400] =	vst v63  }
0x55: {  	_ =	swait.ge [sflag:s21], $0x2400  }
0x56: {  	[sflag:s21] =	ssyncset.done $0x0  }
0x57: {  	[sflag:s21] =	ssyncadd.s32 $0xFFFFDC00  }
0x58: {  	[spmem:s2] =	stream.indirect.scatter.add.f32 [tilespmem:s17], [sflag:$0x4], $0x90, s24, s19, $0xb8;
	[tilespmem:$0x1C400] =	vst v63  }
0x59: {  	_ =	swait.ge [sflag:s20], $0x2400  }
0x5a: {  	[sflag:s20] =	ssyncset.done $0x0  }
0x5b: {  	[sflag:s20] =	ssyncadd.s32 $0xFFFFDC00  }
0x5c: {  	_ =	swait.ge [sflag:s22], $0x2400  }
0x5d: {  	s25 =	sadd.s32 $0x1, s25;
	[sflag:s22] =	ssyncset.done $0x0  }
0x5e: {  	p0 =	sne.s32 s25, s8;
	[sflag:s22] =	ssyncadd.s32 $0xFFFFDC00  }
.Ltmp1:
0x5f: {  	[bflag:$0x0] =	sbarrier.arrive $0xFFFF;
	(pc) =	sbr.rel @p0 .LBB2_1-.Ltmp1, $4  }
0x60: {  	[hbm:s7], [sflag:s14] =	dma.local [spmem:s15], $0x2D00  }
0x61: {  	_ =	swait.ge [sflag:s13], $0x2D00  }
0x62: {  	[sflag:s13] =	ssyncset.done $0x0  }
0x63: {  	[sflag:s13] =	ssyncadd.s32 $0xFFFFD300  }
0x64: {  	_ =	sfence.sel $0x180000  }
0x65: {  	[bflag:$0x0] =	sbarrier.arrive $0xFFFF  }
0x66: {  	p0 =	sne.s32 s0, $0x0;
	_ =	strace $0x9000004A  }
0x67: {  	s0 =	sadd.s32 @!p0 $0x100000, s1;
	[bflag:$0x2] =	sbarrier.arrive $0xFFFF  }
0x68: {  	[sflag:s0] =	ssyncadd.tile.s32 @!p0 $0x1;
	_ =	shalt  }
.Lfunc_end2:
_tile_overlayer_lowered:
.L_overlay_start_2:
0x69: {  	(tag) =	ssettag $0x2  }
0x6a: {  	s0 =	rddreg [dreg:$0x0];
	s2 =	stileid.u32  }
0x6b: {  	s1 =	rddreg [dreg:$0x1];
	p0 =	sne.s32 s2, $0x0  }
0x6c: {  	s3 =	rddreg [dreg:$0x2];
	[bflag:$0x3] =	sbarrier.arrive $0xFFFF;
	s2 =	simm.s32 @!p0 $0x1C05  }
0x6d: {  	[timem:s3], [sflag:s2] =	dma.local @!p0 [hbm:s0], s1  }
0x6e: {  	s0 =	simm.s32 @!p0 $0x5  }
0x6f: {  	_ =	swait.ge @!p0 [sflag:s0], s1  }
0x70: {  	s1 =	ssub.s32 @!p0 $0x0, s1;
	[sflag:s0] =	ssyncset.done @!p0 $0x0  }
0x71: {  	[sflag:s0] =	ssyncadd.s32 @!p0 s1  }
0x72: {  	[bflag:$0x3] =	sbarrier.arrive $0xFFFF  }
0x73: {  	_ =	shalt  }

// kernel: kernel.19.cloned.1.call-start
scs
__scs_entry_jumppad:
0x0: {  	(pc) =	sbr.rel $0x88, $3  }
0x1: {  	(tag) =	ssettag $0x0;
	lr =	simm.s32 $0x1  }
0x2: {  	[smem:$0x3F7F] =	sst lr;
	_ =	strace $0xD0000000  }
0x3: {  	_ = 	snop  }
0x4: {  	_ = 	snop  }
0x5: {  	_ = 	snop  }
0x6: {  	_ = 	snop  }
0x7: {  	_ = 	snop  }
__scs_overlays_trampoline_lowered:
0x8: {  	[smem:$0x3F8E] =	sst s0  }
0x9: {  	[smem:$0x3F8F] =	sst s1  }
0xa: {  	[smem:$0x3F90] =	sst s2  }
0xb: {  	[smem:$0x3F91] =	sst s3  }
0xc: {  	[smem:$0x3F92] =	sst s4  }
0xd: {  	[smem:$0x3F93] =	sst s5  }
0xe: {  	[smem:$0x3F94] =	sst s6  }
0xf: {  	[smem:$0x3F95] =	sst s7  }
0x10: {  	[smem:$0x3F96] =	sst s8  }
0x11: {  	[smem:$0x3F97] =	sst s9;
	s0 =	simm.s32 @!p0 $0x0  }
0x12: {  	s1 =	sld [smem:$0x3F7D];
	s0 =	simm.s32 @p0 $0x1  }
0x13: {  	[smem:$0x3F98] =	sst s0;
	s0 =	simm.s32 @!p1 $0x0  }
0x14: {  	s2 =	sld [smem:$0x3F7C];
	s0 =	simm.s32 @p1 $0x1  }
0x15: {  	[smem:$0x3F99] =	sst s0;
	s0 =	simm.s32 @!p2 $0x0  }
0x16: {  	s3 =	sld [smem:$0x3FDB];
	s0 =	simm.s32 @p2 $0x1  }
0x17: {  	s4 =	simm.s32 $0x1BF5;
	[smem:$0x3F9B] =	sst s0  }
0x18: {  	s0 =	sld [smem:$0x3F7E];
	_ =	swait.ge [sflag:s4], $0x0  }
0x19: {  	s7 =	sld [smem:$0x3F7F]  }
0x1a: {  	s8 =	sadd.s32 $0xFFFFE003, lr  }
0x1b: {  	s9 =	sadd.s32 $0xFFFFFEF7, lr;
	s5 =	simm.s32 $0xFFFFFFFF;
	p2 =	slt.u32 s8, $0xFFFFF086  }
0x1c: {  	p1 =	slt.u32 s9, $0xF7A;
	s5 =	simm.s32 @!p2 $0x0  }
0x1d: {  	s5 =	simm.s32 @p1 $0x1;
	p0 =	seq.s32 s7, s2  }
0x1e: {  	s7 =	smul.u32 @!p0 $0xF7A, s2;
	p2 =	seq.s32 @!p0 s5, $0x0  }
0x1f: {  	s9 =	smul.u32 $0xF7A, s1;
	s8 =	simm.s32 @!p0 $0x1BF5;
	p2 =	por !p2, p0  }
0x20: {  	[sflag:s8] =	ssyncset.s32 @!p0 $0xFFFFF086;
	s6 =	sadd.s32 @!p0 s3, s7;
	s7 =	simm.s32 @!p0 $0x108  }
0x21: {  	s3 =	sadd.s32 s3, s9;
	s6 =	sadd.s32 @!p0 $0x88, s6;
	s7 =	simm.s32 @p2 $0x1082  }
0x22: {  	[simem:s7], [sflag:s8] =	dma.local @!p0 [hbm:s6], $0xF7A  }
0x23: {  	s9 =	sor.u32 $0xD0000000, s2;
	s6 =	simm.s32 $0x108;
	_ =	swait.ge @!p0 [sflag:s8], $0x0  }
0x24: {  	s3 =	sadd.s32 $0x88, s3;
	s6 =	simm.s32 @!p1 $0x1082;
	[sflag:s4] =	ssyncset.s32 $0xFFFFF086  }
0x25: {  	[simem:s6], [sflag:s4] =	dma.local [hbm:s3], $0xF7A  }
0x26: {  	[smem:$0x3F7F] =	sst s1;
	(tag) =	ssettag s2;
	_ =	strace s9  }
0x27: {  	s1 =	sld [smem:$0x3F8F]  }
0x28: {  	s2 =	sld [smem:$0x3F90]  }
0x29: {  	s4 =	sld [smem:$0x3F92]  }
0x2a: {  	p0 =	seq.s32 s5, $0x0;
	s5 =	sld [smem:$0x3F93]  }
0x2b: {  	s6 =	sld [smem:$0x3F94]  }
0x2c: {  	s7 =	sld [smem:$0x3F95]  }
0x2d: {  	s3 =	simm.s32 $0x108;
	s8 =	sld [smem:$0x3F96]  }
0x2e: {  	s3 =	simm.s32 @!p0 $0x1082;
	s9 =	sld [smem:$0x3F97]  }
0x2f: {  	lr =	sadd.s32 s0, s3;
	s0 =	sld [smem:$0x3F8E]  }
0x30: {  	s3 =	sld [smem:$0x3F91]  }
0x31: {  	[smem:$0x3F9A] =	sst s10  }
0x32: {  	s10 =	sld [smem:$0x3F98];
	_ =	sdelay $0x3  }
0x33: {  	p0 =	seq.s32 s10, $0x1;
	s10 =	sld [smem:$0x3F9A];
	_ =	sdelay $0x3  }
0x34: {  	[smem:$0x3F9A] =	sst s10  }
0x35: {  	s10 =	sld [smem:$0x3F99];
	_ =	sdelay $0x3  }
0x36: {  	p1 =	seq.s32 s10, $0x1;
	s10 =	sld [smem:$0x3F9A];
	_ =	sdelay $0x3  }
0x37: {  	[smem:$0x3F9A] =	sst s10  }
0x38: {  	s10 =	sld [smem:$0x3F9B]  }
0x39: {  	_ = 	snop;
	(pc) =	sbr.ind lr, $3  }
0x3a: {  	_ = 	snop  }
0x3b: {  	_ = 	snop  }
0x3c: {  	p2 =	seq.s32 s10, $0x1;
	s10 =	sld [smem:$0x3F9A]  }
0x3d: {  	_ =	shalt  }
0x3e: {  	_ =	shalt  }
0x3f: {  	_ =	shalt  }
0x40: {  	_ =	shalt  }
0x41: {  	_ =	shalt  }
0x42: {  	_ =	shalt  }
0x43: {  	_ =	shalt  }
0x44: {  	_ =	shalt  }
0x45: {  	_ =	shalt  }
0x46: {  	_ =	shalt  }
0x47: {  	_ =	shalt  }
0x48: {  	_ =	shalt  }
0x49: {  	_ =	shalt  }
0x4a: {  	_ =	shalt  }
0x4b: {  	_ =	shalt  }
0x4c: {  	_ =	shalt  }
0x4d: {  	_ =	shalt  }
0x4e: {  	_ =	shalt  }
0x4f: {  	_ =	shalt  }
0x50: {  	_ =	shalt  }
0x51: {  	_ =	shalt  }
0x52: {  	_ =	shalt  }
0x53: {  	_ =	shalt  }
0x54: {  	_ =	shalt  }
0x55: {  	_ =	shalt  }
0x56: {  	_ =	shalt  }
0x57: {  	_ =	shalt  }
0x58: {  	_ =	shalt  }
0x59: {  	_ =	shalt  }
0x5a: {  	_ =	shalt  }
0x5b: {  	_ =	shalt  }
0x5c: {  	_ =	shalt  }
0x5d: {  	_ =	shalt  }
0x5e: {  	_ =	shalt  }
0x5f: {  	_ =	shalt  }
0x60: {  	_ =	shalt  }
0x61: {  	_ =	shalt  }
0x62: {  	_ =	shalt  }
0x63: {  	_ =	shalt  }
0x64: {  	_ =	shalt  }
0x65: {  	_ =	shalt  }
0x66: {  	_ =	shalt  }
0x67: {  	_ =	shalt  }
0x68: {  	_ =	shalt  }
0x69: {  	_ =	shalt  }
0x6a: {  	_ =	shalt  }
0x6b: {  	_ =	shalt  }
0x6c: {  	_ =	shalt  }
0x6d: {  	_ =	shalt  }
0x6e: {  	_ =	shalt  }
0x6f: {  	_ =	shalt  }
0x70: {  	_ =	shalt  }
0x71: {  	_ =	shalt  }
0x72: {  	_ =	shalt  }
0x73: {  	_ =	shalt  }
0x74: {  	_ =	shalt  }
0x75: {  	_ =	shalt  }
0x76: {  	_ =	shalt  }
0x77: {  	_ =	shalt  }
0x78: {  	_ =	shalt  }
0x79: {  	_ =	shalt  }
0x7a: {  	_ =	shalt  }
0x7b: {  	_ =	shalt  }
0x7c: {  	_ =	shalt  }
0x7d: {  	_ =	shalt  }
0x7e: {  	_ =	shalt  }
0x7f: {  	_ =	shalt  }
0x80: {  	_ =	shalt  }
0x81: {  	_ =	shalt  }
0x82: {  	_ =	shalt  }
0x83: {  	_ =	shalt  }
0x84: {  	_ =	shalt  }
0x85: {  	_ =	shalt  }
0x86: {  	_ =	shalt  }
0x87: {  	_ =	shalt  }
.Lfunc_end0:
.L_simem_size_0:
called_computation.2_lowered:
.L_overlay_start_0:
0x88: {  	s2 =	sld [smem:$0x3FD9]  }
0x89: {  	s3 =	sld [smem:$0x3FFE];
	_ =	sdelay $0x1  }
0x8a: {  	s1 =	srdreg.scid  }
0x8b: {  	s0 =	sand.u32 $0x1, s1  }
0x8c: {  	s16 =	sshll.u32 s0, $0xA;
	s2 =	sadd.s32 s3, s2  }
0x8d: {  	s2 =	sadd.s32 s2, s16  }
0x8e: {  	[smem:$0x3FA6] =	sst s2  }
0x8f: {  	_ = 	snop  }
0x90: {  	(tm) =	ssettm $0x1  }
0x91: {  	s17 =	sld [smem:$0x3FFB];
	_ =	sdelay $0x3  }
0x92: {  	_ =	strace s17  }
0x93: {  	s2 =	sld [smem:$0x3FFC];
	_ =	sdelay $0x3  }
0x94: {  	_ =	strace s2  }
0x95: {  	s2 =	sld [smem:$0x3FFD];
	_ =	sdelay $0x3  }
0x96: {  	_ =	strace s2  }
0x97: {  	_ =	strace $0x8FFFFFFF  }
0x98: {  	s18 =	sld [smem:$0x3FDB];
	_ =	sdelay $0x1  }
0x99: {  	s19 =	simm.s32 $_scs_section_size  }
0x9a: {  	s4 =	simm.s32 $_size__tile_overlayer_lowered;
	s5 =	simm.s32 $_tile_overlayer_lowered  }
0x9b: {  	s22 =	simm.s32 $0x1BFF;
	s21 =	sshll.u32 s5, $0x1;
	s2 =	sadd.s32 s19, s18  }
0x9c: {  	s6 =	simm.s32 $0x0;
	s20 =	sshll.u32 s4, $0x1;
	s4 =	sadd.s32 s21, s2  }
0x9d: {  	[timem:s6], [sflag:s22] =	dma.local [hbm:s4], s20  }
0x9e: {  	_ =	swait.ge [sflag:s22], s20  }
0x9f: {  	s3 =	ssub.s32 $0x0, s20;
	[sflag:s22] =	ssyncset.done $0x0  }
0xa0: {  	[sflag:s22] =	ssyncadd.s32 s3;
	_ =	sdelay $0x1  }
0xa1: {  	s23 =	simm.s32 $0x1B8B  }
0xa2: {  	_ =	swait.ge [sflag:s23], $0x1  }
0xa3: {  	[sflag:s23] =	ssyncset.done $0x0  }
0xa4: {  	s25 =	simm.s32 $0x1B8E;
	s24 =	sld [smem:$0x3FFE];
	[sflag:s23] =	ssyncadd.s32 $0xFFFFFFFF  }
0xa5: {  	s26 =	simm.s32 $execute0_lowered;
	[smem:$0x3FD2] =	sst s25  }
0xa6: {  	s4 =	sshll.u32 s26, $0x1;
	_ =	strace $0x8000004C;
	[dreg:$0x1] =	wrdreg $0xFFFFFFFF  }
0xa7: {  	s28 =	simm.s32 $_size_execute0_lowered;
	s2 =	sadd.s32 s2, s4;
	[dreg:$0x0] =	wrdreg $0x0  }
0xa8: {  	s4 =	sshll.u32 s28, $0x1;
	[dreg:$0x2] =	wrdreg s2  }
0xa9: {  	[dreg:$0x3] =	wrdreg s4  }
0xaa: {  	[dreg:$0x4] =	wrdreg $0xC0  }
0xab: {  	_ =	task [dreg:s6], $0x5FFFF  }
0xac: {  	[dreg:$0x1] =	wrdreg $0xFFFFFFFF  }
0xad: {  	[dreg:$0x0] =	wrdreg $0x60  }
0xae: {  	[dreg:$0x2] =	wrdreg s24  }
0xaf: {  	[dreg:$0x3] =	wrdreg $0x9  }
0xb0: {  	_ =	task.clear_ibuf [dreg:s6], $0x4FFFF;
	_ =	strace $0x9000004C  }
0xb1: {  	s29 =	simm.s32 $0x9;
	_ =	strace $0x8000004E  }
0xb2: {  	_ =	swait.ge [sflag:s29], $0x1  }
0xb3: {  	[sflag:s29] =	ssyncadd.s32 $0xFFFFFFFF  }
0xb4: {  	_ =	strace $0x9000004E  }
0xb5: {  	_ =	sfence  }
0xb6: {  	s30 =	sld [smem:$0x0];
	_ =	sdelay $0x2  }
0xb7: {  	s31 =	sshll.u32 s1, $0xD;
	s1 =	sshrl.u32 s1, $0x2  }
0xb8: {  	s3 =	sand.u32 $0x4000, s31;
	s1 =	sadd.s32 s1, s30  }
0xb9: {  	s0 =	sor.u32 s3, s0;
	s1 =	sshll.u32 s1, $0x11  }
0xba: {  	s0 =	sor.u32 s1, s0  }
0xbb: {  	s0 =	sadd.s32 $0x8F2B, s0  }
0xbc: {  	[sflag:s0] =	ssyncadd.remote.s32 $0x1  }
0xbd: {  	_ =	sfence.sel $0xFFFF  }
0xbe: {  	[dreg:$0x0] =	wrdreg $0xFFFFFFFF;
	(pc) =	sbr.abs _section_cstart, $3  }
0xbf: {  	[dreg:$0x1] =	wrdreg $0xFFFFFFFF  }
0xc0: {  	_ =	task.clear_ibuf [dreg:s6], $0x2FFFF;
	_ =	strace $0x9FFFFFFF  }
0xc1: {  	(tm) =	ssettm $0x7FFFFFFF  }
tec
execute0_lowered:
.L_overlay_start_1:
0x0: {  	(tag) =	ssettag $0x1  }
0x1: {  	s7 =	rddreg [dreg:$0x0]  }
0x2: {  	s3 =	srdreg.scid;
	s1 =	stileid.u32;
	s2 =	simm.s32 $0x0  }
0x3: {  	s12 =	simm.s32 $0x5;
	s13 =	simm.s32 $0x1400;
	s14 =	simm.s32 $0x80  }
0x4: {  	s15 =	simm.s32 $0x2800;
	s16 =	simm.s32 $0x6800;
	s17 =	simm.s32 $0xA800  }
0x5: {  	s18 =	simm.s32 $0xE800;
	s19 =	simm.s32 $0x12800;
	s20 =	simm.s32 $0x16800  }
0x6: {  	s21 =	simm.s32 $0x1;
	s22 =	simm.s32 $0x2;
	s23 =	simm.s32 $0x3  }
0x7: {  	s24 =	simm.s32 $0x4;
	s25 =	simm.s32 $0x0;
	s5 =	sand.u32 $0x1, s3  }
0x8: {  	s31 =	sshll.u32 s1, $0x1;
	[smem:$0x7FF] =	sst s2;
	s3 =	sadd.s32 $0x6400, s7  }
0x9: {  	s4 =	sadd.s32 $0x6A400, s7;
	s8 =	sor.u32 s5, s31;
	s9 =	ssub.s32 $0x2, s5  }
0xa: {  	_ =	strace $0x8000004D;
	s6 =	smul.u32 $0x280, s8;
	s11 =	sshrl.u32 s9, $0x1  }
0xb: {  	s5 =	sadd.s32 $0x92400, s7;
	s8 =	smul.u32 $0x28, s8;
	s11 =	ssub.s32 s9, s11  }
0xc: {  	s10 =	sadd.s32 s6, s7;
	s6 =	sadd.s32 $0xE2400, s7;
	s7 =	sadd.s32 $0x362400, s7  }
0xd: {  	s11 =	smax.u32 s11, $0x1;
	s9 =	sadd.s32 $0x38400, s10;
	s10 =	sadd.s32 $0x2E400, s10  }
.LBB2_1:
0xe: {  	[tilespmem:s2], [sflag:$0x5] =	stream.linear.gather [hbm4b:s9+s2], $0x1400, $0x38;
	[tilespmem:$0x1A800] =	vst v63  }
0xf: {  	_ =	swait.ge [sflag:s12], $0x1400  }
0x10: {  	[sflag:s12] =	ssyncset.done $0x0  }
0x11: {  	[sflag:s12] =	ssyncadd.s32 $0xFFFFEC00  }
0x12: {  	[tilespmem:s13], [sflag:$0x5] =	stream.linear.gather [hbm4b:s10+s2], $0x1400, $0x38;
	[tilespmem:$0x1A800] =	vst v63  }
0x13: {  	_ =	swait.ge [sflag:s12], $0x1400  }
0x14: {  	[sflag:s12] =	ssyncset.done $0x0  }
0x15: {  	[sflag:s12] =	ssyncadd.s32 $0xFFFFEC00  }
0x16: {  	[tilespmem:s15], [sflag:$0x1] =	stream.indirect.gather [hbm4b:s3+s14], $0x80, s2, s14, $0xb8;
	[tilespmem:$0x1A800] =	vst v63  }
0x17: {  	_ = 	snop  }
0x18: {  	[tilespmem:s16], [sflag:$0x1] =	stream.indirect.gather [hbm4b:s4+s14], $0x80, s13, s14, $0xb8;
	[tilespmem:$0x1A800] =	vst v63  }
0x19: {  	s26 =	simm.s32 $0x0  }
0x1a: {  	[tilespmem:s17], [sflag:$0x1] =	stream.indirect.gather [hbm4b:s5+s14], $0x80, s2, s14, $0xb8;
	[tilespmem:$0x1A800] =	vst v63  }
.LBB2_2:
0x1b: {  	p0 =	seq.s32 s26, $0x0  }
0x1c: {  	s29 =	simm.s32 @!p0 $0x4  }
0x1d: {  	_ =	swait.ge @!p0 [sflag:s29], $0x4000  }
0x1e: {  	[sflag:s29] =	ssyncset.done @!p0 $0x0  }
0x1f: {  	[sflag:s29] =	ssyncadd.s32 @!p0 $0xFFFFC000  }
0x20: {  	_ =	swait.ge @!p0 [sflag:s29], $0x4000  }
0x21: {  	s28 =	sshllo.u32 s26, $0x1;
	[sflag:s29] =	ssyncset.done @!p0 $0x0  }
0x22: {  	[sflag:s29] =	ssyncadd.s32 @!p0 $0xFFFFC000;
	s29 =	sshll.u32 s28, $0x7  }
0x23: {  	[tilespmem:s18], [sflag:$0x2] =	stream.indirect.gather [hbm4b:s3+s14], $0x80, s29, s14, $0xb8;
	[tilespmem:$0x1A800] =	vst v63  }
0x24: {  	s30 =	sadd.s32 $0x1400, s29  }
0x25: {  	[tilespmem:s19], [sflag:$0x2] =	stream.indirect.gather [hbm4b:s4+s14], $0x80, s30, s14, $0xb8;
	[tilespmem:$0x1A800] =	vst v63  }
0x26: {  	_ = 	snop  }
0x27: {  	[tilespmem:s20], [sflag:$0x2] =	stream.indirect.gather [hbm4b:s5+s14], $0x80, s29, s14, $0xb8;
	[tilespmem:$0x1A800] =	vst v63  }
0x28: {  	_ =	swait.ge [sflag:s21], $0x4000  }
0x29: {  	[sflag:s21] =	ssyncset.done $0x0  }
0x2a: {  	[sflag:s21] =	ssyncadd.s32 $0xFFFFC000  }
0x2b: {  	_ =	swait.ge [sflag:s21], $0x4000  }
0x2c: {  	[sflag:s21] =	ssyncset.done $0x0  }
0x2d: {  	[sflag:s21] =	ssyncadd.s32 $0xFFFFC000  }
0x2e: {  	_ =	swait.ge [sflag:s21], $0x4000  }
0x2f: {  	[sflag:s21] =	ssyncset.done $0x0  }
0x30: {  	s29 =	simm.s32 $0x0;
	[sflag:s21] =	ssyncadd.s32 $0xFFFFC000  }
0x31: {  	v7 =	vld [tilespmem:s29+$0x6800]  }
0x32: {  	v11 =	vld [tilespmem:s29+$0x6810]  }
0x33: {  	v5 =	vld [tilespmem:s29+$0x6820]  }
0x34: {  	v4 =	vld [tilespmem:s29+$0x6830]  }
0x35: {  	v3 =	vld [tilespmem:s29+$0x6840]  }
0x36: {  	v2 =	vld [tilespmem:s29+$0x6850]  }
0x37: {  	v1 =	vld [tilespmem:s29+$0x6860]  }
0x38: {  	v0 =	vld [tilespmem:s29+$0x6870]  }
0x39: {  	v12 =	vld [tilespmem:s29+$0x2800]  }
0x3a: {  	v13 =	vld [tilespmem:s29+$0x2810]  }
0x3b: {  	v10 =	vld [tilespmem:s29+$0x2820]  }
0x3c: {  	v9 =	vld [tilespmem:s29+$0x2830]  }
0x3d: {  	v8 =	vld [tilespmem:s29+$0x2840]  }
0x3e: {  	v6 =	vld [tilespmem:s29+$0x2850];
	v12 =	vmul.f32 v7, v12  }
0x3f: {  	s31 =	simm.s32 $0x200;
	s30 =	sshll.u32 s26, $0x1;
	v11 =	vmul.f32 v11, v13;
	v7 =	vld [tilespmem:s29+$0x2860]  }
.LBB2_3:
0x40: {  	s0 =	sshra.s32 s31, $0x2;
	p0 =	sne.s32 s31, $0xFE00;
	[tilespmem:s29+$0x2800] =	vst v12;
	v5 =	vmul.f32 v5, v10;
	v10 =	vld [tilespmem:s29+$0x2870]  }
0x41: {  	v12 =	vld [tilespmem:s0+$0x6800];
	[tilespmem:s29+$0x2810] =	vst v11;
	v4 =	vmul.f32 v4, v9  }
0x42: {  	v11 =	vld [tilespmem:s0+$0x6810];
	[tilespmem:s29+$0x2820] =	vst v5;
	v3 =	vmul.f32 v3, v8  }
0x43: {  	v5 =	vld [tilespmem:s0+$0x6820];
	[tilespmem:s29+$0x2830] =	vst v4;
	v2 =	vmul.f32 v2, v6  }
0x44: {  	v4 =	vld [tilespmem:s0+$0x6830];
	[tilespmem:s29+$0x2840] =	vst v3;
	v1 =	vmul.f32 v1, v7  }
0x45: {  	v3 =	vld [tilespmem:s0+$0x6840];
	[tilespmem:s29+$0x2850] =	vst v2;
	v0 =	vmul.f32 v0, v10  }
0x46: {  	v2 =	vld [tilespmem:s0+$0x6850];
	[tilespmem:s29+$0x2860] =	vst v1  }
0x47: {  	v1 =	vld [tilespmem:s0+$0x6860];
	[tilespmem:s29+$0x2870] =	vst v0;
	s29 =	smov.u32 s0  }
0x48: {  	v0 =	vld [tilespmem:s29+$0x6870]  }
0x49: {  	v6 =	vld [tilespmem:s29+$0x2800]  }
0x4a: {  	v7 =	vld [tilespmem:s29+$0x2810]  }
.Ltmp0:
0x4b: {  	v10 =	vld [tilespmem:s29+$0x2820];
	(pc) =	sbr.rel @p0 .LBB2_3-.Ltmp0, $4  }
0x4c: {  	v9 =	vld [tilespmem:s29+$0x2830]  }
0x4d: {  	v8 =	vld [tilespmem:s29+$0x2840]  }
0x4e: {  	v12 =	vmul.f32 v12, v6;
	v6 =	vld [tilespmem:s29+$0x2850]  }
0x4f: {  	s31 =	sadd.s32 $0x200, s31;
	v11 =	vmul.f32 v11, v7;
	v7 =	vld [tilespmem:s29+$0x2860]  }
0x50: {  	[tilespmem:s29+$0x2800] =	vst v12;
	v5 =	vmul.f32 v5, v10;
	v10 =	vld [tilespmem:s29+$0x2870]  }
0x51: {  	[tilespmem:s29+$0x2810] =	vst v11;
	v4 =	vmul.f32 v4, v9  }
0x52: {  	[tilespmem:s29+$0x2820] =	vst v5;
	v3 =	vmul.f32 v3, v8  }
0x53: {  	[tilespmem:s29+$0x2830] =	vst v4;
	v2 =	vmul.f32 v2, v6  }
0x54: {  	[tilespmem:s29+$0x2840] =	vst v3;
	v1 =	vmul.f32 v1, v7  }
0x55: {  	s0 =	sadd.s32 s8, s30;
	[tilespmem:s29+$0x2850] =	vst v2;
	v0 =	vmul.f32 v0, v10  }
0x56: {  	s0 =	sshll.u32 s0, $0xB;
	[tilespmem:s29+$0x2860] =	vst v1  }
0x57: {  	[tilespmem:s29+$0x2870] =	vst v0;
	s29 =	sadd.s32 s6, s0  }
0x58: {  	[hbm4b:s29+s2] =	stream.linear.scatter [tilespmem:s15], [sflag:$0x3], $0x4000, $0x38;
	[tilespmem:$0x1A800] =	vst v63  }
0x59: {  	p0 =	seq.s32 s26, $0x13;
	s0 =	sadd.s32 s7, s0  }
0x5a: {  	[hbm4b:s0+s2] =	stream.linear.scatter [tilespmem:s17], [sflag:$0x3], $0x4000, $0x38;
	[tilespmem:$0x1A800] =	vst v63  }
0x5b: {  	s0 =	simm.s32 @!p0 $0x3  }
0x5c: {  	_ =	swait.ge @!p0 [sflag:s0], $0x4000  }
0x5d: {  	[sflag:s0] =	ssyncset.done @!p0 $0x0  }
0x5e: {  	[sflag:s0] =	ssyncadd.s32 @!p0 $0xFFFFC000  }
0x5f: {  	_ =	swait.ge @!p0 [sflag:s0], $0x4000  }
0x60: {  	[sflag:s0] =	ssyncset.done @!p0 $0x0  }
0x61: {  	[sflag:s0] =	ssyncadd.s32 @!p0 $0xFFFFC000;
	s0 =	sshll.u32 @!p0 s26, $0x8  }
0x62: {  	s30 =	simm.s32 @!p0 $0x80;
	s31 =	simm.s32 @!p0 $0x2800;
	s29 =	sadd.s32 @!p0 $0x100, s0  }
0x63: {  	[tilespmem:s31], [sflag:$0x1] =	stream.indirect.gather @!p0 [hbm4b:s3+s30], $0x80, s29, s30, $0xb8;
	[tilespmem:$0x1A800] =	vst v63  }
0x64: {  	s0 =	sadd.s32 @!p0 $0x1500, s0;
	s31 =	simm.s32 @!p0 $0x6800  }
0x65: {  	[tilespmem:s31], [sflag:$0x1] =	stream.indirect.gather @!p0 [hbm4b:s4+s30], $0x80, s0, s30, $0xb8;
	[tilespmem:$0x1A800] =	vst v63  }
0x66: {  	s0 =	simm.s32 @!p0 $0xA800  }
0x67: {  	[tilespmem:s0], [sflag:$0x1] =	stream.indirect.gather @!p0 [hbm4b:s5+s30], $0x80, s29, s30, $0xb8;
	[tilespmem:$0x1A800] =	vst v63  }
0x68: {  	_ =	swait.ge [sflag:s22], $0x4000  }
0x69: {  	[sflag:s22] =	ssyncset.done $0x0  }
0x6a: {  	[sflag:s22] =	ssyncadd.s32 $0xFFFFC000  }
0x6b: {  	_ =	swait.ge [sflag:s22], $0x4000  }
0x6c: {  	[sflag:s22] =	ssyncset.done $0x0  }
0x6d: {  	[sflag:s22] =	ssyncadd.s32 $0xFFFFC000  }
0x6e: {  	_ =	swait.ge [sflag:s22], $0x4000  }
0x6f: {  	[sflag:s22] =	ssyncset.done $0x0  }
0x70: {  	s29 =	simm.s32 $0x0;
	[sflag:s22] =	ssyncadd.s32 $0xFFFFC000  }
0x71: {  	v7 =	vld [tilespmem:s29+$0x12800]  }
0x72: {  	v11 =	vld [tilespmem:s29+$0x12810]  }
0x73: {  	v5 =	vld [tilespmem:s29+$0x12820]  }
0x74: {  	v4 =	vld [tilespmem:s29+$0x12830]  }
0x75: {  	v3 =	vld [tilespmem:s29+$0x12840]  }
0x76: {  	v2 =	vld [tilespmem:s29+$0x12850]  }
0x77: {  	v1 =	vld [tilespmem:s29+$0x12860]  }
0x78: {  	v0 =	vld [tilespmem:s29+$0x12870]  }
0x79: {  	v12 =	vld [tilespmem:s29+$0xE800]  }
0x7a: {  	v13 =	vld [tilespmem:s29+$0xE810]  }
0x7b: {  	v10 =	vld [tilespmem:s29+$0xE820]  }
0x7c: {  	v9 =	vld [tilespmem:s29+$0xE830]  }
0x7d: {  	v8 =	vld [tilespmem:s29+$0xE840]  }
0x7e: {  	v6 =	vld [tilespmem:s29+$0xE850];
	v12 =	vmul.f32 v7, v12  }
0x7f: {  	s30 =	simm.s32 $0x200;
	v11 =	vmul.f32 v11, v13;
	v7 =	vld [tilespmem:s29+$0xE860]  }
.LBB2_5:
0x80: {  	s0 =	sshra.s32 s30, $0x2;
	p0 =	sne.s32 s30, $0xFE00;
	[tilespmem:s29+$0xE800] =	vst v12;
	v5 =	vmul.f32 v5, v10;
	v10 =	vld [tilespmem:s29+$0xE870]  }
0x81: {  	v12 =	vld [tilespmem:s0+$0x12800];
	[tilespmem:s29+$0xE810] =	vst v11;
	v4 =	vmul.f32 v4, v9  }
0x82: {  	v11 =	vld [tilespmem:s0+$0x12810];
	[tilespmem:s29+$0xE820] =	vst v5;
	v3 =	vmul.f32 v3, v8  }
0x83: {  	v5 =	vld [tilespmem:s0+$0x12820];
	[tilespmem:s29+$0xE830] =	vst v4;
	v2 =	vmul.f32 v2, v6  }
0x84: {  	v4 =	vld [tilespmem:s0+$0x12830];
	[tilespmem:s29+$0xE840] =	vst v3;
	v1 =	vmul.f32 v1, v7  }
0x85: {  	v3 =	vld [tilespmem:s0+$0x12840];
	[tilespmem:s29+$0xE850] =	vst v2;
	v0 =	vmul.f32 v0, v10  }
0x86: {  	v2 =	vld [tilespmem:s0+$0x12850];
	[tilespmem:s29+$0xE860] =	vst v1  }
0x87: {  	v1 =	vld [tilespmem:s0+$0x12860];
	[tilespmem:s29+$0xE870] =	vst v0;
	s29 =	smov.u32 s0  }
0x88: {  	v0 =	vld [tilespmem:s29+$0x12870]  }
0x89: {  	v6 =	vld [tilespmem:s29+$0xE800]  }
0x8a: {  	v7 =	vld [tilespmem:s29+$0xE810]  }
.Ltmp1:
0x8b: {  	v10 =	vld [tilespmem:s29+$0xE820];
	(pc) =	sbr.rel @p0 .LBB2_5-.Ltmp1, $4  }
0x8c: {  	v9 =	vld [tilespmem:s29+$0xE830]  }
0x8d: {  	v8 =	vld [tilespmem:s29+$0xE840]  }
0x8e: {  	v12 =	vmul.f32 v12, v6;
	v6 =	vld [tilespmem:s29+$0xE850]  }
0x8f: {  	s30 =	sadd.s32 $0x200, s30;
	v11 =	vmul.f32 v11, v7;
	v7 =	vld [tilespmem:s29+$0xE860]  }
0x90: {  	[tilespmem:s29+$0xE800] =	vst v12;
	v5 =	vmul.f32 v5, v10;
	v63 =	vld [tilespmem:s29+$0xE870]  }
0x91: {  	[tilespmem:s29+$0xE810] =	vst v11;
	v4 =	vmul.f32 v4, v9  }
0x92: {  	[tilespmem:s29+$0xE820] =	vst v5;
	v3 =	vmul.f32 v3, v8  }
0x93: {  	[tilespmem:s29+$0xE830] =	vst v4;
	v2 =	vmul.f32 v2, v6  }
0x94: {  	s0 =	sadd.s32 s8, s28;
	s26 =	sadd.s32 $0x1, s26;
	[tilespmem:s29+$0xE840] =	vst v3;
	v1 =	vmul.f32 v1, v7  }
0x95: {  	s0 =	sshll.u32 s0, $0xB;
	p0 =	sne.s32 s26, $0x14;
	[tilespmem:s29+$0xE850] =	vst v2;
	v0 =	vmul.f32 v0, v63  }
.Ltmp2:
0x96: {  	s0 =	sand.u32 $0x1FFFF800, s0;
	[tilespmem:s29+$0xE860] =	vst v1;
	(pc) =	sbr.rel @p0 .LBB2_2-.Ltmp2, $4  }
0x97: {  	s31 =	sadd.s32 s6, s0;
	[tilespmem:s29+$0xE870] =	vst v0  }
0x98: {  	[hbm4b:s31+s2] =	stream.linear.scatter [tilespmem:s18], [sflag:$0x4], $0x4000, $0x38;
	[tilespmem:$0x1A800] =	vst v63  }
0x99: {  	s0 =	sadd.s32 s7, s0  }
0x9a: {  	[hbm4b:s0+s2] =	stream.linear.scatter [tilespmem:s20], [sflag:$0x4], $0x4000, $0x38;
	[tilespmem:$0x1A800] =	vst v63  }
0x9b: {  	_ =	swait.ge [sflag:s23], $0x4000  }
0x9c: {  	[sflag:s23] =	ssyncset.done $0x0  }
0x9d: {  	[sflag:s23] =	ssyncadd.s32 $0xFFFFC000  }
0x9e: {  	_ =	swait.ge [sflag:s23], $0x4000  }
0x9f: {  	[sflag:s23] =	ssyncset.done $0x0  }
0xa0: {  	s25 =	sadd.s32 $0x1, s25;
	[sflag:s23] =	ssyncadd.s32 $0xFFFFC000  }
0xa1: {  	p0 =	sne.s32 s25, s11;
	_ =	swait.ge [sflag:s24], $0x4000  }
.Ltmp3:
0xa2: {  	[sflag:s24] =	ssyncset.done $0x0;
	(pc) =	sbr.rel @p0 .LBB2_1-.Ltmp3, $4  }
0xa3: {  	[sflag:s24] =	ssyncadd.s32 $0xFFFFC000  }
0xa4: {  	_ =	swait.ge [sflag:s24], $0x4000  }
0xa5: {  	[sflag:s24] =	ssyncset.done $0x0  }
0xa6: {  	[sflag:s24] =	ssyncadd.s32 $0xFFFFC000  }
0xa7: {  	_ =	sfence.sel $0x180000  }
0xa8: {  	[bflag:$0x0] =	sbarrier.arrive $0xFFFF  }
0xa9: {  	_ =	strace $0x9000004D  }
0xaa: {  	[bflag:$0x2] =	sbarrier.arrive $0xFFFF  }
0xab: {  	p0 =	sne.s32 s1, $0x0;
	s0 =	rddreg [dreg:$0x1]  }
0xac: {  	s0 =	sadd.s32 @!p0 $0x100000, s0  }
0xad: {  	[sflag:s0] =	ssyncadd.tile.s32 @!p0 $0x1;
	_ =	shalt  }
.Lfunc_end2:
_tile_overlayer_lowered:
.L_overlay_start_2:
0xae: {  	(tag) =	ssettag $0x2  }
0xaf: {  	s0 =	rddreg [dreg:$0x0];
	s2 =	stileid.u32  }
0xb0: {  	s1 =	rddreg [dreg:$0x1];
	p0 =	sne.s32 s2, $0x0  }
0xb1: {  	s3 =	rddreg [dreg:$0x2];
	[bflag:$0x3] =	sbarrier.arrive $0xFFFF;
	s2 =	simm.s32 @!p0 $0x1C05  }
0xb2: {  	[timem:s3], [sflag:s2] =	dma.local @!p0 [hbm:s0], s1  }
0xb3: {  	s0 =	simm.s32 @!p0 $0x5  }
0xb4: {  	_ =	swait.ge @!p0 [sflag:s0], s1  }
0xb5: {  	s1 =	ssub.s32 @!p0 $0x0, s1;
	[sflag:s0] =	ssyncset.done @!p0 $0x0  }
0xb6: {  	[sflag:s0] =	ssyncadd.s32 @!p0 s1  }
0xb7: {  	[bflag:$0x3] =	sbarrier.arrive $0xFFFF  }
0xb8: {  	_ =	shalt  }

// kernel: kernel.22.cloned.1.call-start
scs
__scs_entry_jumppad:
0x0: {  	(pc) =	sbr.rel $0x88, $3  }
0x1: {  	(tag) =	ssettag $0x0;
	lr =	simm.s32 $0x1  }
0x2: {  	[smem:$0x3F7F] =	sst lr;
	_ =	strace $0xD0000000  }
0x3: {  	_ = 	snop  }
0x4: {  	_ = 	snop  }
0x5: {  	_ = 	snop  }
0x6: {  	_ = 	snop  }
0x7: {  	_ = 	snop  }
__scs_overlays_trampoline_lowered:
0x8: {  	[smem:$0x3F8E] =	sst s0  }
0x9: {  	[smem:$0x3F8F] =	sst s1  }
0xa: {  	[smem:$0x3F90] =	sst s2  }
0xb: {  	[smem:$0x3F91] =	sst s3  }
0xc: {  	[smem:$0x3F92] =	sst s4  }
0xd: {  	[smem:$0x3F93] =	sst s5  }
0xe: {  	[smem:$0x3F94] =	sst s6  }
0xf: {  	[smem:$0x3F95] =	sst s7  }
0x10: {  	[smem:$0x3F96] =	sst s8  }
0x11: {  	[smem:$0x3F97] =	sst s9;
	s0 =	simm.s32 @!p0 $0x0  }
0x12: {  	s1 =	sld [smem:$0x3F7D];
	s0 =	simm.s32 @p0 $0x1  }
0x13: {  	[smem:$0x3F98] =	sst s0;
	s0 =	simm.s32 @!p1 $0x0  }
0x14: {  	s2 =	sld [smem:$0x3F7C];
	s0 =	simm.s32 @p1 $0x1  }
0x15: {  	[smem:$0x3F99] =	sst s0;
	s0 =	simm.s32 @!p2 $0x0  }
0x16: {  	s3 =	sld [smem:$0x3FDB];
	s0 =	simm.s32 @p2 $0x1  }
0x17: {  	s4 =	simm.s32 $0x1BF5;
	[smem:$0x3F9B] =	sst s0  }
0x18: {  	s0 =	sld [smem:$0x3F7E];
	_ =	swait.ge [sflag:s4], $0x0  }
0x19: {  	s7 =	sld [smem:$0x3F7F]  }
0x1a: {  	s8 =	sadd.s32 $0xFFFFE003, lr  }
0x1b: {  	s9 =	sadd.s32 $0xFFFFFEF7, lr;
	s5 =	simm.s32 $0xFFFFFFFF;
	p2 =	slt.u32 s8, $0xFFFFF086  }
0x1c: {  	p1 =	slt.u32 s9, $0xF7A;
	s5 =	simm.s32 @!p2 $0x0  }
0x1d: {  	s5 =	simm.s32 @p1 $0x1;
	p0 =	seq.s32 s7, s2  }
0x1e: {  	s7 =	smul.u32 @!p0 $0xF7A, s2;
	p2 =	seq.s32 @!p0 s5, $0x0  }
0x1f: {  	s9 =	smul.u32 $0xF7A, s1;
	s8 =	simm.s32 @!p0 $0x1BF5;
	p2 =	por !p2, p0  }
0x20: {  	[sflag:s8] =	ssyncset.s32 @!p0 $0xFFFFF086;
	s6 =	sadd.s32 @!p0 s3, s7;
	s7 =	simm.s32 @!p0 $0x108  }
0x21: {  	s3 =	sadd.s32 s3, s9;
	s6 =	sadd.s32 @!p0 $0x88, s6;
	s7 =	simm.s32 @p2 $0x1082  }
0x22: {  	[simem:s7], [sflag:s8] =	dma.local @!p0 [hbm:s6], $0xF7A  }
0x23: {  	s9 =	sor.u32 $0xD0000000, s2;
	s6 =	simm.s32 $0x108;
	_ =	swait.ge @!p0 [sflag:s8], $0x0  }
0x24: {  	s3 =	sadd.s32 $0x88, s3;
	s6 =	simm.s32 @!p1 $0x1082;
	[sflag:s4] =	ssyncset.s32 $0xFFFFF086  }
0x25: {  	[simem:s6], [sflag:s4] =	dma.local [hbm:s3], $0xF7A  }
0x26: {  	[smem:$0x3F7F] =	sst s1;
	(tag) =	ssettag s2;
	_ =	strace s9  }
0x27: {  	s1 =	sld [smem:$0x3F8F]  }
0x28: {  	s2 =	sld [smem:$0x3F90]  }
0x29: {  	s4 =	sld [smem:$0x3F92]  }
0x2a: {  	p0 =	seq.s32 s5, $0x0;
	s5 =	sld [smem:$0x3F93]  }
0x2b: {  	s6 =	sld [smem:$0x3F94]  }
0x2c: {  	s7 =	sld [smem:$0x3F95]  }
0x2d: {  	s3 =	simm.s32 $0x108;
	s8 =	sld [smem:$0x3F96]  }
0x2e: {  	s3 =	simm.s32 @!p0 $0x1082;
	s9 =	sld [smem:$0x3F97]  }
0x2f: {  	lr =	sadd.s32 s0, s3;
	s0 =	sld [smem:$0x3F8E]  }
0x30: {  	s3 =	sld [smem:$0x3F91]  }
0x31: {  	[smem:$0x3F9A] =	sst s10  }
0x32: {  	s10 =	sld [smem:$0x3F98];
	_ =	sdelay $0x3  }
0x33: {  	p0 =	seq.s32 s10, $0x1;
	s10 =	sld [smem:$0x3F9A];
	_ =	sdelay $0x3  }
0x34: {  	[smem:$0x3F9A] =	sst s10  }
0x35: {  	s10 =	sld [smem:$0x3F99];
	_ =	sdelay $0x3  }
0x36: {  	p1 =	seq.s32 s10, $0x1;
	s10 =	sld [smem:$0x3F9A];
	_ =	sdelay $0x3  }
0x37: {  	[smem:$0x3F9A] =	sst s10  }
0x38: {  	s10 =	sld [smem:$0x3F9B]  }
0x39: {  	_ = 	snop;
	(pc) =	sbr.ind lr, $3  }
0x3a: {  	_ = 	snop  }
0x3b: {  	_ = 	snop  }
0x3c: {  	p2 =	seq.s32 s10, $0x1;
	s10 =	sld [smem:$0x3F9A]  }
0x3d: {  	_ =	shalt  }
0x3e: {  	_ =	shalt  }
0x3f: {  	_ =	shalt  }
0x40: {  	_ =	shalt  }
0x41: {  	_ =	shalt  }
0x42: {  	_ =	shalt  }
0x43: {  	_ =	shalt  }
0x44: {  	_ =	shalt  }
0x45: {  	_ =	shalt  }
0x46: {  	_ =	shalt  }
0x47: {  	_ =	shalt  }
0x48: {  	_ =	shalt  }
0x49: {  	_ =	shalt  }
0x4a: {  	_ =	shalt  }
0x4b: {  	_ =	shalt  }
0x4c: {  	_ =	shalt  }
0x4d: {  	_ =	shalt  }
0x4e: {  	_ =	shalt  }
0x4f: {  	_ =	shalt  }
0x50: {  	_ =	shalt  }
0x51: {  	_ =	shalt  }
0x52: {  	_ =	shalt  }
0x53: {  	_ =	shalt  }
0x54: {  	_ =	shalt  }
0x55: {  	_ =	shalt  }
0x56: {  	_ =	shalt  }
0x57: {  	_ =	shalt  }
0x58: {  	_ =	shalt  }
0x59: {  	_ =	shalt  }
0x5a: {  	_ =	shalt  }
0x5b: {  	_ =	shalt  }
0x5c: {  	_ =	shalt  }
0x5d: {  	_ =	shalt  }
0x5e: {  	_ =	shalt  }
0x5f: {  	_ =	shalt  }
0x60: {  	_ =	shalt  }
0x61: {  	_ =	shalt  }
0x62: {  	_ =	shalt  }
0x63: {  	_ =	shalt  }
0x64: {  	_ =	shalt  }
0x65: {  	_ =	shalt  }
0x66: {  	_ =	shalt  }
0x67: {  	_ =	shalt  }
0x68: {  	_ =	shalt  }
0x69: {  	_ =	shalt  }
0x6a: {  	_ =	shalt  }
0x6b: {  	_ =	shalt  }
0x6c: {  	_ =	shalt  }
0x6d: {  	_ =	shalt  }
0x6e: {  	_ =	shalt  }
0x6f: {  	_ =	shalt  }
0x70: {  	_ =	shalt  }
0x71: {  	_ =	shalt  }
0x72: {  	_ =	shalt  }
0x73: {  	_ =	shalt  }
0x74: {  	_ =	shalt  }
0x75: {  	_ =	shalt  }
0x76: {  	_ =	shalt  }
0x77: {  	_ =	shalt  }
0x78: {  	_ =	shalt  }
0x79: {  	_ =	shalt  }
0x7a: {  	_ =	shalt  }
0x7b: {  	_ =	shalt  }
0x7c: {  	_ =	shalt  }
0x7d: {  	_ =	shalt  }
0x7e: {  	_ =	shalt  }
0x7f: {  	_ =	shalt  }
0x80: {  	_ =	shalt  }
0x81: {  	_ =	shalt  }
0x82: {  	_ =	shalt  }
0x83: {  	_ =	shalt  }
0x84: {  	_ =	shalt  }
0x85: {  	_ =	shalt  }
0x86: {  	_ =	shalt  }
0x87: {  	_ =	shalt  }
.Lfunc_end0:
.L_simem_size_0:
called_computation.3_lowered:
.L_overlay_start_0:
0x88: {  	s2 =	sld [smem:$0x3FD9]  }
0x89: {  	s3 =	sld [smem:$0x3FFE];
	_ =	sdelay $0x1  }
0x8a: {  	s1 =	srdreg.scid  }
0x8b: {  	s0 =	sand.u32 $0x1, s1  }
0x8c: {  	s16 =	sshll.u32 s0, $0xA;
	s2 =	sadd.s32 s3, s2  }
0x8d: {  	s2 =	sadd.s32 s2, s16  }
0x8e: {  	[smem:$0x3FA6] =	sst s2  }
0x8f: {  	_ = 	snop  }
0x90: {  	(tm) =	ssettm $0x1  }
0x91: {  	s17 =	sld [smem:$0x3FFB];
	_ =	sdelay $0x3  }
0x92: {  	_ =	strace s17  }
0x93: {  	s2 =	sld [smem:$0x3FFC];
	_ =	sdelay $0x3  }
0x94: {  	_ =	strace s2  }
0x95: {  	s2 =	sld [smem:$0x3FFD];
	_ =	sdelay $0x3  }
0x96: {  	_ =	strace s2  }
0x97: {  	_ =	strace $0x8FFFFFFF  }
0x98: {  	s18 =	sld [smem:$0x3FDB];
	_ =	sdelay $0x1  }
0x99: {  	s19 =	simm.s32 $_scs_section_size  }
0x9a: {  	s4 =	simm.s32 $_size__tile_overlayer_lowered;
	s5 =	simm.s32 $_tile_overlayer_lowered  }
0x9b: {  	s22 =	simm.s32 $0x1BFF;
	s21 =	sshll.u32 s5, $0x1;
	s2 =	sadd.s32 s19, s18  }
0x9c: {  	s6 =	simm.s32 $0x0;
	s20 =	sshll.u32 s4, $0x1;
	s4 =	sadd.s32 s21, s2  }
0x9d: {  	[timem:s6], [sflag:s22] =	dma.local [hbm:s4], s20  }
0x9e: {  	_ =	swait.ge [sflag:s22], s20  }
0x9f: {  	s3 =	ssub.s32 $0x0, s20;
	[sflag:s22] =	ssyncset.done $0x0  }
0xa0: {  	[sflag:s22] =	ssyncadd.s32 s3;
	_ =	sdelay $0x1  }
0xa1: {  	s23 =	simm.s32 $0x1B8B  }
0xa2: {  	_ =	swait.ge [sflag:s23], $0x1  }
0xa3: {  	[sflag:s23] =	ssyncset.done $0x0  }
0xa4: {  	s25 =	simm.s32 $0x1B8E;
	s24 =	sld [smem:$0x3FFE];
	[sflag:s23] =	ssyncadd.s32 $0xFFFFFFFF  }
0xa5: {  	s26 =	simm.s32 $execute0_lowered;
	[smem:$0x3FD2] =	sst s25  }
0xa6: {  	s4 =	sshll.u32 s26, $0x1;
	_ =	strace $0x8000004F;
	[dreg:$0x1] =	wrdreg $0xFFFFFFFF  }
0xa7: {  	s28 =	simm.s32 $_size_execute0_lowered;
	s2 =	sadd.s32 s2, s4;
	[dreg:$0x0] =	wrdreg $0x0  }
0xa8: {  	s4 =	sshll.u32 s28, $0x1;
	[dreg:$0x2] =	wrdreg s2  }
0xa9: {  	[dreg:$0x3] =	wrdreg s4  }
0xaa: {  	[dreg:$0x4] =	wrdreg $0xC0  }
0xab: {  	_ =	task [dreg:s6], $0x5FFFF  }
0xac: {  	[dreg:$0x1] =	wrdreg $0xFFFFFFFF  }
0xad: {  	[dreg:$0x0] =	wrdreg $0x60  }
0xae: {  	[dreg:$0x2] =	wrdreg s24  }
0xaf: {  	[dreg:$0x3] =	wrdreg $0x5C000  }
0xb0: {  	[dreg:$0x4] =	wrdreg $0x9  }
0xb1: {  	_ =	task.clear_ibuf [dreg:s6], $0x5FFFF;
	_ =	strace $0x9000004F  }
0xb2: {  	s29 =	simm.s32 $0x9;
	_ =	strace $0x80000051  }
0xb3: {  	_ =	swait.ge [sflag:s29], $0x1  }
0xb4: {  	[sflag:s29] =	ssyncadd.s32 $0xFFFFFFFF  }
0xb5: {  	_ =	strace $0x90000051  }
0xb6: {  	_ =	sfence  }
0xb7: {  	s30 =	sld [smem:$0x0];
	_ =	sdelay $0x2  }
0xb8: {  	s31 =	sshll.u32 s1, $0xD;
	s1 =	sshrl.u32 s1, $0x2  }
0xb9: {  	s3 =	sand.u32 $0x4000, s31;
	s1 =	sadd.s32 s1, s30  }
0xba: {  	s0 =	sor.u32 s3, s0;
	s1 =	sshll.u32 s1, $0x11  }
0xbb: {  	s0 =	sor.u32 s1, s0  }
0xbc: {  	s0 =	sadd.s32 $0x8F2B, s0  }
0xbd: {  	[sflag:s0] =	ssyncadd.remote.s32 $0x1  }
0xbe: {  	_ =	sfence.sel $0xFFFF  }
0xbf: {  	[dreg:$0x0] =	wrdreg $0xFFFFFFFF;
	(pc) =	sbr.abs _section_cstart, $3  }
0xc0: {  	[dreg:$0x1] =	wrdreg $0xFFFFFFFF  }
0xc1: {  	_ =	task.clear_ibuf [dreg:s6], $0x2FFFF;
	_ =	strace $0x9FFFFFFF  }
0xc2: {  	(tm) =	ssettm $0x7FFFFFFF  }
0xc3: {  	_ =	shalt  }
tec
execute0_lowered:
.L_overlay_start_1:
0x0: {  	(tag) =	ssettag $0x1  }
0x1: {  	s1 =	srdreg.scid;
	s5 =	rddreg [dreg:$0x0]  }
0x2: {  	s0 =	stileid.u32;
	s2 =	rddreg [dreg:$0x1];
	s3 =	simm.s32 $0x0  }
0x3: {  	s16 =	simm.s32 $0x1400;
	s17 =	simm.s32 $0x3800;
	s18 =	simm.s32 $0x1  }
0x4: {  	s19 =	simm.s32 $0x40;
	s20 =	simm.s32 $0x3;
	s21 =	simm.s32 $0x2  }
0x5: {  	s22 =	simm.s32 $0x4;
	s23 =	simm.s32 $0x1380;
	s7 =	smul.u32 $0x16800, s0  }
0x6: {  	s24 =	simm.s32 $0x13C0;
	s8 =	sand.u32 $0x1, s1;
	s9 =	smul.u32 $0x2D00, s0  }
0x7: {  	s25 =	sshll.u32 s0, $0x1;
	s1 =	rddreg [dreg:$0x2];
	s29 =	smul.u32 $0x2D000, s0  }
0x8: {  	[smem:$0x7FF] =	sst s3;
	s11 =	sadd.s32 $0xE2400, s5;
	s10 =	smul.u32 $0x2D000, s8  }
0x9: {  	s31 =	sshll.u32 s0, $0x6;
	s4 =	sor.u32 s8, s25;
	s30 =	smul.u32 $0x16800, s8  }
0xa: {  	_ =	strace $0x80000050;
	s28 =	ssub.s32 $0x2, s8;
	s6 =	smul.u32 $0x280, s4  }
0xb: {  	s25 =	simm.s32 $0x0;
	s12 =	sshrl.u32 s7, $0x3;
	s26 =	smul.u32 $0x50, s4  }
0xc: {  	s13 =	sshrl.u32 s28, $0x1;
	s14 =	smul.u32 $0x16800, s4;
	s15 =	sadd.s32 s7, s2  }
0xd: {  	s9 =	sadd.s32 s9, s10;
	s12 =	sadd.s32 s12, s5;
	s13 =	ssub.s32 s28, s13  }
0xe: {  	s15 =	sshrl.u32 s15, $0x3;
	s6 =	sadd.s32 s6, s5;
	s9 =	sadd.s32 s9, s5  }
0xf: {  	s10 =	sor.u32 $0x2, s26;
	s5 =	sadd.s32 $0x3D400, s12;
	s8 =	smax.u32 s13, $0x1  }
0x10: {  	s12 =	sadd.s32 s29, s11;
	s13 =	simm.s32 $0x5;
	s4 =	sadd.s32 $0x33400, s6  }
0x11: {  	s10 =	smul.u32 $0x480, s10;
	s6 =	sadd.s32 s11, s14;
	s7 =	sadd.s32 $0x3B2400, s9  }
0x12: {  	s12 =	sadd.s32 s30, s12;
	s14 =	sor.u32 $0x1C05, s31;
	s9 =	sadd.s32 $0x480, s6  }
0x13: {  	s12 =	sadd.s32 $0x1200, s12;
	s10 =	sadd.s32 s11, s10;
	s11 =	sadd.s32 $0x16380, s6  }
.LBB2_1:
0x14: {  	[tilespmem:s3], [sflag:$0x5] =	stream.linear.gather [hbm4b:s4+s3], $0x1400, $0x38;
	[tilespmem:$0x1C400] =	vst v63  }
0x15: {  	_ =	swait.ge [sflag:s13], $0x1400  }
0x16: {  	[sflag:s13] =	ssyncset.done $0x0  }
0x17: {  	[sflag:s13] =	ssyncadd.s32 $0xFFFFEC00  }
0x18: {  	[spmem:s15], [sflag:s14] =	dma.local [hbm:s5], $0x2D00  }
0x19: {  	_ =	swait.ge [sflag:s13], $0x2D00  }
0x1a: {  	[sflag:s13] =	ssyncset.done $0x0  }
0x1b: {  	[sflag:s13] =	ssyncadd.s32 $0xFFFFD300  }
0x1c: {  	[bflag:$0x0] =	sbarrier.arrive $0xFFFF  }
0x1d: {  	[tilespmem:s16], [sflag:$0x1] =	stream.linear.gather [hbm4b:s6+s3], $0x2400, $0x38;
	[tilespmem:$0x1C400] =	vst v63  }
0x1e: {  	_ = 	snop  }
0x1f: {  	[tilespmem:s17], [sflag:$0x2] =	stream.linear.gather [hbm4b:s9+s3], $0x2400, $0x38;
	[tilespmem:$0x1C400] =	vst v63  }
0x20: {  	_ =	swait.ge [sflag:s18], $0x2400  }
0x21: {  	[sflag:s18] =	ssyncset.done $0x0  }
0x22: {  	[sflag:s18] =	ssyncadd.s32 $0xFFFFDC00  }
0x23: {  	[spmem:s2] =	stream.indirect.scatter.add.f32 [tilespmem:s16], [sflag:$0x3], $0x90, s3, s19, $0xb8;
	[tilespmem:$0x1C400] =	vst v63  }
0x24: {  	_ =	swait.ge [sflag:s20], $0x2400  }
0x25: {  	[sflag:s20] =	ssyncset.done $0x0  }
0x26: {  	[sflag:s20] =	ssyncadd.s32 $0xFFFFDC00  }
0x27: {  	[tilespmem:s16], [sflag:$0x1] =	stream.linear.gather [hbm4b:s10+s3], $0x2400, $0x38;
	[tilespmem:$0x1C400] =	vst v63  }
0x28: {  	_ =	swait.ge [sflag:s21], $0x2400  }
0x29: {  	[sflag:s21] =	ssyncset.done $0x0  }
0x2a: {  	[sflag:s21] =	ssyncadd.s32 $0xFFFFDC00  }
0x2b: {  	[spmem:s2] =	stream.indirect.scatter.add.f32 [tilespmem:s17], [sflag:$0x4], $0x90, s19, s19, $0xb8;
	[tilespmem:$0x1C400] =	vst v63  }
0x2c: {  	_ =	swait.ge [sflag:s22], $0x2400  }
0x2d: {  	[sflag:s22] =	ssyncset.done $0x0  }
0x2e: {  	s26 =	sadd.s32 $0xFFFFFB80, s12;
	[sflag:s22] =	ssyncadd.s32 $0xFFFFDC00  }
0x2f: {  	[tilespmem:s17], [sflag:$0x2] =	stream.linear.gather [hbm4b:s26+s3], $0x2400, $0x38;
	[tilespmem:$0x1C400] =	vst v63  }
0x30: {  	_ =	swait.ge [sflag:s18], $0x2400  }
0x31: {  	[sflag:s18] =	ssyncset.done $0x0  }
0x32: {  	s31 =	simm.s32 $0x80;
	[sflag:s18] =	ssyncadd.s32 $0xFFFFDC00  }
0x33: {  	[spmem:s2] =	stream.indirect.scatter.add.f32 [tilespmem:s16], [sflag:$0x3], $0x90, s31, s19, $0xb8;
	[tilespmem:$0x1C400] =	vst v63  }
0x34: {  	_ =	swait.ge [sflag:s20], $0x2400  }
0x35: {  	[sflag:s20] =	ssyncset.done $0x0  }
0x36: {  	[sflag:s20] =	ssyncadd.s32 $0xFFFFDC00  }
0x37: {  	[tilespmem:s16], [sflag:$0x1] =	stream.linear.gather [hbm4b:s12+s3], $0x2400, $0x38;
	[tilespmem:$0x1C400] =	vst v63  }
0x38: {  	_ =	swait.ge [sflag:s21], $0x2400  }
0x39: {  	s29 =	simm.s32 $0xC0;
	[sflag:s21] =	ssyncset.done $0x0  }
0x3a: {  	s28 =	sadd.s32 $0x900, s12;
	s26 =	simm.s32 $0x200;
	[sflag:s21] =	ssyncadd.s32 $0xFFFFDC00  }
.LBB2_2:
0x3b: {  	[spmem:s2] =	stream.indirect.scatter.add.f32 [tilespmem:s17], [sflag:$0x4], $0x90, s29, s19, $0xb8;
	[tilespmem:$0x1C400] =	vst v63  }
0x3c: {  	s29 =	smov.u32 s26  }
0x3d: {  	p0 =	sne.s32 s26, $0x4A00;
	s26 =	sadd.s32 $0x200, s26;
	_ =	swait.ge [sflag:s22], $0x2400  }
0x3e: {  	[sflag:s22] =	ssyncset.done $0x0  }
0x3f: {  	s30 =	sadd.s32 $0xFFFFFB80, s28;
	[sflag:s22] =	ssyncadd.s32 $0xFFFFDC00  }
0x40: {  	[tilespmem:s17], [sflag:$0x2] =	stream.linear.gather [hbm4b:s30+s3], $0x2400, $0x38;
	[tilespmem:$0x1C400] =	vst v63  }
0x41: {  	_ =	swait.ge [sflag:s18], $0x2400  }
0x42: {  	s29 =	sshra.s32 s29, $0x2;
	[sflag:s18] =	ssyncset.done $0x0  }
0x43: {  	s30 =	sadd.s32 $0x80, s29;
	[sflag:s18] =	ssyncadd.s32 $0xFFFFDC00  }
0x44: {  	[spmem:s2] =	stream.indirect.scatter.add.f32 [tilespmem:s16], [sflag:$0x3], $0x90, s30, s19, $0xb8;
	[tilespmem:$0x1C400] =	vst v63  }
0x45: {  	_ =	swait.ge [sflag:s20], $0x2400  }
0x46: {  	[sflag:s20] =	ssyncset.done $0x0  }
.Ltmp0:
0x47: {  	[sflag:s20] =	ssyncadd.s32 $0xFFFFDC00;
	(pc) =	sbr.rel @p0 .LBB2_2-.Ltmp0, $4  }
0x48: {  	[tilespmem:s16], [sflag:$0x1] =	stream.linear.gather [hbm4b:s28+s3], $0x2400, $0x38;
	[tilespmem:$0x1C400] =	vst v63  }
0x49: {  	_ =	swait.ge [sflag:s21], $0x2400  }
0x4a: {  	[sflag:s21] =	ssyncset.done $0x0  }
0x4b: {  	s29 =	sadd.s32 $0xC0, s29;
	s28 =	sadd.s32 $0x900, s28;
	[sflag:s21] =	ssyncadd.s32 $0xFFFFDC00  }
0x4c: {  	[spmem:s2] =	stream.indirect.scatter.add.f32 [tilespmem:s17], [sflag:$0x4], $0x90, s29, s19, $0xb8;
	[tilespmem:$0x1C400] =	vst v63  }
0x4d: {  	_ =	swait.ge [sflag:s22], $0x2400  }
0x4e: {  	[sflag:s22] =	ssyncset.done $0x0  }
0x4f: {  	[sflag:s22] =	ssyncadd.s32 $0xFFFFDC00  }
0x50: {  	[tilespmem:s17], [sflag:$0x2] =	stream.linear.gather [hbm4b:s11+s3], $0x2400, $0x38;
	[tilespmem:$0x1C400] =	vst v63  }
0x51: {  	_ =	swait.ge [sflag:s18], $0x2400  }
0x52: {  	[sflag:s18] =	ssyncset.done $0x0  }
0x53: {  	[sflag:s18] =	ssyncadd.s32 $0xFFFFDC00  }
0x54: {  	[spmem:s2] =	stream.indirect.scatter.add.f32 [tilespmem:s16], [sflag:$0x3], $0x90, s23, s19, $0xb8;
	[tilespmem:$0x1C400] =	vst v63  }
0x55: {  	_ =	swait.ge [sflag:s21], $0x2400  }
0x56: {  	[sflag:s21] =	ssyncset.done $0x0  }
0x57: {  	[sflag:s21] =	ssyncadd.s32 $0xFFFFDC00  }
0x58: {  	[spmem:s2] =	stream.indirect.scatter.add.f32 [tilespmem:s17], [sflag:$0x4], $0x90, s24, s19, $0xb8;
	[tilespmem:$0x1C400] =	vst v63  }
0x59: {  	_ =	swait.ge [sflag:s20], $0x2400  }
0x5a: {  	[sflag:s20] =	ssyncset.done $0x0  }
0x5b: {  	[sflag:s20] =	ssyncadd.s32 $0xFFFFDC00  }
0x5c: {  	_ =	swait.ge [sflag:s22], $0x2400  }
0x5d: {  	s25 =	sadd.s32 $0x1, s25;
	[sflag:s22] =	ssyncset.done $0x0  }
0x5e: {  	p0 =	sne.s32 s25, s8;
	[sflag:s22] =	ssyncadd.s32 $0xFFFFDC00  }
.Ltmp1:
0x5f: {  	[bflag:$0x0] =	sbarrier.arrive $0xFFFF;
	(pc) =	sbr.rel @p0 .LBB2_1-.Ltmp1, $4  }
0x60: {  	[hbm:s7], [sflag:s14] =	dma.local [spmem:s15], $0x2D00  }
0x61: {  	_ =	swait.ge [sflag:s13], $0x2D00  }
0x62: {  	[sflag:s13] =	ssyncset.done $0x0  }
0x63: {  	[sflag:s13] =	ssyncadd.s32 $0xFFFFD300  }
0x64: {  	_ =	sfence.sel $0x180000  }
0x65: {  	[bflag:$0x0] =	sbarrier.arrive $0xFFFF  }
0x66: {  	p0 =	sne.s32 s0, $0x0;
	_ =	strace $0x90000050  }
0x67: {  	s0 =	sadd.s32 @!p0 $0x100000, s1;
	[bflag:$0x2] =	sbarrier.arrive $0xFFFF  }
0x68: {  	[sflag:s0] =	ssyncadd.tile.s32 @!p0 $0x1;
	_ =	shalt  }
.Lfunc_end2:
_tile_overlayer_lowered:
.L_overlay_start_2:
0x69: {  	(tag) =	ssettag $0x2  }
0x6a: {  	s0 =	rddreg [dreg:$0x0];
	s2 =	stileid.u32  }
0x6b: {  	s1 =	rddreg [dreg:$0x1];
	p0 =	sne.s32 s2, $0x0  }
0x6c: {  	s3 =	rddreg [dreg:$0x2];
	[bflag:$0x3] =	sbarrier.arrive $0xFFFF;
	s2 =	simm.s32 @!p0 $0x1C05  }
0x6d: {  	[timem:s3], [sflag:s2] =	dma.local @!p0 [hbm:s0], s1  }
0x6e: {  	s0 =	simm.s32 @!p0 $0x5  }
0x6f: {  	_ =	swait.ge @!p0 [sflag:s0], s1  }
0x70: {  	s1 =	ssub.s32 @!p0 $0x0, s1;
	[sflag:s0] =	ssyncset.done @!p0 $0x0  }
0x71: {  	[sflag:s0] =	ssyncadd.s32 @!p0 s1  }
0x72: {  	[bflag:$0x3] =	sbarrier.arrive $0xFFFF  }
0x73: {  	_ =	shalt  }

</sc_bundles>
